<compile_context>
chip_gen: v7x
topology: tpu7x:2x2x1
jax: 0.10.2.dev20260603
libtpu: 0.0.44.dev20260713+nightly
codegen_flags: <defaults>
</compile_context>

<pallas_src>
import functools

import jax
import jax.numpy as jnp
from jax import lax
from jax.experimental import pallas as pl
from jax.experimental.pallas import tpu as pltpu
from jax.experimental.pallas import tpu_sc as plsc

EMBED_DIM = 512
HIDDEN_DIM = 1024
BATCH = 16384

_NC = 2
_NS = 16
_NW = _NC * _NS
_CH = 64
_SLAB_SIZES = (6144, 4096, 4096, 2048)


def _make_gather_body(bpw, nchunk):
    def body(entity_hbm, rel_hbm, idx_hbm,
             out_s, out_r, out_o,
             *scratch):
        idx_refs = scratch[:3 * nchunk]
        (fbuf0, fbuf1, fbuf2, isem,
         gsem0, gsem1, gsem2, wsem0, wsem1, wsem2) = scratch[3 * nchunk:]
        wid = lax.axis_index("s") * _NC + lax.axis_index("c")
        base = wid * bpw
        fbufs = (fbuf0, fbuf1, fbuf2)

        icps = [pltpu.async_copy(idx_hbm.at[wid * 3 * nchunk + j],
                                 idx_refs[j], isem)
                for j in range(3 * nchunk)]
        for cp in icps:
            cp.wait()

        tables = (entity_hbm, rel_hbm, entity_hbm)
        outs = (out_s, out_r, out_o)
        gsems = (gsem0, gsem1, gsem2)
        wsems = (wsem0, wsem1, wsem2)
        nbuf = 3
        chunks = [(t, k) for t in range(3) for k in range(nchunk)]
        total = len(chunks)

        pend_g = [None] * nbuf
        pend_w = [None] * nbuf
        for c in range(total + nbuf - 1):
            if c < total:
                slot = c % nbuf
                if pend_w[slot] is not None:
                    pend_w[slot].wait()
                t, k = chunks[c]
                pend_g[slot] = pltpu.async_copy(
                    tables[t].at[idx_refs[t * nchunk + k]],
                    fbufs[slot], gsems[slot])
            d = c - (nbuf - 1)
            if 0 <= d < total:
                ds_ = d % nbuf
                td, kd = chunks[d]
                pend_g[ds_].wait()
                pend_w[ds_] = pltpu.async_copy(
                    fbufs[ds_], outs[td].at[pl.ds(base + kd * _CH, _CH)],
                    wsems[ds_])
        for p in pend_w:
            if p is not None:
                p.wait()

    return body


@functools.cache
def _sc_gather(sb):
    bpw = sb // _NW
    nchunk = bpw // _CH
    return functools.partial(
        pl.kernel,
        out_type=[jax.ShapeDtypeStruct((sb, EMBED_DIM), jnp.float32)] * 3,
        mesh=plsc.VectorSubcoreMesh(core_axis_name="c", subcore_axis_name="s",
                                    num_cores=_NC, num_subcores=_NS),
        scratch_types=(
            [pltpu.VMEM((_CH,), jnp.int32)] * (3 * nchunk) + [
                pltpu.VMEM((_CH, EMBED_DIM), jnp.float32),
                pltpu.VMEM((_CH, EMBED_DIM), jnp.float32),
                pltpu.VMEM((_CH, EMBED_DIM), jnp.float32),
                pltpu.SemaphoreType.DMA,
                pltpu.SemaphoreType.DMA,
                pltpu.SemaphoreType.DMA,
                pltpu.SemaphoreType.DMA,
                pltpu.SemaphoreType.DMA,
                pltpu.SemaphoreType.DMA,
                pltpu.SemaphoreType.DMA,
            ]),
    )(_make_gather_body(bpw, nchunk))


_BM = 512


def _mlp_body(hs_ref, hr_ref, ho_ref, w1s_ref, w1r_ref, w1o_ref,
              b1_ref, w2t_ref, b2_ref, out_ref):
    bf = jnp.bfloat16
    acc = jnp.dot(hs_ref[...].astype(bf), w1s_ref[...].astype(bf),
                  preferred_element_type=jnp.float32)
    acc += jnp.dot(hr_ref[...].astype(bf), w1r_ref[...].astype(bf),
                   preferred_element_type=jnp.float32)
    acc += jnp.dot(ho_ref[...].astype(bf), w1o_ref[...].astype(bf),
                   preferred_element_type=jnp.float32)
    hidden = jnp.maximum(acc + b1_ref[...], 0.0)
    out_ref[...] = jnp.sum(hidden * w2t_ref[...], axis=1) + b2_ref[0, 0]


def _mlp(sb, hs, hr, ho, fc1, b1, w2t, b2):
    grid = (sb // _BM,)
    wspec = lambda t: pl.BlockSpec((EMBED_DIM, HIDDEN_DIM),
                                   lambda i, _t=t: (_t, 0))
    return pl.pallas_call(
        _mlp_body,
        grid=grid,
        in_specs=[
            pl.BlockSpec((_BM, EMBED_DIM), lambda i: (i, 0)),
            pl.BlockSpec((_BM, EMBED_DIM), lambda i: (i, 0)),
            pl.BlockSpec((_BM, EMBED_DIM), lambda i: (i, 0)),
            wspec(0),
            wspec(1),
            wspec(2),
            pl.BlockSpec((1, HIDDEN_DIM), lambda i: (0, 0)),
            pl.BlockSpec((1, HIDDEN_DIM), lambda i: (0, 0)),
            pl.BlockSpec((1, 1), lambda i: (0, 0)),
        ],
        out_specs=pl.BlockSpec((_BM,), lambda i: (i,)),
        out_shape=jax.ShapeDtypeStruct((sb,), jnp.float32),
    )(hs, hr, ho, fc1, fc1, fc1, b1, w2t, b2)


def kernel(entity_emb, triples, rel_emb, fc1, fc1_bias, fc2, fc2_bias):
    idx = triples.astype(jnp.int32)
    b1 = fc1_bias.reshape(1, HIDDEN_DIM)
    w2t = fc2.reshape(1, HIDDEN_DIM)
    b2 = fc2_bias.reshape(1, 1)

    gathered = []
    lo = 0
    for sb in _SLAB_SIZES:
        bpw = sb // _NW
        idx_slab = lax.slice(idx, (lo, 0), (lo + sb, 3))
        idx_packed = idx_slab.reshape(_NW, bpw, 3).transpose(0, 2, 1)
        idx_packed = idx_packed.reshape(_NW * 3 * (bpw // _CH), _CH)
        gathered.append(_sc_gather(sb)(entity_emb, rel_emb, idx_packed))
        lo += sb
    outs = [_mlp(sb, hs, hr, ho, fc1, b1, w2t, b2)
            for sb, (hs, hr, ho) in zip(_SLAB_SIZES, gathered)]
    return jnp.concatenate(outs, axis=0)

# --- scband reference (transcript-rebuilt; emitter-appended) ---
"""Pipeline reference for scband-simple-decoder-77902116815142 (READ-ONLY COPY).

The authoritative reference and input builder live on the scoring server;
editing this copy changes nothing except your own understanding.
"""

import jax, jax.numpy as jnp
import numpy as np

NUM_ENTITIES = 50000
EMBED_DIM = 512
NUM_RELATIONS = 50000
HIDDEN_DIM = 1024
BATCH = 16384


def setup_inputs(seed: int = 0) -> dict:
    key = jax.random.key(seed)
    k1, k2, k3, k4, k5 = jax.random.split(key, 5)
    entity_emb = jax.random.normal(k1, (NUM_ENTITIES, EMBED_DIM), dtype=jnp.float32)
    triples = jax.random.randint(k2, (BATCH, 3), 0, NUM_ENTITIES, dtype=jnp.int64)
    rel_emb = jax.random.normal(k3, (NUM_RELATIONS, EMBED_DIM), dtype=jnp.float32) * 0.01
    input_dim = EMBED_DIM * 3
    fc1 = jax.random.normal(k4, (input_dim, HIDDEN_DIM), dtype=jnp.float32) * 0.01
    fc1_bias = jnp.zeros((HIDDEN_DIM,), dtype=jnp.float32)
    fc2 = jax.random.normal(k5, (HIDDEN_DIM, 1), dtype=jnp.float32) * 0.01
    fc2_bias = jnp.zeros((1,), dtype=jnp.float32)
    return {
        "entity_emb": entity_emb,
        "triples": triples,
        "rel_emb": rel_emb,
        "fc1": fc1,
        "fc1_bias": fc1_bias,
        "fc2": fc2,
        "fc2_bias": fc2_bias,
    }


def reference(entity_emb, triples, rel_emb, fc1, fc1_bias, fc2, fc2_bias):
    subjects = triples[:, 0]
    relations = triples[:, 1]
    objects = triples[:, 2]
    h_s = jnp.take(entity_emb, subjects, axis=0)
    h_r = jnp.take(rel_emb, relations, axis=0)
    h_o = jnp.take(entity_emb, objects, axis=0)
    combined = jnp.concatenate([h_s, h_r, h_o], axis=-1)
    hidden = jax.nn.relu(combined @ fc1 + fc1_bias)
    scores = (hidden @ fc2 + fc2_bias).squeeze(-1)
    return scores

if __name__ == "__main__":
    import jax
    _d = setup_inputs()
    print(jax.jit(kernel)(*tuple(_d.values())))

</pallas_src>

<mosaic_0001>
#map = affine_map<(d0, d1) -> (0, 0)>
module attributes {stable_mosaic.version = 14 : i64} {
  func.func @body(%arg0: i32, %arg1: i32, %arg2: memref<50000x512xf32, #tpu.memory_space<hbm>>, %arg3: memref<50000x512xf32, #tpu.memory_space<hbm>>, %arg4: memref<192x64xi32, #tpu.memory_space<hbm>>, %arg5: memref<4096x512xf32, #tpu.memory_space<hbm>>, %arg6: memref<4096x512xf32, #tpu.memory_space<hbm>>, %arg7: memref<4096x512xf32, #tpu.memory_space<hbm>>, %arg8: memref<64xi32, #tpu.memory_space<vmem>>, %arg9: memref<64xi32, #tpu.memory_space<vmem>>, %arg10: memref<64xi32, #tpu.memory_space<vmem>>, %arg11: memref<64xi32, #tpu.memory_space<vmem>>, %arg12: memref<64xi32, #tpu.memory_space<vmem>>, %arg13: memref<64xi32, #tpu.memory_space<vmem>>, %arg14: memref<64x512xf32, #tpu.memory_space<vmem>>, %arg15: memref<64x512xf32, #tpu.memory_space<vmem>>, %arg16: memref<64x512xf32, #tpu.memory_space<vmem>>, %arg17: memref<!tpu.dma_semaphore, #tpu.memory_space<semaphore_mem>>, %arg18: memref<!tpu.dma_semaphore, #tpu.memory_space<semaphore_mem>>, %arg19: memref<!tpu.dma_semaphore, #tpu.memory_space<semaphore_mem>>, %arg20: memref<!tpu.dma_semaphore, #tpu.memory_space<semaphore_mem>>, %arg21: memref<!tpu.dma_semaphore, #tpu.memory_space<semaphore_mem>>, %arg22: memref<!tpu.dma_semaphore, #tpu.memory_space<semaphore_mem>>, %arg23: memref<!tpu.dma_semaphore, #tpu.memory_space<semaphore_mem>>) attributes {dimension_semantics = [#tpu.dimension_semantics<core_parallel>, #tpu.dimension_semantics<subcore_parallel>], iteration_bounds = array<i64: 2, 16>, scalar_prefetch = 0 : i64, scratch_operands = 16 : i64, tpu.core_type = #tpu.core_type<sc_vector_subcore>, window_params = [{transform_indices = #map}, {transform_indices = #map}, {transform_indices = #map}, {transform_indices = #map}, {transform_indices = #map}, {transform_indices = #map}]} {
    %mul3A = arith.constant 2 : i32
    %mul3A_0 = arith.muli %arg1, %mul3A : i32
    %add3A = arith.addi %mul3A_0, %arg0 : i32
    %mul3A_1 = arith.constant 128 : i32
    %mul3A_2 = arith.muli %add3A, %mul3A_1 : i32
    %mul3A_3 = arith.constant 3 : i32
    %mul3A_4 = arith.muli %add3A, %mul3A_3 : i32
    %mul3A_5 = arith.constant 2 : i32
    %mul3A_6 = arith.muli %mul3A_4, %mul3A_5 : i32
    %add3A_7 = arith.constant 0 : i32
    %add3A_8 = arith.addi %mul3A_6, %add3A_7 : i32
    %dma_start3A = arith.constant 0 : i32
    %dma_start3A_9 = tpu.memref_slice %arg4[%add3A_8, %dma_start3A] : memref<192x64xi32, #tpu.memory_space<hbm>> -> memref<1x64xi32, #tpu.memory_space<hbm>>
    %dma_start3A_10 = tpu.memref_squeeze %dma_start3A_9 : memref<1x64xi32, #tpu.memory_space<hbm>> -> memref<64xi32, #tpu.memory_space<hbm>>
    %dma_start3A_11 = arith.constant 0 : i32
    %dma_start3A_12 = tpu.memref_slice %arg4[%add3A_8, %dma_start3A_11] : memref<192x64xi32, #tpu.memory_space<hbm>> -> memref<1x64xi32, #tpu.memory_space<hbm>>
    %dma_start3A_13 = tpu.memref_squeeze %dma_start3A_12 : memref<1x64xi32, #tpu.memory_space<hbm>> -> memref<64xi32, #tpu.memory_space<hbm>>
    tpu.enqueue_dma source(%dma_start3A_13 : memref<64xi32, #tpu.memory_space<hbm>>) target(%arg8 : memref<64xi32, #tpu.memory_space<vmem>>) target_semaphore(%arg17 : memref<!tpu.dma_semaphore, #tpu.memory_space<semaphore_mem>>)
    %mul3A_14 = arith.constant 3 : i32
    %mul3A_15 = arith.muli %add3A, %mul3A_14 : i32
    %mul3A_16 = arith.constant 2 : i32
    %mul3A_17 = arith.muli %mul3A_15, %mul3A_16 : i32
    %add3A_18 = arith.constant 1 : i32
    %add3A_19 = arith.addi %mul3A_17, %add3A_18 : i32
    %dma_start3A_20 = arith.constant 0 : i32
    %dma_start3A_21 = tpu.memref_slice %arg4[%add3A_19, %dma_start3A_20] : memref<192x64xi32, #tpu.memory_space<hbm>> -> memref<1x64xi32, #tpu.memory_space<hbm>>
    %dma_start3A_22 = tpu.memref_squeeze %dma_start3A_21 : memref<1x64xi32, #tpu.memory_space<hbm>> -> memref<64xi32, #tpu.memory_space<hbm>>
    %dma_start3A_23 = arith.constant 0 : i32
    %dma_start3A_24 = tpu.memref_slice %arg4[%add3A_19, %dma_start3A_23] : memref<192x64xi32, #tpu.memory_space<hbm>> -> memref<1x64xi32, #tpu.memory_space<hbm>>
    %dma_start3A_25 = tpu.memref_squeeze %dma_start3A_24 : memref<1x64xi32, #tpu.memory_space<hbm>> -> memref<64xi32, #tpu.memory_space<hbm>>
    tpu.enqueue_dma source(%dma_start3A_25 : memref<64xi32, #tpu.memory_space<hbm>>) target(%arg9 : memref<64xi32, #tpu.memory_space<vmem>>) target_semaphore(%arg17 : memref<!tpu.dma_semaphore, #tpu.memory_space<semaphore_mem>>)
    %mul3A_26 = arith.constant 3 : i32
    %mul3A_27 = arith.muli %add3A, %mul3A_26 : i32
    %mul3A_28 = arith.constant 2 : i32
    %mul3A_29 = arith.muli %mul3A_27, %mul3A_28 : i32
    %add3A_30 = arith.constant 2 : i32
    %add3A_31 = arith.addi %mul3A_29, %add3A_30 : i32
    %dma_start3A_32 = arith.constant 0 : i32
    %dma_start3A_33 = tpu.memref_slice %arg4[%add3A_31, %dma_start3A_32] : memref<192x64xi32, #tpu.memory_space<hbm>> -> memref<1x64xi32, #tpu.memory_space<hbm>>
    %dma_start3A_34 = tpu.memref_squeeze %dma_start3A_33 : memref<1x64xi32, #tpu.memory_space<hbm>> -> memref<64xi32, #tpu.memory_space<hbm>>
    %dma_start3A_35 = arith.constant 0 : i32
    %dma_start3A_36 = tpu.memref_slice %arg4[%add3A_31, %dma_start3A_35] : memref<192x64xi32, #tpu.memory_space<hbm>> -> memref<1x64xi32, #tpu.memory_space<hbm>>
    %dma_start3A_37 = tpu.memref_squeeze %dma_start3A_36 : memref<1x64xi32, #tpu.memory_space<hbm>> -> memref<64xi32, #tpu.memory_space<hbm>>
    tpu.enqueue_dma source(%dma_start3A_37 : memref<64xi32, #tpu.memory_space<hbm>>) target(%arg10 : memref<64xi32, #tpu.memory_space<vmem>>) target_semaphore(%arg17 : memref<!tpu.dma_semaphore, #tpu.memory_space<semaphore_mem>>)
    %mul3A_38 = arith.constant 3 : i32
    %mul3A_39 = arith.muli %add3A, %mul3A_38 : i32
    %mul3A_40 = arith.constant 2 : i32
    %mul3A_41 = arith.muli %mul3A_39, %mul3A_40 : i32
    %add3A_42 = arith.constant 3 : i32
    %add3A_43 = arith.addi %mul3A_41, %add3A_42 : i32
    %dma_start3A_44 = arith.constant 0 : i32
    %dma_start3A_45 = tpu.memref_slice %arg4[%add3A_43, %dma_start3A_44] : memref<192x64xi32, #tpu.memory_space<hbm>> -> memref<1x64xi32, #tpu.memory_space<hbm>>
    %dma_start3A_46 = tpu.memref_squeeze %dma_start3A_45 : memref<1x64xi32, #tpu.memory_space<hbm>> -> memref<64xi32, #tpu.memory_space<hbm>>
    %dma_start3A_47 = arith.constant 0 : i32
    %dma_start3A_48 = tpu.memref_slice %arg4[%add3A_43, %dma_start3A_47] : memref<192x64xi32, #tpu.memory_space<hbm>> -> memref<1x64xi32, #tpu.memory_space<hbm>>
    %dma_start3A_49 = tpu.memref_squeeze %dma_start3A_48 : memref<1x64xi32, #tpu.memory_space<hbm>> -> memref<64xi32, #tpu.memory_space<hbm>>
    tpu.enqueue_dma source(%dma_start3A_49 : memref<64xi32, #tpu.memory_space<hbm>>) target(%arg11 : memref<64xi32, #tpu.memory_space<vmem>>) target_semaphore(%arg17 : memref<!tpu.dma_semaphore, #tpu.memory_space<semaphore_mem>>)
    %mul3A_50 = arith.constant 3 : i32
    %mul3A_51 = arith.muli %add3A, %mul3A_50 : i32
    %mul3A_52 = arith.constant 2 : i32
    %mul3A_53 = arith.muli %mul3A_51, %mul3A_52 : i32
    %add3A_54 = arith.constant 4 : i32
    %add3A_55 = arith.addi %mul3A_53, %add3A_54 : i32
    %dma_start3A_56 = arith.constant 0 : i32
    %dma_start3A_57 = tpu.memref_slice %arg4[%add3A_55, %dma_start3A_56] : memref<192x64xi32, #tpu.memory_space<hbm>> -> memref<1x64xi32, #tpu.memory_space<hbm>>
    %dma_start3A_58 = tpu.memref_squeeze %dma_start3A_57 : memref<1x64xi32, #tpu.memory_space<hbm>> -> memref<64xi32, #tpu.memory_space<hbm>>
    %dma_start3A_59 = arith.constant 0 : i32
    %dma_start3A_60 = tpu.memref_slice %arg4[%add3A_55, %dma_start3A_59] : memref<192x64xi32, #tpu.memory_space<hbm>> -> memref<1x64xi32, #tpu.memory_space<hbm>>
    %dma_start3A_61 = tpu.memref_squeeze %dma_start3A_60 : memref<1x64xi32, #tpu.memory_space<hbm>> -> memref<64xi32, #tpu.memory_space<hbm>>
    tpu.enqueue_dma source(%dma_start3A_61 : memref<64xi32, #tpu.memory_space<hbm>>) target(%arg12 : memref<64xi32, #tpu.memory_space<vmem>>) target_semaphore(%arg17 : memref<!tpu.dma_semaphore, #tpu.memory_space<semaphore_mem>>)
    %mul3A_62 = arith.constant 3 : i32
    %mul3A_63 = arith.muli %add3A, %mul3A_62 : i32
    %mul3A_64 = arith.constant 2 : i32
    %mul3A_65 = arith.muli %mul3A_63, %mul3A_64 : i32
    %add3A_66 = arith.constant 5 : i32
    %add3A_67 = arith.addi %mul3A_65, %add3A_66 : i32
    %dma_start3A_68 = arith.constant 0 : i32
    %dma_start3A_69 = tpu.memref_slice %arg4[%add3A_67, %dma_start3A_68] : memref<192x64xi32, #tpu.memory_space<hbm>> -> memref<1x64xi32, #tpu.memory_space<hbm>>
    %dma_start3A_70 = tpu.memref_squeeze %dma_start3A_69 : memref<1x64xi32, #tpu.memory_space<hbm>> -> memref<64xi32, #tpu.memory_space<hbm>>
    %dma_start3A_71 = arith.constant 0 : i32
    %dma_start3A_72 = tpu.memref_slice %arg4[%add3A_67, %dma_start3A_71] : memref<192x64xi32, #tpu.memory_space<hbm>> -> memref<1x64xi32, #tpu.memory_space<hbm>>
    %dma_start3A_73 = tpu.memref_squeeze %dma_start3A_72 : memref<1x64xi32, #tpu.memory_space<hbm>> -> memref<64xi32, #tpu.memory_space<hbm>>
    tpu.enqueue_dma source(%dma_start3A_73 : memref<64xi32, #tpu.memory_space<hbm>>) target(%arg13 : memref<64xi32, #tpu.memory_space<vmem>>) target_semaphore(%arg17 : memref<!tpu.dma_semaphore, #tpu.memory_space<semaphore_mem>>)
    %dma_wait3A = arith.constant 0 : i32
    %dma_wait3A_74 = tpu.memref_slice %arg4[%add3A_8, %dma_wait3A] : memref<192x64xi32, #tpu.memory_space<hbm>> -> memref<1x64xi32, #tpu.memory_space<hbm>>
    %dma_wait3A_75 = tpu.memref_squeeze %dma_wait3A_74 : memref<1x64xi32, #tpu.memory_space<hbm>> -> memref<64xi32, #tpu.memory_space<hbm>>
    %dma_wait3A_76 = arith.constant 0 : i32
    %dma_wait3A_77 = tpu.memref_slice %arg4[%add3A_8, %dma_wait3A_76] : memref<192x64xi32, #tpu.memory_space<hbm>> -> memref<1x64xi32, #tpu.memory_space<hbm>>
    %dma_wait3A_78 = tpu.memref_squeeze %dma_wait3A_77 : memref<1x64xi32, #tpu.memory_space<hbm>> -> memref<64xi32, #tpu.memory_space<hbm>>
    tpu.wait_dma2 semaphore(%arg17 : memref<!tpu.dma_semaphore, #tpu.memory_space<semaphore_mem>>) src(%dma_wait3A_78 : memref<64xi32, #tpu.memory_space<hbm>>) dst(%arg8 : memref<64xi32, #tpu.memory_space<vmem>>)
    %dma_wait3A_79 = arith.constant 0 : i32
    %dma_wait3A_80 = tpu.memref_slice %arg4[%add3A_19, %dma_wait3A_79] : memref<192x64xi32, #tpu.memory_space<hbm>> -> memref<1x64xi32, #tpu.memory_space<hbm>>
    %dma_wait3A_81 = tpu.memref_squeeze %dma_wait3A_80 : memref<1x64xi32, #tpu.memory_space<hbm>> -> memref<64xi32, #tpu.memory_space<hbm>>
    %dma_wait3A_82 = arith.constant 0 : i32
    %dma_wait3A_83 = tpu.memref_slice %arg4[%add3A_19, %dma_wait3A_82] : memref<192x64xi32, #tpu.memory_space<hbm>> -> memref<1x64xi32, #tpu.memory_space<hbm>>
    %dma_wait3A_84 = tpu.memref_squeeze %dma_wait3A_83 : memref<1x64xi32, #tpu.memory_space<hbm>> -> memref<64xi32, #tpu.memory_space<hbm>>
    tpu.wait_dma2 semaphore(%arg17 : memref<!tpu.dma_semaphore, #tpu.memory_space<semaphore_mem>>) src(%dma_wait3A_84 : memref<64xi32, #tpu.memory_space<hbm>>) dst(%arg9 : memref<64xi32, #tpu.memory_space<vmem>>)
    %dma_wait3A_85 = arith.constant 0 : i32
    %dma_wait3A_86 = tpu.memref_slice %arg4[%add3A_31, %dma_wait3A_85] : memref<192x64xi32, #tpu.memory_space<hbm>> -> memref<1x64xi32, #tpu.memory_space<hbm>>
    %dma_wait3A_87 = tpu.memref_squeeze %dma_wait3A_86 : memref<1x64xi32, #tpu.memory_space<hbm>> -> memref<64xi32, #tpu.memory_space<hbm>>
    %dma_wait3A_88 = arith.constant 0 : i32
    %dma_wait3A_89 = tpu.memref_slice %arg4[%add3A_31, %dma_wait3A_88] : memref<192x64xi32, #tpu.memory_space<hbm>> -> memref<1x64xi32, #tpu.memory_space<hbm>>
    %dma_wait3A_90 = tpu.memref_squeeze %dma_wait3A_89 : memref<1x64xi32, #tpu.memory_space<hbm>> -> memref<64xi32, #tpu.memory_space<hbm>>
    tpu.wait_dma2 semaphore(%arg17 : memref<!tpu.dma_semaphore, #tpu.memory_space<semaphore_mem>>) src(%dma_wait3A_90 : memref<64xi32, #tpu.memory_space<hbm>>) dst(%arg10 : memref<64xi32, #tpu.memory_space<vmem>>)
    %dma_wait3A_91 = arith.constant 0 : i32
    %dma_wait3A_92 = tpu.memref_slice %arg4[%add3A_43, %dma_wait3A_91] : memref<192x64xi32, #tpu.memory_space<hbm>> -> memref<1x64xi32, #tpu.memory_space<hbm>>
    %dma_wait3A_93 = tpu.memref_squeeze %dma_wait3A_92 : memref<1x64xi32, #tpu.memory_space<hbm>> -> memref<64xi32, #tpu.memory_space<hbm>>
    %dma_wait3A_94 = arith.constant 0 : i32
    %dma_wait3A_95 = tpu.memref_slice %arg4[%add3A_43, %dma_wait3A_94] : memref<192x64xi32, #tpu.memory_space<hbm>> -> memref<1x64xi32, #tpu.memory_space<hbm>>
    %dma_wait3A_96 = tpu.memref_squeeze %dma_wait3A_95 : memref<1x64xi32, #tpu.memory_space<hbm>> -> memref<64xi32, #tpu.memory_space<hbm>>
    tpu.wait_dma2 semaphore(%arg17 : memref<!tpu.dma_semaphore, #tpu.memory_space<semaphore_mem>>) src(%dma_wait3A_96 : memref<64xi32, #tpu.memory_space<hbm>>) dst(%arg11 : memref<64xi32, #tpu.memory_space<vmem>>)
    %dma_wait3A_97 = arith.constant 0 : i32
    %dma_wait3A_98 = tpu.memref_slice %arg4[%add3A_55, %dma_wait3A_97] : memref<192x64xi32, #tpu.memory_space<hbm>> -> memref<1x64xi32, #tpu.memory_space<hbm>>
    %dma_wait3A_99 = tpu.memref_squeeze %dma_wait3A_98 : memref<1x64xi32, #tpu.memory_space<hbm>> -> memref<64xi32, #tpu.memory_space<hbm>>
    %dma_wait3A_100 = arith.constant 0 : i32
    %dma_wait3A_101 = tpu.memref_slice %arg4[%add3A_55, %dma_wait3A_100] : memref<192x64xi32, #tpu.memory_space<hbm>> -> memref<1x64xi32, #tpu.memory_space<hbm>>
    %dma_wait3A_102 = tpu.memref_squeeze %dma_wait3A_101 : memref<1x64xi32, #tpu.memory_space<hbm>> -> memref<64xi32, #tpu.memory_space<hbm>>
    tpu.wait_dma2 semaphore(%arg17 : memref<!tpu.dma_semaphore, #tpu.memory_space<semaphore_mem>>) src(%dma_wait3A_102 : memref<64xi32, #tpu.memory_space<hbm>>) dst(%arg12 : memref<64xi32, #tpu.memory_space<vmem>>)
    %dma_wait3A_103 = arith.constant 0 : i32
    %dma_wait3A_104 = tpu.memref_slice %arg4[%add3A_67, %dma_wait3A_103] : memref<192x64xi32, #tpu.memory_space<hbm>> -> memref<1x64xi32, #tpu.memory_space<hbm>>
    %dma_wait3A_105 = tpu.memref_squeeze %dma_wait3A_104 : memref<1x64xi32, #tpu.memory_space<hbm>> -> memref<64xi32, #tpu.memory_space<hbm>>
    %dma_wait3A_106 = arith.constant 0 : i32
    %dma_wait3A_107 = tpu.memref_slice %arg4[%add3A_67, %dma_wait3A_106] : memref<192x64xi32, #tpu.memory_space<hbm>> -> memref<1x64xi32, #tpu.memory_space<hbm>>
    %dma_wait3A_108 = tpu.memref_squeeze %dma_wait3A_107 : memref<1x64xi32, #tpu.memory_space<hbm>> -> memref<64xi32, #tpu.memory_space<hbm>>
    tpu.wait_dma2 semaphore(%arg17 : memref<!tpu.dma_semaphore, #tpu.memory_space<semaphore_mem>>) src(%dma_wait3A_108 : memref<64xi32, #tpu.memory_space<hbm>>) dst(%arg13 : memref<64xi32, #tpu.memory_space<vmem>>)
    %dma_start3A_109 = arith.constant 0 : i32
    %dma_start3A_110 = arith.constant 0 : i32
    %dma_start3A_111 = tpu.memref_slice %arg2[%dma_start3A_109, %dma_start3A_110] : memref<50000x512xf32, #tpu.memory_space<hbm>> -> memref<50000x512xf32, #tpu.memory_space<hbm>>
    tpu.enqueue_indirect_dma source(%dma_start3A_111 : memref<50000x512xf32, #tpu.memory_space<hbm>>) target(%arg14 : memref<64x512xf32, #tpu.memory_space<vmem>>) offsets(%arg8 : memref<64xi32, #tpu.memory_space<vmem>>) semaphore(%arg18 : memref<!tpu.dma_semaphore, #tpu.memory_space<semaphore_mem>>)
    %dma_start3A_112 = arith.constant 0 : i32
    %dma_start3A_113 = arith.constant 0 : i32
    %dma_start3A_114 = tpu.memref_slice %arg2[%dma_start3A_112, %dma_start3A_113] : memref<50000x512xf32, #tpu.memory_space<hbm>> -> memref<50000x512xf32, #tpu.memory_space<hbm>>
    tpu.enqueue_indirect_dma source(%dma_start3A_114 : memref<50000x512xf32, #tpu.memory_space<hbm>>) target(%arg15 : memref<64x512xf32, #tpu.memory_space<vmem>>) offsets(%arg9 : memref<64xi32, #tpu.memory_space<vmem>>) semaphore(%arg19 : memref<!tpu.dma_semaphore, #tpu.memory_space<semaphore_mem>>)
    %dma_start3A_115 = arith.constant 0 : i32
    %dma_start3A_116 = arith.constant 0 : i32
    %dma_start3A_117 = tpu.memref_slice %arg3[%dma_start3A_115, %dma_start3A_116] : memref<50000x512xf32, #tpu.memory_space<hbm>> -> memref<50000x512xf32, #tpu.memory_space<hbm>>
    tpu.enqueue_indirect_dma source(%dma_start3A_117 : memref<50000x512xf32, #tpu.memory_space<hbm>>) target(%arg16 : memref<64x512xf32, #tpu.memory_space<vmem>>) offsets(%arg10 : memref<64xi32, #tpu.memory_space<vmem>>) semaphore(%arg20 : memref<!tpu.dma_semaphore, #tpu.memory_space<semaphore_mem>>)
    %dma_wait3A_118 = arith.constant 0 : i32
    %dma_wait3A_119 = arith.constant 0 : i32
    %dma_wait3A_120 = tpu.memref_slice %arg2[%dma_wait3A_118, %dma_wait3A_119] : memref<50000x512xf32, #tpu.memory_space<hbm>> -> memref<50000x512xf32, #tpu.memory_space<hbm>>
    tpu.wait_indirect_dma semaphore(%arg18 : memref<!tpu.dma_semaphore, #tpu.memory_space<semaphore_mem>>) src(%dma_wait3A_120 : memref<50000x512xf32, #tpu.memory_space<hbm>>) dst(%arg14 : memref<64x512xf32, #tpu.memory_space<vmem>>)
    %add3A_121 = arith.constant 0 : i32
    %add3A_122 = arith.addi %mul3A_2, %add3A_121 : i32
    %dma_start3A_123 = arith.constant 0 : i32
    %dma_start3A_124 = tpu.memref_slice %arg5[%add3A_122, %dma_start3A_123] : memref<4096x512xf32, #tpu.memory_space<hbm>> -> memref<64x512xf32, #tpu.memory_space<hbm>>
    %dma_start3A_125 = arith.constant 0 : i32
    %dma_start3A_126 = tpu.memref_slice %arg5[%add3A_122, %dma_start3A_125] : memref<4096x512xf32, #tpu.memory_space<hbm>> -> memref<64x512xf32, #tpu.memory_space<hbm>>
    tpu.enqueue_dma source(%arg14 : memref<64x512xf32, #tpu.memory_space<vmem>>) target(%dma_start3A_126 : memref<64x512xf32, #tpu.memory_space<hbm>>) target_semaphore(%arg21 : memref<!tpu.dma_semaphore, #tpu.memory_space<semaphore_mem>>)
    %dma_wait3A_127 = arith.constant 0 : i32
    %dma_wait3A_128 = tpu.memref_slice %arg5[%add3A_122, %dma_wait3A_127] : memref<4096x512xf32, #tpu.memory_space<hbm>> -> memref<64x512xf32, #tpu.memory_space<hbm>>
    %dma_wait3A_129 = arith.constant 0 : i32
    %dma_wait3A_130 = tpu.memref_slice %arg5[%add3A_122, %dma_wait3A_129] : memref<4096x512xf32, #tpu.memory_space<hbm>> -> memref<64x512xf32, #tpu.memory_space<hbm>>
    tpu.wait_dma2 semaphore(%arg21 : memref<!tpu.dma_semaphore, #tpu.memory_space<semaphore_mem>>) src(%arg14 : memref<64x512xf32, #tpu.memory_space<vmem>>) dst(%dma_wait3A_130 : memref<64x512xf32, #tpu.memory_space<hbm>>)
    %dma_start3A_131 = arith.constant 0 : i32
    %dma_start3A_132 = arith.constant 0 : i32
    %dma_start3A_133 = tpu.memref_slice %arg3[%dma_start3A_131, %dma_start3A_132] : memref<50000x512xf32, #tpu.memory_space<hbm>> -> memref<50000x512xf32, #tpu.memory_space<hbm>>
    tpu.enqueue_indirect_dma source(%dma_start3A_133 : memref<50000x512xf32, #tpu.memory_space<hbm>>) target(%arg14 : memref<64x512xf32, #tpu.memory_space<vmem>>) offsets(%arg11 : memref<64xi32, #tpu.memory_space<vmem>>) semaphore(%arg18 : memref<!tpu.dma_semaphore, #tpu.memory_space<semaphore_mem>>)
    %dma_wait3A_134 = arith.constant 0 : i32
    %dma_wait3A_135 = arith.constant 0 : i32
    %dma_wait3A_136 = tpu.memref_slice %arg2[%dma_wait3A_134, %dma_wait3A_135] : memref<50000x512xf32, #tpu.memory_space<hbm>> -> memref<50000x512xf32, #tpu.memory_space<hbm>>
    tpu.wait_indirect_dma semaphore(%arg19 : memref<!tpu.dma_semaphore, #tpu.memory_space<semaphore_mem>>) src(%dma_wait3A_136 : memref<50000x512xf32, #tpu.memory_space<hbm>>) dst(%arg15 : memref<64x512xf32, #tpu.memory_space<vmem>>)
    %add3A_137 = arith.constant 64 : i32
    %add3A_138 = arith.addi %mul3A_2, %add3A_137 : i32
    %dma_start3A_139 = arith.constant 0 : i32
    %dma_start3A_140 = tpu.memref_slice %arg5[%add3A_138, %dma_start3A_139] : memref<4096x512xf32, #tpu.memory_space<hbm>> -> memref<64x512xf32, #tpu.memory_space<hbm>>
    %dma_start3A_141 = arith.constant 0 : i32
    %dma_start3A_142 = tpu.memref_slice %arg5[%add3A_138, %dma_start3A_141] : memref<4096x512xf32, #tpu.memory_space<hbm>> -> memref<64x512xf32, #tpu.memory_space<hbm>>
    tpu.enqueue_dma source(%arg15 : memref<64x512xf32, #tpu.memory_space<vmem>>) target(%dma_start3A_142 : memref<64x512xf32, #tpu.memory_space<hbm>>) target_semaphore(%arg22 : memref<!tpu.dma_semaphore, #tpu.memory_space<semaphore_mem>>)
    %dma_wait3A_143 = arith.constant 0 : i32
    %dma_wait3A_144 = tpu.memref_slice %arg5[%add3A_138, %dma_wait3A_143] : memref<4096x512xf32, #tpu.memory_space<hbm>> -> memref<64x512xf32, #tpu.memory_space<hbm>>
    %dma_wait3A_145 = arith.constant 0 : i32
    %dma_wait3A_146 = tpu.memref_slice %arg5[%add3A_138, %dma_wait3A_145] : memref<4096x512xf32, #tpu.memory_space<hbm>> -> memref<64x512xf32, #tpu.memory_space<hbm>>
    tpu.wait_dma2 semaphore(%arg22 : memref<!tpu.dma_semaphore, #tpu.memory_space<semaphore_mem>>) src(%arg15 : memref<64x512xf32, #tpu.memory_space<vmem>>) dst(%dma_wait3A_146 : memref<64x512xf32, #tpu.memory_space<hbm>>)
    %dma_start3A_147 = arith.constant 0 : i32
    %dma_start3A_148 = arith.constant 0 : i32
    %dma_start3A_149 = tpu.memref_slice %arg2[%dma_start3A_147, %dma_start3A_148] : memref<50000x512xf32, #tpu.memory_space<hbm>> -> memref<50000x512xf32, #tpu.memory_space<hbm>>
    tpu.enqueue_indirect_dma source(%dma_start3A_149 : memref<50000x512xf32, #tpu.memory_space<hbm>>) target(%arg15 : memref<64x512xf32, #tpu.memory_space<vmem>>) offsets(%arg12 : memref<64xi32, #tpu.memory_space<vmem>>) semaphore(%arg19 : memref<!tpu.dma_semaphore, #tpu.memory_space<semaphore_mem>>)
    %dma_wait3A_150 = arith.constant 0 : i32
    %dma_wait3A_151 = arith.constant 0 : i32
    %dma_wait3A_152 = tpu.memref_slice %arg3[%dma_wait3A_150, %dma_wait3A_151] : memref<50000x512xf32, #tpu.memory_space<hbm>> -> memref<50000x512xf32, #tpu.memory_space<hbm>>
    tpu.wait_indirect_dma semaphore(%arg20 : memref<!tpu.dma_semaphore, #tpu.memory_space<semaphore_mem>>) src(%dma_wait3A_152 : memref<50000x512xf32, #tpu.memory_space<hbm>>) dst(%arg16 : memref<64x512xf32, #tpu.memory_space<vmem>>)
    %add3A_153 = arith.constant 0 : i32
    %add3A_154 = arith.addi %mul3A_2, %add3A_153 : i32
    %dma_start3A_155 = arith.constant 0 : i32
    %dma_start3A_156 = tpu.memref_slice %arg6[%add3A_154, %dma_start3A_155] : memref<4096x512xf32, #tpu.memory_space<hbm>> -> memref<64x512xf32, #tpu.memory_space<hbm>>
    %dma_start3A_157 = arith.constant 0 : i32
    %dma_start3A_158 = tpu.memref_slice %arg6[%add3A_154, %dma_start3A_157] : memref<4096x512xf32, #tpu.memory_space<hbm>> -> memref<64x512xf32, #tpu.memory_space<hbm>>
    tpu.enqueue_dma source(%arg16 : memref<64x512xf32, #tpu.memory_space<vmem>>) target(%dma_start3A_158 : memref<64x512xf32, #tpu.memory_space<hbm>>) target_semaphore(%arg23 : memref<!tpu.dma_semaphore, #tpu.memory_space<semaphore_mem>>)
    %dma_wait3A_159 = arith.constant 0 : i32
    %dma_wait3A_160 = tpu.memref_slice %arg6[%add3A_154, %dma_wait3A_159] : memref<4096x512xf32, #tpu.memory_space<hbm>> -> memref<64x512xf32, #tpu.memory_space<hbm>>
    %dma_wait3A_161 = arith.constant 0 : i32
    %dma_wait3A_162 = tpu.memref_slice %arg6[%add3A_154, %dma_wait3A_161] : memref<4096x512xf32, #tpu.memory_space<hbm>> -> memref<64x512xf32, #tpu.memory_space<hbm>>
    tpu.wait_dma2 semaphore(%arg23 : memref<!tpu.dma_semaphore, #tpu.memory_space<semaphore_mem>>) src(%arg16 : memref<64x512xf32, #tpu.memory_space<vmem>>) dst(%dma_wait3A_162 : memref<64x512xf32, #tpu.memory_space<hbm>>)
    %dma_start3A_163 = arith.constant 0 : i32
    %dma_start3A_164 = arith.constant 0 : i32
    %dma_start3A_165 = tpu.memref_slice %arg2[%dma_start3A_163, %dma_start3A_164] : memref<50000x512xf32, #tpu.memory_space<hbm>> -> memref<50000x512xf32, #tpu.memory_space<hbm>>
    tpu.enqueue_indirect_dma source(%dma_start3A_165 : memref<50000x512xf32, #tpu.memory_space<hbm>>) target(%arg16 : memref<64x512xf32, #tpu.memory_space<vmem>>) offsets(%arg13 : memref<64xi32, #tpu.memory_space<vmem>>) semaphore(%arg20 : memref<!tpu.dma_semaphore, #tpu.memory_space<semaphore_mem>>)
    %dma_wait3A_166 = arith.constant 0 : i32
    %dma_wait3A_167 = arith.constant 0 : i32
    %dma_wait3A_168 = tpu.memref_slice %arg3[%dma_wait3A_166, %dma_wait3A_167] : memref<50000x512xf32, #tpu.memory_space<hbm>> -> memref<50000x512xf32, #tpu.memory_space<hbm>>
    tpu.wait_indirect_dma semaphore(%arg18 : memref<!tpu.dma_semaphore, #tpu.memory_space<semaphore_mem>>) src(%dma_wait3A_168 : memref<50000x512xf32, #tpu.memory_space<hbm>>) dst(%arg14 : memref<64x512xf32, #tpu.memory_space<vmem>>)
    %add3A_169 = arith.constant 64 : i32
    %add3A_170 = arith.addi %mul3A_2, %add3A_169 : i32
    %dma_start3A_171 = arith.constant 0 : i32
    %dma_start3A_172 = tpu.memref_slice %arg6[%add3A_170, %dma_start3A_171] : memref<4096x512xf32, #tpu.memory_space<hbm>> -> memref<64x512xf32, #tpu.memory_space<hbm>>
    %dma_start3A_173 = arith.constant 0 : i32
    %dma_start3A_174 = tpu.memref_slice %arg6[%add3A_170, %dma_start3A_173] : memref<4096x512xf32, #tpu.memory_space<hbm>> -> memref<64x512xf32, #tpu.memory_space<hbm>>
    tpu.enqueue_dma source(%arg14 : memref<64x512xf32, #tpu.memory_space<vmem>>) target(%dma_start3A_174 : memref<64x512xf32, #tpu.memory_space<hbm>>) target_semaphore(%arg21 : memref<!tpu.dma_semaphore, #tpu.memory_space<semaphore_mem>>)
    %dma_wait3A_175 = arith.constant 0 : i32
    %dma_wait3A_176 = arith.constant 0 : i32
    %dma_wait3A_177 = tpu.memref_slice %arg2[%dma_wait3A_175, %dma_wait3A_176] : memref<50000x512xf32, #tpu.memory_space<hbm>> -> memref<50000x512xf32, #tpu.memory_space<hbm>>
    tpu.wait_indirect_dma semaphore(%arg19 : memref<!tpu.dma_semaphore, #tpu.memory_space<semaphore_mem>>) src(%dma_wait3A_177 : memref<50000x512xf32, #tpu.memory_space<hbm>>) dst(%arg15 : memref<64x512xf32, #tpu.memory_space<vmem>>)
    %add3A_178 = arith.constant 0 : i32
    %add3A_179 = arith.addi %mul3A_2, %add3A_178 : i32
    %dma_start3A_180 = arith.constant 0 : i32
    %dma_start3A_181 = tpu.memref_slice %arg7[%add3A_179, %dma_start3A_180] : memref<4096x512xf32, #tpu.memory_space<hbm>> -> memref<64x512xf32, #tpu.memory_space<hbm>>
    %dma_start3A_182 = arith.constant 0 : i32
    %dma_start3A_183 = tpu.memref_slice %arg7[%add3A_179, %dma_start3A_182] : memref<4096x512xf32, #tpu.memory_space<hbm>> -> memref<64x512xf32, #tpu.memory_space<hbm>>
    tpu.enqueue_dma source(%arg15 : memref<64x512xf32, #tpu.memory_space<vmem>>) target(%dma_start3A_183 : memref<64x512xf32, #tpu.memory_space<hbm>>) target_semaphore(%arg22 : memref<!tpu.dma_semaphore, #tpu.memory_space<semaphore_mem>>)
    %dma_wait3A_184 = arith.constant 0 : i32
    %dma_wait3A_185 = arith.constant 0 : i32
    %dma_wait3A_186 = tpu.memref_slice %arg2[%dma_wait3A_184, %dma_wait3A_185] : memref<50000x512xf32, #tpu.memory_space<hbm>> -> memref<50000x512xf32, #tpu.memory_space<hbm>>
    tpu.wait_indirect_dma semaphore(%arg20 : memref<!tpu.dma_semaphore, #tpu.memory_space<semaphore_mem>>) src(%dma_wait3A_186 : memref<50000x512xf32, #tpu.memory_space<hbm>>) dst(%arg16 : memref<64x512xf32, #tpu.memory_space<vmem>>)
    %add3A_187 = arith.constant 64 : i32
    %add3A_188 = arith.addi %mul3A_2, %add3A_187 : i32
    %dma_start3A_189 = arith.constant 0 : i32
    %dma_start3A_190 = tpu.memref_slice %arg7[%add3A_188, %dma_start3A_189] : memref<4096x512xf32, #tpu.memory_space<hbm>> -> memref<64x512xf32, #tpu.memory_space<hbm>>
    %dma_start3A_191 = arith.constant 0 : i32
    %dma_start3A_192 = tpu.memref_slice %arg7[%add3A_188, %dma_start3A_191] : memref<4096x512xf32, #tpu.memory_space<hbm>> -> memref<64x512xf32, #tpu.memory_space<hbm>>
    tpu.enqueue_dma source(%arg16 : memref<64x512xf32, #tpu.memory_space<vmem>>) target(%dma_start3A_192 : memref<64x512xf32, #tpu.memory_space<hbm>>) target_semaphore(%arg23 : memref<!tpu.dma_semaphore, #tpu.memory_space<semaphore_mem>>)
    %dma_wait3A_193 = arith.constant 0 : i32
    %dma_wait3A_194 = tpu.memref_slice %arg6[%add3A_170, %dma_wait3A_193] : memref<4096x512xf32, #tpu.memory_space<hbm>> -> memref<64x512xf32, #tpu.memory_space<hbm>>
    %dma_wait3A_195 = arith.constant 0 : i32
    %dma_wait3A_196 = tpu.memref_slice %arg6[%add3A_170, %dma_wait3A_195] : memref<4096x512xf32, #tpu.memory_space<hbm>> -> memref<64x512xf32, #tpu.memory_space<hbm>>
    tpu.wait_dma2 semaphore(%arg21 : memref<!tpu.dma_semaphore, #tpu.memory_space<semaphore_mem>>) src(%arg14 : memref<64x512xf32, #tpu.memory_space<vmem>>) dst(%dma_wait3A_196 : memref<64x512xf32, #tpu.memory_space<hbm>>)
    %dma_wait3A_197 = arith.constant 0 : i32
    %dma_wait3A_198 = tpu.memref_slice %arg7[%add3A_179, %dma_wait3A_197] : memref<4096x512xf32, #tpu.memory_space<hbm>> -> memref<64x512xf32, #tpu.memory_space<hbm>>
    %dma_wait3A_199 = arith.constant 0 : i32
    %dma_wait3A_200 = tpu.memref_slice %arg7[%add3A_179, %dma_wait3A_199] : memref<4096x512xf32, #tpu.memory_space<hbm>> -> memref<64x512xf32, #tpu.memory_space<hbm>>
    tpu.wait_dma2 semaphore(%arg22 : memref<!tpu.dma_semaphore, #tpu.memory_space<semaphore_mem>>) src(%arg15 : memref<64x512xf32, #tpu.memory_space<vmem>>) dst(%dma_wait3A_200 : memref<64x512xf32, #tpu.memory_space<hbm>>)
    %dma_wait3A_201 = arith.constant 0 : i32
    %dma_wait3A_202 = tpu.memref_slice %arg7[%add3A_188, %dma_wait3A_201] : memref<4096x512xf32, #tpu.memory_space<hbm>> -> memref<64x512xf32, #tpu.memory_space<hbm>>
    %dma_wait3A_203 = arith.constant 0 : i32
    %dma_wait3A_204 = tpu.memref_slice %arg7[%add3A_188, %dma_wait3A_203] : memref<4096x512xf32, #tpu.memory_space<hbm>> -> memref<64x512xf32, #tpu.memory_space<hbm>>
    tpu.wait_dma2 semaphore(%arg23 : memref<!tpu.dma_semaphore, #tpu.memory_space<semaphore_mem>>) src(%arg16 : memref<64x512xf32, #tpu.memory_space<vmem>>) dst(%dma_wait3A_204 : memref<64x512xf32, #tpu.memory_space<hbm>>)
    return
  }
}

#map = affine_map<(d0, d1) -> (0, 0)>
module attributes {stable_mosaic.version = 14 : i64} {
  func.func @body(%arg0: i32, %arg1: i32, %arg2: memref<50000x512xf32, #tpu.memory_space<hbm>>, %arg3: memref<50000x512xf32, #tpu.memory_space<hbm>>, %arg4: memref<192x64xi32, #tpu.memory_space<hbm>>, %arg5: memref<4096x512xf32, #tpu.memory_space<hbm>>, %arg6: memref<4096x512xf32, #tpu.memory_space<hbm>>, %arg7: memref<4096x512xf32, #tpu.memory_space<hbm>>, %arg8: memref<64xi32, #tpu.memory_space<vmem>>, %arg9: memref<64xi32, #tpu.memory_space<vmem>>, %arg10: memref<64xi32, #tpu.memory_space<vmem>>, %arg11: memref<64xi32, #tpu.memory_space<vmem>>, %arg12: memref<64xi32, #tpu.memory_space<vmem>>, %arg13: memref<64xi32, #tpu.memory_space<vmem>>, %arg14: memref<64x512xf32, #tpu.memory_space<vmem>>, %arg15: memref<64x512xf32, #tpu.memory_space<vmem>>, %arg16: memref<64x512xf32, #tpu.memory_space<vmem>>, %arg17: memref<!tpu.dma_semaphore, #tpu.memory_space<semaphore_mem>>, %arg18: memref<!tpu.dma_semaphore, #tpu.memory_space<semaphore_mem>>, %arg19: memref<!tpu.dma_semaphore, #tpu.memory_space<semaphore_mem>>, %arg20: memref<!tpu.dma_semaphore, #tpu.memory_space<semaphore_mem>>, %arg21: memref<!tpu.dma_semaphore, #tpu.memory_space<semaphore_mem>>, %arg22: memref<!tpu.dma_semaphore, #tpu.memory_space<semaphore_mem>>, %arg23: memref<!tpu.dma_semaphore, #tpu.memory_space<semaphore_mem>>) attributes {dimension_semantics = [#tpu.dimension_semantics<core_parallel>, #tpu.dimension_semantics<subcore_parallel>], iteration_bounds = array<i64: 2, 16>, scalar_prefetch = 0 : i64, scratch_operands = 16 : i64, tpu.core_type = #tpu.core_type<sc_vector_subcore>, window_params = [{transform_indices = #map}, {transform_indices = #map}, {transform_indices = #map}, {transform_indices = #map}, {transform_indices = #map}, {transform_indices = #map}]} {
    %mul3A = arith.constant 2 : i32
    %mul3A_0 = arith.muli %arg1, %mul3A : i32
    %add3A = arith.addi %mul3A_0, %arg0 : i32
    %mul3A_1 = arith.constant 128 : i32
    %mul3A_2 = arith.muli %add3A, %mul3A_1 : i32
    %mul3A_3 = arith.constant 3 : i32
    %mul3A_4 = arith.muli %add3A, %mul3A_3 : i32
    %mul3A_5 = arith.constant 2 : i32
    %mul3A_6 = arith.muli %mul3A_4, %mul3A_5 : i32
    %add3A_7 = arith.constant 0 : i32
    %add3A_8 = arith.addi %mul3A_6, %add3A_7 : i32
    %dma_start3A = arith.constant 0 : i32
    %dma_start3A_9 = tpu.memref_slice %arg4[%add3A_8, %dma_start3A] : memref<192x64xi32, #tpu.memory_space<hbm>> -> memref<1x64xi32, #tpu.memory_space<hbm>>
    %dma_start3A_10 = tpu.memref_squeeze %dma_start3A_9 : memref<1x64xi32, #tpu.memory_space<hbm>> -> memref<64xi32, #tpu.memory_space<hbm>>
    %dma_start3A_11 = arith.constant 0 : i32
    %dma_start3A_12 = tpu.memref_slice %arg4[%add3A_8, %dma_start3A_11] : memref<192x64xi32, #tpu.memory_space<hbm>> -> memref<1x64xi32, #tpu.memory_space<hbm>>
    %dma_start3A_13 = tpu.memref_squeeze %dma_start3A_12 : memref<1x64xi32, #tpu.memory_space<hbm>> -> memref<64xi32, #tpu.memory_space<hbm>>
    tpu.enqueue_dma source(%dma_start3A_13 : memref<64xi32, #tpu.memory_space<hbm>>) target(%arg8 : memref<64xi32, #tpu.memory_space<vmem>>) target_semaphore(%arg17 : memref<!tpu.dma_semaphore, #tpu.memory_space<semaphore_mem>>)
    %mul3A_14 = arith.constant 3 : i32
    %mul3A_15 = arith.muli %add3A, %mul3A_14 : i32
    %mul3A_16 = arith.constant 2 : i32
    %mul3A_17 = arith.muli %mul3A_15, %mul3A_16 : i32
    %add3A_18 = arith.constant 1 : i32
    %add3A_19 = arith.addi %mul3A_17, %add3A_18 : i32
    %dma_start3A_20 = arith.constant 0 : i32
    %dma_start3A_21 = tpu.memref_slice %arg4[%add3A_19, %dma_start3A_20] : memref<192x64xi32, #tpu.memory_space<hbm>> -> memref<1x64xi32, #tpu.memory_space<hbm>>
    %dma_start3A_22 = tpu.memref_squeeze %dma_start3A_21 : memref<1x64xi32, #tpu.memory_space<hbm>> -> memref<64xi32, #tpu.memory_space<hbm>>
    %dma_start3A_23 = arith.constant 0 : i32
    %dma_start3A_24 = tpu.memref_slice %arg4[%add3A_19, %dma_start3A_23] : memref<192x64xi32, #tpu.memory_space<hbm>> -> memref<1x64xi32, #tpu.memory_space<hbm>>
    %dma_start3A_25 = tpu.memref_squeeze %dma_start3A_24 : memref<1x64xi32, #tpu.memory_space<hbm>> -> memref<64xi32, #tpu.memory_space<hbm>>
    tpu.enqueue_dma source(%dma_start3A_25 : memref<64xi32, #tpu.memory_space<hbm>>) target(%arg9 : memref<64xi32, #tpu.memory_space<vmem>>) target_semaphore(%arg17 : memref<!tpu.dma_semaphore, #tpu.memory_space<semaphore_mem>>)
    %mul3A_26 = arith.constant 3 : i32
    %mul3A_27 = arith.muli %add3A, %mul3A_26 : i32
    %mul3A_28 = arith.constant 2 : i32
    %mul3A_29 = arith.muli %mul3A_27, %mul3A_28 : i32
    %add3A_30 = arith.constant 2 : i32
    %add3A_31 = arith.addi %mul3A_29, %add3A_30 : i32
    %dma_start3A_32 = arith.constant 0 : i32
    %dma_start3A_33 = tpu.memref_slice %arg4[%add3A_31, %dma_start3A_32] : memref<192x64xi32, #tpu.memory_space<hbm>> -> memref<1x64xi32, #tpu.memory_space<hbm>>
    %dma_start3A_34 = tpu.memref_squeeze %dma_start3A_33 : memref<1x64xi32, #tpu.memory_space<hbm>> -> memref<64xi32, #tpu.memory_space<hbm>>
    %dma_start3A_35 = arith.constant 0 : i32
    %dma_start3A_36 = tpu.memref_slice %arg4[%add3A_31, %dma_start3A_35] : memref<192x64xi32, #tpu.memory_space<hbm>> -> memref<1x64xi32, #tpu.memory_space<hbm>>
    %dma_start3A_37 = tpu.memref_squeeze %dma_start3A_36 : memref<1x64xi32, #tpu.memory_space<hbm>> -> memref<64xi32, #tpu.memory_space<hbm>>
    tpu.enqueue_dma source(%dma_start3A_37 : memref<64xi32, #tpu.memory_space<hbm>>) target(%arg10 : memref<64xi32, #tpu.memory_space<vmem>>) target_semaphore(%arg17 : memref<!tpu.dma_semaphore, #tpu.memory_space<semaphore_mem>>)
    %mul3A_38 = arith.constant 3 : i32
    %mul3A_39 = arith.muli %add3A, %mul3A_38 : i32
    %mul3A_40 = arith.constant 2 : i32
    %mul3A_41 = arith.muli %mul3A_39, %mul3A_40 : i32
    %add3A_42 = arith.constant 3 : i32
    %add3A_43 = arith.addi %mul3A_41, %add3A_42 : i32
    %dma_start3A_44 = arith.constant 0 : i32
    %dma_start3A_45 = tpu.memref_slice %arg4[%add3A_43, %dma_start3A_44] : memref<192x64xi32, #tpu.memory_space<hbm>> -> memref<1x64xi32, #tpu.memory_space<hbm>>
    %dma_start3A_46 = tpu.memref_squeeze %dma_start3A_45 : memref<1x64xi32, #tpu.memory_space<hbm>> -> memref<64xi32, #tpu.memory_space<hbm>>
    %dma_start3A_47 = arith.constant 0 : i32
    %dma_start3A_48 = tpu.memref_slice %arg4[%add3A_43, %dma_start3A_47] : memref<192x64xi32, #tpu.memory_space<hbm>> -> memref<1x64xi32, #tpu.memory_space<hbm>>
    %dma_start3A_49 = tpu.memref_squeeze %dma_start3A_48 : memref<1x64xi32, #tpu.memory_space<hbm>> -> memref<64xi32, #tpu.memory_space<hbm>>
    tpu.enqueue_dma source(%dma_start3A_49 : memref<64xi32, #tpu.memory_space<hbm>>) target(%arg11 : memref<64xi32, #tpu.memory_space<vmem>>) target_semaphore(%arg17 : memref<!tpu.dma_semaphore, #tpu.memory_space<semaphore_mem>>)
    %mul3A_50 = arith.constant 3 : i32
    %mul3A_51 = arith.muli %add3A, %mul3A_50 : i32
    %mul3A_52 = arith.constant 2 : i32
    %mul3A_53 = arith.muli %mul3A_51, %mul3A_52 : i32
    %add3A_54 = arith.constant 4 : i32
    %add3A_55 = arith.addi %mul3A_53, %add3A_54 : i32
    %dma_start3A_56 = arith.constant 0 : i32
    %dma_start3A_57 = tpu.memref_slice %arg4[%add3A_55, %dma_start3A_56] : memref<192x64xi32, #tpu.memory_space<hbm>> -> memref<1x64xi32, #tpu.memory_space<hbm>>
    %dma_start3A_58 = tpu.memref_squeeze %dma_start3A_57 : memref<1x64xi32, #tpu.memory_space<hbm>> -> memref<64xi32, #tpu.memory_space<hbm>>
    %dma_start3A_59 = arith.constant 0 : i32
    %dma_start3A_60 = tpu.memref_slice %arg4[%add3A_55, %dma_start3A_59] : memref<192x64xi32, #tpu.memory_space<hbm>> -> memref<1x64xi32, #tpu.memory_space<hbm>>
    %dma_start3A_61 = tpu.memref_squeeze %dma_start3A_60 : memref<1x64xi32, #tpu.memory_space<hbm>> -> memref<64xi32, #tpu.memory_space<hbm>>
    tpu.enqueue_dma source(%dma_start3A_61 : memref<64xi32, #tpu.memory_space<hbm>>) target(%arg12 : memref<64xi32, #tpu.memory_space<vmem>>) target_semaphore(%arg17 : memref<!tpu.dma_semaphore, #tpu.memory_space<semaphore_mem>>)
    %mul3A_62 = arith.constant 3 : i32
    %mul3A_63 = arith.muli %add3A, %mul3A_62 : i32
    %mul3A_64 = arith.constant 2 : i32
    %mul3A_65 = arith.muli %mul3A_63, %mul3A_64 : i32
    %add3A_66 = arith.constant 5 : i32
    %add3A_67 = arith.addi %mul3A_65, %add3A_66 : i32
    %dma_start3A_68 = arith.constant 0 : i32
    %dma_start3A_69 = tpu.memref_slice %arg4[%add3A_67, %dma_start3A_68] : memref<192x64xi32, #tpu.memory_space<hbm>> -> memref<1x64xi32, #tpu.memory_space<hbm>>
    %dma_start3A_70 = tpu.memref_squeeze %dma_start3A_69 : memref<1x64xi32, #tpu.memory_space<hbm>> -> memref<64xi32, #tpu.memory_space<hbm>>
    %dma_start3A_71 = arith.constant 0 : i32
    %dma_start3A_72 = tpu.memref_slice %arg4[%add3A_67, %dma_start3A_71] : memref<192x64xi32, #tpu.memory_space<hbm>> -> memref<1x64xi32, #tpu.memory_space<hbm>>
    %dma_start3A_73 = tpu.memref_squeeze %dma_start3A_72 : memref<1x64xi32, #tpu.memory_space<hbm>> -> memref<64xi32, #tpu.memory_space<hbm>>
    tpu.enqueue_dma source(%dma_start3A_73 : memref<64xi32, #tpu.memory_space<hbm>>) target(%arg13 : memref<64xi32, #tpu.memory_space<vmem>>) target_semaphore(%arg17 : memref<!tpu.dma_semaphore, #tpu.memory_space<semaphore_mem>>)
    %dma_wait3A = arith.constant 0 : i32
    %dma_wait3A_74 = tpu.memref_slice %arg4[%add3A_8, %dma_wait3A] : memref<192x64xi32, #tpu.memory_space<hbm>> -> memref<1x64xi32, #tpu.memory_space<hbm>>
    %dma_wait3A_75 = tpu.memref_squeeze %dma_wait3A_74 : memref<1x64xi32, #tpu.memory_space<hbm>> -> memref<64xi32, #tpu.memory_space<hbm>>
    %dma_wait3A_76 = arith.constant 0 : i32
    %dma_wait3A_77 = tpu.memref_slice %arg4[%add3A_8, %dma_wait3A_76] : memref<192x64xi32, #tpu.memory_space<hbm>> -> memref<1x64xi32, #tpu.memory_space<hbm>>
    %dma_wait3A_78 = tpu.memref_squeeze %dma_wait3A_77 : memref<1x64xi32, #tpu.memory_space<hbm>> -> memref<64xi32, #tpu.memory_space<hbm>>
    tpu.wait_dma2 semaphore(%arg17 : memref<!tpu.dma_semaphore, #tpu.memory_space<semaphore_mem>>) src(%dma_wait3A_78 : memref<64xi32, #tpu.memory_space<hbm>>) dst(%arg8 : memref<64xi32, #tpu.memory_space<vmem>>)
    %dma_wait3A_79 = arith.constant 0 : i32
    %dma_wait3A_80 = tpu.memref_slice %arg4[%add3A_19, %dma_wait3A_79] : memref<192x64xi32, #tpu.memory_space<hbm>> -> memref<1x64xi32, #tpu.memory_space<hbm>>
    %dma_wait3A_81 = tpu.memref_squeeze %dma_wait3A_80 : memref<1x64xi32, #tpu.memory_space<hbm>> -> memref<64xi32, #tpu.memory_space<hbm>>
    %dma_wait3A_82 = arith.constant 0 : i32
    %dma_wait3A_83 = tpu.memref_slice %arg4[%add3A_19, %dma_wait3A_82] : memref<192x64xi32, #tpu.memory_space<hbm>> -> memref<1x64xi32, #tpu.memory_space<hbm>>
    %dma_wait3A_84 = tpu.memref_squeeze %dma_wait3A_83 : memref<1x64xi32, #tpu.memory_space<hbm>> -> memref<64xi32, #tpu.memory_space<hbm>>
    tpu.wait_dma2 semaphore(%arg17 : memref<!tpu.dma_semaphore, #tpu.memory_space<semaphore_mem>>) src(%dma_wait3A_84 : memref<64xi32, #tpu.memory_space<hbm>>) dst(%arg9 : memref<64xi32, #tpu.memory_space<vmem>>)
    %dma_wait3A_85 = arith.constant 0 : i32
    %dma_wait3A_86 = tpu.memref_slice %arg4[%add3A_31, %dma_wait3A_85] : memref<192x64xi32, #tpu.memory_space<hbm>> -> memref<1x64xi32, #tpu.memory_space<hbm>>
    %dma_wait3A_87 = tpu.memref_squeeze %dma_wait3A_86 : memref<1x64xi32, #tpu.memory_space<hbm>> -> memref<64xi32, #tpu.memory_space<hbm>>
    %dma_wait3A_88 = arith.constant 0 : i32
    %dma_wait3A_89 = tpu.memref_slice %arg4[%add3A_31, %dma_wait3A_88] : memref<192x64xi32, #tpu.memory_space<hbm>> -> memref<1x64xi32, #tpu.memory_space<hbm>>
    %dma_wait3A_90 = tpu.memref_squeeze %dma_wait3A_89 : memref<1x64xi32, #tpu.memory_space<hbm>> -> memref<64xi32, #tpu.memory_space<hbm>>
    tpu.wait_dma2 semaphore(%arg17 : memref<!tpu.dma_semaphore, #tpu.memory_space<semaphore_mem>>) src(%dma_wait3A_90 : memref<64xi32, #tpu.memory_space<hbm>>) dst(%arg10 : memref<64xi32, #tpu.memory_space<vmem>>)
    %dma_wait3A_91 = arith.constant 0 : i32
    %dma_wait3A_92 = tpu.memref_slice %arg4[%add3A_43, %dma_wait3A_91] : memref<192x64xi32, #tpu.memory_space<hbm>> -> memref<1x64xi32, #tpu.memory_space<hbm>>
    %dma_wait3A_93 = tpu.memref_squeeze %dma_wait3A_92 : memref<1x64xi32, #tpu.memory_space<hbm>> -> memref<64xi32, #tpu.memory_space<hbm>>
    %dma_wait3A_94 = arith.constant 0 : i32
    %dma_wait3A_95 = tpu.memref_slice %arg4[%add3A_43, %dma_wait3A_94] : memref<192x64xi32, #tpu.memory_space<hbm>> -> memref<1x64xi32, #tpu.memory_space<hbm>>
    %dma_wait3A_96 = tpu.memref_squeeze %dma_wait3A_95 : memref<1x64xi32, #tpu.memory_space<hbm>> -> memref<64xi32, #tpu.memory_space<hbm>>
    tpu.wait_dma2 semaphore(%arg17 : memref<!tpu.dma_semaphore, #tpu.memory_space<semaphore_mem>>) src(%dma_wait3A_96 : memref<64xi32, #tpu.memory_space<hbm>>) dst(%arg11 : memref<64xi32, #tpu.memory_space<vmem>>)
    %dma_wait3A_97 = arith.constant 0 : i32
    %dma_wait3A_98 = tpu.memref_slice %arg4[%add3A_55, %dma_wait3A_97] : memref<192x64xi32, #tpu.memory_space<hbm>> -> memref<1x64xi32, #tpu.memory_space<hbm>>
    %dma_wait3A_99 = tpu.memref_squeeze %dma_wait3A_98 : memref<1x64xi32, #tpu.memory_space<hbm>> -> memref<64xi32, #tpu.memory_space<hbm>>
    %dma_wait3A_100 = arith.constant 0 : i32
    %dma_wait3A_101 = tpu.memref_slice %arg4[%add3A_55, %dma_wait3A_100] : memref<192x64xi32, #tpu.memory_space<hbm>> -> memref<1x64xi32, #tpu.memory_space<hbm>>
    %dma_wait3A_102 = tpu.memref_squeeze %dma_wait3A_101 : memref<1x64xi32, #tpu.memory_space<hbm>> -> memref<64xi32, #tpu.memory_space<hbm>>
    tpu.wait_dma2 semaphore(%arg17 : memref<!tpu.dma_semaphore, #tpu.memory_space<semaphore_mem>>) src(%dma_wait3A_102 : memref<64xi32, #tpu.memory_space<hbm>>) dst(%arg12 : memref<64xi32, #tpu.memory_space<vmem>>)
    %dma_wait3A_103 = arith.constant 0 : i32
    %dma_wait3A_104 = tpu.memref_slice %arg4[%add3A_67, %dma_wait3A_103] : memref<192x64xi32, #tpu.memory_space<hbm>> -> memref<1x64xi32, #tpu.memory_space<hbm>>
    %dma_wait3A_105 = tpu.memref_squeeze %dma_wait3A_104 : memref<1x64xi32, #tpu.memory_space<hbm>> -> memref<64xi32, #tpu.memory_space<hbm>>
    %dma_wait3A_106 = arith.constant 0 : i32
    %dma_wait3A_107 = tpu.memref_slice %arg4[%add3A_67, %dma_wait3A_106] : memref<192x64xi32, #tpu.memory_space<hbm>> -> memref<1x64xi32, #tpu.memory_space<hbm>>
    %dma_wait3A_108 = tpu.memref_squeeze %dma_wait3A_107 : memref<1x64xi32, #tpu.memory_space<hbm>> -> memref<64xi32, #tpu.memory_space<hbm>>
    tpu.wait_dma2 semaphore(%arg17 : memref<!tpu.dma_semaphore, #tpu.memory_space<semaphore_mem>>) src(%dma_wait3A_108 : memref<64xi32, #tpu.memory_space<hbm>>) dst(%arg13 : memref<64xi32, #tpu.memory_space<vmem>>)
    %dma_start3A_109 = arith.constant 0 : i32
    %dma_start3A_110 = arith.constant 0 : i32
    %dma_start3A_111 = tpu.memref_slice %arg2[%dma_start3A_109, %dma_start3A_110] : memref<50000x512xf32, #tpu.memory_space<hbm>> -> memref<50000x512xf32, #tpu.memory_space<hbm>>
    tpu.enqueue_indirect_dma source(%dma_start3A_111 : memref<50000x512xf32, #tpu.memory_space<hbm>>) target(%arg14 : memref<64x512xf32, #tpu.memory_space<vmem>>) offsets(%arg8 : memref<64xi32, #tpu.memory_space<vmem>>) semaphore(%arg18 : memref<!tpu.dma_semaphore, #tpu.memory_space<semaphore_mem>>)
    %dma_start3A_112 = arith.constant 0 : i32
    %dma_start3A_113 = arith.constant 0 : i32
    %dma_start3A_114 = tpu.memref_slice %arg2[%dma_start3A_112, %dma_start3A_113] : memref<50000x512xf32, #tpu.memory_space<hbm>> -> memref<50000x512xf32, #tpu.memory_space<hbm>>
    tpu.enqueue_indirect_dma source(%dma_start3A_114 : memref<50000x512xf32, #tpu.memory_space<hbm>>) target(%arg15 : memref<64x512xf32, #tpu.memory_space<vmem>>) offsets(%arg9 : memref<64xi32, #tpu.memory_space<vmem>>) semaphore(%arg19 : memref<!tpu.dma_semaphore, #tpu.memory_space<semaphore_mem>>)
    %dma_start3A_115 = arith.constant 0 : i32
    %dma_start3A_116 = arith.constant 0 : i32
    %dma_start3A_117 = tpu.memref_slice %arg3[%dma_start3A_115, %dma_start3A_116] : memref<50000x512xf32, #tpu.memory_space<hbm>> -> memref<50000x512xf32, #tpu.memory_space<hbm>>
    tpu.enqueue_indirect_dma source(%dma_start3A_117 : memref<50000x512xf32, #tpu.memory_space<hbm>>) target(%arg16 : memref<64x512xf32, #tpu.memory_space<vmem>>) offsets(%arg10 : memref<64xi32, #tpu.memory_space<vmem>>) semaphore(%arg20 : memref<!tpu.dma_semaphore, #tpu.memory_space<semaphore_mem>>)
    %dma_wait3A_118 = arith.constant 0 : i32
    %dma_wait3A_119 = arith.constant 0 : i32
    %dma_wait3A_120 = tpu.memref_slice %arg2[%dma_wait3A_118, %dma_wait3A_119] : memref<50000x512xf32, #tpu.memory_space<hbm>> -> memref<50000x512xf32, #tpu.memory_space<hbm>>
    tpu.wait_indirect_dma semaphore(%arg18 : memref<!tpu.dma_semaphore, #tpu.memory_space<semaphore_mem>>) src(%dma_wait3A_120 : memref<50000x512xf32, #tpu.memory_space<hbm>>) dst(%arg14 : memref<64x512xf32, #tpu.memory_space<vmem>>)
    %add3A_121 = arith.constant 0 : i32
    %add3A_122 = arith.addi %mul3A_2, %add3A_121 : i32
    %dma_start3A_123 = arith.constant 0 : i32
    %dma_start3A_124 = tpu.memref_slice %arg5[%add3A_122, %dma_start3A_123] : memref<4096x512xf32, #tpu.memory_space<hbm>> -> memref<64x512xf32, #tpu.memory_space<hbm>>
    %dma_start3A_125 = arith.constant 0 : i32
    %dma_start3A_126 = tpu.memref_slice %arg5[%add3A_122, %dma_start3A_125] : memref<4096x512xf32, #tpu.memory_space<hbm>> -> memref<64x512xf32, #tpu.memory_space<hbm>>
    tpu.enqueue_dma source(%arg14 : memref<64x512xf32, #tpu.memory_space<vmem>>) target(%dma_start3A_126 : memref<64x512xf32, #tpu.memory_space<hbm>>) target_semaphore(%arg21 : memref<!tpu.dma_semaphore, #tpu.memory_space<semaphore_mem>>)
    %dma_wait3A_127 = arith.constant 0 : i32
    %dma_wait3A_128 = tpu.memref_slice %arg5[%add3A_122, %dma_wait3A_127] : memref<4096x512xf32, #tpu.memory_space<hbm>> -> memref<64x512xf32, #tpu.memory_space<hbm>>
    %dma_wait3A_129 = arith.constant 0 : i32
    %dma_wait3A_130 = tpu.memref_slice %arg5[%add3A_122, %dma_wait3A_129] : memref<4096x512xf32, #tpu.memory_space<hbm>> -> memref<64x512xf32, #tpu.memory_space<hbm>>
    tpu.wait_dma2 semaphore(%arg21 : memref<!tpu.dma_semaphore, #tpu.memory_space<semaphore_mem>>) src(%arg14 : memref<64x512xf32, #tpu.memory_space<vmem>>) dst(%dma_wait3A_130 : memref<64x512xf32, #tpu.memory_space<hbm>>)
    %dma_start3A_131 = arith.constant 0 : i32
    %dma_start3A_132 = arith.constant 0 : i32
    %dma_start3A_133 = tpu.memref_slice %arg3[%dma_start3A_131, %dma_start3A_132] : memref<50000x512xf32, #tpu.memory_space<hbm>> -> memref<50000x512xf32, #tpu.memory_space<hbm>>
    tpu.enqueue_indirect_dma source(%dma_start3A_133 : memref<50000x512xf32, #tpu.memory_space<hbm>>) target(%arg14 : memref<64x512xf32, #tpu.memory_space<vmem>>) offsets(%arg11 : memref<64xi32, #tpu.memory_space<vmem>>) semaphore(%arg18 : memref<!tpu.dma_semaphore, #tpu.memory_space<semaphore_mem>>)
    %dma_wait3A_134 = arith.constant 0 : i32
    %dma_wait3A_135 = arith.constant 0 : i32
    %dma_wait3A_136 = tpu.memref_slice %arg2[%dma_wait3A_134, %dma_wait3A_135] : memref<50000x512xf32, #tpu.memory_space<hbm>> -> memref<50000x512xf32, #tpu.memory_space<hbm>>
    tpu.wait_indirect_dma semaphore(%arg19 : memref<!tpu.dma_semaphore, #tpu.memory_space<semaphore_mem>>) src(%dma_wait3A_136 : memref<50000x512xf32, #tpu.memory_space<hbm>>) dst(%arg15 : memref<64x512xf32, #tpu.memory_space<vmem>>)
    %add3A_137 = arith.constant 64 : i32
    %add3A_138 = arith.addi %mul3A_2, %add3A_137 : i32
    %dma_start3A_139 = arith.constant 0 : i32
    %dma_start3A_140 = tpu.memref_slice %arg5[%add3A_138, %dma_start3A_139] : memref<4096x512xf32, #tpu.memory_space<hbm>> -> memref<64x512xf32, #tpu.memory_space<hbm>>
    %dma_start3A_141 = arith.constant 0 : i32
    %dma_start3A_142 = tpu.memref_slice %arg5[%add3A_138, %dma_start3A_141] : memref<4096x512xf32, #tpu.memory_space<hbm>> -> memref<64x512xf32, #tpu.memory_space<hbm>>
    tpu.enqueue_dma source(%arg15 : memref<64x512xf32, #tpu.memory_space<vmem>>) target(%dma_start3A_142 : memref<64x512xf32, #tpu.memory_space<hbm>>) target_semaphore(%arg22 : memref<!tpu.dma_semaphore, #tpu.memory_space<semaphore_mem>>)
    %dma_wait3A_143 = arith.constant 0 : i32
    %dma_wait3A_144 = tpu.memref_slice %arg5[%add3A_138, %dma_wait3A_143] : memref<4096x512xf32, #tpu.memory_space<hbm>> -> memref<64x512xf32, #tpu.memory_space<hbm>>
    %dma_wait3A_145 = arith.constant 0 : i32
    %dma_wait3A_146 = tpu.memref_slice %arg5[%add3A_138, %dma_wait3A_145] : memref<4096x512xf32, #tpu.memory_space<hbm>> -> memref<64x512xf32, #tpu.memory_space<hbm>>
    tpu.wait_dma2 semaphore(%arg22 : memref<!tpu.dma_semaphore, #tpu.memory_space<semaphore_mem>>) src(%arg15 : memref<64x512xf32, #tpu.memory_space<vmem>>) dst(%dma_wait3A_146 : memref<64x512xf32, #tpu.memory_space<hbm>>)
    %dma_start3A_147 = arith.constant 0 : i32
    %dma_start3A_148 = arith.constant 0 : i32
    %dma_start3A_149 = tpu.memref_slice %arg2[%dma_start3A_147, %dma_start3A_148] : memref<50000x512xf32, #tpu.memory_space<hbm>> -> memref<50000x512xf32, #tpu.memory_space<hbm>>
    tpu.enqueue_indirect_dma source(%dma_start3A_149 : memref<50000x512xf32, #tpu.memory_space<hbm>>) target(%arg15 : memref<64x512xf32, #tpu.memory_space<vmem>>) offsets(%arg12 : memref<64xi32, #tpu.memory_space<vmem>>) semaphore(%arg19 : memref<!tpu.dma_semaphore, #tpu.memory_space<semaphore_mem>>)
    %dma_wait3A_150 = arith.constant 0 : i32
    %dma_wait3A_151 = arith.constant 0 : i32
    %dma_wait3A_152 = tpu.memref_slice %arg3[%dma_wait3A_150, %dma_wait3A_151] : memref<50000x512xf32, #tpu.memory_space<hbm>> -> memref<50000x512xf32, #tpu.memory_space<hbm>>
    tpu.wait_indirect_dma semaphore(%arg20 : memref<!tpu.dma_semaphore, #tpu.memory_space<semaphore_mem>>) src(%dma_wait3A_152 : memref<50000x512xf32, #tpu.memory_space<hbm>>) dst(%arg16 : memref<64x512xf32, #tpu.memory_space<vmem>>)
    %add3A_153 = arith.constant 0 : i32
    %add3A_154 = arith.addi %mul3A_2, %add3A_153 : i32
    %dma_start3A_155 = arith.constant 0 : i32
    %dma_start3A_156 = tpu.memref_slice %arg6[%add3A_154, %dma_start3A_155] : memref<4096x512xf32, #tpu.memory_space<hbm>> -> memref<64x512xf32, #tpu.memory_space<hbm>>
    %dma_start3A_157 = arith.constant 0 : i32
    %dma_start3A_158 = tpu.memref_slice %arg6[%add3A_154, %dma_start3A_157] : memref<4096x512xf32, #tpu.memory_space<hbm>> -> memref<64x512xf32, #tpu.memory_space<hbm>>
    tpu.enqueue_dma source(%arg16 : memref<64x512xf32, #tpu.memory_space<vmem>>) target(%dma_start3A_158 : memref<64x512xf32, #tpu.memory_space<hbm>>) target_semaphore(%arg23 : memref<!tpu.dma_semaphore, #tpu.memory_space<semaphore_mem>>)
    %dma_wait3A_159 = arith.constant 0 : i32
    %dma_wait3A_160 = tpu.memref_slice %arg6[%add3A_154, %dma_wait3A_159] : memref<4096x512xf32, #tpu.memory_space<hbm>> -> memref<64x512xf32, #tpu.memory_space<hbm>>
    %dma_wait3A_161 = arith.constant 0 : i32
    %dma_wait3A_162 = tpu.memref_slice %arg6[%add3A_154, %dma_wait3A_161] : memref<4096x512xf32, #tpu.memory_space<hbm>> -> memref<64x512xf32, #tpu.memory_space<hbm>>
    tpu.wait_dma2 semaphore(%arg23 : memref<!tpu.dma_semaphore, #tpu.memory_space<semaphore_mem>>) src(%arg16 : memref<64x512xf32, #tpu.memory_space<vmem>>) dst(%dma_wait3A_162 : memref<64x512xf32, #tpu.memory_space<hbm>>)
    %dma_start3A_163 = arith.constant 0 : i32
    %dma_start3A_164 = arith.constant 0 : i32
    %dma_start3A_165 = tpu.memref_slice %arg2[%dma_start3A_163, %dma_start3A_164] : memref<50000x512xf32, #tpu.memory_space<hbm>> -> memref<50000x512xf32, #tpu.memory_space<hbm>>
    tpu.enqueue_indirect_dma source(%dma_start3A_165 : memref<50000x512xf32, #tpu.memory_space<hbm>>) target(%arg16 : memref<64x512xf32, #tpu.memory_space<vmem>>) offsets(%arg13 : memref<64xi32, #tpu.memory_space<vmem>>) semaphore(%arg20 : memref<!tpu.dma_semaphore, #tpu.memory_space<semaphore_mem>>)
    %dma_wait3A_166 = arith.constant 0 : i32
    %dma_wait3A_167 = arith.constant 0 : i32
    %dma_wait3A_168 = tpu.memref_slice %arg3[%dma_wait3A_166, %dma_wait3A_167] : memref<50000x512xf32, #tpu.memory_space<hbm>> -> memref<50000x512xf32, #tpu.memory_space<hbm>>
    tpu.wait_indirect_dma semaphore(%arg18 : memref<!tpu.dma_semaphore, #tpu.memory_space<semaphore_mem>>) src(%dma_wait3A_168 : memref<50000x512xf32, #tpu.memory_space<hbm>>) dst(%arg14 : memref<64x512xf32, #tpu.memory_space<vmem>>)
    %add3A_169 = arith.constant 64 : i32
    %add3A_170 = arith.addi %mul3A_2, %add3A_169 : i32
    %dma_start3A_171 = arith.constant 0 : i32
    %dma_start3A_172 = tpu.memref_slice %arg6[%add3A_170, %dma_start3A_171] : memref<4096x512xf32, #tpu.memory_space<hbm>> -> memref<64x512xf32, #tpu.memory_space<hbm>>
    %dma_start3A_173 = arith.constant 0 : i32
    %dma_start3A_174 = tpu.memref_slice %arg6[%add3A_170, %dma_start3A_173] : memref<4096x512xf32, #tpu.memory_space<hbm>> -> memref<64x512xf32, #tpu.memory_space<hbm>>
    tpu.enqueue_dma source(%arg14 : memref<64x512xf32, #tpu.memory_space<vmem>>) target(%dma_start3A_174 : memref<64x512xf32, #tpu.memory_space<hbm>>) target_semaphore(%arg21 : memref<!tpu.dma_semaphore, #tpu.memory_space<semaphore_mem>>)
    %dma_wait3A_175 = arith.constant 0 : i32
    %dma_wait3A_176 = arith.constant 0 : i32
    %dma_wait3A_177 = tpu.memref_slice %arg2[%dma_wait3A_175, %dma_wait3A_176] : memref<50000x512xf32, #tpu.memory_space<hbm>> -> memref<50000x512xf32, #tpu.memory_space<hbm>>
    tpu.wait_indirect_dma semaphore(%arg19 : memref<!tpu.dma_semaphore, #tpu.memory_space<semaphore_mem>>) src(%dma_wait3A_177 : memref<50000x512xf32, #tpu.memory_space<hbm>>) dst(%arg15 : memref<64x512xf32, #tpu.memory_space<vmem>>)
    %add3A_178 = arith.constant 0 : i32
    %add3A_179 = arith.addi %mul3A_2, %add3A_178 : i32
    %dma_start3A_180 = arith.constant 0 : i32
    %dma_start3A_181 = tpu.memref_slice %arg7[%add3A_179, %dma_start3A_180] : memref<4096x512xf32, #tpu.memory_space<hbm>> -> memref<64x512xf32, #tpu.memory_space<hbm>>
    %dma_start3A_182 = arith.constant 0 : i32
    %dma_start3A_183 = tpu.memref_slice %arg7[%add3A_179, %dma_start3A_182] : memref<4096x512xf32, #tpu.memory_space<hbm>> -> memref<64x512xf32, #tpu.memory_space<hbm>>
    tpu.enqueue_dma source(%arg15 : memref<64x512xf32, #tpu.memory_space<vmem>>) target(%dma_start3A_183 : memref<64x512xf32, #tpu.memory_space<hbm>>) target_semaphore(%arg22 : memref<!tpu.dma_semaphore, #tpu.memory_space<semaphore_mem>>)
    %dma_wait3A_184 = arith.constant 0 : i32
    %dma_wait3A_185 = arith.constant 0 : i32
    %dma_wait3A_186 = tpu.memref_slice %arg2[%dma_wait3A_184, %dma_wait3A_185] : memref<50000x512xf32, #tpu.memory_space<hbm>> -> memref<50000x512xf32, #tpu.memory_space<hbm>>
    tpu.wait_indirect_dma semaphore(%arg20 : memref<!tpu.dma_semaphore, #tpu.memory_space<semaphore_mem>>) src(%dma_wait3A_186 : memref<50000x512xf32, #tpu.memory_space<hbm>>) dst(%arg16 : memref<64x512xf32, #tpu.memory_space<vmem>>)
    %add3A_187 = arith.constant 64 : i32
    %add3A_188 = arith.addi %mul3A_2, %add3A_187 : i32
    %dma_start3A_189 = arith.constant 0 : i32
    %dma_start3A_190 = tpu.memref_slice %arg7[%add3A_188, %dma_start3A_189] : memref<4096x512xf32, #tpu.memory_space<hbm>> -> memref<64x512xf32, #tpu.memory_space<hbm>>
    %dma_start3A_191 = arith.constant 0 : i32
    %dma_start3A_192 = tpu.memref_slice %arg7[%add3A_188, %dma_start3A_191] : memref<4096x512xf32, #tpu.memory_space<hbm>> -> memref<64x512xf32, #tpu.memory_space<hbm>>
    tpu.enqueue_dma source(%arg16 : memref<64x512xf32, #tpu.memory_space<vmem>>) target(%dma_start3A_192 : memref<64x512xf32, #tpu.memory_space<hbm>>) target_semaphore(%arg23 : memref<!tpu.dma_semaphore, #tpu.memory_space<semaphore_mem>>)
    %dma_wait3A_193 = arith.constant 0 : i32
    %dma_wait3A_194 = tpu.memref_slice %arg6[%add3A_170, %dma_wait3A_193] : memref<4096x512xf32, #tpu.memory_space<hbm>> -> memref<64x512xf32, #tpu.memory_space<hbm>>
    %dma_wait3A_195 = arith.constant 0 : i32
    %dma_wait3A_196 = tpu.memref_slice %arg6[%add3A_170, %dma_wait3A_195] : memref<4096x512xf32, #tpu.memory_space<hbm>> -> memref<64x512xf32, #tpu.memory_space<hbm>>
    tpu.wait_dma2 semaphore(%arg21 : memref<!tpu.dma_semaphore, #tpu.memory_space<semaphore_mem>>) src(%arg14 : memref<64x512xf32, #tpu.memory_space<vmem>>) dst(%dma_wait3A_196 : memref<64x512xf32, #tpu.memory_space<hbm>>)
    %dma_wait3A_197 = arith.constant 0 : i32
    %dma_wait3A_198 = tpu.memref_slice %arg7[%add3A_179, %dma_wait3A_197] : memref<4096x512xf32, #tpu.memory_space<hbm>> -> memref<64x512xf32, #tpu.memory_space<hbm>>
    %dma_wait3A_199 = arith.constant 0 : i32
    %dma_wait3A_200 = tpu.memref_slice %arg7[%add3A_179, %dma_wait3A_199] : memref<4096x512xf32, #tpu.memory_space<hbm>> -> memref<64x512xf32, #tpu.memory_space<hbm>>
    tpu.wait_dma2 semaphore(%arg22 : memref<!tpu.dma_semaphore, #tpu.memory_space<semaphore_mem>>) src(%arg15 : memref<64x512xf32, #tpu.memory_space<vmem>>) dst(%dma_wait3A_200 : memref<64x512xf32, #tpu.memory_space<hbm>>)
    %dma_wait3A_201 = arith.constant 0 : i32
    %dma_wait3A_202 = tpu.memref_slice %arg7[%add3A_188, %dma_wait3A_201] : memref<4096x512xf32, #tpu.memory_space<hbm>> -> memref<64x512xf32, #tpu.memory_space<hbm>>
    %dma_wait3A_203 = arith.constant 0 : i32
    %dma_wait3A_204 = tpu.memref_slice %arg7[%add3A_188, %dma_wait3A_203] : memref<4096x512xf32, #tpu.memory_space<hbm>> -> memref<64x512xf32, #tpu.memory_space<hbm>>
    tpu.wait_dma2 semaphore(%arg23 : memref<!tpu.dma_semaphore, #tpu.memory_space<semaphore_mem>>) src(%arg16 : memref<64x512xf32, #tpu.memory_space<vmem>>) dst(%dma_wait3A_204 : memref<64x512xf32, #tpu.memory_space<hbm>>)
    return
  }
}

#map = affine_map<(d0, d1) -> (0, 0)>
module attributes {stable_mosaic.version = 14 : i64} {
  func.func @body(%arg0: i32, %arg1: i32, %arg2: memref<50000x512xf32, #tpu.memory_space<hbm>>, %arg3: memref<50000x512xf32, #tpu.memory_space<hbm>>, %arg4: memref<96x64xi32, #tpu.memory_space<hbm>>, %arg5: memref<2048x512xf32, #tpu.memory_space<hbm>>, %arg6: memref<2048x512xf32, #tpu.memory_space<hbm>>, %arg7: memref<2048x512xf32, #tpu.memory_space<hbm>>, %arg8: memref<64xi32, #tpu.memory_space<vmem>>, %arg9: memref<64xi32, #tpu.memory_space<vmem>>, %arg10: memref<64xi32, #tpu.memory_space<vmem>>, %arg11: memref<64x512xf32, #tpu.memory_space<vmem>>, %arg12: memref<64x512xf32, #tpu.memory_space<vmem>>, %arg13: memref<64x512xf32, #tpu.memory_space<vmem>>, %arg14: memref<!tpu.dma_semaphore, #tpu.memory_space<semaphore_mem>>, %arg15: memref<!tpu.dma_semaphore, #tpu.memory_space<semaphore_mem>>, %arg16: memref<!tpu.dma_semaphore, #tpu.memory_space<semaphore_mem>>, %arg17: memref<!tpu.dma_semaphore, #tpu.memory_space<semaphore_mem>>, %arg18: memref<!tpu.dma_semaphore, #tpu.memory_space<semaphore_mem>>, %arg19: memref<!tpu.dma_semaphore, #tpu.memory_space<semaphore_mem>>, %arg20: memref<!tpu.dma_semaphore, #tpu.memory_space<semaphore_mem>>) attributes {dimension_semantics = [#tpu.dimension_semantics<core_parallel>, #tpu.dimension_semantics<subcore_parallel>], iteration_bounds = array<i64: 2, 16>, scalar_prefetch = 0 : i64, scratch_operands = 13 : i64, tpu.core_type = #tpu.core_type<sc_vector_subcore>, window_params = [{transform_indices = #map}, {transform_indices = #map}, {transform_indices = #map}, {transform_indices = #map}, {transform_indices = #map}, {transform_indices = #map}]} {
    %mul3A = arith.constant 2 : i32
    %mul3A_0 = arith.muli %arg1, %mul3A : i32
    %add3A = arith.addi %mul3A_0, %arg0 : i32
    %mul3A_1 = arith.constant 64 : i32
    %mul3A_2 = arith.muli %add3A, %mul3A_1 : i32
    %mul3A_3 = arith.constant 3 : i32
    %mul3A_4 = arith.muli %add3A, %mul3A_3 : i32
    %mul3A_5 = arith.constant 1 : i32
    %mul3A_6 = arith.muli %mul3A_4, %mul3A_5 : i32
    %add3A_7 = arith.constant 0 : i32
    %add3A_8 = arith.addi %mul3A_6, %add3A_7 : i32
    %dma_start3A = arith.constant 0 : i32
    %dma_start3A_9 = tpu.memref_slice %arg4[%add3A_8, %dma_start3A] : memref<96x64xi32, #tpu.memory_space<hbm>> -> memref<1x64xi32, #tpu.memory_space<hbm>>
    %dma_start3A_10 = tpu.memref_squeeze %dma_start3A_9 : memref<1x64xi32, #tpu.memory_space<hbm>> -> memref<64xi32, #tpu.memory_space<hbm>>
    %dma_start3A_11 = arith.constant 0 : i32
    %dma_start3A_12 = tpu.memref_slice %arg4[%add3A_8, %dma_start3A_11] : memref<96x64xi32, #tpu.memory_space<hbm>> -> memref<1x64xi32, #tpu.memory_space<hbm>>
    %dma_start3A_13 = tpu.memref_squeeze %dma_start3A_12 : memref<1x64xi32, #tpu.memory_space<hbm>> -> memref<64xi32, #tpu.memory_space<hbm>>
    tpu.enqueue_dma source(%dma_start3A_13 : memref<64xi32, #tpu.memory_space<hbm>>) target(%arg8 : memref<64xi32, #tpu.memory_space<vmem>>) target_semaphore(%arg14 : memref<!tpu.dma_semaphore, #tpu.memory_space<semaphore_mem>>)
    %mul3A_14 = arith.constant 3 : i32
    %mul3A_15 = arith.muli %add3A, %mul3A_14 : i32
    %mul3A_16 = arith.constant 1 : i32
    %mul3A_17 = arith.muli %mul3A_15, %mul3A_16 : i32
    %add3A_18 = arith.constant 1 : i32
    %add3A_19 = arith.addi %mul3A_17, %add3A_18 : i32
    %dma_start3A_20 = arith.constant 0 : i32
    %dma_start3A_21 = tpu.memref_slice %arg4[%add3A_19, %dma_start3A_20] : memref<96x64xi32, #tpu.memory_space<hbm>> -> memref<1x64xi32, #tpu.memory_space<hbm>>
    %dma_start3A_22 = tpu.memref_squeeze %dma_start3A_21 : memref<1x64xi32, #tpu.memory_space<hbm>> -> memref<64xi32, #tpu.memory_space<hbm>>
    %dma_start3A_23 = arith.constant 0 : i32
    %dma_start3A_24 = tpu.memref_slice %arg4[%add3A_19, %dma_start3A_23] : memref<96x64xi32, #tpu.memory_space<hbm>> -> memref<1x64xi32, #tpu.memory_space<hbm>>
    %dma_start3A_25 = tpu.memref_squeeze %dma_start3A_24 : memref<1x64xi32, #tpu.memory_space<hbm>> -> memref<64xi32, #tpu.memory_space<hbm>>
    tpu.enqueue_dma source(%dma_start3A_25 : memref<64xi32, #tpu.memory_space<hbm>>) target(%arg9 : memref<64xi32, #tpu.memory_space<vmem>>) target_semaphore(%arg14 : memref<!tpu.dma_semaphore, #tpu.memory_space<semaphore_mem>>)
    %mul3A_26 = arith.constant 3 : i32
    %mul3A_27 = arith.muli %add3A, %mul3A_26 : i32
    %mul3A_28 = arith.constant 1 : i32
    %mul3A_29 = arith.muli %mul3A_27, %mul3A_28 : i32
    %add3A_30 = arith.constant 2 : i32
    %add3A_31 = arith.addi %mul3A_29, %add3A_30 : i32
    %dma_start3A_32 = arith.constant 0 : i32
    %dma_start3A_33 = tpu.memref_slice %arg4[%add3A_31, %dma_start3A_32] : memref<96x64xi32, #tpu.memory_space<hbm>> -> memref<1x64xi32, #tpu.memory_space<hbm>>
    %dma_start3A_34 = tpu.memref_squeeze %dma_start3A_33 : memref<1x64xi32, #tpu.memory_space<hbm>> -> memref<64xi32, #tpu.memory_space<hbm>>
    %dma_start3A_35 = arith.constant 0 : i32
    %dma_start3A_36 = tpu.memref_slice %arg4[%add3A_31, %dma_start3A_35] : memref<96x64xi32, #tpu.memory_space<hbm>> -> memref<1x64xi32, #tpu.memory_space<hbm>>
    %dma_start3A_37 = tpu.memref_squeeze %dma_start3A_36 : memref<1x64xi32, #tpu.memory_space<hbm>> -> memref<64xi32, #tpu.memory_space<hbm>>
    tpu.enqueue_dma source(%dma_start3A_37 : memref<64xi32, #tpu.memory_space<hbm>>) target(%arg10 : memref<64xi32, #tpu.memory_space<vmem>>) target_semaphore(%arg14 : memref<!tpu.dma_semaphore, #tpu.memory_space<semaphore_mem>>)
    %dma_wait3A = arith.constant 0 : i32
    %dma_wait3A_38 = tpu.memref_slice %arg4[%add3A_8, %dma_wait3A] : memref<96x64xi32, #tpu.memory_space<hbm>> -> memref<1x64xi32, #tpu.memory_space<hbm>>
    %dma_wait3A_39 = tpu.memref_squeeze %dma_wait3A_38 : memref<1x64xi32, #tpu.memory_space<hbm>> -> memref<64xi32, #tpu.memory_space<hbm>>
    %dma_wait3A_40 = arith.constant 0 : i32
    %dma_wait3A_41 = tpu.memref_slice %arg4[%add3A_8, %dma_wait3A_40] : memref<96x64xi32, #tpu.memory_space<hbm>> -> memref<1x64xi32, #tpu.memory_space<hbm>>
    %dma_wait3A_42 = tpu.memref_squeeze %dma_wait3A_41 : memref<1x64xi32, #tpu.memory_space<hbm>> -> memref<64xi32, #tpu.memory_space<hbm>>
    tpu.wait_dma2 semaphore(%arg14 : memref<!tpu.dma_semaphore, #tpu.memory_space<semaphore_mem>>) src(%dma_wait3A_42 : memref<64xi32, #tpu.memory_space<hbm>>) dst(%arg8 : memref<64xi32, #tpu.memory_space<vmem>>)
    %dma_wait3A_43 = arith.constant 0 : i32
    %dma_wait3A_44 = tpu.memref_slice %arg4[%add3A_19, %dma_wait3A_43] : memref<96x64xi32, #tpu.memory_space<hbm>> -> memref<1x64xi32, #tpu.memory_space<hbm>>
    %dma_wait3A_45 = tpu.memref_squeeze %dma_wait3A_44 : memref<1x64xi32, #tpu.memory_space<hbm>> -> memref<64xi32, #tpu.memory_space<hbm>>
    %dma_wait3A_46 = arith.constant 0 : i32
    %dma_wait3A_47 = tpu.memref_slice %arg4[%add3A_19, %dma_wait3A_46] : memref<96x64xi32, #tpu.memory_space<hbm>> -> memref<1x64xi32, #tpu.memory_space<hbm>>
    %dma_wait3A_48 = tpu.memref_squeeze %dma_wait3A_47 : memref<1x64xi32, #tpu.memory_space<hbm>> -> memref<64xi32, #tpu.memory_space<hbm>>
    tpu.wait_dma2 semaphore(%arg14 : memref<!tpu.dma_semaphore, #tpu.memory_space<semaphore_mem>>) src(%dma_wait3A_48 : memref<64xi32, #tpu.memory_space<hbm>>) dst(%arg9 : memref<64xi32, #tpu.memory_space<vmem>>)
    %dma_wait3A_49 = arith.constant 0 : i32
    %dma_wait3A_50 = tpu.memref_slice %arg4[%add3A_31, %dma_wait3A_49] : memref<96x64xi32, #tpu.memory_space<hbm>> -> memref<1x64xi32, #tpu.memory_space<hbm>>
    %dma_wait3A_51 = tpu.memref_squeeze %dma_wait3A_50 : memref<1x64xi32, #tpu.memory_space<hbm>> -> memref<64xi32, #tpu.memory_space<hbm>>
    %dma_wait3A_52 = arith.constant 0 : i32
    %dma_wait3A_53 = tpu.memref_slice %arg4[%add3A_31, %dma_wait3A_52] : memref<96x64xi32, #tpu.memory_space<hbm>> -> memref<1x64xi32, #tpu.memory_space<hbm>>
    %dma_wait3A_54 = tpu.memref_squeeze %dma_wait3A_53 : memref<1x64xi32, #tpu.memory_space<hbm>> -> memref<64xi32, #tpu.memory_space<hbm>>
    tpu.wait_dma2 semaphore(%arg14 : memref<!tpu.dma_semaphore, #tpu.memory_space<semaphore_mem>>) src(%dma_wait3A_54 : memref<64xi32, #tpu.memory_space<hbm>>) dst(%arg10 : memref<64xi32, #tpu.memory_space<vmem>>)
    %dma_start3A_55 = arith.constant 0 : i32
    %dma_start3A_56 = arith.constant 0 : i32
    %dma_start3A_57 = tpu.memref_slice %arg2[%dma_start3A_55, %dma_start3A_56] : memref<50000x512xf32, #tpu.memory_space<hbm>> -> memref<50000x512xf32, #tpu.memory_space<hbm>>
    tpu.enqueue_indirect_dma source(%dma_start3A_57 : memref<50000x512xf32, #tpu.memory_space<hbm>>) target(%arg11 : memref<64x512xf32, #tpu.memory_space<vmem>>) offsets(%arg8 : memref<64xi32, #tpu.memory_space<vmem>>) semaphore(%arg15 : memref<!tpu.dma_semaphore, #tpu.memory_space<semaphore_mem>>)
    %dma_start3A_58 = arith.constant 0 : i32
    %dma_start3A_59 = arith.constant 0 : i32
    %dma_start3A_60 = tpu.memref_slice %arg3[%dma_start3A_58, %dma_start3A_59] : memref<50000x512xf32, #tpu.memory_space<hbm>> -> memref<50000x512xf32, #tpu.memory_space<hbm>>
    tpu.enqueue_indirect_dma source(%dma_start3A_60 : memref<50000x512xf32, #tpu.memory_space<hbm>>) target(%arg12 : memref<64x512xf32, #tpu.memory_space<vmem>>) offsets(%arg9 : memref<64xi32, #tpu.memory_space<vmem>>) semaphore(%arg16 : memref<!tpu.dma_semaphore, #tpu.memory_space<semaphore_mem>>)
    %dma_start3A_61 = arith.constant 0 : i32
    %dma_start3A_62 = arith.constant 0 : i32
    %dma_start3A_63 = tpu.memref_slice %arg2[%dma_start3A_61, %dma_start3A_62] : memref<50000x512xf32, #tpu.memory_space<hbm>> -> memref<50000x512xf32, #tpu.memory_space<hbm>>
    tpu.enqueue_indirect_dma source(%dma_start3A_63 : memref<50000x512xf32, #tpu.memory_space<hbm>>) target(%arg13 : memref<64x512xf32, #tpu.memory_space<vmem>>) offsets(%arg10 : memref<64xi32, #tpu.memory_space<vmem>>) semaphore(%arg17 : memref<!tpu.dma_semaphore, #tpu.memory_space<semaphore_mem>>)
    %dma_wait3A_64 = arith.constant 0 : i32
    %dma_wait3A_65 = arith.constant 0 : i32
    %dma_wait3A_66 = tpu.memref_slice %arg2[%dma_wait3A_64, %dma_wait3A_65] : memref<50000x512xf32, #tpu.memory_space<hbm>> -> memref<50000x512xf32, #tpu.memory_space<hbm>>
    tpu.wait_indirect_dma semaphore(%arg15 : memref<!tpu.dma_semaphore, #tpu.memory_space<semaphore_mem>>) src(%dma_wait3A_66 : memref<50000x512xf32, #tpu.memory_space<hbm>>) dst(%arg11 : memref<64x512xf32, #tpu.memory_space<vmem>>)
    %add3A_67 = arith.constant 0 : i32
    %add3A_68 = arith.addi %mul3A_2, %add3A_67 : i32
    %dma_start3A_69 = arith.constant 0 : i32
    %dma_start3A_70 = tpu.memref_slice %arg5[%add3A_68, %dma_start3A_69] : memref<2048x512xf32, #tpu.memory_space<hbm>> -> memref<64x512xf32, #tpu.memory_space<hbm>>
    %dma_start3A_71 = arith.constant 0 : i32
    %dma_start3A_72 = tpu.memref_slice %arg5[%add3A_68, %dma_start3A_71] : memref<2048x512xf32, #tpu.memory_space<hbm>> -> memref<64x512xf32, #tpu.memory_space<hbm>>
    tpu.enqueue_dma source(%arg11 : memref<64x512xf32, #tpu.memory_space<vmem>>) target(%dma_start3A_72 : memref<64x512xf32, #tpu.memory_space<hbm>>) target_semaphore(%arg18 : memref<!tpu.dma_semaphore, #tpu.memory_space<semaphore_mem>>)
    %dma_wait3A_73 = arith.constant 0 : i32
    %dma_wait3A_74 = arith.constant 0 : i32
    %dma_wait3A_75 = tpu.memref_slice %arg3[%dma_wait3A_73, %dma_wait3A_74] : memref<50000x512xf32, #tpu.memory_space<hbm>> -> memref<50000x512xf32, #tpu.memory_space<hbm>>
    tpu.wait_indirect_dma semaphore(%arg16 : memref<!tpu.dma_semaphore, #tpu.memory_space<semaphore_mem>>) src(%dma_wait3A_75 : memref<50000x512xf32, #tpu.memory_space<hbm>>) dst(%arg12 : memref<64x512xf32, #tpu.memory_space<vmem>>)
    %add3A_76 = arith.constant 0 : i32
    %add3A_77 = arith.addi %mul3A_2, %add3A_76 : i32
    %dma_start3A_78 = arith.constant 0 : i32
    %dma_start3A_79 = tpu.memref_slice %arg6[%add3A_77, %dma_start3A_78] : memref<2048x512xf32, #tpu.memory_space<hbm>> -> memref<64x512xf32, #tpu.memory_space<hbm>>
    %dma_start3A_80 = arith.constant 0 : i32
    %dma_start3A_81 = tpu.memref_slice %arg6[%add3A_77, %dma_start3A_80] : memref<2048x512xf32, #tpu.memory_space<hbm>> -> memref<64x512xf32, #tpu.memory_space<hbm>>
    tpu.enqueue_dma source(%arg12 : memref<64x512xf32, #tpu.memory_space<vmem>>) target(%dma_start3A_81 : memref<64x512xf32, #tpu.memory_space<hbm>>) target_semaphore(%arg19 : memref<!tpu.dma_semaphore, #tpu.memory_space<semaphore_mem>>)
    %dma_wait3A_82 = arith.constant 0 : i32
    %dma_wait3A_83 = arith.constant 0 : i32
    %dma_wait3A_84 = tpu.memref_slice %arg2[%dma_wait3A_82, %dma_wait3A_83] : memref<50000x512xf32, #tpu.memory_space<hbm>> -> memref<50000x512xf32, #tpu.memory_space<hbm>>
    tpu.wait_indirect_dma semaphore(%arg17 : memref<!tpu.dma_semaphore, #tpu.memory_space<semaphore_mem>>) src(%dma_wait3A_84 : memref<50000x512xf32, #tpu.memory_space<hbm>>) dst(%arg13 : memref<64x512xf32, #tpu.memory_space<vmem>>)
    %add3A_85 = arith.constant 0 : i32
    %add3A_86 = arith.addi %mul3A_2, %add3A_85 : i32
    %dma_start3A_87 = arith.constant 0 : i32
    %dma_start3A_88 = tpu.memref_slice %arg7[%add3A_86, %dma_start3A_87] : memref<2048x512xf32, #tpu.memory_space<hbm>> -> memref<64x512xf32, #tpu.memory_space<hbm>>
    %dma_start3A_89 = arith.constant 0 : i32
    %dma_start3A_90 = tpu.memref_slice %arg7[%add3A_86, %dma_start3A_89] : memref<2048x512xf32, #tpu.memory_space<hbm>> -> memref<64x512xf32, #tpu.memory_space<hbm>>
    tpu.enqueue_dma source(%arg13 : memref<64x512xf32, #tpu.memory_space<vmem>>) target(%dma_start3A_90 : memref<64x512xf32, #tpu.memory_space<hbm>>) target_semaphore(%arg20 : memref<!tpu.dma_semaphore, #tpu.memory_space<semaphore_mem>>)
    %dma_wait3A_91 = arith.constant 0 : i32
    %dma_wait3A_92 = tpu.memref_slice %arg5[%add3A_68, %dma_wait3A_91] : memref<2048x512xf32, #tpu.memory_space<hbm>> -> memref<64x512xf32, #tpu.memory_space<hbm>>
    %dma_wait3A_93 = arith.constant 0 : i32
    %dma_wait3A_94 = tpu.memref_slice %arg5[%add3A_68, %dma_wait3A_93] : memref<2048x512xf32, #tpu.memory_space<hbm>> -> memref<64x512xf32, #tpu.memory_space<hbm>>
    tpu.wait_dma2 semaphore(%arg18 : memref<!tpu.dma_semaphore, #tpu.memory_space<semaphore_mem>>) src(%arg11 : memref<64x512xf32, #tpu.memory_space<vmem>>) dst(%dma_wait3A_94 : memref<64x512xf32, #tpu.memory_space<hbm>>)
    %dma_wait3A_95 = arith.constant 0 : i32
    %dma_wait3A_96 = tpu.memref_slice %arg6[%add3A_77, %dma_wait3A_95] : memref<2048x512xf32, #tpu.memory_space<hbm>> -> memref<64x512xf32, #tpu.memory_space<hbm>>
    %dma_wait3A_97 = arith.constant 0 : i32
    %dma_wait3A_98 = tpu.memref_slice %arg6[%add3A_77, %dma_wait3A_97] : memref<2048x512xf32, #tpu.memory_space<hbm>> -> memref<64x512xf32, #tpu.memory_space<hbm>>
    tpu.wait_dma2 semaphore(%arg19 : memref<!tpu.dma_semaphore, #tpu.memory_space<semaphore_mem>>) src(%arg12 : memref<64x512xf32, #tpu.memory_space<vmem>>) dst(%dma_wait3A_98 : memref<64x512xf32, #tpu.memory_space<hbm>>)
    %dma_wait3A_99 = arith.constant 0 : i32
    %dma_wait3A_100 = tpu.memref_slice %arg7[%add3A_86, %dma_wait3A_99] : memref<2048x512xf32, #tpu.memory_space<hbm>> -> memref<64x512xf32, #tpu.memory_space<hbm>>
    %dma_wait3A_101 = arith.constant 0 : i32
    %dma_wait3A_102 = tpu.memref_slice %arg7[%add3A_86, %dma_wait3A_101] : memref<2048x512xf32, #tpu.memory_space<hbm>> -> memref<64x512xf32, #tpu.memory_space<hbm>>
    tpu.wait_dma2 semaphore(%arg20 : memref<!tpu.dma_semaphore, #tpu.memory_space<semaphore_mem>>) src(%arg13 : memref<64x512xf32, #tpu.memory_space<vmem>>) dst(%dma_wait3A_102 : memref<64x512xf32, #tpu.memory_space<hbm>>)
    return
  }
}

#map = affine_map<(d0, d1) -> (0, 0)>
module attributes {stable_mosaic.version = 14 : i64} {
  func.func @body(%arg0: i32, %arg1: i32, %arg2: memref<50000x512xf32, #tpu.memory_space<hbm>>, %arg3: memref<50000x512xf32, #tpu.memory_space<hbm>>, %arg4: memref<288x64xi32, #tpu.memory_space<hbm>>, %arg5: memref<6144x512xf32, #tpu.memory_space<hbm>>, %arg6: memref<6144x512xf32, #tpu.memory_space<hbm>>, %arg7: memref<6144x512xf32, #tpu.memory_space<hbm>>, %arg8: memref<64xi32, #tpu.memory_space<vmem>>, %arg9: memref<64xi32, #tpu.memory_space<vmem>>, %arg10: memref<64xi32, #tpu.memory_space<vmem>>, %arg11: memref<64xi32, #tpu.memory_space<vmem>>, %arg12: memref<64xi32, #tpu.memory_space<vmem>>, %arg13: memref<64xi32, #tpu.memory_space<vmem>>, %arg14: memref<64xi32, #tpu.memory_space<vmem>>, %arg15: memref<64xi32, #tpu.memory_space<vmem>>, %arg16: memref<64xi32, #tpu.memory_space<vmem>>, %arg17: memref<64x512xf32, #tpu.memory_space<vmem>>, %arg18: memref<64x512xf32, #tpu.memory_space<vmem>>, %arg19: memref<64x512xf32, #tpu.memory_space<vmem>>, %arg20: memref<!tpu.dma_semaphore, #tpu.memory_space<semaphore_mem>>, %arg21: memref<!tpu.dma_semaphore, #tpu.memory_space<semaphore_mem>>, %arg22: memref<!tpu.dma_semaphore, #tpu.memory_space<semaphore_mem>>, %arg23: memref<!tpu.dma_semaphore, #tpu.memory_space<semaphore_mem>>, %arg24: memref<!tpu.dma_semaphore, #tpu.memory_space<semaphore_mem>>, %arg25: memref<!tpu.dma_semaphore, #tpu.memory_space<semaphore_mem>>, %arg26: memref<!tpu.dma_semaphore, #tpu.memory_space<semaphore_mem>>) attributes {dimension_semantics = [#tpu.dimension_semantics<core_parallel>, #tpu.dimension_semantics<subcore_parallel>], iteration_bounds = array<i64: 2, 16>, scalar_prefetch = 0 : i64, scratch_operands = 19 : i64, tpu.core_type = #tpu.core_type<sc_vector_subcore>, window_params = [{transform_indices = #map}, {transform_indices = #map}, {transform_indices = #map}, {transform_indices = #map}, {transform_indices = #map}, {transform_indices = #map}]} {
    %mul3A = arith.constant 2 : i32
    %mul3A_0 = arith.muli %arg1, %mul3A : i32
    %add3A = arith.addi %mul3A_0, %arg0 : i32
    %mul3A_1 = arith.constant 192 : i32
    %mul3A_2 = arith.muli %add3A, %mul3A_1 : i32
    %mul3A_3 = arith.constant 3 : i32
    %mul3A_4 = arith.muli %add3A, %mul3A_3 : i32
    %mul3A_5 = arith.constant 3 : i32
    %mul3A_6 = arith.muli %mul3A_4, %mul3A_5 : i32
    %add3A_7 = arith.constant 0 : i32
    %add3A_8 = arith.addi %mul3A_6, %add3A_7 : i32
    %dma_start3A = arith.constant 0 : i32
    %dma_start3A_9 = tpu.memref_slice %arg4[%add3A_8, %dma_start3A] : memref<288x64xi32, #tpu.memory_space<hbm>> -> memref<1x64xi32, #tpu.memory_space<hbm>>
    %dma_start3A_10 = tpu.memref_squeeze %dma_start3A_9 : memref<1x64xi32, #tpu.memory_space<hbm>> -> memref<64xi32, #tpu.memory_space<hbm>>
    %dma_start3A_11 = arith.constant 0 : i32
    %dma_start3A_12 = tpu.memref_slice %arg4[%add3A_8, %dma_start3A_11] : memref<288x64xi32, #tpu.memory_space<hbm>> -> memref<1x64xi32, #tpu.memory_space<hbm>>
    %dma_start3A_13 = tpu.memref_squeeze %dma_start3A_12 : memref<1x64xi32, #tpu.memory_space<hbm>> -> memref<64xi32, #tpu.memory_space<hbm>>
    tpu.enqueue_dma source(%dma_start3A_13 : memref<64xi32, #tpu.memory_space<hbm>>) target(%arg8 : memref<64xi32, #tpu.memory_space<vmem>>) target_semaphore(%arg20 : memref<!tpu.dma_semaphore, #tpu.memory_space<semaphore_mem>>)
    %mul3A_14 = arith.constant 3 : i32
    %mul3A_15 = arith.muli %add3A, %mul3A_14 : i32
    %mul3A_16 = arith.constant 3 : i32
    %mul3A_17 = arith.muli %mul3A_15, %mul3A_16 : i32
    %add3A_18 = arith.constant 1 : i32
    %add3A_19 = arith.addi %mul3A_17, %add3A_18 : i32
    %dma_start3A_20 = arith.constant 0 : i32
    %dma_start3A_21 = tpu.memref_slice %arg4[%add3A_19, %dma_start3A_20] : memref<288x64xi32, #tpu.memory_space<hbm>> -> memref<1x64xi32, #tpu.memory_space<hbm>>
    %dma_start3A_22 = tpu.memref_squeeze %dma_start3A_21 : memref<1x64xi32, #tpu.memory_space<hbm>> -> memref<64xi32, #tpu.memory_space<hbm>>
    %dma_start3A_23 = arith.constant 0 : i32
    %dma_start3A_24 = tpu.memref_slice %arg4[%add3A_19, %dma_start3A_23] : memref<288x64xi32, #tpu.memory_space<hbm>> -> memref<1x64xi32, #tpu.memory_space<hbm>>
    %dma_start3A_25 = tpu.memref_squeeze %dma_start3A_24 : memref<1x64xi32, #tpu.memory_space<hbm>> -> memref<64xi32, #tpu.memory_space<hbm>>
    tpu.enqueue_dma source(%dma_start3A_25 : memref<64xi32, #tpu.memory_space<hbm>>) target(%arg9 : memref<64xi32, #tpu.memory_space<vmem>>) target_semaphore(%arg20 : memref<!tpu.dma_semaphore, #tpu.memory_space<semaphore_mem>>)
    %mul3A_26 = arith.constant 3 : i32
    %mul3A_27 = arith.muli %add3A, %mul3A_26 : i32
    %mul3A_28 = arith.constant 3 : i32
    %mul3A_29 = arith.muli %mul3A_27, %mul3A_28 : i32
    %add3A_30 = arith.constant 2 : i32
    %add3A_31 = arith.addi %mul3A_29, %add3A_30 : i32
    %dma_start3A_32 = arith.constant 0 : i32
    %dma_start3A_33 = tpu.memref_slice %arg4[%add3A_31, %dma_start3A_32] : memref<288x64xi32, #tpu.memory_space<hbm>> -> memref<1x64xi32, #tpu.memory_space<hbm>>
    %dma_start3A_34 = tpu.memref_squeeze %dma_start3A_33 : memref<1x64xi32, #tpu.memory_space<hbm>> -> memref<64xi32, #tpu.memory_space<hbm>>
    %dma_start3A_35 = arith.constant 0 : i32
    %dma_start3A_36 = tpu.memref_slice %arg4[%add3A_31, %dma_start3A_35] : memref<288x64xi32, #tpu.memory_space<hbm>> -> memref<1x64xi32, #tpu.memory_space<hbm>>
    %dma_start3A_37 = tpu.memref_squeeze %dma_start3A_36 : memref<1x64xi32, #tpu.memory_space<hbm>> -> memref<64xi32, #tpu.memory_space<hbm>>
    tpu.enqueue_dma source(%dma_start3A_37 : memref<64xi32, #tpu.memory_space<hbm>>) target(%arg10 : memref<64xi32, #tpu.memory_space<vmem>>) target_semaphore(%arg20 : memref<!tpu.dma_semaphore, #tpu.memory_space<semaphore_mem>>)
    %mul3A_38 = arith.constant 3 : i32
    %mul3A_39 = arith.muli %add3A, %mul3A_38 : i32
    %mul3A_40 = arith.constant 3 : i32
    %mul3A_41 = arith.muli %mul3A_39, %mul3A_40 : i32
    %add3A_42 = arith.constant 3 : i32
    %add3A_43 = arith.addi %mul3A_41, %add3A_42 : i32
    %dma_start3A_44 = arith.constant 0 : i32
    %dma_start3A_45 = tpu.memref_slice %arg4[%add3A_43, %dma_start3A_44] : memref<288x64xi32, #tpu.memory_space<hbm>> -> memref<1x64xi32, #tpu.memory_space<hbm>>
    %dma_start3A_46 = tpu.memref_squeeze %dma_start3A_45 : memref<1x64xi32, #tpu.memory_space<hbm>> -> memref<64xi32, #tpu.memory_space<hbm>>
    %dma_start3A_47 = arith.constant 0 : i32
    %dma_start3A_48 = tpu.memref_slice %arg4[%add3A_43, %dma_start3A_47] : memref<288x64xi32, #tpu.memory_space<hbm>> -> memref<1x64xi32, #tpu.memory_space<hbm>>
    %dma_start3A_49 = tpu.memref_squeeze %dma_start3A_48 : memref<1x64xi32, #tpu.memory_space<hbm>> -> memref<64xi32, #tpu.memory_space<hbm>>
    tpu.enqueue_dma source(%dma_start3A_49 : memref<64xi32, #tpu.memory_space<hbm>>) target(%arg11 : memref<64xi32, #tpu.memory_space<vmem>>) target_semaphore(%arg20 : memref<!tpu.dma_semaphore, #tpu.memory_space<semaphore_mem>>)
    %mul3A_50 = arith.constant 3 : i32
    %mul3A_51 = arith.muli %add3A, %mul3A_50 : i32
    %mul3A_52 = arith.constant 3 : i32
    %mul3A_53 = arith.muli %mul3A_51, %mul3A_52 : i32
    %add3A_54 = arith.constant 4 : i32
    %add3A_55 = arith.addi %mul3A_53, %add3A_54 : i32
    %dma_start3A_56 = arith.constant 0 : i32
    %dma_start3A_57 = tpu.memref_slice %arg4[%add3A_55, %dma_start3A_56] : memref<288x64xi32, #tpu.memory_space<hbm>> -> memref<1x64xi32, #tpu.memory_space<hbm>>
    %dma_start3A_58 = tpu.memref_squeeze %dma_start3A_57 : memref<1x64xi32, #tpu.memory_space<hbm>> -> memref<64xi32, #tpu.memory_space<hbm>>
    %dma_start3A_59 = arith.constant 0 : i32
    %dma_start3A_60 = tpu.memref_slice %arg4[%add3A_55, %dma_start3A_59] : memref<288x64xi32, #tpu.memory_space<hbm>> -> memref<1x64xi32, #tpu.memory_space<hbm>>
    %dma_start3A_61 = tpu.memref_squeeze %dma_start3A_60 : memref<1x64xi32, #tpu.memory_space<hbm>> -> memref<64xi32, #tpu.memory_space<hbm>>
    tpu.enqueue_dma source(%dma_start3A_61 : memref<64xi32, #tpu.memory_space<hbm>>) target(%arg12 : memref<64xi32, #tpu.memory_space<vmem>>) target_semaphore(%arg20 : memref<!tpu.dma_semaphore, #tpu.memory_space<semaphore_mem>>)
    %mul3A_62 = arith.constant 3 : i32
    %mul3A_63 = arith.muli %add3A, %mul3A_62 : i32
    %mul3A_64 = arith.constant 3 : i32
    %mul3A_65 = arith.muli %mul3A_63, %mul3A_64 : i32
    %add3A_66 = arith.constant 5 : i32
    %add3A_67 = arith.addi %mul3A_65, %add3A_66 : i32
    %dma_start3A_68 = arith.constant 0 : i32
    %dma_start3A_69 = tpu.memref_slice %arg4[%add3A_67, %dma_start3A_68] : memref<288x64xi32, #tpu.memory_space<hbm>> -> memref<1x64xi32, #tpu.memory_space<hbm>>
    %dma_start3A_70 = tpu.memref_squeeze %dma_start3A_69 : memref<1x64xi32, #tpu.memory_space<hbm>> -> memref<64xi32, #tpu.memory_space<hbm>>
    %dma_start3A_71 = arith.constant 0 : i32
    %dma_start3A_72 = tpu.memref_slice %arg4[%add3A_67, %dma_start3A_71] : memref<288x64xi32, #tpu.memory_space<hbm>> -> memref<1x64xi32, #tpu.memory_space<hbm>>
    %dma_start3A_73 = tpu.memref_squeeze %dma_start3A_72 : memref<1x64xi32, #tpu.memory_space<hbm>> -> memref<64xi32, #tpu.memory_space<hbm>>
    tpu.enqueue_dma source(%dma_start3A_73 : memref<64xi32, #tpu.memory_space<hbm>>) target(%arg13 : memref<64xi32, #tpu.memory_space<vmem>>) target_semaphore(%arg20 : memref<!tpu.dma_semaphore, #tpu.memory_space<semaphore_mem>>)
    %mul3A_74 = arith.constant 3 : i32
    %mul3A_75 = arith.muli %add3A, %mul3A_74 : i32
    %mul3A_76 = arith.constant 3 : i32
    %mul3A_77 = arith.muli %mul3A_75, %mul3A_76 : i32
    %add3A_78 = arith.constant 6 : i32
    %add3A_79 = arith.addi %mul3A_77, %add3A_78 : i32
    %dma_start3A_80 = arith.constant 0 : i32
    %dma_start3A_81 = tpu.memref_slice %arg4[%add3A_79, %dma_start3A_80] : memref<288x64xi32, #tpu.memory_space<hbm>> -> memref<1x64xi32, #tpu.memory_space<hbm>>
    %dma_start3A_82 = tpu.memref_squeeze %dma_start3A_81 : memref<1x64xi32, #tpu.memory_space<hbm>> -> memref<64xi32, #tpu.memory_space<hbm>>
    %dma_start3A_83 = arith.constant 0 : i32
    %dma_start3A_84 = tpu.memref_slice %arg4[%add3A_79, %dma_start3A_83] : memref<288x64xi32, #tpu.memory_space<hbm>> -> memref<1x64xi32, #tpu.memory_space<hbm>>
    %dma_start3A_85 = tpu.memref_squeeze %dma_start3A_84 : memref<1x64xi32, #tpu.memory_space<hbm>> -> memref<64xi32, #tpu.memory_space<hbm>>
    tpu.enqueue_dma source(%dma_start3A_85 : memref<64xi32, #tpu.memory_space<hbm>>) target(%arg14 : memref<64xi32, #tpu.memory_space<vmem>>) target_semaphore(%arg20 : memref<!tpu.dma_semaphore, #tpu.memory_space<semaphore_mem>>)
    %mul3A_86 = arith.constant 3 : i32
    %mul3A_87 = arith.muli %add3A, %mul3A_86 : i32
    %mul3A_88 = arith.constant 3 : i32
    %mul3A_89 = arith.muli %mul3A_87, %mul3A_88 : i32
    %add3A_90 = arith.constant 7 : i32
    %add3A_91 = arith.addi %mul3A_89, %add3A_90 : i32
    %dma_start3A_92 = arith.constant 0 : i32
    %dma_start3A_93 = tpu.memref_slice %arg4[%add3A_91, %dma_start3A_92] : memref<288x64xi32, #tpu.memory_space<hbm>> -> memref<1x64xi32, #tpu.memory_space<hbm>>
    %dma_start3A_94 = tpu.memref_squeeze %dma_start3A_93 : memref<1x64xi32, #tpu.memory_space<hbm>> -> memref<64xi32, #tpu.memory_space<hbm>>
    %dma_start3A_95 = arith.constant 0 : i32
    %dma_start3A_96 = tpu.memref_slice %arg4[%add3A_91, %dma_start3A_95] : memref<288x64xi32, #tpu.memory_space<hbm>> -> memref<1x64xi32, #tpu.memory_space<hbm>>
    %dma_start3A_97 = tpu.memref_squeeze %dma_start3A_96 : memref<1x64xi32, #tpu.memory_space<hbm>> -> memref<64xi32, #tpu.memory_space<hbm>>
    tpu.enqueue_dma source(%dma_start3A_97 : memref<64xi32, #tpu.memory_space<hbm>>) target(%arg15 : memref<64xi32, #tpu.memory_space<vmem>>) target_semaphore(%arg20 : memref<!tpu.dma_semaphore, #tpu.memory_space<semaphore_mem>>)
    %mul3A_98 = arith.constant 3 : i32
    %mul3A_99 = arith.muli %add3A, %mul3A_98 : i32
    %mul3A_100 = arith.constant 3 : i32
    %mul3A_101 = arith.muli %mul3A_99, %mul3A_100 : i32
    %add3A_102 = arith.constant 8 : i32
    %add3A_103 = arith.addi %mul3A_101, %add3A_102 : i32
    %dma_start3A_104 = arith.constant 0 : i32
    %dma_start3A_105 = tpu.memref_slice %arg4[%add3A_103, %dma_start3A_104] : memref<288x64xi32, #tpu.memory_space<hbm>> -> memref<1x64xi32, #tpu.memory_space<hbm>>
    %dma_start3A_106 = tpu.memref_squeeze %dma_start3A_105 : memref<1x64xi32, #tpu.memory_space<hbm>> -> memref<64xi32, #tpu.memory_space<hbm>>
    %dma_start3A_107 = arith.constant 0 : i32
    %dma_start3A_108 = tpu.memref_slice %arg4[%add3A_103, %dma_start3A_107] : memref<288x64xi32, #tpu.memory_space<hbm>> -> memref<1x64xi32, #tpu.memory_space<hbm>>
    %dma_start3A_109 = tpu.memref_squeeze %dma_start3A_108 : memref<1x64xi32, #tpu.memory_space<hbm>> -> memref<64xi32, #tpu.memory_space<hbm>>
    tpu.enqueue_dma source(%dma_start3A_109 : memref<64xi32, #tpu.memory_space<hbm>>) target(%arg16 : memref<64xi32, #tpu.memory_space<vmem>>) target_semaphore(%arg20 : memref<!tpu.dma_semaphore, #tpu.memory_space<semaphore_mem>>)
    %dma_wait3A = arith.constant 0 : i32
    %dma_wait3A_110 = tpu.memref_slice %arg4[%add3A_8, %dma_wait3A] : memref<288x64xi32, #tpu.memory_space<hbm>> -> memref<1x64xi32, #tpu.memory_space<hbm>>
    %dma_wait3A_111 = tpu.memref_squeeze %dma_wait3A_110 : memref<1x64xi32, #tpu.memory_space<hbm>> -> memref<64xi32, #tpu.memory_space<hbm>>
    %dma_wait3A_112 = arith.constant 0 : i32
    %dma_wait3A_113 = tpu.memref_slice %arg4[%add3A_8, %dma_wait3A_112] : memref<288x64xi32, #tpu.memory_space<hbm>> -> memref<1x64xi32, #tpu.memory_space<hbm>>
    %dma_wait3A_114 = tpu.memref_squeeze %dma_wait3A_113 : memref<1x64xi32, #tpu.memory_space<hbm>> -> memref<64xi32, #tpu.memory_space<hbm>>
    tpu.wait_dma2 semaphore(%arg20 : memref<!tpu.dma_semaphore, #tpu.memory_space<semaphore_mem>>) src(%dma_wait3A_114 : memref<64xi32, #tpu.memory_space<hbm>>) dst(%arg8 : memref<64xi32, #tpu.memory_space<vmem>>)
    %dma_wait3A_115 = arith.constant 0 : i32
    %dma_wait3A_116 = tpu.memref_slice %arg4[%add3A_19, %dma_wait3A_115] : memref<288x64xi32, #tpu.memory_space<hbm>> -> memref<1x64xi32, #tpu.memory_space<hbm>>
    %dma_wait3A_117 = tpu.memref_squeeze %dma_wait3A_116 : memref<1x64xi32, #tpu.memory_space<hbm>> -> memref<64xi32, #tpu.memory_space<hbm>>
    %dma_wait3A_118 = arith.constant 0 : i32
    %dma_wait3A_119 = tpu.memref_slice %arg4[%add3A_19, %dma_wait3A_118] : memref<288x64xi32, #tpu.memory_space<hbm>> -> memref<1x64xi32, #tpu.memory_space<hbm>>
    %dma_wait3A_120 = tpu.memref_squeeze %dma_wait3A_119 : memref<1x64xi32, #tpu.memory_space<hbm>> -> memref<64xi32, #tpu.memory_space<hbm>>
    tpu.wait_dma2 semaphore(%arg20 : memref<!tpu.dma_semaphore, #tpu.memory_space<semaphore_mem>>) src(%dma_wait3A_120 : memref<64xi32, #tpu.memory_space<hbm>>) dst(%arg9 : memref<64xi32, #tpu.memory_space<vmem>>)
    %dma_wait3A_121 = arith.constant 0 : i32
    %dma_wait3A_122 = tpu.memref_slice %arg4[%add3A_31, %dma_wait3A_121] : memref<288x64xi32, #tpu.memory_space<hbm>> -> memref<1x64xi32, #tpu.memory_space<hbm>>
    %dma_wait3A_123 = tpu.memref_squeeze %dma_wait3A_122 : memref<1x64xi32, #tpu.memory_space<hbm>> -> memref<64xi32, #tpu.memory_space<hbm>>
    %dma_wait3A_124 = arith.constant 0 : i32
    %dma_wait3A_125 = tpu.memref_slice %arg4[%add3A_31, %dma_wait3A_124] : memref<288x64xi32, #tpu.memory_space<hbm>> -> memref<1x64xi32, #tpu.memory_space<hbm>>
    %dma_wait3A_126 = tpu.memref_squeeze %dma_wait3A_125 : memref<1x64xi32, #tpu.memory_space<hbm>> -> memref<64xi32, #tpu.memory_space<hbm>>
    tpu.wait_dma2 semaphore(%arg20 : memref<!tpu.dma_semaphore, #tpu.memory_space<semaphore_mem>>) src(%dma_wait3A_126 : memref<64xi32, #tpu.memory_space<hbm>>) dst(%arg10 : memref<64xi32, #tpu.memory_space<vmem>>)
    %dma_wait3A_127 = arith.constant 0 : i32
    %dma_wait3A_128 = tpu.memref_slice %arg4[%add3A_43, %dma_wait3A_127] : memref<288x64xi32, #tpu.memory_space<hbm>> -> memref<1x64xi32, #tpu.memory_space<hbm>>
    %dma_wait3A_129 = tpu.memref_squeeze %dma_wait3A_128 : memref<1x64xi32, #tpu.memory_space<hbm>> -> memref<64xi32, #tpu.memory_space<hbm>>
    %dma_wait3A_130 = arith.constant 0 : i32
    %dma_wait3A_131 = tpu.memref_slice %arg4[%add3A_43, %dma_wait3A_130] : memref<288x64xi32, #tpu.memory_space<hbm>> -> memref<1x64xi32, #tpu.memory_space<hbm>>
    %dma_wait3A_132 = tpu.memref_squeeze %dma_wait3A_131 : memref<1x64xi32, #tpu.memory_space<hbm>> -> memref<64xi32, #tpu.memory_space<hbm>>
    tpu.wait_dma2 semaphore(%arg20 : memref<!tpu.dma_semaphore, #tpu.memory_space<semaphore_mem>>) src(%dma_wait3A_132 : memref<64xi32, #tpu.memory_space<hbm>>) dst(%arg11 : memref<64xi32, #tpu.memory_space<vmem>>)
    %dma_wait3A_133 = arith.constant 0 : i32
    %dma_wait3A_134 = tpu.memref_slice %arg4[%add3A_55, %dma_wait3A_133] : memref<288x64xi32, #tpu.memory_space<hbm>> -> memref<1x64xi32, #tpu.memory_space<hbm>>
    %dma_wait3A_135 = tpu.memref_squeeze %dma_wait3A_134 : memref<1x64xi32, #tpu.memory_space<hbm>> -> memref<64xi32, #tpu.memory_space<hbm>>
    %dma_wait3A_136 = arith.constant 0 : i32
    %dma_wait3A_137 = tpu.memref_slice %arg4[%add3A_55, %dma_wait3A_136] : memref<288x64xi32, #tpu.memory_space<hbm>> -> memref<1x64xi32, #tpu.memory_space<hbm>>
    %dma_wait3A_138 = tpu.memref_squeeze %dma_wait3A_137 : memref<1x64xi32, #tpu.memory_space<hbm>> -> memref<64xi32, #tpu.memory_space<hbm>>
    tpu.wait_dma2 semaphore(%arg20 : memref<!tpu.dma_semaphore, #tpu.memory_space<semaphore_mem>>) src(%dma_wait3A_138 : memref<64xi32, #tpu.memory_space<hbm>>) dst(%arg12 : memref<64xi32, #tpu.memory_space<vmem>>)
    %dma_wait3A_139 = arith.constant 0 : i32
    %dma_wait3A_140 = tpu.memref_slice %arg4[%add3A_67, %dma_wait3A_139] : memref<288x64xi32, #tpu.memory_space<hbm>> -> memref<1x64xi32, #tpu.memory_space<hbm>>
    %dma_wait3A_141 = tpu.memref_squeeze %dma_wait3A_140 : memref<1x64xi32, #tpu.memory_space<hbm>> -> memref<64xi32, #tpu.memory_space<hbm>>
    %dma_wait3A_142 = arith.constant 0 : i32
    %dma_wait3A_143 = tpu.memref_slice %arg4[%add3A_67, %dma_wait3A_142] : memref<288x64xi32, #tpu.memory_space<hbm>> -> memref<1x64xi32, #tpu.memory_space<hbm>>
    %dma_wait3A_144 = tpu.memref_squeeze %dma_wait3A_143 : memref<1x64xi32, #tpu.memory_space<hbm>> -> memref<64xi32, #tpu.memory_space<hbm>>
    tpu.wait_dma2 semaphore(%arg20 : memref<!tpu.dma_semaphore, #tpu.memory_space<semaphore_mem>>) src(%dma_wait3A_144 : memref<64xi32, #tpu.memory_space<hbm>>) dst(%arg13 : memref<64xi32, #tpu.memory_space<vmem>>)
    %dma_wait3A_145 = arith.constant 0 : i32
    %dma_wait3A_146 = tpu.memref_slice %arg4[%add3A_79, %dma_wait3A_145] : memref<288x64xi32, #tpu.memory_space<hbm>> -> memref<1x64xi32, #tpu.memory_space<hbm>>
    %dma_wait3A_147 = tpu.memref_squeeze %dma_wait3A_146 : memref<1x64xi32, #tpu.memory_space<hbm>> -> memref<64xi32, #tpu.memory_space<hbm>>
    %dma_wait3A_148 = arith.constant 0 : i32
    %dma_wait3A_149 = tpu.memref_slice %arg4[%add3A_79, %dma_wait3A_148] : memref<288x64xi32, #tpu.memory_space<hbm>> -> memref<1x64xi32, #tpu.memory_space<hbm>>
    %dma_wait3A_150 = tpu.memref_squeeze %dma_wait3A_149 : memref<1x64xi32, #tpu.memory_space<hbm>> -> memref<64xi32, #tpu.memory_space<hbm>>
    tpu.wait_dma2 semaphore(%arg20 : memref<!tpu.dma_semaphore, #tpu.memory_space<semaphore_mem>>) src(%dma_wait3A_150 : memref<64xi32, #tpu.memory_space<hbm>>) dst(%arg14 : memref<64xi32, #tpu.memory_space<vmem>>)
    %dma_wait3A_151 = arith.constant 0 : i32
    %dma_wait3A_152 = tpu.memref_slice %arg4[%add3A_91, %dma_wait3A_151] : memref<288x64xi32, #tpu.memory_space<hbm>> -> memref<1x64xi32, #tpu.memory_space<hbm>>
    %dma_wait3A_153 = tpu.memref_squeeze %dma_wait3A_152 : memref<1x64xi32, #tpu.memory_space<hbm>> -> memref<64xi32, #tpu.memory_space<hbm>>
    %dma_wait3A_154 = arith.constant 0 : i32
    %dma_wait3A_155 = tpu.memref_slice %arg4[%add3A_91, %dma_wait3A_154] : memref<288x64xi32, #tpu.memory_space<hbm>> -> memref<1x64xi32, #tpu.memory_space<hbm>>
    %dma_wait3A_156 = tpu.memref_squeeze %dma_wait3A_155 : memref<1x64xi32, #tpu.memory_space<hbm>> -> memref<64xi32, #tpu.memory_space<hbm>>
    tpu.wait_dma2 semaphore(%arg20 : memref<!tpu.dma_semaphore, #tpu.memory_space<semaphore_mem>>) src(%dma_wait3A_156 : memref<64xi32, #tpu.memory_space<hbm>>) dst(%arg15 : memref<64xi32, #tpu.memory_space<vmem>>)
    %dma_wait3A_157 = arith.constant 0 : i32
    %dma_wait3A_158 = tpu.memref_slice %arg4[%add3A_103, %dma_wait3A_157] : memref<288x64xi32, #tpu.memory_space<hbm>> -> memref<1x64xi32, #tpu.memory_space<hbm>>
    %dma_wait3A_159 = tpu.memref_squeeze %dma_wait3A_158 : memref<1x64xi32, #tpu.memory_space<hbm>> -> memref<64xi32, #tpu.memory_space<hbm>>
    %dma_wait3A_160 = arith.constant 0 : i32
    %dma_wait3A_161 = tpu.memref_slice %arg4[%add3A_103, %dma_wait3A_160] : memref<288x64xi32, #tpu.memory_space<hbm>> -> memref<1x64xi32, #tpu.memory_space<hbm>>
    %dma_wait3A_162 = tpu.memref_squeeze %dma_wait3A_161 : memref<1x64xi32, #tpu.memory_space<hbm>> -> memref<64xi32, #tpu.memory_space<hbm>>
    tpu.wait_dma2 semaphore(%arg20 : memref<!tpu.dma_semaphore, #tpu.memory_space<semaphore_mem>>) src(%dma_wait3A_162 : memref<64xi32, #tpu.memory_space<hbm>>) dst(%arg16 : memref<64xi32, #tpu.memory_space<vmem>>)
    %dma_start3A_163 = arith.constant 0 : i32
    %dma_start3A_164 = arith.constant 0 : i32
    %dma_start3A_165 = tpu.memref_slice %arg2[%dma_start3A_163, %dma_start3A_164] : memref<50000x512xf32, #tpu.memory_space<hbm>> -> memref<50000x512xf32, #tpu.memory_space<hbm>>
    tpu.enqueue_indirect_dma source(%dma_start3A_165 : memref<50000x512xf32, #tpu.memory_space<hbm>>) target(%arg17 : memref<64x512xf32, #tpu.memory_space<vmem>>) offsets(%arg8 : memref<64xi32, #tpu.memory_space<vmem>>) semaphore(%arg21 : memref<!tpu.dma_semaphore, #tpu.memory_space<semaphore_mem>>)
    %dma_start3A_166 = arith.constant 0 : i32
    %dma_start3A_167 = arith.constant 0 : i32
    %dma_start3A_168 = tpu.memref_slice %arg2[%dma_start3A_166, %dma_start3A_167] : memref<50000x512xf32, #tpu.memory_space<hbm>> -> memref<50000x512xf32, #tpu.memory_space<hbm>>
    tpu.enqueue_indirect_dma source(%dma_start3A_168 : memref<50000x512xf32, #tpu.memory_space<hbm>>) target(%arg18 : memref<64x512xf32, #tpu.memory_space<vmem>>) offsets(%arg9 : memref<64xi32, #tpu.memory_space<vmem>>) semaphore(%arg22 : memref<!tpu.dma_semaphore, #tpu.memory_space<semaphore_mem>>)
    %dma_start3A_169 = arith.constant 0 : i32
    %dma_start3A_170 = arith.constant 0 : i32
    %dma_start3A_171 = tpu.memref_slice %arg2[%dma_start3A_169, %dma_start3A_170] : memref<50000x512xf32, #tpu.memory_space<hbm>> -> memref<50000x512xf32, #tpu.memory_space<hbm>>
    tpu.enqueue_indirect_dma source(%dma_start3A_171 : memref<50000x512xf32, #tpu.memory_space<hbm>>) target(%arg19 : memref<64x512xf32, #tpu.memory_space<vmem>>) offsets(%arg10 : memref<64xi32, #tpu.memory_space<vmem>>) semaphore(%arg23 : memref<!tpu.dma_semaphore, #tpu.memory_space<semaphore_mem>>)
    %dma_wait3A_172 = arith.constant 0 : i32
    %dma_wait3A_173 = arith.constant 0 : i32
    %dma_wait3A_174 = tpu.memref_slice %arg2[%dma_wait3A_172, %dma_wait3A_173] : memref<50000x512xf32, #tpu.memory_space<hbm>> -> memref<50000x512xf32, #tpu.memory_space<hbm>>
    tpu.wait_indirect_dma semaphore(%arg21 : memref<!tpu.dma_semaphore, #tpu.memory_space<semaphore_mem>>) src(%dma_wait3A_174 : memref<50000x512xf32, #tpu.memory_space<hbm>>) dst(%arg17 : memref<64x512xf32, #tpu.memory_space<vmem>>)
    %add3A_175 = arith.constant 0 : i32
    %add3A_176 = arith.addi %mul3A_2, %add3A_175 : i32
    %dma_start3A_177 = arith.constant 0 : i32
    %dma_start3A_178 = tpu.memref_slice %arg5[%add3A_176, %dma_start3A_177] : memref<6144x512xf32, #tpu.memory_space<hbm>> -> memref<64x512xf32, #tpu.memory_space<hbm>>
    %dma_start3A_179 = arith.constant 0 : i32
    %dma_start3A_180 = tpu.memref_slice %arg5[%add3A_176, %dma_start3A_179] : memref<6144x512xf32, #tpu.memory_space<hbm>> -> memref<64x512xf32, #tpu.memory_space<hbm>>
    tpu.enqueue_dma source(%arg17 : memref<64x512xf32, #tpu.memory_space<vmem>>) target(%dma_start3A_180 : memref<64x512xf32, #tpu.memory_space<hbm>>) target_semaphore(%arg24 : memref<!tpu.dma_semaphore, #tpu.memory_space<semaphore_mem>>)
    %dma_wait3A_181 = arith.constant 0 : i32
    %dma_wait3A_182 = tpu.memref_slice %arg5[%add3A_176, %dma_wait3A_181] : memref<6144x512xf32, #tpu.memory_space<hbm>> -> memref<64x512xf32, #tpu.memory_space<hbm>>
    %dma_wait3A_183 = arith.constant 0 : i32
    %dma_wait3A_184 = tpu.memref_slice %arg5[%add3A_176, %dma_wait3A_183] : memref<6144x512xf32, #tpu.memory_space<hbm>> -> memref<64x512xf32, #tpu.memory_space<hbm>>
    tpu.wait_dma2 semaphore(%arg24 : memref<!tpu.dma_semaphore, #tpu.memory_space<semaphore_mem>>) src(%arg17 : memref<64x512xf32, #tpu.memory_space<vmem>>) dst(%dma_wait3A_184 : memref<64x512xf32, #tpu.memory_space<hbm>>)
    %dma_start3A_185 = arith.constant 0 : i32
    %dma_start3A_186 = arith.constant 0 : i32
    %dma_start3A_187 = tpu.memref_slice %arg3[%dma_start3A_185, %dma_start3A_186] : memref<50000x512xf32, #tpu.memory_space<hbm>> -> memref<50000x512xf32, #tpu.memory_space<hbm>>
    tpu.enqueue_indirect_dma source(%dma_start3A_187 : memref<50000x512xf32, #tpu.memory_space<hbm>>) target(%arg17 : memref<64x512xf32, #tpu.memory_space<vmem>>) offsets(%arg11 : memref<64xi32, #tpu.memory_space<vmem>>) semaphore(%arg21 : memref<!tpu.dma_semaphore, #tpu.memory_space<semaphore_mem>>)
    %dma_wait3A_188 = arith.constant 0 : i32
    %dma_wait3A_189 = arith.constant 0 : i32
    %dma_wait3A_190 = tpu.memref_slice %arg2[%dma_wait3A_188, %dma_wait3A_189] : memref<50000x512xf32, #tpu.memory_space<hbm>> -> memref<50000x512xf32, #tpu.memory_space<hbm>>
    tpu.wait_indirect_dma semaphore(%arg22 : memref<!tpu.dma_semaphore, #tpu.memory_space<semaphore_mem>>) src(%dma_wait3A_190 : memref<50000x512xf32, #tpu.memory_space<hbm>>) dst(%arg18 : memref<64x512xf32, #tpu.memory_space<vmem>>)
    %add3A_191 = arith.constant 64 : i32
    %add3A_192 = arith.addi %mul3A_2, %add3A_191 : i32
    %dma_start3A_193 = arith.constant 0 : i32
    %dma_start3A_194 = tpu.memref_slice %arg5[%add3A_192, %dma_start3A_193] : memref<6144x512xf32, #tpu.memory_space<hbm>> -> memref<64x512xf32, #tpu.memory_space<hbm>>
    %dma_start3A_195 = arith.constant 0 : i32
    %dma_start3A_196 = tpu.memref_slice %arg5[%add3A_192, %dma_start3A_195] : memref<6144x512xf32, #tpu.memory_space<hbm>> -> memref<64x512xf32, #tpu.memory_space<hbm>>
    tpu.enqueue_dma source(%arg18 : memref<64x512xf32, #tpu.memory_space<vmem>>) target(%dma_start3A_196 : memref<64x512xf32, #tpu.memory_space<hbm>>) target_semaphore(%arg25 : memref<!tpu.dma_semaphore, #tpu.memory_space<semaphore_mem>>)
    %dma_wait3A_197 = arith.constant 0 : i32
    %dma_wait3A_198 = tpu.memref_slice %arg5[%add3A_192, %dma_wait3A_197] : memref<6144x512xf32, #tpu.memory_space<hbm>> -> memref<64x512xf32, #tpu.memory_space<hbm>>
    %dma_wait3A_199 = arith.constant 0 : i32
    %dma_wait3A_200 = tpu.memref_slice %arg5[%add3A_192, %dma_wait3A_199] : memref<6144x512xf32, #tpu.memory_space<hbm>> -> memref<64x512xf32, #tpu.memory_space<hbm>>
    tpu.wait_dma2 semaphore(%arg25 : memref<!tpu.dma_semaphore, #tpu.memory_space<semaphore_mem>>) src(%arg18 : memref<64x512xf32, #tpu.memory_space<vmem>>) dst(%dma_wait3A_200 : memref<64x512xf32, #tpu.memory_space<hbm>>)
    %dma_start3A_201 = arith.constant 0 : i32
    %dma_start3A_202 = arith.constant 0 : i32
    %dma_start3A_203 = tpu.memref_slice %arg3[%dma_start3A_201, %dma_start3A_202] : memref<50000x512xf32, #tpu.memory_space<hbm>> -> memref<50000x512xf32, #tpu.memory_space<hbm>>
    tpu.enqueue_indirect_dma source(%dma_start3A_203 : memref<50000x512xf32, #tpu.memory_space<hbm>>) target(%arg18 : memref<64x512xf32, #tpu.memory_space<vmem>>) offsets(%arg12 : memref<64xi32, #tpu.memory_space<vmem>>) semaphore(%arg22 : memref<!tpu.dma_semaphore, #tpu.memory_space<semaphore_mem>>)
    %dma_wait3A_204 = arith.constant 0 : i32
    %dma_wait3A_205 = arith.constant 0 : i32
    %dma_wait3A_206 = tpu.memref_slice %arg2[%dma_wait3A_204, %dma_wait3A_205] : memref<50000x512xf32, #tpu.memory_space<hbm>> -> memref<50000x512xf32, #tpu.memory_space<hbm>>
    tpu.wait_indirect_dma semaphore(%arg23 : memref<!tpu.dma_semaphore, #tpu.memory_space<semaphore_mem>>) src(%dma_wait3A_206 : memref<50000x512xf32, #tpu.memory_space<hbm>>) dst(%arg19 : memref<64x512xf32, #tpu.memory_space<vmem>>)
    %add3A_207 = arith.constant 128 : i32
    %add3A_208 = arith.addi %mul3A_2, %add3A_207 : i32
    %dma_start3A_209 = arith.constant 0 : i32
    %dma_start3A_210 = tpu.memref_slice %arg5[%add3A_208, %dma_start3A_209] : memref<6144x512xf32, #tpu.memory_space<hbm>> -> memref<64x512xf32, #tpu.memory_space<hbm>>
    %dma_start3A_211 = arith.constant 0 : i32
    %dma_start3A_212 = tpu.memref_slice %arg5[%add3A_208, %dma_start3A_211] : memref<6144x512xf32, #tpu.memory_space<hbm>> -> memref<64x512xf32, #tpu.memory_space<hbm>>
    tpu.enqueue_dma source(%arg19 : memref<64x512xf32, #tpu.memory_space<vmem>>) target(%dma_start3A_212 : memref<64x512xf32, #tpu.memory_space<hbm>>) target_semaphore(%arg26 : memref<!tpu.dma_semaphore, #tpu.memory_space<semaphore_mem>>)
    %dma_wait3A_213 = arith.constant 0 : i32
    %dma_wait3A_214 = tpu.memref_slice %arg5[%add3A_208, %dma_wait3A_213] : memref<6144x512xf32, #tpu.memory_space<hbm>> -> memref<64x512xf32, #tpu.memory_space<hbm>>
    %dma_wait3A_215 = arith.constant 0 : i32
    %dma_wait3A_216 = tpu.memref_slice %arg5[%add3A_208, %dma_wait3A_215] : memref<6144x512xf32, #tpu.memory_space<hbm>> -> memref<64x512xf32, #tpu.memory_space<hbm>>
    tpu.wait_dma2 semaphore(%arg26 : memref<!tpu.dma_semaphore, #tpu.memory_space<semaphore_mem>>) src(%arg19 : memref<64x512xf32, #tpu.memory_space<vmem>>) dst(%dma_wait3A_216 : memref<64x512xf32, #tpu.memory_space<hbm>>)
    %dma_start3A_217 = arith.constant 0 : i32
    %dma_start3A_218 = arith.constant 0 : i32
    %dma_start3A_219 = tpu.memref_slice %arg3[%dma_start3A_217, %dma_start3A_218] : memref<50000x512xf32, #tpu.memory_space<hbm>> -> memref<50000x512xf32, #tpu.memory_space<hbm>>
    tpu.enqueue_indirect_dma source(%dma_start3A_219 : memref<50000x512xf32, #tpu.memory_space<hbm>>) target(%arg19 : memref<64x512xf32, #tpu.memory_space<vmem>>) offsets(%arg13 : memref<64xi32, #tpu.memory_space<vmem>>) semaphore(%arg23 : memref<!tpu.dma_semaphore, #tpu.memory_space<semaphore_mem>>)
    %dma_wait3A_220 = arith.constant 0 : i32
    %dma_wait3A_221 = arith.constant 0 : i32
    %dma_wait3A_222 = tpu.memref_slice %arg3[%dma_wait3A_220, %dma_wait3A_221] : memref<50000x512xf32, #tpu.memory_space<hbm>> -> memref<50000x512xf32, #tpu.memory_space<hbm>>
    tpu.wait_indirect_dma semaphore(%arg21 : memref<!tpu.dma_semaphore, #tpu.memory_space<semaphore_mem>>) src(%dma_wait3A_222 : memref<50000x512xf32, #tpu.memory_space<hbm>>) dst(%arg17 : memref<64x512xf32, #tpu.memory_space<vmem>>)
    %add3A_223 = arith.constant 0 : i32
    %add3A_224 = arith.addi %mul3A_2, %add3A_223 : i32
    %dma_start3A_225 = arith.constant 0 : i32
    %dma_start3A_226 = tpu.memref_slice %arg6[%add3A_224, %dma_start3A_225] : memref<6144x512xf32, #tpu.memory_space<hbm>> -> memref<64x512xf32, #tpu.memory_space<hbm>>
    %dma_start3A_227 = arith.constant 0 : i32
    %dma_start3A_228 = tpu.memref_slice %arg6[%add3A_224, %dma_start3A_227] : memref<6144x512xf32, #tpu.memory_space<hbm>> -> memref<64x512xf32, #tpu.memory_space<hbm>>
    tpu.enqueue_dma source(%arg17 : memref<64x512xf32, #tpu.memory_space<vmem>>) target(%dma_start3A_228 : memref<64x512xf32, #tpu.memory_space<hbm>>) target_semaphore(%arg24 : memref<!tpu.dma_semaphore, #tpu.memory_space<semaphore_mem>>)
    %dma_wait3A_229 = arith.constant 0 : i32
    %dma_wait3A_230 = tpu.memref_slice %arg6[%add3A_224, %dma_wait3A_229] : memref<6144x512xf32, #tpu.memory_space<hbm>> -> memref<64x512xf32, #tpu.memory_space<hbm>>
    %dma_wait3A_231 = arith.constant 0 : i32
    %dma_wait3A_232 = tpu.memref_slice %arg6[%add3A_224, %dma_wait3A_231] : memref<6144x512xf32, #tpu.memory_space<hbm>> -> memref<64x512xf32, #tpu.memory_space<hbm>>
    tpu.wait_dma2 semaphore(%arg24 : memref<!tpu.dma_semaphore, #tpu.memory_space<semaphore_mem>>) src(%arg17 : memref<64x512xf32, #tpu.memory_space<vmem>>) dst(%dma_wait3A_232 : memref<64x512xf32, #tpu.memory_space<hbm>>)
    %dma_start3A_233 = arith.constant 0 : i32
    %dma_start3A_234 = arith.constant 0 : i32
    %dma_start3A_235 = tpu.memref_slice %arg2[%dma_start3A_233, %dma_start3A_234] : memref<50000x512xf32, #tpu.memory_space<hbm>> -> memref<50000x512xf32, #tpu.memory_space<hbm>>
    tpu.enqueue_indirect_dma source(%dma_start3A_235 : memref<50000x512xf32, #tpu.memory_space<hbm>>) target(%arg17 : memref<64x512xf32, #tpu.memory_space<vmem>>) offsets(%arg14 : memref<64xi32, #tpu.memory_space<vmem>>) semaphore(%arg21 : memref<!tpu.dma_semaphore, #tpu.memory_space<semaphore_mem>>)
    %dma_wait3A_236 = arith.constant 0 : i32
    %dma_wait3A_237 = arith.constant 0 : i32
    %dma_wait3A_238 = tpu.memref_slice %arg3[%dma_wait3A_236, %dma_wait3A_237] : memref<50000x512xf32, #tpu.memory_space<hbm>> -> memref<50000x512xf32, #tpu.memory_space<hbm>>
    tpu.wait_indirect_dma semaphore(%arg22 : memref<!tpu.dma_semaphore, #tpu.memory_space<semaphore_mem>>) src(%dma_wait3A_238 : memref<50000x512xf32, #tpu.memory_space<hbm>>) dst(%arg18 : memref<64x512xf32, #tpu.memory_space<vmem>>)
    %add3A_239 = arith.constant 64 : i32
    %add3A_240 = arith.addi %mul3A_2, %add3A_239 : i32
    %dma_start3A_241 = arith.constant 0 : i32
    %dma_start3A_242 = tpu.memref_slice %arg6[%add3A_240, %dma_start3A_241] : memref<6144x512xf32, #tpu.memory_space<hbm>> -> memref<64x512xf32, #tpu.memory_space<hbm>>
    %dma_start3A_243 = arith.constant 0 : i32
    %dma_start3A_244 = tpu.memref_slice %arg6[%add3A_240, %dma_start3A_243] : memref<6144x512xf32, #tpu.memory_space<hbm>> -> memref<64x512xf32, #tpu.memory_space<hbm>>
    tpu.enqueue_dma source(%arg18 : memref<64x512xf32, #tpu.memory_space<vmem>>) target(%dma_start3A_244 : memref<64x512xf32, #tpu.memory_space<hbm>>) target_semaphore(%arg25 : memref<!tpu.dma_semaphore, #tpu.memory_space<semaphore_mem>>)
    %dma_wait3A_245 = arith.constant 0 : i32
    %dma_wait3A_246 = tpu.memref_slice %arg6[%add3A_240, %dma_wait3A_245] : memref<6144x512xf32, #tpu.memory_space<hbm>> -> memref<64x512xf32, #tpu.memory_space<hbm>>
    %dma_wait3A_247 = arith.constant 0 : i32
    %dma_wait3A_248 = tpu.memref_slice %arg6[%add3A_240, %dma_wait3A_247] : memref<6144x512xf32, #tpu.memory_space<hbm>> -> memref<64x512xf32, #tpu.memory_space<hbm>>
    tpu.wait_dma2 semaphore(%arg25 : memref<!tpu.dma_semaphore, #tpu.memory_space<semaphore_mem>>) src(%arg18 : memref<64x512xf32, #tpu.memory_space<vmem>>) dst(%dma_wait3A_248 : memref<64x512xf32, #tpu.memory_space<hbm>>)
    %dma_start3A_249 = arith.constant 0 : i32
    %dma_start3A_250 = arith.constant 0 : i32
    %dma_start3A_251 = tpu.memref_slice %arg2[%dma_start3A_249, %dma_start3A_250] : memref<50000x512xf32, #tpu.memory_space<hbm>> -> memref<50000x512xf32, #tpu.memory_space<hbm>>
    tpu.enqueue_indirect_dma source(%dma_start3A_251 : memref<50000x512xf32, #tpu.memory_space<hbm>>) target(%arg18 : memref<64x512xf32, #tpu.memory_space<vmem>>) offsets(%arg15 : memref<64xi32, #tpu.memory_space<vmem>>) semaphore(%arg22 : memref<!tpu.dma_semaphore, #tpu.memory_space<semaphore_mem>>)
    %dma_wait3A_252 = arith.constant 0 : i32
    %dma_wait3A_253 = arith.constant 0 : i32
    %dma_wait3A_254 = tpu.memref_slice %arg3[%dma_wait3A_252, %dma_wait3A_253] : memref<50000x512xf32, #tpu.memory_space<hbm>> -> memref<50000x512xf32, #tpu.memory_space<hbm>>
    tpu.wait_indirect_dma semaphore(%arg23 : memref<!tpu.dma_semaphore, #tpu.memory_space<semaphore_mem>>) src(%dma_wait3A_254 : memref<50000x512xf32, #tpu.memory_space<hbm>>) dst(%arg19 : memref<64x512xf32, #tpu.memory_space<vmem>>)
    %add3A_255 = arith.constant 128 : i32
    %add3A_256 = arith.addi %mul3A_2, %add3A_255 : i32
    %dma_start3A_257 = arith.constant 0 : i32
    %dma_start3A_258 = tpu.memref_slice %arg6[%add3A_256, %dma_start3A_257] : memref<6144x512xf32, #tpu.memory_space<hbm>> -> memref<64x512xf32, #tpu.memory_space<hbm>>
    %dma_start3A_259 = arith.constant 0 : i32
    %dma_start3A_260 = tpu.memref_slice %arg6[%add3A_256, %dma_start3A_259] : memref<6144x512xf32, #tpu.memory_space<hbm>> -> memref<64x512xf32, #tpu.memory_space<hbm>>
    tpu.enqueue_dma source(%arg19 : memref<64x512xf32, #tpu.memory_space<vmem>>) target(%dma_start3A_260 : memref<64x512xf32, #tpu.memory_space<hbm>>) target_semaphore(%arg26 : memref<!tpu.dma_semaphore, #tpu.memory_space<semaphore_mem>>)
    %dma_wait3A_261 = arith.constant 0 : i32
    %dma_wait3A_262 = tpu.memref_slice %arg6[%add3A_256, %dma_wait3A_261] : memref<6144x512xf32, #tpu.memory_space<hbm>> -> memref<64x512xf32, #tpu.memory_space<hbm>>
    %dma_wait3A_263 = arith.constant 0 : i32
    %dma_wait3A_264 = tpu.memref_slice %arg6[%add3A_256, %dma_wait3A_263] : memref<6144x512xf32, #tpu.memory_space<hbm>> -> memref<64x512xf32, #tpu.memory_space<hbm>>
    tpu.wait_dma2 semaphore(%arg26 : memref<!tpu.dma_semaphore, #tpu.memory_space<semaphore_mem>>) src(%arg19 : memref<64x512xf32, #tpu.memory_space<vmem>>) dst(%dma_wait3A_264 : memref<64x512xf32, #tpu.memory_space<hbm>>)
    %dma_start3A_265 = arith.constant 0 : i32
    %dma_start3A_266 = arith.constant 0 : i32
    %dma_start3A_267 = tpu.memref_slice %arg2[%dma_start3A_265, %dma_start3A_266] : memref<50000x512xf32, #tpu.memory_space<hbm>> -> memref<50000x512xf32, #tpu.memory_space<hbm>>
    tpu.enqueue_indirect_dma source(%dma_start3A_267 : memref<50000x512xf32, #tpu.memory_space<hbm>>) target(%arg19 : memref<64x512xf32, #tpu.memory_space<vmem>>) offsets(%arg16 : memref<64xi32, #tpu.memory_space<vmem>>) semaphore(%arg23 : memref<!tpu.dma_semaphore, #tpu.memory_space<semaphore_mem>>)
    %dma_wait3A_268 = arith.constant 0 : i32
    %dma_wait3A_269 = arith.constant 0 : i32
    %dma_wait3A_270 = tpu.memref_slice %arg2[%dma_wait3A_268, %dma_wait3A_269] : memref<50000x512xf32, #tpu.memory_space<hbm>> -> memref<50000x512xf32, #tpu.memory_space<hbm>>
    tpu.wait_indirect_dma semaphore(%arg21 : memref<!tpu.dma_semaphore, #tpu.memory_space<semaphore_mem>>) src(%dma_wait3A_270 : memref<50000x512xf32, #tpu.memory_space<hbm>>) dst(%arg17 : memref<64x512xf32, #tpu.memory_space<vmem>>)
    %add3A_271 = arith.constant 0 : i32
    %add3A_272 = arith.addi %mul3A_2, %add3A_271 : i32
    %dma_start3A_273 = arith.constant 0 : i32
    %dma_start3A_274 = tpu.memref_slice %arg7[%add3A_272, %dma_start3A_273] : memref<6144x512xf32, #tpu.memory_space<hbm>> -> memref<64x512xf32, #tpu.memory_space<hbm>>
    %dma_start3A_275 = arith.constant 0 : i32
    %dma_start3A_276 = tpu.memref_slice %arg7[%add3A_272, %dma_start3A_275] : memref<6144x512xf32, #tpu.memory_space<hbm>> -> memref<64x512xf32, #tpu.memory_space<hbm>>
    tpu.enqueue_dma source(%arg17 : memref<64x512xf32, #tpu.memory_space<vmem>>) target(%dma_start3A_276 : memref<64x512xf32, #tpu.memory_space<hbm>>) target_semaphore(%arg24 : memref<!tpu.dma_semaphore, #tpu.memory_space<semaphore_mem>>)
    %dma_wait3A_277 = arith.constant 0 : i32
    %dma_wait3A_278 = arith.constant 0 : i32
    %dma_wait3A_279 = tpu.memref_slice %arg2[%dma_wait3A_277, %dma_wait3A_278] : memref<50000x512xf32, #tpu.memory_space<hbm>> -> memref<50000x512xf32, #tpu.memory_space<hbm>>
    tpu.wait_indirect_dma semaphore(%arg22 : memref<!tpu.dma_semaphore, #tpu.memory_space<semaphore_mem>>) src(%dma_wait3A_279 : memref<50000x512xf32, #tpu.memory_space<hbm>>) dst(%arg18 : memref<64x512xf32, #tpu.memory_space<vmem>>)
    %add3A_280 = arith.constant 64 : i32
    %add3A_281 = arith.addi %mul3A_2, %add3A_280 : i32
    %dma_start3A_282 = arith.constant 0 : i32
    %dma_start3A_283 = tpu.memref_slice %arg7[%add3A_281, %dma_start3A_282] : memref<6144x512xf32, #tpu.memory_space<hbm>> -> memref<64x512xf32, #tpu.memory_space<hbm>>
    %dma_start3A_284 = arith.constant 0 : i32
    %dma_start3A_285 = tpu.memref_slice %arg7[%add3A_281, %dma_start3A_284] : memref<6144x512xf32, #tpu.memory_space<hbm>> -> memref<64x512xf32, #tpu.memory_space<hbm>>
    tpu.enqueue_dma source(%arg18 : memref<64x512xf32, #tpu.memory_space<vmem>>) target(%dma_start3A_285 : memref<64x512xf32, #tpu.memory_space<hbm>>) target_semaphore(%arg25 : memref<!tpu.dma_semaphore, #tpu.memory_space<semaphore_mem>>)
    %dma_wait3A_286 = arith.constant 0 : i32
    %dma_wait3A_287 = arith.constant 0 : i32
    %dma_wait3A_288 = tpu.memref_slice %arg2[%dma_wait3A_286, %dma_wait3A_287] : memref<50000x512xf32, #tpu.memory_space<hbm>> -> memref<50000x512xf32, #tpu.memory_space<hbm>>
    tpu.wait_indirect_dma semaphore(%arg23 : memref<!tpu.dma_semaphore, #tpu.memory_space<semaphore_mem>>) src(%dma_wait3A_288 : memref<50000x512xf32, #tpu.memory_space<hbm>>) dst(%arg19 : memref<64x512xf32, #tpu.memory_space<vmem>>)
    %add3A_289 = arith.constant 128 : i32
    %add3A_290 = arith.addi %mul3A_2, %add3A_289 : i32
    %dma_start3A_291 = arith.constant 0 : i32
    %dma_start3A_292 = tpu.memref_slice %arg7[%add3A_290, %dma_start3A_291] : memref<6144x512xf32, #tpu.memory_space<hbm>> -> memref<64x512xf32, #tpu.memory_space<hbm>>
    %dma_start3A_293 = arith.constant 0 : i32
    %dma_start3A_294 = tpu.memref_slice %arg7[%add3A_290, %dma_start3A_293] : memref<6144x512xf32, #tpu.memory_space<hbm>> -> memref<64x512xf32, #tpu.memory_space<hbm>>
    tpu.enqueue_dma source(%arg19 : memref<64x512xf32, #tpu.memory_space<vmem>>) target(%dma_start3A_294 : memref<64x512xf32, #tpu.memory_space<hbm>>) target_semaphore(%arg26 : memref<!tpu.dma_semaphore, #tpu.memory_space<semaphore_mem>>)
    %dma_wait3A_295 = arith.constant 0 : i32
    %dma_wait3A_296 = tpu.memref_slice %arg7[%add3A_272, %dma_wait3A_295] : memref<6144x512xf32, #tpu.memory_space<hbm>> -> memref<64x512xf32, #tpu.memory_space<hbm>>
    %dma_wait3A_297 = arith.constant 0 : i32
    %dma_wait3A_298 = tpu.memref_slice %arg7[%add3A_272, %dma_wait3A_297] : memref<6144x512xf32, #tpu.memory_space<hbm>> -> memref<64x512xf32, #tpu.memory_space<hbm>>
    tpu.wait_dma2 semaphore(%arg24 : memref<!tpu.dma_semaphore, #tpu.memory_space<semaphore_mem>>) src(%arg17 : memref<64x512xf32, #tpu.memory_space<vmem>>) dst(%dma_wait3A_298 : memref<64x512xf32, #tpu.memory_space<hbm>>)
    %dma_wait3A_299 = arith.constant 0 : i32
    %dma_wait3A_300 = tpu.memref_slice %arg7[%add3A_281, %dma_wait3A_299] : memref<6144x512xf32, #tpu.memory_space<hbm>> -> memref<64x512xf32, #tpu.memory_space<hbm>>
    %dma_wait3A_301 = arith.constant 0 : i32
    %dma_wait3A_302 = tpu.memref_slice %arg7[%add3A_281, %dma_wait3A_301] : memref<6144x512xf32, #tpu.memory_space<hbm>> -> memref<64x512xf32, #tpu.memory_space<hbm>>
    tpu.wait_dma2 semaphore(%arg25 : memref<!tpu.dma_semaphore, #tpu.memory_space<semaphore_mem>>) src(%arg18 : memref<64x512xf32, #tpu.memory_space<vmem>>) dst(%dma_wait3A_302 : memref<64x512xf32, #tpu.memory_space<hbm>>)
    %dma_wait3A_303 = arith.constant 0 : i32
    %dma_wait3A_304 = tpu.memref_slice %arg7[%add3A_290, %dma_wait3A_303] : memref<6144x512xf32, #tpu.memory_space<hbm>> -> memref<64x512xf32, #tpu.memory_space<hbm>>
    %dma_wait3A_305 = arith.constant 0 : i32
    %dma_wait3A_306 = tpu.memref_slice %arg7[%add3A_290, %dma_wait3A_305] : memref<6144x512xf32, #tpu.memory_space<hbm>> -> memref<64x512xf32, #tpu.memory_space<hbm>>
    tpu.wait_dma2 semaphore(%arg26 : memref<!tpu.dma_semaphore, #tpu.memory_space<semaphore_mem>>) src(%arg19 : memref<64x512xf32, #tpu.memory_space<vmem>>) dst(%dma_wait3A_306 : memref<64x512xf32, #tpu.memory_space<hbm>>)
    return
  }
}

module attributes {stable_mosaic.version = 14 : i64} {
  func.func @_mlp_body(%arg0: i32, %arg1: memref<512x512xf32, #tpu.memory_space<vmem>>, %arg2: memref<512x512xf32, #tpu.memory_space<vmem>>, %arg3: memref<512x512xf32, #tpu.memory_space<vmem>>, %arg4: memref<512x1024xf32, #tpu.memory_space<vmem>>, %arg5: memref<512x1024xf32, #tpu.memory_space<vmem>>, %arg6: memref<512x1024xf32, #tpu.memory_space<vmem>>, %arg7: memref<1x1024xf32, #tpu.memory_space<vmem>>, %arg8: memref<1x1024xf32, #tpu.memory_space<vmem>>, %arg9: memref<1x1xf32, #tpu.memory_space<vmem>>, %arg10: memref<512xf32, #tpu.memory_space<vmem>>) attributes {dimension_semantics = [#tpu.dimension_semantics<arbitrary>], iteration_bounds = array<i64: 8>, scalar_prefetch = 0 : i64, scratch_operands = 0 : i64, tpu.core_type = #tpu.core_type<tc>, window_params = [{transform_indices = @transform_0, window_bounds = array<i64: 512, 512>}, {transform_indices = @transform_1, window_bounds = array<i64: 512, 512>}, {transform_indices = @transform_2, window_bounds = array<i64: 512, 512>}, {transform_indices = @transform_3, window_bounds = array<i64: 512, 1024>}, {transform_indices = @transform_4, window_bounds = array<i64: 512, 1024>}, {transform_indices = @transform_5, window_bounds = array<i64: 512, 1024>}, {pipeline_mode = #tpu.pipeline_mode<synchronous>, transform_indices = @transform_6, window_bounds = array<i64: 1, 1024>}, {pipeline_mode = #tpu.pipeline_mode<synchronous>, transform_indices = @transform_7, window_bounds = array<i64: 1, 1024>}, {pipeline_mode = #tpu.pipeline_mode<synchronous>, transform_indices = @transform_8, window_bounds = array<i64: 1, 1>}, {transform_indices = @transform_9, window_bounds = array<i64: 512>}]} {
    %get3A = arith.constant 0 : index
    %get3A_0 = arith.constant 0 : index
    %get3A_1 = vector.load %arg1[%get3A, %get3A_0] : memref<512x512xf32, #tpu.memory_space<vmem>>, vector<512x512xf32>
    %convert_element_type3A = arith.truncf %get3A_1 : vector<512x512xf32> to vector<512x512xbf16>
    %get3A_2 = arith.constant 0 : index
    %get3A_3 = arith.constant 0 : index
    %get3A_4 = vector.load %arg4[%get3A_2, %get3A_3] : memref<512x1024xf32, #tpu.memory_space<vmem>>, vector<512x1024xf32>
    %convert_element_type3A_5 = arith.truncf %get3A_4 : vector<512x1024xf32> to vector<512x1024xbf16>
    %dot_general3A = arith.constant dense<0.000000e+00> : vector<512x1024xf32>
    %dot_general3A_6 = tpu.matmul %convert_element_type3A, %convert_element_type3A_5, %dot_general3A {dimension_numbers = #tpu.dot_dimension_numbers<[1], [0], [0], [1], [0, 0, 1, 1], [], []>, transpose_lhs_hint = false} : vector<512x512xbf16>, vector<512x1024xbf16>, vector<512x1024xf32> -> vector<512x1024xf32>
    %get3A_7 = arith.constant 0 : index
    %get3A_8 = arith.constant 0 : index
    %get3A_9 = vector.load %arg2[%get3A_7, %get3A_8] : memref<512x512xf32, #tpu.memory_space<vmem>>, vector<512x512xf32>
    %convert_element_type3A_10 = arith.truncf %get3A_9 : vector<512x512xf32> to vector<512x512xbf16>
    %get3A_11 = arith.constant 0 : index
    %get3A_12 = arith.constant 0 : index
    %get3A_13 = vector.load %arg5[%get3A_11, %get3A_12] : memref<512x1024xf32, #tpu.memory_space<vmem>>, vector<512x1024xf32>
    %convert_element_type3A_14 = arith.truncf %get3A_13 : vector<512x1024xf32> to vector<512x1024xbf16>
    %dot_general3A_15 = arith.constant dense<0.000000e+00> : vector<512x1024xf32>
    %dot_general3A_16 = tpu.matmul %convert_element_type3A_10, %convert_element_type3A_14, %dot_general3A_15 {dimension_numbers = #tpu.dot_dimension_numbers<[1], [0], [0], [1], [0, 0, 1, 1], [], []>, transpose_lhs_hint = false} : vector<512x512xbf16>, vector<512x1024xbf16>, vector<512x1024xf32> -> vector<512x1024xf32>
    %add3A = arith.addf %dot_general3A_6, %dot_general3A_16 : vector<512x1024xf32>
    %get3A_17 = arith.constant 0 : index
    %get3A_18 = arith.constant 0 : index
    %get3A_19 = vector.load %arg3[%get3A_17, %get3A_18] : memref<512x512xf32, #tpu.memory_space<vmem>>, vector<512x512xf32>
    %convert_element_type3A_20 = arith.truncf %get3A_19 : vector<512x512xf32> to vector<512x512xbf16>
    %get3A_21 = arith.constant 0 : index
    %get3A_22 = arith.constant 0 : index
    %get3A_23 = vector.load %arg6[%get3A_21, %get3A_22] : memref<512x1024xf32, #tpu.memory_space<vmem>>, vector<512x1024xf32>
    %convert_element_type3A_24 = arith.truncf %get3A_23 : vector<512x1024xf32> to vector<512x1024xbf16>
    %dot_general3A_25 = arith.constant dense<0.000000e+00> : vector<512x1024xf32>
    %dot_general3A_26 = tpu.matmul %convert_element_type3A_20, %convert_element_type3A_24, %dot_general3A_25 {dimension_numbers = #tpu.dot_dimension_numbers<[1], [0], [0], [1], [0, 0, 1, 1], [], []>, transpose_lhs_hint = false} : vector<512x512xbf16>, vector<512x1024xbf16>, vector<512x1024xf32> -> vector<512x1024xf32>
    %add3A_27 = arith.addf %add3A, %dot_general3A_26 : vector<512x1024xf32>
    %get3A_28 = arith.constant 0 : index
    %get3A_29 = arith.constant 0 : index
    %get3A_30 = vector.load %arg7[%get3A_28, %get3A_29] : memref<1x1024xf32, #tpu.memory_space<vmem>>, vector<1x1024xf32>
    %add3A_31 = vector.broadcast %get3A_30 : vector<1x1024xf32> to vector<512x1024xf32>
    %add3A_32 = arith.addf %add3A_27, %add3A_31 : vector<512x1024xf32>
    %max3A = arith.constant 0.000000e+00 : f32
    %max3A_33 = vector.broadcast %max3A : f32 to vector<512x1024xf32>
    %max3A_34 = arith.maximumf %add3A_32, %max3A_33 : vector<512x1024xf32>
    %get3A_35 = arith.constant 0 : index
    %get3A_36 = arith.constant 0 : index
    %get3A_37 = vector.load %arg8[%get3A_35, %get3A_36] : memref<1x1024xf32, #tpu.memory_space<vmem>>, vector<1x1024xf32>
    %mul3A = vector.broadcast %get3A_37 : vector<1x1024xf32> to vector<512x1024xf32>
    %mul3A_38 = arith.mulf %max3A_34, %mul3A : vector<512x1024xf32>
    %reduce_sum3A = arith.constant dense<0.000000e+00> : vector<512xf32>
    %reduce_sum3A_39 = vector.multi_reduction <add>, %mul3A_38, %reduce_sum3A [1] : vector<512x1024xf32> to vector<512xf32>
    %get3A_40 = arith.constant 0 : index
    %get3A_41 = arith.constant 0 : index
    %get3A_42 = vector.load %arg9[%get3A_40, %get3A_41] : memref<1x1xf32, #tpu.memory_space<vmem>>, vector<1x1xf32>
    %get3A_43 = vector.extract %get3A_42[0, 0] : f32 from vector<1x1xf32>
    %add3A_44 = vector.broadcast %get3A_43 : f32 to vector<512xf32>
    %add3A_45 = arith.addf %reduce_sum3A_39, %add3A_44 : vector<512xf32>
    %swap3A = arith.constant 0 : index
    %swap3A_46 = vector.load %arg10[%swap3A] : memref<512xf32, #tpu.memory_space<vmem>>, vector<512xf32>
    tpu.vector_store %arg10[%swap3A], %add3A_45 {strides = array<i32>} : memref<512xf32, #tpu.memory_space<vmem>>, vector<512xf32>,
    return
  }
  func.func @transform_0(%arg0: i32) -> (i32, i32) {
    %c0_i32 = arith.constant 0 : i32
    %c0_i32_0 = arith.constant 0 : i32
    return %arg0, %c0_i32 : i32, i32
  }
  func.func @transform_1(%arg0: i32) -> (i32, i32) {
    %c0_i32 = arith.constant 0 : i32
    %c0_i32_0 = arith.constant 0 : i32
    return %arg0, %c0_i32 : i32, i32
  }
  func.func @transform_2(%arg0: i32) -> (i32, i32) {
    %c0_i32 = arith.constant 0 : i32
    %c0_i32_0 = arith.constant 0 : i32
    return %arg0, %c0_i32 : i32, i32
  }
  func.func @transform_3(%arg0: i32) -> (i32, i32) {
    %c0_i32 = arith.constant 0 : i32
    %c0_i32_0 = arith.constant 0 : i32
    %c0_i32_1 = arith.constant 0 : i32
    return %c0_i32, %c0_i32_0 : i32, i32
  }
  func.func @transform_4(%arg0: i32) -> (i32, i32) {
    %c1_i32 = arith.constant 1 : i32
    %c0_i32 = arith.constant 0 : i32
    %c0_i32_0 = arith.constant 0 : i32
    return %c1_i32, %c0_i32 : i32, i32
  }
  func.func @transform_5(%arg0: i32) -> (i32, i32) {
    %c2_i32 = arith.constant 2 : i32
    %c0_i32 = arith.constant 0 : i32
    %c0_i32_0 = arith.constant 0 : i32
    return %c2_i32, %c0_i32 : i32, i32
  }
  func.func @transform_6(%arg0: i32) -> (i32, i32) {
    %c0_i32 = arith.constant 0 : i32
    %c0_i32_0 = arith.constant 0 : i32
    %c0_i32_1 = arith.constant 0 : i32
    return %c0_i32, %c0_i32_0 : i32, i32
  }
  func.func @transform_7(%arg0: i32) -> (i32, i32) {
    %c0_i32 = arith.constant 0 : i32
    %c0_i32_0 = arith.constant 0 : i32
    %c0_i32_1 = arith.constant 0 : i32
    return %c0_i32, %c0_i32_0 : i32, i32
  }
  func.func @transform_8(%arg0: i32) -> (i32, i32) {
    %c0_i32 = arith.constant 0 : i32
    %c0_i32_0 = arith.constant 0 : i32
    %c0_i32_1 = arith.constant 0 : i32
    return %c0_i32, %c0_i32_0 : i32, i32
  }
  func.func @transform_9(%arg0: i32) -> i32 {
    %c0_i32 = arith.constant 0 : i32
    return %arg0 : i32
  }
}

module attributes {stable_mosaic.version = 14 : i64} {
  func.func @_mlp_body(%arg0: i32, %arg1: memref<512x512xf32, #tpu.memory_space<vmem>>, %arg2: memref<512x512xf32, #tpu.memory_space<vmem>>, %arg3: memref<512x512xf32, #tpu.memory_space<vmem>>, %arg4: memref<512x1024xf32, #tpu.memory_space<vmem>>, %arg5: memref<512x1024xf32, #tpu.memory_space<vmem>>, %arg6: memref<512x1024xf32, #tpu.memory_space<vmem>>, %arg7: memref<1x1024xf32, #tpu.memory_space<vmem>>, %arg8: memref<1x1024xf32, #tpu.memory_space<vmem>>, %arg9: memref<1x1xf32, #tpu.memory_space<vmem>>, %arg10: memref<512xf32, #tpu.memory_space<vmem>>) attributes {dimension_semantics = [#tpu.dimension_semantics<arbitrary>], iteration_bounds = array<i64: 12>, scalar_prefetch = 0 : i64, scratch_operands = 0 : i64, tpu.core_type = #tpu.core_type<tc>, window_params = [{transform_indices = @transform_0, window_bounds = array<i64: 512, 512>}, {transform_indices = @transform_1, window_bounds = array<i64: 512, 512>}, {transform_indices = @transform_2, window_bounds = array<i64: 512, 512>}, {transform_indices = @transform_3, window_bounds = array<i64: 512, 1024>}, {transform_indices = @transform_4, window_bounds = array<i64: 512, 1024>}, {transform_indices = @transform_5, window_bounds = array<i64: 512, 1024>}, {pipeline_mode = #tpu.pipeline_mode<synchronous>, transform_indices = @transform_6, window_bounds = array<i64: 1, 1024>}, {pipeline_mode = #tpu.pipeline_mode<synchronous>, transform_indices = @transform_7, window_bounds = array<i64: 1, 1024>}, {pipeline_mode = #tpu.pipeline_mode<synchronous>, transform_indices = @transform_8, window_bounds = array<i64: 1, 1>}, {transform_indices = @transform_9, window_bounds = array<i64: 512>}]} {
    %get3A = arith.constant 0 : index
    %get3A_0 = arith.constant 0 : index
    %get3A_1 = vector.load %arg1[%get3A, %get3A_0] : memref<512x512xf32, #tpu.memory_space<vmem>>, vector<512x512xf32>
    %convert_element_type3A = arith.truncf %get3A_1 : vector<512x512xf32> to vector<512x512xbf16>
    %get3A_2 = arith.constant 0 : index
    %get3A_3 = arith.constant 0 : index
    %get3A_4 = vector.load %arg4[%get3A_2, %get3A_3] : memref<512x1024xf32, #tpu.memory_space<vmem>>, vector<512x1024xf32>
    %convert_element_type3A_5 = arith.truncf %get3A_4 : vector<512x1024xf32> to vector<512x1024xbf16>
    %dot_general3A = arith.constant dense<0.000000e+00> : vector<512x1024xf32>
    %dot_general3A_6 = tpu.matmul %convert_element_type3A, %convert_element_type3A_5, %dot_general3A {dimension_numbers = #tpu.dot_dimension_numbers<[1], [0], [0], [1], [0, 0, 1, 1], [], []>, transpose_lhs_hint = false} : vector<512x512xbf16>, vector<512x1024xbf16>, vector<512x1024xf32> -> vector<512x1024xf32>
    %get3A_7 = arith.constant 0 : index
    %get3A_8 = arith.constant 0 : index
    %get3A_9 = vector.load %arg2[%get3A_7, %get3A_8] : memref<512x512xf32, #tpu.memory_space<vmem>>, vector<512x512xf32>
    %convert_element_type3A_10 = arith.truncf %get3A_9 : vector<512x512xf32> to vector<512x512xbf16>
    %get3A_11 = arith.constant 0 : index
    %get3A_12 = arith.constant 0 : index
    %get3A_13 = vector.load %arg5[%get3A_11, %get3A_12] : memref<512x1024xf32, #tpu.memory_space<vmem>>, vector<512x1024xf32>
    %convert_element_type3A_14 = arith.truncf %get3A_13 : vector<512x1024xf32> to vector<512x1024xbf16>
    %dot_general3A_15 = arith.constant dense<0.000000e+00> : vector<512x1024xf32>
    %dot_general3A_16 = tpu.matmul %convert_element_type3A_10, %convert_element_type3A_14, %dot_general3A_15 {dimension_numbers = #tpu.dot_dimension_numbers<[1], [0], [0], [1], [0, 0, 1, 1], [], []>, transpose_lhs_hint = false} : vector<512x512xbf16>, vector<512x1024xbf16>, vector<512x1024xf32> -> vector<512x1024xf32>
    %add3A = arith.addf %dot_general3A_6, %dot_general3A_16 : vector<512x1024xf32>
    %get3A_17 = arith.constant 0 : index
    %get3A_18 = arith.constant 0 : index
    %get3A_19 = vector.load %arg3[%get3A_17, %get3A_18] : memref<512x512xf32, #tpu.memory_space<vmem>>, vector<512x512xf32>
    %convert_element_type3A_20 = arith.truncf %get3A_19 : vector<512x512xf32> to vector<512x512xbf16>
    %get3A_21 = arith.constant 0 : index
    %get3A_22 = arith.constant 0 : index
    %get3A_23 = vector.load %arg6[%get3A_21, %get3A_22] : memref<512x1024xf32, #tpu.memory_space<vmem>>, vector<512x1024xf32>
    %convert_element_type3A_24 = arith.truncf %get3A_23 : vector<512x1024xf32> to vector<512x1024xbf16>
    %dot_general3A_25 = arith.constant dense<0.000000e+00> : vector<512x1024xf32>
    %dot_general3A_26 = tpu.matmul %convert_element_type3A_20, %convert_element_type3A_24, %dot_general3A_25 {dimension_numbers = #tpu.dot_dimension_numbers<[1], [0], [0], [1], [0, 0, 1, 1], [], []>, transpose_lhs_hint = false} : vector<512x512xbf16>, vector<512x1024xbf16>, vector<512x1024xf32> -> vector<512x1024xf32>
    %add3A_27 = arith.addf %add3A, %dot_general3A_26 : vector<512x1024xf32>
    %get3A_28 = arith.constant 0 : index
    %get3A_29 = arith.constant 0 : index
    %get3A_30 = vector.load %arg7[%get3A_28, %get3A_29] : memref<1x1024xf32, #tpu.memory_space<vmem>>, vector<1x1024xf32>
    %add3A_31 = vector.broadcast %get3A_30 : vector<1x1024xf32> to vector<512x1024xf32>
    %add3A_32 = arith.addf %add3A_27, %add3A_31 : vector<512x1024xf32>
    %max3A = arith.constant 0.000000e+00 : f32
    %max3A_33 = vector.broadcast %max3A : f32 to vector<512x1024xf32>
    %max3A_34 = arith.maximumf %add3A_32, %max3A_33 : vector<512x1024xf32>
    %get3A_35 = arith.constant 0 : index
    %get3A_36 = arith.constant 0 : index
    %get3A_37 = vector.load %arg8[%get3A_35, %get3A_36] : memref<1x1024xf32, #tpu.memory_space<vmem>>, vector<1x1024xf32>
    %mul3A = vector.broadcast %get3A_37 : vector<1x1024xf32> to vector<512x1024xf32>
    %mul3A_38 = arith.mulf %max3A_34, %mul3A : vector<512x1024xf32>
    %reduce_sum3A = arith.constant dense<0.000000e+00> : vector<512xf32>
    %reduce_sum3A_39 = vector.multi_reduction <add>, %mul3A_38, %reduce_sum3A [1] : vector<512x1024xf32> to vector<512xf32>
    %get3A_40 = arith.constant 0 : index
    %get3A_41 = arith.constant 0 : index
    %get3A_42 = vector.load %arg9[%get3A_40, %get3A_41] : memref<1x1xf32, #tpu.memory_space<vmem>>, vector<1x1xf32>
    %get3A_43 = vector.extract %get3A_42[0, 0] : f32 from vector<1x1xf32>
    %add3A_44 = vector.broadcast %get3A_43 : f32 to vector<512xf32>
    %add3A_45 = arith.addf %reduce_sum3A_39, %add3A_44 : vector<512xf32>
    %swap3A = arith.constant 0 : index
    %swap3A_46 = vector.load %arg10[%swap3A] : memref<512xf32, #tpu.memory_space<vmem>>, vector<512xf32>
    tpu.vector_store %arg10[%swap3A], %add3A_45 {strides = array<i32>} : memref<512xf32, #tpu.memory_space<vmem>>, vector<512xf32>,
    return
  }
  func.func @transform_0(%arg0: i32) -> (i32, i32) {
    %c0_i32 = arith.constant 0 : i32
    %c0_i32_0 = arith.constant 0 : i32
    return %arg0, %c0_i32 : i32, i32
  }
  func.func @transform_1(%arg0: i32) -> (i32, i32) {
    %c0_i32 = arith.constant 0 : i32
    %c0_i32_0 = arith.constant 0 : i32
    return %arg0, %c0_i32 : i32, i32
  }
  func.func @transform_2(%arg0: i32) -> (i32, i32) {
    %c0_i32 = arith.constant 0 : i32
    %c0_i32_0 = arith.constant 0 : i32
    return %arg0, %c0_i32 : i32, i32
  }
  func.func @transform_3(%arg0: i32) -> (i32, i32) {
    %c0_i32 = arith.constant 0 : i32
    %c0_i32_0 = arith.constant 0 : i32
    %c0_i32_1 = arith.constant 0 : i32
    return %c0_i32, %c0_i32_0 : i32, i32
  }
  func.func @transform_4(%arg0: i32) -> (i32, i32) {
    %c1_i32 = arith.constant 1 : i32
    %c0_i32 = arith.constant 0 : i32
    %c0_i32_0 = arith.constant 0 : i32
    return %c1_i32, %c0_i32 : i32, i32
  }
  func.func @transform_5(%arg0: i32) -> (i32, i32) {
    %c2_i32 = arith.constant 2 : i32
    %c0_i32 = arith.constant 0 : i32
    %c0_i32_0 = arith.constant 0 : i32
    return %c2_i32, %c0_i32 : i32, i32
  }
  func.func @transform_6(%arg0: i32) -> (i32, i32) {
    %c0_i32 = arith.constant 0 : i32
    %c0_i32_0 = arith.constant 0 : i32
    %c0_i32_1 = arith.constant 0 : i32
    return %c0_i32, %c0_i32_0 : i32, i32
  }
  func.func @transform_7(%arg0: i32) -> (i32, i32) {
    %c0_i32 = arith.constant 0 : i32
    %c0_i32_0 = arith.constant 0 : i32
    %c0_i32_1 = arith.constant 0 : i32
    return %c0_i32, %c0_i32_0 : i32, i32
  }
  func.func @transform_8(%arg0: i32) -> (i32, i32) {
    %c0_i32 = arith.constant 0 : i32
    %c0_i32_0 = arith.constant 0 : i32
    %c0_i32_1 = arith.constant 0 : i32
    return %c0_i32, %c0_i32_0 : i32, i32
  }
  func.func @transform_9(%arg0: i32) -> i32 {
    %c0_i32 = arith.constant 0 : i32
    return %arg0 : i32
  }
}

module attributes {stable_mosaic.version = 14 : i64} {
  func.func @_mlp_body(%arg0: i32, %arg1: memref<512x512xf32, #tpu.memory_space<vmem>>, %arg2: memref<512x512xf32, #tpu.memory_space<vmem>>, %arg3: memref<512x512xf32, #tpu.memory_space<vmem>>, %arg4: memref<512x1024xf32, #tpu.memory_space<vmem>>, %arg5: memref<512x1024xf32, #tpu.memory_space<vmem>>, %arg6: memref<512x1024xf32, #tpu.memory_space<vmem>>, %arg7: memref<1x1024xf32, #tpu.memory_space<vmem>>, %arg8: memref<1x1024xf32, #tpu.memory_space<vmem>>, %arg9: memref<1x1xf32, #tpu.memory_space<vmem>>, %arg10: memref<512xf32, #tpu.memory_space<vmem>>) attributes {dimension_semantics = [#tpu.dimension_semantics<arbitrary>], iteration_bounds = array<i64: 4>, scalar_prefetch = 0 : i64, scratch_operands = 0 : i64, tpu.core_type = #tpu.core_type<tc>, window_params = [{transform_indices = @transform_0, window_bounds = array<i64: 512, 512>}, {transform_indices = @transform_1, window_bounds = array<i64: 512, 512>}, {transform_indices = @transform_2, window_bounds = array<i64: 512, 512>}, {transform_indices = @transform_3, window_bounds = array<i64: 512, 1024>}, {transform_indices = @transform_4, window_bounds = array<i64: 512, 1024>}, {transform_indices = @transform_5, window_bounds = array<i64: 512, 1024>}, {pipeline_mode = #tpu.pipeline_mode<synchronous>, transform_indices = @transform_6, window_bounds = array<i64: 1, 1024>}, {pipeline_mode = #tpu.pipeline_mode<synchronous>, transform_indices = @transform_7, window_bounds = array<i64: 1, 1024>}, {pipeline_mode = #tpu.pipeline_mode<synchronous>, transform_indices = @transform_8, window_bounds = array<i64: 1, 1>}, {transform_indices = @transform_9, window_bounds = array<i64: 512>}]} {
    %get3A = arith.constant 0 : index
    %get3A_0 = arith.constant 0 : index
    %get3A_1 = vector.load %arg1[%get3A, %get3A_0] : memref<512x512xf32, #tpu.memory_space<vmem>>, vector<512x512xf32>
    %convert_element_type3A = arith.truncf %get3A_1 : vector<512x512xf32> to vector<512x512xbf16>
    %get3A_2 = arith.constant 0 : index
    %get3A_3 = arith.constant 0 : index
    %get3A_4 = vector.load %arg4[%get3A_2, %get3A_3] : memref<512x1024xf32, #tpu.memory_space<vmem>>, vector<512x1024xf32>
    %convert_element_type3A_5 = arith.truncf %get3A_4 : vector<512x1024xf32> to vector<512x1024xbf16>
    %dot_general3A = arith.constant dense<0.000000e+00> : vector<512x1024xf32>
    %dot_general3A_6 = tpu.matmul %convert_element_type3A, %convert_element_type3A_5, %dot_general3A {dimension_numbers = #tpu.dot_dimension_numbers<[1], [0], [0], [1], [0, 0, 1, 1], [], []>, transpose_lhs_hint = false} : vector<512x512xbf16>, vector<512x1024xbf16>, vector<512x1024xf32> -> vector<512x1024xf32>
    %get3A_7 = arith.constant 0 : index
    %get3A_8 = arith.constant 0 : index
    %get3A_9 = vector.load %arg2[%get3A_7, %get3A_8] : memref<512x512xf32, #tpu.memory_space<vmem>>, vector<512x512xf32>
    %convert_element_type3A_10 = arith.truncf %get3A_9 : vector<512x512xf32> to vector<512x512xbf16>
    %get3A_11 = arith.constant 0 : index
    %get3A_12 = arith.constant 0 : index
    %get3A_13 = vector.load %arg5[%get3A_11, %get3A_12] : memref<512x1024xf32, #tpu.memory_space<vmem>>, vector<512x1024xf32>
    %convert_element_type3A_14 = arith.truncf %get3A_13 : vector<512x1024xf32> to vector<512x1024xbf16>
    %dot_general3A_15 = arith.constant dense<0.000000e+00> : vector<512x1024xf32>
    %dot_general3A_16 = tpu.matmul %convert_element_type3A_10, %convert_element_type3A_14, %dot_general3A_15 {dimension_numbers = #tpu.dot_dimension_numbers<[1], [0], [0], [1], [0, 0, 1, 1], [], []>, transpose_lhs_hint = false} : vector<512x512xbf16>, vector<512x1024xbf16>, vector<512x1024xf32> -> vector<512x1024xf32>
    %add3A = arith.addf %dot_general3A_6, %dot_general3A_16 : vector<512x1024xf32>
    %get3A_17 = arith.constant 0 : index
    %get3A_18 = arith.constant 0 : index
    %get3A_19 = vector.load %arg3[%get3A_17, %get3A_18] : memref<512x512xf32, #tpu.memory_space<vmem>>, vector<512x512xf32>
    %convert_element_type3A_20 = arith.truncf %get3A_19 : vector<512x512xf32> to vector<512x512xbf16>
    %get3A_21 = arith.constant 0 : index
    %get3A_22 = arith.constant 0 : index
    %get3A_23 = vector.load %arg6[%get3A_21, %get3A_22] : memref<512x1024xf32, #tpu.memory_space<vmem>>, vector<512x1024xf32>
    %convert_element_type3A_24 = arith.truncf %get3A_23 : vector<512x1024xf32> to vector<512x1024xbf16>
    %dot_general3A_25 = arith.constant dense<0.000000e+00> : vector<512x1024xf32>
    %dot_general3A_26 = tpu.matmul %convert_element_type3A_20, %convert_element_type3A_24, %dot_general3A_25 {dimension_numbers = #tpu.dot_dimension_numbers<[1], [0], [0], [1], [0, 0, 1, 1], [], []>, transpose_lhs_hint = false} : vector<512x512xbf16>, vector<512x1024xbf16>, vector<512x1024xf32> -> vector<512x1024xf32>
    %add3A_27 = arith.addf %add3A, %dot_general3A_26 : vector<512x1024xf32>
    %get3A_28 = arith.constant 0 : index
    %get3A_29 = arith.constant 0 : index
    %get3A_30 = vector.load %arg7[%get3A_28, %get3A_29] : memref<1x1024xf32, #tpu.memory_space<vmem>>, vector<1x1024xf32>
    %add3A_31 = vector.broadcast %get3A_30 : vector<1x1024xf32> to vector<512x1024xf32>
    %add3A_32 = arith.addf %add3A_27, %add3A_31 : vector<512x1024xf32>
    %max3A = arith.constant 0.000000e+00 : f32
    %max3A_33 = vector.broadcast %max3A : f32 to vector<512x1024xf32>
    %max3A_34 = arith.maximumf %add3A_32, %max3A_33 : vector<512x1024xf32>
    %get3A_35 = arith.constant 0 : index
    %get3A_36 = arith.constant 0 : index
    %get3A_37 = vector.load %arg8[%get3A_35, %get3A_36] : memref<1x1024xf32, #tpu.memory_space<vmem>>, vector<1x1024xf32>
    %mul3A = vector.broadcast %get3A_37 : vector<1x1024xf32> to vector<512x1024xf32>
    %mul3A_38 = arith.mulf %max3A_34, %mul3A : vector<512x1024xf32>
    %reduce_sum3A = arith.constant dense<0.000000e+00> : vector<512xf32>
    %reduce_sum3A_39 = vector.multi_reduction <add>, %mul3A_38, %reduce_sum3A [1] : vector<512x1024xf32> to vector<512xf32>
    %get3A_40 = arith.constant 0 : index
    %get3A_41 = arith.constant 0 : index
    %get3A_42 = vector.load %arg9[%get3A_40, %get3A_41] : memref<1x1xf32, #tpu.memory_space<vmem>>, vector<1x1xf32>
    %get3A_43 = vector.extract %get3A_42[0, 0] : f32 from vector<1x1xf32>
    %add3A_44 = vector.broadcast %get3A_43 : f32 to vector<512xf32>
    %add3A_45 = arith.addf %reduce_sum3A_39, %add3A_44 : vector<512xf32>
    %swap3A = arith.constant 0 : index
    %swap3A_46 = vector.load %arg10[%swap3A] : memref<512xf32, #tpu.memory_space<vmem>>, vector<512xf32>
    tpu.vector_store %arg10[%swap3A], %add3A_45 {strides = array<i32>} : memref<512xf32, #tpu.memory_space<vmem>>, vector<512xf32>,
    return
  }
  func.func @transform_0(%arg0: i32) -> (i32, i32) {
    %c0_i32 = arith.constant 0 : i32
    %c0_i32_0 = arith.constant 0 : i32
    return %arg0, %c0_i32 : i32, i32
  }
  func.func @transform_1(%arg0: i32) -> (i32, i32) {
    %c0_i32 = arith.constant 0 : i32
    %c0_i32_0 = arith.constant 0 : i32
    return %arg0, %c0_i32 : i32, i32
  }
  func.func @transform_2(%arg0: i32) -> (i32, i32) {
    %c0_i32 = arith.constant 0 : i32
    %c0_i32_0 = arith.constant 0 : i32
    return %arg0, %c0_i32 : i32, i32
  }
  func.func @transform_3(%arg0: i32) -> (i32, i32) {
    %c0_i32 = arith.constant 0 : i32
    %c0_i32_0 = arith.constant 0 : i32
    %c0_i32_1 = arith.constant 0 : i32
    return %c0_i32, %c0_i32_0 : i32, i32
  }
  func.func @transform_4(%arg0: i32) -> (i32, i32) {
    %c1_i32 = arith.constant 1 : i32
    %c0_i32 = arith.constant 0 : i32
    %c0_i32_0 = arith.constant 0 : i32
    return %c1_i32, %c0_i32 : i32, i32
  }
  func.func @transform_5(%arg0: i32) -> (i32, i32) {
    %c2_i32 = arith.constant 2 : i32
    %c0_i32 = arith.constant 0 : i32
    %c0_i32_0 = arith.constant 0 : i32
    return %c2_i32, %c0_i32 : i32, i32
  }
  func.func @transform_6(%arg0: i32) -> (i32, i32) {
    %c0_i32 = arith.constant 0 : i32
    %c0_i32_0 = arith.constant 0 : i32
    %c0_i32_1 = arith.constant 0 : i32
    return %c0_i32, %c0_i32_0 : i32, i32
  }
  func.func @transform_7(%arg0: i32) -> (i32, i32) {
    %c0_i32 = arith.constant 0 : i32
    %c0_i32_0 = arith.constant 0 : i32
    %c0_i32_1 = arith.constant 0 : i32
    return %c0_i32, %c0_i32_0 : i32, i32
  }
  func.func @transform_8(%arg0: i32) -> (i32, i32) {
    %c0_i32 = arith.constant 0 : i32
    %c0_i32_0 = arith.constant 0 : i32
    %c0_i32_1 = arith.constant 0 : i32
    return %c0_i32, %c0_i32_0 : i32, i32
  }
  func.func @transform_9(%arg0: i32) -> i32 {
    %c0_i32 = arith.constant 0 : i32
    return %arg0 : i32
  }
}

</mosaic_0001>

<sc_bundles>
// kernel: kernel.10.cloned.1.call-start
scs
__scs_entry_jumppad:
0x0: {  	(pc) =	sbr.rel $0x88, $3  }
0x1: {  	(tag) =	ssettag $0x0;
	lr =	simm.s32 $0x1  }
0x2: {  	[smem:$0x3F9A] =	sst lr;
	_ =	strace $0xD0000000  }
0x3: {  	_ = 	snop  }
0x4: {  	_ = 	snop  }
0x5: {  	_ = 	snop  }
0x6: {  	_ = 	snop  }
0x7: {  	_ = 	snop  }
__scs_overlays_trampoline_lowered:
0x8: {  	[smem:$0x3FA9] =	sst s0  }
0x9: {  	[smem:$0x3FAA] =	sst s1  }
0xa: {  	[smem:$0x3FAB] =	sst s2  }
0xb: {  	[smem:$0x3FAC] =	sst s3  }
0xc: {  	[smem:$0x3FAD] =	sst s4  }
0xd: {  	[smem:$0x3FAE] =	sst s5  }
0xe: {  	[smem:$0x3FAF] =	sst s6  }
0xf: {  	[smem:$0x3FB0] =	sst s7  }
0x10: {  	[smem:$0x3FB1] =	sst s8  }
0x11: {  	[smem:$0x3FB2] =	sst s9;
	s0 =	simm.s32 @!p0 $0x0  }
0x12: {  	s1 =	sld [smem:$0x3F98];
	s0 =	simm.s32 @p0 $0x1  }
0x13: {  	[smem:$0x3FB3] =	sst s0;
	s0 =	simm.s32 @!p1 $0x0  }
0x14: {  	s2 =	sld [smem:$0x3F97];
	s0 =	simm.s32 @p1 $0x1  }
0x15: {  	[smem:$0x3FB4] =	sst s0;
	s0 =	simm.s32 @!p2 $0x0  }
0x16: {  	s3 =	sld [smem:$0x3FDB];
	s0 =	simm.s32 @p2 $0x1  }
0x17: {  	s4 =	simm.s32 $0x1BF5;
	[smem:$0x3FB6] =	sst s0  }
0x18: {  	s0 =	sld [smem:$0x3F99];
	_ =	swait.ge [sflag:s4], $0x0  }
0x19: {  	s7 =	sld [smem:$0x3F9A]  }
0x1a: {  	s8 =	sadd.s32 $0xFFFFE003, lr  }
0x1b: {  	s9 =	sadd.s32 $0xFFFFFEF7, lr;
	s5 =	simm.s32 $0xFFFFFFFF;
	p2 =	slt.u32 s8, $0xFFFFF086  }
0x1c: {  	p1 =	slt.u32 s9, $0xF7A;
	s5 =	simm.s32 @!p2 $0x0  }
0x1d: {  	s5 =	simm.s32 @p1 $0x1;
	p0 =	seq.s32 s7, s2  }
0x1e: {  	s7 =	smul.u32 @!p0 $0xF7A, s2;
	p2 =	seq.s32 @!p0 s5, $0x0  }
0x1f: {  	s9 =	smul.u32 $0xF7A, s1;
	s8 =	simm.s32 @!p0 $0x1BF5;
	p2 =	por !p2, p0  }
0x20: {  	[sflag:s8] =	ssyncset.s32 @!p0 $0xFFFFF086;
	s6 =	sadd.s32 @!p0 s3, s7;
	s7 =	simm.s32 @!p0 $0x108  }
0x21: {  	s3 =	sadd.s32 s3, s9;
	s6 =	sadd.s32 @!p0 $0x88, s6;
	s7 =	simm.s32 @p2 $0x1082  }
0x22: {  	[simem:s7], [sflag:s8] =	dma.local @!p0 [hbm:s6], $0xF7A  }
0x23: {  	s9 =	sor.u32 $0xD0000000, s2;
	s6 =	simm.s32 $0x108;
	_ =	swait.ge @!p0 [sflag:s8], $0x0  }
0x24: {  	s3 =	sadd.s32 $0x88, s3;
	s6 =	simm.s32 @!p1 $0x1082;
	[sflag:s4] =	ssyncset.s32 $0xFFFFF086  }
0x25: {  	[simem:s6], [sflag:s4] =	dma.local [hbm:s3], $0xF7A  }
0x26: {  	[smem:$0x3F9A] =	sst s1;
	(tag) =	ssettag s2;
	_ =	strace s9  }
0x27: {  	s1 =	sld [smem:$0x3FAA]  }
0x28: {  	s2 =	sld [smem:$0x3FAB]  }
0x29: {  	s4 =	sld [smem:$0x3FAD]  }
0x2a: {  	p0 =	seq.s32 s5, $0x0;
	s5 =	sld [smem:$0x3FAE]  }
0x2b: {  	s6 =	sld [smem:$0x3FAF]  }
0x2c: {  	s7 =	sld [smem:$0x3FB0]  }
0x2d: {  	s3 =	simm.s32 $0x108;
	s8 =	sld [smem:$0x3FB1]  }
0x2e: {  	s3 =	simm.s32 @!p0 $0x1082;
	s9 =	sld [smem:$0x3FB2]  }
0x2f: {  	lr =	sadd.s32 s0, s3;
	s0 =	sld [smem:$0x3FA9]  }
0x30: {  	s3 =	sld [smem:$0x3FAC]  }
0x31: {  	[smem:$0x3FB5] =	sst s10  }
0x32: {  	s10 =	sld [smem:$0x3FB3];
	_ =	sdelay $0x3  }
0x33: {  	p0 =	seq.s32 s10, $0x1;
	s10 =	sld [smem:$0x3FB5];
	_ =	sdelay $0x3  }
0x34: {  	[smem:$0x3FB5] =	sst s10  }
0x35: {  	s10 =	sld [smem:$0x3FB4];
	_ =	sdelay $0x3  }
0x36: {  	p1 =	seq.s32 s10, $0x1;
	s10 =	sld [smem:$0x3FB5];
	_ =	sdelay $0x3  }
0x37: {  	[smem:$0x3FB5] =	sst s10  }
0x38: {  	s10 =	sld [smem:$0x3FB6]  }
0x39: {  	_ = 	snop;
	(pc) =	sbr.ind lr, $3  }
0x3a: {  	_ = 	snop  }
0x3b: {  	_ = 	snop  }
0x3c: {  	p2 =	seq.s32 s10, $0x1;
	s10 =	sld [smem:$0x3FB5]  }
0x3d: {  	_ =	shalt  }
0x3e: {  	_ =	shalt  }
0x3f: {  	_ =	shalt  }
0x40: {  	_ =	shalt  }
0x41: {  	_ =	shalt  }
0x42: {  	_ =	shalt  }
0x43: {  	_ =	shalt  }
0x44: {  	_ =	shalt  }
0x45: {  	_ =	shalt  }
0x46: {  	_ =	shalt  }
0x47: {  	_ =	shalt  }
0x48: {  	_ =	shalt  }
0x49: {  	_ =	shalt  }
0x4a: {  	_ =	shalt  }
0x4b: {  	_ =	shalt  }
0x4c: {  	_ =	shalt  }
0x4d: {  	_ =	shalt  }
0x4e: {  	_ =	shalt  }
0x4f: {  	_ =	shalt  }
0x50: {  	_ =	shalt  }
0x51: {  	_ =	shalt  }
0x52: {  	_ =	shalt  }
0x53: {  	_ =	shalt  }
0x54: {  	_ =	shalt  }
0x55: {  	_ =	shalt  }
0x56: {  	_ =	shalt  }
0x57: {  	_ =	shalt  }
0x58: {  	_ =	shalt  }
0x59: {  	_ =	shalt  }
0x5a: {  	_ =	shalt  }
0x5b: {  	_ =	shalt  }
0x5c: {  	_ =	shalt  }
0x5d: {  	_ =	shalt  }
0x5e: {  	_ =	shalt  }
0x5f: {  	_ =	shalt  }
0x60: {  	_ =	shalt  }
0x61: {  	_ =	shalt  }
0x62: {  	_ =	shalt  }
0x63: {  	_ =	shalt  }
0x64: {  	_ =	shalt  }
0x65: {  	_ =	shalt  }
0x66: {  	_ =	shalt  }
0x67: {  	_ =	shalt  }
0x68: {  	_ =	shalt  }
0x69: {  	_ =	shalt  }
0x6a: {  	_ =	shalt  }
0x6b: {  	_ =	shalt  }
0x6c: {  	_ =	shalt  }
0x6d: {  	_ =	shalt  }
0x6e: {  	_ =	shalt  }
0x6f: {  	_ =	shalt  }
0x70: {  	_ =	shalt  }
0x71: {  	_ =	shalt  }
0x72: {  	_ =	shalt  }
0x73: {  	_ =	shalt  }
0x74: {  	_ =	shalt  }
0x75: {  	_ =	shalt  }
0x76: {  	_ =	shalt  }
0x77: {  	_ =	shalt  }
0x78: {  	_ =	shalt  }
0x79: {  	_ =	shalt  }
0x7a: {  	_ =	shalt  }
0x7b: {  	_ =	shalt  }
0x7c: {  	_ =	shalt  }
0x7d: {  	_ =	shalt  }
0x7e: {  	_ =	shalt  }
0x7f: {  	_ =	shalt  }
0x80: {  	_ =	shalt  }
0x81: {  	_ =	shalt  }
0x82: {  	_ =	shalt  }
0x83: {  	_ =	shalt  }
0x84: {  	_ =	shalt  }
0x85: {  	_ =	shalt  }
0x86: {  	_ =	shalt  }
0x87: {  	_ =	shalt  }
.Lfunc_end0:
.L_simem_size_0:
called_computation_lowered:
.L_overlay_start_0:
0x88: {  	s2 =	sld [smem:$0x3FD9]  }
0x89: {  	s3 =	sld [smem:$0x3FFE];
	_ =	sdelay $0x1  }
0x8a: {  	s1 =	srdreg.scid  }
0x8b: {  	s0 =	sand.u32 $0x1, s1  }
0x8c: {  	s17 =	sshll.u32 s0, $0xA;
	s2 =	sadd.s32 s3, s2  }
0x8d: {  	s2 =	sadd.s32 s2, s17  }
0x8e: {  	[smem:$0x3FC1] =	sst s2  }
0x8f: {  	_ = 	snop  }
0x90: {  	s18 =	sld [smem:$0x3FC9]  }
0x91: {  	s4 =	sld [smem:$0x3FC7];
	(tm) =	ssettm $0x1  }
0x92: {  	s19 =	sld [smem:$0x3FFB];
	_ =	sdelay $0x3  }
0x93: {  	_ =	strace s19  }
0x94: {  	s2 =	sld [smem:$0x3FFC];
	_ =	sdelay $0x3  }
0x95: {  	_ =	strace s2  }
0x96: {  	s2 =	sld [smem:$0x3FFD];
	_ =	sdelay $0x3  }
0x97: {  	_ =	strace s2  }
0x98: {  	_ =	strace $0x8FFFFFFF  }
0x99: {  	s20 =	sld [smem:$0x3FDB];
	_ =	sdelay $0x1  }
0x9a: {  	s5 =	simm.s32 $_scs_section_size  }
0x9b: {  	s6 =	simm.s32 $_size__tile_overlayer_lowered;
	s7 =	simm.s32 $_tile_overlayer_lowered  }
0x9c: {  	s8 =	simm.s32 $0x1BFF;
	s21 =	sshll.u32 s7, $0x1;
	s5 =	sadd.s32 s5, s20  }
0x9d: {  	s22 =	simm.s32 $0x0;
	s6 =	sshll.u32 s6, $0x1;
	s7 =	sadd.s32 s21, s5  }
0x9e: {  	[timem:s22], [sflag:s8] =	dma.local [hbm:s7], s6  }
0x9f: {  	_ =	swait.ge [sflag:s8], s6  }
0xa0: {  	s6 =	ssub.s32 $0x0, s6;
	[sflag:s8] =	ssyncset.done $0x0  }
0xa1: {  	[sflag:s8] =	ssyncadd.s32 s6;
	_ =	sdelay $0x1  }
0xa2: {  	s23 =	simm.s32 $0x1B8B  }
0xa3: {  	_ =	swait.ge [sflag:s23], $0x1  }
0xa4: {  	[sflag:s23] =	ssyncset.done $0x0  }
0xa5: {  	[sflag:s23] =	ssyncadd.s32 $0xFFFFFFFF  }
0xa6: {  	s6 =	sld [smem:$0x0]  }
0xa7: {  	s7 =	sand.u32 $0xFFFFFFFE, s1  }
0xa8: {  	p0 =	sne.s32 s1, s7  }
0xa9: {  	s7 =	sshll.u32 @p0 s7, $0xE  }
0xaa: {  	s7 =	sadd.s32 @p0 $0x11B8D, s7;
	s8 =	sshll.u32 @p0 s6, $0x11  }
0xab: {  	s7 =	sor.u32 @p0 s8, s7  }
0xac: {  	[sflag:s7] =	ssyncadd.remote.s32 @p0 $0x1;
	_ =	sdelay $0x1  }
0xad: {  	s7 =	simm.s32 @p0 $0x1B8D  }
0xae: {  	_ =	swait.eq @p0 [sflag:s7], $0x1  }
0xaf: {  	[sflag:s7] =	ssyncadd.s32 @p0 $0xFFFFFFFF  }
0xb0: {  	s8 =	sshll.u32 @!p0 s1, $0xE  }
0xb1: {  	s8 =	sor.u32 @!p0 $0x4000, s8;
	s7 =	simm.s32 @!p0 $0x1B8D  }
0xb2: {  	s6 =	sshll.u32 @!p0 s6, $0x11;
	s8 =	sadd.s32 @!p0 $0x11B8D, s8;
	_ =	swait.eq @!p0 [sflag:s7], $0x1  }
0xb3: {  	s6 =	sor.u32 @!p0 s6, s8;
	[sflag:s7] =	ssyncadd.s32 @!p0 $0xFFFFFFFF  }
0xb4: {  	s25 =	simm.s32 $0x1B8E;
	s24 =	sld [smem:$0x3FFE];
	[sflag:s6] =	ssyncadd.remote.s32 @!p0 $0x1  }
0xb5: {  	s26 =	simm.s32 $execute0_lowered;
	[smem:$0x3FD2] =	sst s25  }
0xb6: {  	s7 =	sshll.u32 s26, $0x1;
	_ =	strace $0x8000004C;
	[dreg:$0x1] =	wrdreg $0xFFFFFFFF  }
0xb7: {  	s28 =	simm.s32 $_size_execute0_lowered;
	s5 =	sadd.s32 s5, s7;
	[dreg:$0x0] =	wrdreg $0x0  }
0xb8: {  	s7 =	sshll.u32 s28, $0x1;
	[dreg:$0x2] =	wrdreg s5  }
0xb9: {  	[dreg:$0x3] =	wrdreg s7  }
0xba: {  	[dreg:$0x4] =	wrdreg $0xC0  }
0xbb: {  	_ =	task [dreg:s22], $0x5FFFF  }
0xbc: {  	[dreg:$0x1] =	wrdreg $0xFFFFFFFF  }
0xbd: {  	[dreg:$0x0] =	wrdreg $0x60  }
0xbe: {  	[dreg:$0x2] =	wrdreg s18  }
0xbf: {  	[dreg:$0x3] =	wrdreg s4  }
0xc0: {  	[dreg:$0x4] =	wrdreg s24  }
0xc1: {  	[dreg:$0x5] =	wrdreg $0x9  }
0xc2: {  	_ =	task.clear_ibuf [dreg:s22], $0x6FFFF;
	_ =	strace $0x9000004C  }
0xc3: {  	s29 =	simm.s32 $0x9;
	_ =	strace $0x8000004E  }
0xc4: {  	_ =	swait.ge [sflag:s29], $0x1  }
0xc5: {  	[sflag:s29] =	ssyncadd.s32 $0xFFFFFFFF  }
0xc6: {  	_ =	strace $0x9000004E  }
0xc7: {  	_ =	sfence  }
0xc8: {  	s30 =	sld [smem:$0x0];
	_ =	sdelay $0x2  }
0xc9: {  	s31 =	sshll.u32 s1, $0xD;
	s1 =	sshrl.u32 s1, $0x2  }
0xca: {  	s4 =	sand.u32 $0x4000, s31;
	s1 =	sadd.s32 s1, s30  }
0xcb: {  	s0 =	sor.u32 s4, s0;
	s1 =	sshll.u32 s1, $0x11  }
0xcc: {  	s0 =	sor.u32 s1, s0  }
0xcd: {  	s0 =	sadd.s32 $0x8F2B, s0  }
0xce: {  	[sflag:s0] =	ssyncadd.remote.s32 $0x1  }
0xcf: {  	_ =	sfence.sel $0xFFFF  }
0xd0: {  	[dreg:$0x0] =	wrdreg $0xFFFFFFFF;
	(pc) =	sbr.abs _section_cstart, $3  }
0xd1: {  	[dreg:$0x1] =	wrdreg $0xFFFFFFFF  }
0xd2: {  	_ =	task.clear_ibuf [dreg:s22], $0x2FFFF;
	_ =	strace $0x9FFFFFFF  }
0xd3: {  	(tm) =	ssettm $0x7FFFFFFF  }
tec
execute0_lowered:
.L_overlay_start_1:
0x0: {  	(tag) =	ssettag $0x1  }
0x1: {  	s0 =	srdreg.scid;
	s1 =	rddreg [dreg:$0x0]  }
0x2: {  	s2 =	stileid.u32;
	s5 =	rddreg [dreg:$0x2];
	s4 =	simm.s32 $0x0  }
0x3: {  	s28 =	simm.s32 $0x3C80;
	s0 =	sand.u32 $0x1, s0;
	s2 =	sshll.u32 s2, $0x1  }
0x4: {  	s29 =	simm.s32 $0x4480;
	s30 =	simm.s32 $0x4C80;
	s2 =	sor.u32 s0, s2  }
0x5: {  	s31 =	simm.s32 $0x5480;
	s15 =	sadd.s32 $0x185600, s5;
	s6 =	smul.u32 $0x480, s2  }
0x6: {  	[smem:$0x7FF] =	sst s4;
	s10 =	sadd.s32 $0x186800, s5;
	s22 =	smul.u32 $0x18000, s2  }
0x7: {  	s11 =	sadd.s32 $0x1E6800, s5;
	s7 =	sshll.u32 s2, $0x7;
	s2 =	smul.u32 $0x3000, s2  }
0x8: {  	s3 =	rddreg [dreg:$0x1];
	s5 =	sadd.s32 $0x246800, s5;
	_ =	strace $0x8000004D  }
0x9: {  	s0 =	ssub.s32 $0x2, s0;
	s7 =	sand.u32 $0x380, s7;
	s25 =	sadd.s32 s10, s2  }
0xa: {  	s8 =	sand.u32 $0xFC00, s6;
	s13 =	sadd.s32 s11, s2;
	[dreg:$0xd] =	wrdreg s25  }
0xb: {  	s6 =	sshrl.u32 s6, $0x3;
	s2 =	sadd.s32 s5, s2;
	[dreg:$0x10] =	wrdreg s13  }
0xc: {  	s6 =	sadd.s32 s15, s6;
	[dreg:$0x13] =	wrdreg s2;
	s25 =	simm.s32 $0x380  }
0xd: {  	s24 =	sshrl.u32 s22, $0x3;
	s16 =	sadd.s32 $0x10, s6;
	[dreg:$0x1c] =	wrdreg s25  }
0xe: {  	s22 =	sshrl.u32 s0, $0x1;
	s17 =	sadd.s32 $0x20, s6;
	[dreg:$0x5] =	wrdreg s16  }
0xf: {  	s7 =	sor.u32 s7, s8;
	s18 =	sadd.s32 $0x30, s6;
	[dreg:$0x6] =	wrdreg s17  }
0x10: {  	s26 =	sadd.s32 $0x1000, s24;
	s19 =	sadd.s32 $0x40, s6;
	[dreg:$0x7] =	wrdreg s18  }
0x11: {  	s0 =	ssub.s32 s0, s22;
	s20 =	sadd.s32 $0x50, s6;
	[dreg:$0x8] =	wrdreg s19  }
0x12: {  	s8 =	simm.s32 $0x1;
	s21 =	sadd.s32 $0x60, s6;
	[dreg:$0x9] =	wrdreg s20  }
0x13: {  	s13 =	simm.s32 $0x5;
	s6 =	sadd.s32 $0x70, s6;
	[dreg:$0xa] =	wrdreg s21  }
0x14: {  	s9 =	sshrl.u32 s7, $0x3;
	s14 =	sadd.s32 s11, s26;
	[dreg:$0xb] =	wrdreg s6  }
0x15: {  	s7 =	sadd.s32 $0x400, s7;
	s9 =	sadd.s32 s15, s9;
	[dreg:$0x11] =	wrdreg s14  }
0x16: {  	s25 =	simm.s32 $0x480;
	s16 =	sadd.s32 s5, s26;
	[dreg:$0x4] =	wrdreg s9  }
0x17: {  	s7 =	sshrl.u32 s7, $0x3;
	s18 =	simm.s32 $0x80;
	[dreg:$0x14] =	wrdreg s16  }
0x18: {  	s19 =	simm.s32 $0x100;
	s20 =	simm.s32 $0x180;
	[dreg:$0x16] =	wrdreg s18  }
0x19: {  	s21 =	simm.s32 $0x200;
	s6 =	sadd.s32 $0x100, s3;
	[dreg:$0x17] =	wrdreg s19  }
0x1a: {  	s14 =	simm.s32 $0x3;
	s23 =	sadd.s32 s15, s7;
	[dreg:$0x18] =	wrdreg s20  }
0x1b: {  	s9 =	sadd.s32 s10, s26;
	s7 =	sadd.s32 $0x2000, s24;
	[dreg:$0x19] =	wrdreg s21  }
0x1c: {  	s24 =	simm.s32 $0x300;
	s26 =	simm.s32 $0x400;
	[dreg:$0xc] =	wrdreg s23  }
0x1d: {  	s16 =	simm.s32 $0x4;
	s18 =	simm.s32 $0x8480;
	[dreg:$0xe] =	wrdreg s9  }
0x1e: {  	s12 =	sadd.s32 s10, s7;
	s15 =	sadd.s32 s11, s7;
	[dreg:$0x1b] =	wrdreg s24  }
0x1f: {  	s17 =	sadd.s32 s5, s7;
	s23 =	simm.s32 $0x280;
	[dreg:$0x1d] =	wrdreg s26  }
0x20: {  	s5 =	sadd.s32 $0x100, s1;
	s7 =	smax.u32 s0, $0x1;
	[dreg:$0xf] =	wrdreg s12  }
0x21: {  	s24 =	simm.s32 $0x2C80;
	s26 =	simm.s32 $0x3480;
	[dreg:$0x12] =	wrdreg s15  }
0x22: {  	v2 =	vlaneseq.u32;
	s10 =	simm.s32 $0x6C80;
	s11 =	simm.s32 $0x7480;
	[dreg:$0x15] =	wrdreg s17  }
0x23: {  	vm0 =	vmmov $0xffff;
	v1 =	vshrl.u32 v2, $0x3;
	s9 =	simm.s32 $0x7C80;
	[dreg:$0x1a] =	wrdreg s23;
	s12 =	simm.s32 $0x2  }
0x24: {  	v0 =	vand.u32 $0x7, v2;
	v2 =	vor.u32 $0x8, v2;
	v1 =	vmul.u32 $0x8, v1;
	s15 =	simm.s32 $0x6;
	s17 =	simm.s32 $0x7;
	s23 =	simm.s32 $0x2480  }
.LBB2_1:
0x25: {  	s19 =	rddreg [dreg:$0x4]  }
0x26: {  	s2 =	rddreg [dreg:$0x5]  }
0x27: {  	s20 =	rddreg [dreg:$0x16]  }
0x28: {  	s21 =	rddreg [dreg:$0x6]  }
0x29: {  	s22 =	rddreg [dreg:$0x17]  }
0x2a: {  	[tilespmem:s4], [sflag:$0x1] =	stream.linear.gather [hbm4b:s19+s4], $0x80, $0x38;
	[tilespmem:$0x18480] =	vst v63  }
0x2b: {  	s0 =	rddreg [dreg:$0x8]  }
0x2c: {  	[tilespmem:s20], [sflag:$0x1] =	stream.linear.gather [hbm4b:s2+s4], $0x80, $0x38;
	[tilespmem:$0x18480] =	vst v63  }
0x2d: {  	s2 =	rddreg [dreg:$0x19]  }
0x2e: {  	[tilespmem:s22], [sflag:$0x1] =	stream.linear.gather [hbm4b:s21+s4], $0x80, $0x38;
	[tilespmem:$0x18480] =	vst v63  }
0x2f: {  	s21 =	rddreg [dreg:$0x7]  }
0x30: {  	s22 =	rddreg [dreg:$0x18]  }
0x31: {  	[tilespmem:s22], [sflag:$0x1] =	stream.linear.gather [hbm4b:s21+s4], $0x80, $0x38;
	[tilespmem:$0x18480] =	vst v63  }
0x32: {  	s21 =	rddreg [dreg:$0x9]  }
0x33: {  	s22 =	rddreg [dreg:$0x1a]  }
0x34: {  	[tilespmem:s2], [sflag:$0x1] =	stream.linear.gather [hbm4b:s0+s4], $0x80, $0x38;
	[tilespmem:$0x18480] =	vst v63  }
0x35: {  	s0 =	rddreg [dreg:$0xa]  }
0x36: {  	s2 =	rddreg [dreg:$0x1b]  }
0x37: {  	[tilespmem:s22], [sflag:$0x1] =	stream.linear.gather [hbm4b:s21+s4], $0x80, $0x38;
	[tilespmem:$0x18480] =	vst v63  }
0x38: {  	s21 =	rddreg [dreg:$0xb]  }
0x39: {  	s22 =	rddreg [dreg:$0x1c]  }
0x3a: {  	[tilespmem:s2], [sflag:$0x1] =	stream.linear.gather [hbm4b:s0+s4], $0x80, $0x38;
	[tilespmem:$0x18480] =	vst v63  }
0x3b: {  	s0 =	rddreg [dreg:$0xc]  }
0x3c: {  	[tilespmem:s22], [sflag:$0x1] =	stream.linear.gather [hbm4b:s21+s4], $0x80, $0x38;
	[tilespmem:$0x18480] =	vst v63  }
0x3d: {  	s2 =	rddreg [dreg:$0x1d]  }
0x3e: {  	[tilespmem:s2], [sflag:$0x1] =	stream.linear.gather [hbm4b:s0+s4], $0x80, $0x38;
	[tilespmem:$0x18480] =	vst v63  }
0x3f: {  	_ =	swait.ge [sflag:s8], $0x80  }
0x40: {  	[sflag:s8] =	ssyncset.done $0x0  }
0x41: {  	[sflag:s8] =	ssyncadd.s32 $0xFFFFFF80  }
0x42: {  	_ =	swait.ge [sflag:s8], $0x80  }
0x43: {  	[sflag:s8] =	ssyncset.done $0x0  }
0x44: {  	[sflag:s8] =	ssyncadd.s32 $0xFFFFFF80  }
0x45: {  	_ =	swait.ge [sflag:s8], $0x80  }
0x46: {  	[sflag:s8] =	ssyncset.done $0x0  }
0x47: {  	[sflag:s8] =	ssyncadd.s32 $0xFFFFFF80  }
0x48: {  	_ =	swait.ge [sflag:s8], $0x80  }
0x49: {  	[sflag:s8] =	ssyncset.done $0x0  }
0x4a: {  	[sflag:s8] =	ssyncadd.s32 $0xFFFFFF80  }
0x4b: {  	_ =	swait.ge [sflag:s8], $0x80  }
0x4c: {  	[sflag:s8] =	ssyncset.done $0x0  }
0x4d: {  	[sflag:s8] =	ssyncadd.s32 $0xFFFFFF80  }
0x4e: {  	_ =	swait.ge [sflag:s8], $0x80  }
0x4f: {  	[sflag:s8] =	ssyncset.done $0x0  }
0x50: {  	[sflag:s8] =	ssyncadd.s32 $0xFFFFFF80  }
0x51: {  	_ =	swait.ge [sflag:s8], $0x80  }
0x52: {  	[sflag:s8] =	ssyncset.done $0x0  }
0x53: {  	[sflag:s8] =	ssyncadd.s32 $0xFFFFFF80  }
0x54: {  	_ =	swait.ge [sflag:s8], $0x80  }
0x55: {  	[sflag:s8] =	ssyncset.done $0x0  }
0x56: {  	[sflag:s8] =	ssyncadd.s32 $0xFFFFFF80  }
0x57: {  	_ =	swait.ge [sflag:s8], $0x80  }
0x58: {  	[sflag:s8] =	ssyncset.done $0x0  }
0x59: {  	[sflag:s8] =	ssyncadd.s32 $0xFFFFFF80  }
0x5a: {  	v3 =	vld [tilespmem:$0x0];
	_ =	sdelay $0x4  }
0x5b: {  	v4 =	vshll.u32 v3, $0x2  }
0x5c: {  	v3 =	vand.u32 $0x7, v3;
	v4 =	vand.u32 $0xFFFFFFE0, v4  }
0x5d: {  	v3 =	vor.u32 v3, v4  }
0x5e: {  	v4 =	vperm.xlane v3, v0;
	_ =	sdelay $0x1  }
0x5f: {  	v4 =	vadd.s32 v1, v4;
	_ =	sdelay $0x1  }
0x60: {  	v3 =	vperm.xlane v3, v2;
	_ =	sdelay $0x1  }
0x61: {  	v3 =	vadd.s32 v1, v3  }
0x62: {  	[tilespmem:s25], [sflag:$0x2] =	stream.indirect_vreg.gather [hbm4b:s1+s4], $0x80, v4, vm0, $0xb8;
	[tilespmem:$0x18480] =	vst v63  }
0x63: {  	s20 =	simm.s32 $0xC80  }
0x64: {  	[tilespmem:s20], [sflag:$0x2] =	stream.indirect_vreg.gather [hbm4b:s5+s4], $0x80, v4, vm0, $0xb8;
	[tilespmem:$0x18480] =	vst v63  }
0x65: {  	s21 =	simm.s32 $0x1480  }
0x66: {  	[tilespmem:s21], [sflag:$0x2] =	stream.indirect_vreg.gather [hbm4b:s1+s4], $0x80, v3, vm0, $0xb8;
	[tilespmem:$0x18480] =	vst v63  }
0x67: {  	s22 =	simm.s32 $0x1C80  }
0x68: {  	[tilespmem:s22], [sflag:$0x2] =	stream.indirect_vreg.gather [hbm4b:s5+s4], $0x80, v3, vm0, $0xb8;
	[tilespmem:$0x18480] =	vst v63  }
0x69: {  	v3 =	vld [tilespmem:$0x10];
	_ =	sdelay $0x4  }
0x6a: {  	v29 =	vshll.u32 v3, $0x2  }
0x6b: {  	v3 =	vand.u32 $0x7, v3;
	v4 =	vand.u32 $0xFFFFFFE0, v29  }
0x6c: {  	v3 =	vor.u32 v3, v4  }
0x6d: {  	v4 =	vperm.xlane v3, v0;
	_ =	sdelay $0x1  }
0x6e: {  	v4 =	vadd.s32 v1, v4;
	_ =	sdelay $0x1  }
0x6f: {  	v3 =	vperm.xlane v3, v2;
	_ =	sdelay $0x1  }
0x70: {  	v3 =	vadd.s32 v1, v3  }
0x71: {  	[tilespmem:s23], [sflag:$0x2] =	stream.indirect_vreg.gather [hbm4b:s1+s4], $0x80, v4, vm0, $0xb8;
	[tilespmem:$0x18480] =	vst v63  }
0x72: {  	_ = 	snop  }
0x73: {  	[tilespmem:s24], [sflag:$0x2] =	stream.indirect_vreg.gather [hbm4b:s5+s4], $0x80, v4, vm0, $0xb8;
	[tilespmem:$0x18480] =	vst v63  }
0x74: {  	_ = 	snop  }
0x75: {  	[tilespmem:s26], [sflag:$0x2] =	stream.indirect_vreg.gather [hbm4b:s1+s4], $0x80, v3, vm0, $0xb8;
	[tilespmem:$0x18480] =	vst v63  }
0x76: {  	_ = 	snop  }
0x77: {  	[tilespmem:s28], [sflag:$0x2] =	stream.indirect_vreg.gather [hbm4b:s5+s4], $0x80, v3, vm0, $0xb8;
	[tilespmem:$0x18480] =	vst v63  }
0x78: {  	v3 =	vld [tilespmem:$0x20];
	_ =	sdelay $0x4  }
0x79: {  	v30 =	vshll.u32 v3, $0x2  }
0x7a: {  	v3 =	vand.u32 $0x7, v3;
	v4 =	vand.u32 $0xFFFFFFE0, v30  }
0x7b: {  	v3 =	vor.u32 v3, v4  }
0x7c: {  	v4 =	vperm.xlane v3, v0;
	_ =	sdelay $0x1  }
0x7d: {  	v4 =	vadd.s32 v1, v4;
	_ =	sdelay $0x1  }
0x7e: {  	v3 =	vperm.xlane v3, v2;
	_ =	sdelay $0x1  }
0x7f: {  	v3 =	vadd.s32 v1, v3  }
0x80: {  	[tilespmem:s29], [sflag:$0x2] =	stream.indirect_vreg.gather [hbm4b:s1+s4], $0x80, v4, vm0, $0xb8;
	[tilespmem:$0x18480] =	vst v63  }
0x81: {  	_ = 	snop  }
0x82: {  	[tilespmem:s30], [sflag:$0x2] =	stream.indirect_vreg.gather [hbm4b:s5+s4], $0x80, v4, vm0, $0xb8;
	[tilespmem:$0x18480] =	vst v63  }
0x83: {  	_ = 	snop  }
0x84: {  	[tilespmem:s31], [sflag:$0x2] =	stream.indirect_vreg.gather [hbm4b:s1+s4], $0x80, v3, vm0, $0xb8;
	[tilespmem:$0x18480] =	vst v63  }
0x85: {  	s2 =	simm.s32 $0x5C80  }
0x86: {  	[tilespmem:s2], [sflag:$0x2] =	stream.indirect_vreg.gather [hbm4b:s5+s4], $0x80, v3, vm0, $0xb8;
	[tilespmem:$0x18480] =	vst v63  }
0x87: {  	v3 =	vld [tilespmem:$0x30];
	_ =	sdelay $0x4  }
0x88: {  	v31 =	vshll.u32 v3, $0x2  }
0x89: {  	v3 =	vand.u32 $0x7, v3;
	v4 =	vand.u32 $0xFFFFFFE0, v31  }
0x8a: {  	v3 =	vor.u32 v3, v4  }
0x8b: {  	v4 =	vperm.xlane v3, v0;
	_ =	sdelay $0x1  }
0x8c: {  	v4 =	vadd.s32 v1, v4;
	_ =	sdelay $0x1  }
0x8d: {  	v3 =	vperm.xlane v3, v2;
	_ =	sdelay $0x1  }
0x8e: {  	s0 =	simm.s32 $0x6480;
	v3 =	vadd.s32 v1, v3  }
0x8f: {  	[tilespmem:s0], [sflag:$0x2] =	stream.indirect_vreg.gather [hbm4b:s1+s4], $0x80, v4, vm0, $0xb8;
	[tilespmem:$0x18480] =	vst v63  }
0x90: {  	_ = 	snop  }
0x91: {  	[tilespmem:s10], [sflag:$0x2] =	stream.indirect_vreg.gather [hbm4b:s5+s4], $0x80, v4, vm0, $0xb8;
	[tilespmem:$0x18480] =	vst v63  }
0x92: {  	_ = 	snop  }
0x93: {  	[tilespmem:s11], [sflag:$0x2] =	stream.indirect_vreg.gather [hbm4b:s1+s4], $0x80, v3, vm0, $0xb8;
	[tilespmem:$0x18480] =	vst v63  }
0x94: {  	_ = 	snop  }
0x95: {  	[tilespmem:s9], [sflag:$0x2] =	stream.indirect_vreg.gather [hbm4b:s5+s4], $0x80, v3, vm0, $0xb8;
	[tilespmem:$0x18480] =	vst v63  }
0x96: {  	v3 =	vld [tilespmem:$0x80];
	_ =	sdelay $0x4  }
0x97: {  	v32 =	vshll.u32 v3, $0x2  }
0x98: {  	v3 =	vand.u32 $0x7, v3;
	v4 =	vand.u32 $0xFFFFFFE0, v32  }
0x99: {  	v3 =	vor.u32 v3, v4  }
0x9a: {  	v4 =	vperm.xlane v3, v0;
	_ =	sdelay $0x1  }
0x9b: {  	v4 =	vadd.s32 v1, v4;
	_ =	sdelay $0x1  }
0x9c: {  	v3 =	vperm.xlane v3, v2;
	_ =	sdelay $0x1  }
0x9d: {  	v3 =	vadd.s32 v1, v3  }
0x9e: {  	[tilespmem:s18], [sflag:$0x3] =	stream.indirect_vreg.gather [hbm4b:s1+s4], $0x80, v4, vm0, $0xb8;
	[tilespmem:$0x18480] =	vst v63  }
0x9f: {  	s19 =	simm.s32 $0x8C80  }
0xa0: {  	[tilespmem:s19], [sflag:$0x3] =	stream.indirect_vreg.gather [hbm4b:s5+s4], $0x80, v4, vm0, $0xb8;
	[tilespmem:$0x18480] =	vst v63  }
0xa1: {  	s19 =	simm.s32 $0x9480  }
0xa2: {  	[tilespmem:s19], [sflag:$0x3] =	stream.indirect_vreg.gather [hbm4b:s1+s4], $0x80, v3, vm0, $0xb8;
	[tilespmem:$0x18480] =	vst v63  }
0xa3: {  	s19 =	simm.s32 $0x9C80  }
0xa4: {  	[tilespmem:s19], [sflag:$0x3] =	stream.indirect_vreg.gather [hbm4b:s5+s4], $0x80, v3, vm0, $0xb8;
	[tilespmem:$0x18480] =	vst v63  }
0xa5: {  	v3 =	vld [tilespmem:$0x90];
	_ =	sdelay $0x4  }
0xa6: {  	v33 =	vshll.u32 v3, $0x2  }
0xa7: {  	v3 =	vand.u32 $0x7, v3;
	v4 =	vand.u32 $0xFFFFFFE0, v33  }
0xa8: {  	v3 =	vor.u32 v3, v4  }
0xa9: {  	v4 =	vperm.xlane v3, v0;
	_ =	sdelay $0x1  }
0xaa: {  	v4 =	vadd.s32 v1, v4;
	_ =	sdelay $0x1  }
0xab: {  	v3 =	vperm.xlane v3, v2;
	_ =	sdelay $0x1  }
0xac: {  	s19 =	simm.s32 $0xA480;
	v3 =	vadd.s32 v1, v3  }
0xad: {  	[tilespmem:s19], [sflag:$0x3] =	stream.indirect_vreg.gather [hbm4b:s1+s4], $0x80, v4, vm0, $0xb8;
	[tilespmem:$0x18480] =	vst v63  }
0xae: {  	s19 =	simm.s32 $0xAC80  }
0xaf: {  	[tilespmem:s19], [sflag:$0x3] =	stream.indirect_vreg.gather [hbm4b:s5+s4], $0x80, v4, vm0, $0xb8;
	[tilespmem:$0x18480] =	vst v63  }
0xb0: {  	s19 =	simm.s32 $0xB480  }
0xb1: {  	[tilespmem:s19], [sflag:$0x3] =	stream.indirect_vreg.gather [hbm4b:s1+s4], $0x80, v3, vm0, $0xb8;
	[tilespmem:$0x18480] =	vst v63  }
0xb2: {  	s19 =	simm.s32 $0xBC80  }
0xb3: {  	[tilespmem:s19], [sflag:$0x3] =	stream.indirect_vreg.gather [hbm4b:s5+s4], $0x80, v3, vm0, $0xb8;
	[tilespmem:$0x18480] =	vst v63  }
0xb4: {  	v3 =	vld [tilespmem:$0xA0];
	_ =	sdelay $0x4  }
0xb5: {  	v34 =	vshll.u32 v3, $0x2  }
0xb6: {  	v3 =	vand.u32 $0x7, v3;
	v4 =	vand.u32 $0xFFFFFFE0, v34  }
0xb7: {  	v3 =	vor.u32 v3, v4  }
0xb8: {  	v4 =	vperm.xlane v3, v0;
	_ =	sdelay $0x1  }
0xb9: {  	v4 =	vadd.s32 v1, v4;
	_ =	sdelay $0x1  }
0xba: {  	v3 =	vperm.xlane v3, v2;
	_ =	sdelay $0x1  }
0xbb: {  	s19 =	simm.s32 $0xC480;
	v3 =	vadd.s32 v1, v3  }
0xbc: {  	[tilespmem:s19], [sflag:$0x3] =	stream.indirect_vreg.gather [hbm4b:s1+s4], $0x80, v4, vm0, $0xb8;
	[tilespmem:$0x18480] =	vst v63  }
0xbd: {  	s19 =	simm.s32 $0xCC80  }
0xbe: {  	[tilespmem:s19], [sflag:$0x3] =	stream.indirect_vreg.gather [hbm4b:s5+s4], $0x80, v4, vm0, $0xb8;
	[tilespmem:$0x18480] =	vst v63  }
0xbf: {  	s19 =	simm.s32 $0xD480  }
0xc0: {  	[tilespmem:s19], [sflag:$0x3] =	stream.indirect_vreg.gather [hbm4b:s1+s4], $0x80, v3, vm0, $0xb8;
	[tilespmem:$0x18480] =	vst v63  }
0xc1: {  	s19 =	simm.s32 $0xDC80  }
0xc2: {  	[tilespmem:s19], [sflag:$0x3] =	stream.indirect_vreg.gather [hbm4b:s5+s4], $0x80, v3, vm0, $0xb8;
	[tilespmem:$0x18480] =	vst v63  }
0xc3: {  	v3 =	vld [tilespmem:$0xB0];
	_ =	sdelay $0x4  }
0xc4: {  	v35 =	vshll.u32 v3, $0x2  }
0xc5: {  	v3 =	vand.u32 $0x7, v3;
	v4 =	vand.u32 $0xFFFFFFE0, v35  }
0xc6: {  	v3 =	vor.u32 v3, v4  }
0xc7: {  	v4 =	vperm.xlane v3, v0;
	_ =	sdelay $0x1  }
0xc8: {  	v4 =	vadd.s32 v1, v4;
	_ =	sdelay $0x1  }
0xc9: {  	v3 =	vperm.xlane v3, v2;
	_ =	sdelay $0x1  }
0xca: {  	s19 =	simm.s32 $0xE480;
	v3 =	vadd.s32 v1, v3  }
0xcb: {  	[tilespmem:s19], [sflag:$0x3] =	stream.indirect_vreg.gather [hbm4b:s1+s4], $0x80, v4, vm0, $0xb8;
	[tilespmem:$0x18480] =	vst v63  }
0xcc: {  	s19 =	simm.s32 $0xEC80  }
0xcd: {  	[tilespmem:s19], [sflag:$0x3] =	stream.indirect_vreg.gather [hbm4b:s5+s4], $0x80, v4, vm0, $0xb8;
	[tilespmem:$0x18480] =	vst v63  }
0xce: {  	s19 =	simm.s32 $0xF480  }
0xcf: {  	[tilespmem:s19], [sflag:$0x3] =	stream.indirect_vreg.gather [hbm4b:s1+s4], $0x80, v3, vm0, $0xb8;
	[tilespmem:$0x18480] =	vst v63  }
0xd0: {  	s19 =	simm.s32 $0xFC80  }
0xd1: {  	[tilespmem:s19], [sflag:$0x3] =	stream.indirect_vreg.gather [hbm4b:s5+s4], $0x80, v3, vm0, $0xb8;
	[tilespmem:$0x18480] =	vst v63  }
0xd2: {  	v3 =	vld [tilespmem:$0x100];
	_ =	sdelay $0x4  }
0xd3: {  	v36 =	vshll.u32 v3, $0x2  }
0xd4: {  	v3 =	vand.u32 $0x7, v3;
	v4 =	vand.u32 $0xFFFFFFE0, v36  }
0xd5: {  	v3 =	vor.u32 v3, v4  }
0xd6: {  	v4 =	vperm.xlane v3, v0;
	_ =	sdelay $0x1  }
0xd7: {  	v4 =	vadd.s32 v1, v4;
	_ =	sdelay $0x1  }
0xd8: {  	v3 =	vperm.xlane v3, v2;
	_ =	sdelay $0x1  }
0xd9: {  	s0 =	simm.s32 $0x10480;
	v3 =	vadd.s32 v1, v3  }
0xda: {  	[tilespmem:s0], [sflag:$0x4] =	stream.indirect_vreg.gather [hbm4b:s1+s4], $0x80, v4, vm0, $0xb8;
	[tilespmem:$0x18480] =	vst v63  }
0xdb: {  	s19 =	simm.s32 $0x10C80  }
0xdc: {  	[tilespmem:s19], [sflag:$0x4] =	stream.indirect_vreg.gather [hbm4b:s5+s4], $0x80, v4, vm0, $0xb8;
	[tilespmem:$0x18480] =	vst v63  }
0xdd: {  	s19 =	simm.s32 $0x11480  }
0xde: {  	[tilespmem:s19], [sflag:$0x4] =	stream.indirect_vreg.gather [hbm4b:s1+s4], $0x80, v3, vm0, $0xb8;
	[tilespmem:$0x18480] =	vst v63  }
0xdf: {  	s19 =	simm.s32 $0x11C80  }
0xe0: {  	[tilespmem:s19], [sflag:$0x4] =	stream.indirect_vreg.gather [hbm4b:s5+s4], $0x80, v3, vm0, $0xb8;
	[tilespmem:$0x18480] =	vst v63  }
0xe1: {  	v3 =	vld [tilespmem:$0x110];
	_ =	sdelay $0x4  }
0xe2: {  	v37 =	vshll.u32 v3, $0x2  }
0xe3: {  	v3 =	vand.u32 $0x7, v3;
	v4 =	vand.u32 $0xFFFFFFE0, v37  }
0xe4: {  	v3 =	vor.u32 v3, v4  }
0xe5: {  	v4 =	vperm.xlane v3, v0;
	_ =	sdelay $0x1  }
0xe6: {  	v4 =	vadd.s32 v1, v4;
	_ =	sdelay $0x1  }
0xe7: {  	v3 =	vperm.xlane v3, v2;
	_ =	sdelay $0x1  }
0xe8: {  	s19 =	simm.s32 $0x12480;
	v3 =	vadd.s32 v1, v3  }
0xe9: {  	[tilespmem:s19], [sflag:$0x4] =	stream.indirect_vreg.gather [hbm4b:s1+s4], $0x80, v4, vm0, $0xb8;
	[tilespmem:$0x18480] =	vst v63  }
0xea: {  	s19 =	simm.s32 $0x12C80  }
0xeb: {  	[tilespmem:s19], [sflag:$0x4] =	stream.indirect_vreg.gather [hbm4b:s5+s4], $0x80, v4, vm0, $0xb8;
	[tilespmem:$0x18480] =	vst v63  }
0xec: {  	s19 =	simm.s32 $0x13480  }
0xed: {  	[tilespmem:s19], [sflag:$0x4] =	stream.indirect_vreg.gather [hbm4b:s1+s4], $0x80, v3, vm0, $0xb8;
	[tilespmem:$0x18480] =	vst v63  }
0xee: {  	s19 =	simm.s32 $0x13C80  }
0xef: {  	[tilespmem:s19], [sflag:$0x4] =	stream.indirect_vreg.gather [hbm4b:s5+s4], $0x80, v3, vm0, $0xb8;
	[tilespmem:$0x18480] =	vst v63  }
0xf0: {  	v3 =	vld [tilespmem:$0x120];
	_ =	sdelay $0x4  }
0xf1: {  	v38 =	vshll.u32 v3, $0x2  }
0xf2: {  	v3 =	vand.u32 $0x7, v3;
	v4 =	vand.u32 $0xFFFFFFE0, v38  }
0xf3: {  	v3 =	vor.u32 v3, v4  }
0xf4: {  	v4 =	vperm.xlane v3, v0;
	_ =	sdelay $0x1  }
0xf5: {  	v4 =	vadd.s32 v1, v4;
	_ =	sdelay $0x1  }
0xf6: {  	v3 =	vperm.xlane v3, v2;
	_ =	sdelay $0x1  }
0xf7: {  	s19 =	simm.s32 $0x14480;
	v3 =	vadd.s32 v1, v3  }
0xf8: {  	[tilespmem:s19], [sflag:$0x4] =	stream.indirect_vreg.gather [hbm4b:s1+s4], $0x80, v4, vm0, $0xb8;
	[tilespmem:$0x18480] =	vst v63  }
0xf9: {  	s19 =	simm.s32 $0x14C80  }
0xfa: {  	[tilespmem:s19], [sflag:$0x4] =	stream.indirect_vreg.gather [hbm4b:s5+s4], $0x80, v4, vm0, $0xb8;
	[tilespmem:$0x18480] =	vst v63  }
0xfb: {  	s19 =	simm.s32 $0x15480  }
0xfc: {  	[tilespmem:s19], [sflag:$0x4] =	stream.indirect_vreg.gather [hbm4b:s1+s4], $0x80, v3, vm0, $0xb8;
	[tilespmem:$0x18480] =	vst v63  }
0xfd: {  	s19 =	simm.s32 $0x15C80  }
0xfe: {  	[tilespmem:s19], [sflag:$0x4] =	stream.indirect_vreg.gather [hbm4b:s5+s4], $0x80, v3, vm0, $0xb8;
	[tilespmem:$0x18480] =	vst v63  }
0xff: {  	v3 =	vld [tilespmem:$0x130];
	_ =	sdelay $0x4  }
0x100: {  	v39 =	vshll.u32 v3, $0x2  }
0x101: {  	v3 =	vand.u32 $0x7, v3;
	v4 =	vand.u32 $0xFFFFFFE0, v39  }
0x102: {  	v3 =	vor.u32 v3, v4  }
0x103: {  	v4 =	vperm.xlane v3, v0;
	_ =	sdelay $0x1  }
0x104: {  	v4 =	vadd.s32 v1, v4;
	_ =	sdelay $0x1  }
0x105: {  	v3 =	vperm.xlane v3, v2;
	_ =	sdelay $0x1  }
0x106: {  	s19 =	simm.s32 $0x16480;
	v3 =	vadd.s32 v1, v3  }
0x107: {  	[tilespmem:s19], [sflag:$0x4] =	stream.indirect_vreg.gather [hbm4b:s1+s4], $0x80, v4, vm0, $0xb8;
	[tilespmem:$0x18480] =	vst v63  }
0x108: {  	s19 =	simm.s32 $0x16C80  }
0x109: {  	[tilespmem:s19], [sflag:$0x4] =	stream.indirect_vreg.gather [hbm4b:s5+s4], $0x80, v4, vm0, $0xb8;
	[tilespmem:$0x18480] =	vst v63  }
0x10a: {  	s19 =	simm.s32 $0x17480  }
0x10b: {  	[tilespmem:s19], [sflag:$0x4] =	stream.indirect_vreg.gather [hbm4b:s1+s4], $0x80, v3, vm0, $0xb8;
	[tilespmem:$0x18480] =	vst v63  }
0x10c: {  	s19 =	simm.s32 $0x17C80  }
0x10d: {  	[tilespmem:s19], [sflag:$0x4] =	stream.indirect_vreg.gather [hbm4b:s5+s4], $0x80, v3, vm0, $0xb8;
	[tilespmem:$0x18480] =	vst v63  }
0x10e: {  	_ =	swait.ge [sflag:s12], $0x8000  }
0x10f: {  	[sflag:s12] =	ssyncset.done $0x0  }
0x110: {  	s19 =	rddreg [dreg:$0xd];
	[sflag:s12] =	ssyncadd.s32 $0xFFFF8000  }
0x111: {  	[hbm4b:s19+s4] =	stream.linear.scatter [tilespmem:s25], [sflag:$0x5], $0x8000, $0x38;
	[tilespmem:$0x18480] =	vst v63  }
0x112: {  	_ =	swait.ge [sflag:s13], $0x8000  }
0x113: {  	[sflag:s13] =	ssyncset.done $0x0  }
0x114: {  	[sflag:s13] =	ssyncadd.s32 $0xFFFF8000  }
0x115: {  	v3 =	vld [tilespmem:$0x180];
	_ =	sdelay $0x4  }
0x116: {  	v40 =	vshll.u32 v3, $0x2  }
0x117: {  	v3 =	vand.u32 $0x7, v3;
	v4 =	vand.u32 $0xFFFFFFE0, v40  }
0x118: {  	v3 =	vor.u32 v3, v4  }
0x119: {  	v4 =	vperm.xlane v3, v0;
	_ =	sdelay $0x1  }
0x11a: {  	v4 =	vadd.s32 v1, v4;
	_ =	sdelay $0x1  }
0x11b: {  	v3 =	vperm.xlane v3, v2;
	_ =	sdelay $0x1  }
0x11c: {  	v3 =	vadd.s32 v1, v3  }
0x11d: {  	[tilespmem:s25], [sflag:$0x2] =	stream.indirect_vreg.gather [hbm4b:s3+s4], $0x80, v4, vm0, $0xb8;
	[tilespmem:$0x18480] =	vst v63  }
0x11e: {  	_ = 	snop  }
0x11f: {  	[tilespmem:s20], [sflag:$0x2] =	stream.indirect_vreg.gather [hbm4b:s6+s4], $0x80, v4, vm0, $0xb8;
	[tilespmem:$0x18480] =	vst v63  }
0x120: {  	_ = 	snop  }
0x121: {  	[tilespmem:s21], [sflag:$0x2] =	stream.indirect_vreg.gather [hbm4b:s3+s4], $0x80, v3, vm0, $0xb8;
	[tilespmem:$0x18480] =	vst v63  }
0x122: {  	_ = 	snop  }
0x123: {  	[tilespmem:s22], [sflag:$0x2] =	stream.indirect_vreg.gather [hbm4b:s6+s4], $0x80, v3, vm0, $0xb8;
	[tilespmem:$0x18480] =	vst v63  }
0x124: {  	v3 =	vld [tilespmem:$0x190];
	_ =	sdelay $0x4  }
0x125: {  	v41 =	vshll.u32 v3, $0x2  }
0x126: {  	v3 =	vand.u32 $0x7, v3;
	v4 =	vand.u32 $0xFFFFFFE0, v41  }
0x127: {  	v3 =	vor.u32 v3, v4  }
0x128: {  	v4 =	vperm.xlane v3, v0;
	_ =	sdelay $0x1  }
0x129: {  	v4 =	vadd.s32 v1, v4;
	_ =	sdelay $0x1  }
0x12a: {  	v3 =	vperm.xlane v3, v2;
	_ =	sdelay $0x1  }
0x12b: {  	v3 =	vadd.s32 v1, v3  }
0x12c: {  	[tilespmem:s23], [sflag:$0x2] =	stream.indirect_vreg.gather [hbm4b:s3+s4], $0x80, v4, vm0, $0xb8;
	[tilespmem:$0x18480] =	vst v63  }
0x12d: {  	_ = 	snop  }
0x12e: {  	[tilespmem:s24], [sflag:$0x2] =	stream.indirect_vreg.gather [hbm4b:s6+s4], $0x80, v4, vm0, $0xb8;
	[tilespmem:$0x18480] =	vst v63  }
0x12f: {  	_ = 	snop  }
0x130: {  	[tilespmem:s26], [sflag:$0x2] =	stream.indirect_vreg.gather [hbm4b:s3+s4], $0x80, v3, vm0, $0xb8;
	[tilespmem:$0x18480] =	vst v63  }
0x131: {  	_ = 	snop  }
0x132: {  	[tilespmem:s28], [sflag:$0x2] =	stream.indirect_vreg.gather [hbm4b:s6+s4], $0x80, v3, vm0, $0xb8;
	[tilespmem:$0x18480] =	vst v63  }
0x133: {  	v3 =	vld [tilespmem:$0x1A0];
	_ =	sdelay $0x4  }
0x134: {  	v42 =	vshll.u32 v3, $0x2  }
0x135: {  	v3 =	vand.u32 $0x7, v3;
	v4 =	vand.u32 $0xFFFFFFE0, v42  }
0x136: {  	v3 =	vor.u32 v3, v4  }
0x137: {  	v4 =	vperm.xlane v3, v0;
	_ =	sdelay $0x1  }
0x138: {  	v4 =	vadd.s32 v1, v4;
	_ =	sdelay $0x1  }
0x139: {  	v3 =	vperm.xlane v3, v2;
	_ =	sdelay $0x1  }
0x13a: {  	v3 =	vadd.s32 v1, v3  }
0x13b: {  	[tilespmem:s29], [sflag:$0x2] =	stream.indirect_vreg.gather [hbm4b:s3+s4], $0x80, v4, vm0, $0xb8;
	[tilespmem:$0x18480] =	vst v63  }
0x13c: {  	_ = 	snop  }
0x13d: {  	[tilespmem:s30], [sflag:$0x2] =	stream.indirect_vreg.gather [hbm4b:s6+s4], $0x80, v4, vm0, $0xb8;
	[tilespmem:$0x18480] =	vst v63  }
0x13e: {  	_ = 	snop  }
0x13f: {  	[tilespmem:s31], [sflag:$0x2] =	stream.indirect_vreg.gather [hbm4b:s3+s4], $0x80, v3, vm0, $0xb8;
	[tilespmem:$0x18480] =	vst v63  }
0x140: {  	_ = 	snop  }
0x141: {  	[tilespmem:s2], [sflag:$0x2] =	stream.indirect_vreg.gather [hbm4b:s6+s4], $0x80, v3, vm0, $0xb8;
	[tilespmem:$0x18480] =	vst v63  }
0x142: {  	v3 =	vld [tilespmem:$0x1B0];
	_ =	sdelay $0x4  }
0x143: {  	v43 =	vshll.u32 v3, $0x2  }
0x144: {  	v3 =	vand.u32 $0x7, v3;
	v4 =	vand.u32 $0xFFFFFFE0, v43  }
0x145: {  	v3 =	vor.u32 v3, v4  }
0x146: {  	v4 =	vperm.xlane v3, v0;
	_ =	sdelay $0x1  }
0x147: {  	v4 =	vadd.s32 v1, v4;
	_ =	sdelay $0x1  }
0x148: {  	v3 =	vperm.xlane v3, v2;
	_ =	sdelay $0x1  }
0x149: {  	s19 =	simm.s32 $0x6480;
	v3 =	vadd.s32 v1, v3  }
0x14a: {  	[tilespmem:s19], [sflag:$0x2] =	stream.indirect_vreg.gather [hbm4b:s3+s4], $0x80, v4, vm0, $0xb8;
	[tilespmem:$0x18480] =	vst v63  }
0x14b: {  	_ = 	snop  }
0x14c: {  	[tilespmem:s10], [sflag:$0x2] =	stream.indirect_vreg.gather [hbm4b:s6+s4], $0x80, v4, vm0, $0xb8;
	[tilespmem:$0x18480] =	vst v63  }
0x14d: {  	_ = 	snop  }
0x14e: {  	[tilespmem:s11], [sflag:$0x2] =	stream.indirect_vreg.gather [hbm4b:s3+s4], $0x80, v3, vm0, $0xb8;
	[tilespmem:$0x18480] =	vst v63  }
0x14f: {  	_ = 	snop  }
0x150: {  	[tilespmem:s9], [sflag:$0x2] =	stream.indirect_vreg.gather [hbm4b:s6+s4], $0x80, v3, vm0, $0xb8;
	[tilespmem:$0x18480] =	vst v63  }
0x151: {  	_ =	swait.ge [sflag:s14], $0x8000  }
0x152: {  	[sflag:s14] =	ssyncset.done $0x0  }
0x153: {  	s19 =	rddreg [dreg:$0xe];
	[sflag:s14] =	ssyncadd.s32 $0xFFFF8000  }
0x154: {  	[hbm4b:s19+s4] =	stream.linear.scatter [tilespmem:s18], [sflag:$0x6], $0x8000, $0x38;
	[tilespmem:$0x18480] =	vst v63  }
0x155: {  	_ =	swait.ge [sflag:s15], $0x8000  }
0x156: {  	[sflag:s15] =	ssyncset.done $0x0  }
0x157: {  	[sflag:s15] =	ssyncadd.s32 $0xFFFF8000  }
0x158: {  	v3 =	vld [tilespmem:$0x200];
	_ =	sdelay $0x4  }
0x159: {  	v44 =	vshll.u32 v3, $0x2  }
0x15a: {  	v3 =	vand.u32 $0x7, v3;
	v4 =	vand.u32 $0xFFFFFFE0, v44  }
0x15b: {  	v3 =	vor.u32 v3, v4  }
0x15c: {  	v4 =	vperm.xlane v3, v0;
	_ =	sdelay $0x1  }
0x15d: {  	v4 =	vadd.s32 v1, v4;
	_ =	sdelay $0x1  }
0x15e: {  	v3 =	vperm.xlane v3, v2;
	_ =	sdelay $0x1  }
0x15f: {  	v3 =	vadd.s32 v1, v3  }
0x160: {  	[tilespmem:s18], [sflag:$0x3] =	stream.indirect_vreg.gather [hbm4b:s3+s4], $0x80, v4, vm0, $0xb8;
	[tilespmem:$0x18480] =	vst v63  }
0x161: {  	s19 =	simm.s32 $0x8C80  }
0x162: {  	[tilespmem:s19], [sflag:$0x3] =	stream.indirect_vreg.gather [hbm4b:s6+s4], $0x80, v4, vm0, $0xb8;
	[tilespmem:$0x18480] =	vst v63  }
0x163: {  	s19 =	simm.s32 $0x9480  }
0x164: {  	[tilespmem:s19], [sflag:$0x3] =	stream.indirect_vreg.gather [hbm4b:s3+s4], $0x80, v3, vm0, $0xb8;
	[tilespmem:$0x18480] =	vst v63  }
0x165: {  	s19 =	simm.s32 $0x9C80  }
0x166: {  	[tilespmem:s19], [sflag:$0x3] =	stream.indirect_vreg.gather [hbm4b:s6+s4], $0x80, v3, vm0, $0xb8;
	[tilespmem:$0x18480] =	vst v63  }
0x167: {  	v3 =	vld [tilespmem:$0x210];
	_ =	sdelay $0x4  }
0x168: {  	v45 =	vshll.u32 v3, $0x2  }
0x169: {  	v3 =	vand.u32 $0x7, v3;
	v4 =	vand.u32 $0xFFFFFFE0, v45  }
0x16a: {  	v3 =	vor.u32 v3, v4  }
0x16b: {  	v4 =	vperm.xlane v3, v0;
	_ =	sdelay $0x1  }
0x16c: {  	v4 =	vadd.s32 v1, v4;
	_ =	sdelay $0x1  }
0x16d: {  	v3 =	vperm.xlane v3, v2;
	_ =	sdelay $0x1  }
0x16e: {  	s19 =	simm.s32 $0xA480;
	v3 =	vadd.s32 v1, v3  }
0x16f: {  	[tilespmem:s19], [sflag:$0x3] =	stream.indirect_vreg.gather [hbm4b:s3+s4], $0x80, v4, vm0, $0xb8;
	[tilespmem:$0x18480] =	vst v63  }
0x170: {  	s19 =	simm.s32 $0xAC80  }
0x171: {  	[tilespmem:s19], [sflag:$0x3] =	stream.indirect_vreg.gather [hbm4b:s6+s4], $0x80, v4, vm0, $0xb8;
	[tilespmem:$0x18480] =	vst v63  }
0x172: {  	s19 =	simm.s32 $0xB480  }
0x173: {  	[tilespmem:s19], [sflag:$0x3] =	stream.indirect_vreg.gather [hbm4b:s3+s4], $0x80, v3, vm0, $0xb8;
	[tilespmem:$0x18480] =	vst v63  }
0x174: {  	s19 =	simm.s32 $0xBC80  }
0x175: {  	[tilespmem:s19], [sflag:$0x3] =	stream.indirect_vreg.gather [hbm4b:s6+s4], $0x80, v3, vm0, $0xb8;
	[tilespmem:$0x18480] =	vst v63  }
0x176: {  	v3 =	vld [tilespmem:$0x220];
	_ =	sdelay $0x4  }
0x177: {  	v46 =	vshll.u32 v3, $0x2  }
0x178: {  	v3 =	vand.u32 $0x7, v3;
	v4 =	vand.u32 $0xFFFFFFE0, v46  }
0x179: {  	v3 =	vor.u32 v3, v4  }
0x17a: {  	v4 =	vperm.xlane v3, v0;
	_ =	sdelay $0x1  }
0x17b: {  	v4 =	vadd.s32 v1, v4;
	_ =	sdelay $0x1  }
0x17c: {  	v3 =	vperm.xlane v3, v2;
	_ =	sdelay $0x1  }
0x17d: {  	s19 =	simm.s32 $0xC480;
	v3 =	vadd.s32 v1, v3  }
0x17e: {  	[tilespmem:s19], [sflag:$0x3] =	stream.indirect_vreg.gather [hbm4b:s3+s4], $0x80, v4, vm0, $0xb8;
	[tilespmem:$0x18480] =	vst v63  }
0x17f: {  	s19 =	simm.s32 $0xCC80  }
0x180: {  	[tilespmem:s19], [sflag:$0x3] =	stream.indirect_vreg.gather [hbm4b:s6+s4], $0x80, v4, vm0, $0xb8;
	[tilespmem:$0x18480] =	vst v63  }
0x181: {  	s19 =	simm.s32 $0xD480  }
0x182: {  	[tilespmem:s19], [sflag:$0x3] =	stream.indirect_vreg.gather [hbm4b:s3+s4], $0x80, v3, vm0, $0xb8;
	[tilespmem:$0x18480] =	vst v63  }
0x183: {  	s19 =	simm.s32 $0xDC80  }
0x184: {  	[tilespmem:s19], [sflag:$0x3] =	stream.indirect_vreg.gather [hbm4b:s6+s4], $0x80, v3, vm0, $0xb8;
	[tilespmem:$0x18480] =	vst v63  }
0x185: {  	v3 =	vld [tilespmem:$0x230];
	_ =	sdelay $0x4  }
0x186: {  	v47 =	vshll.u32 v3, $0x2  }
0x187: {  	v3 =	vand.u32 $0x7, v3;
	v4 =	vand.u32 $0xFFFFFFE0, v47  }
0x188: {  	v3 =	vor.u32 v3, v4  }
0x189: {  	v4 =	vperm.xlane v3, v0;
	_ =	sdelay $0x1  }
0x18a: {  	v4 =	vadd.s32 v1, v4;
	_ =	sdelay $0x1  }
0x18b: {  	v3 =	vperm.xlane v3, v2;
	_ =	sdelay $0x1  }
0x18c: {  	s19 =	simm.s32 $0xE480;
	v3 =	vadd.s32 v1, v3  }
0x18d: {  	[tilespmem:s19], [sflag:$0x3] =	stream.indirect_vreg.gather [hbm4b:s3+s4], $0x80, v4, vm0, $0xb8;
	[tilespmem:$0x18480] =	vst v63  }
0x18e: {  	s19 =	simm.s32 $0xEC80  }
0x18f: {  	[tilespmem:s19], [sflag:$0x3] =	stream.indirect_vreg.gather [hbm4b:s6+s4], $0x80, v4, vm0, $0xb8;
	[tilespmem:$0x18480] =	vst v63  }
0x190: {  	s19 =	simm.s32 $0xF480  }
0x191: {  	[tilespmem:s19], [sflag:$0x3] =	stream.indirect_vreg.gather [hbm4b:s3+s4], $0x80, v3, vm0, $0xb8;
	[tilespmem:$0x18480] =	vst v63  }
0x192: {  	s19 =	simm.s32 $0xFC80  }
0x193: {  	[tilespmem:s19], [sflag:$0x3] =	stream.indirect_vreg.gather [hbm4b:s6+s4], $0x80, v3, vm0, $0xb8;
	[tilespmem:$0x18480] =	vst v63  }
0x194: {  	_ =	swait.ge [sflag:s16], $0x8000  }
0x195: {  	[sflag:s16] =	ssyncset.done $0x0  }
0x196: {  	s19 =	rddreg [dreg:$0xf];
	[sflag:s16] =	ssyncadd.s32 $0xFFFF8000  }
0x197: {  	[hbm4b:s19+s4] =	stream.linear.scatter [tilespmem:s0], [sflag:$0x7], $0x8000, $0x38;
	[tilespmem:$0x18480] =	vst v63  }
0x198: {  	_ =	swait.ge [sflag:s17], $0x8000  }
0x199: {  	[sflag:s17] =	ssyncset.done $0x0  }
0x19a: {  	[sflag:s17] =	ssyncadd.s32 $0xFFFF8000  }
0x19b: {  	v3 =	vld [tilespmem:$0x280];
	_ =	sdelay $0x4  }
0x19c: {  	v48 =	vshll.u32 v3, $0x2  }
0x19d: {  	v3 =	vand.u32 $0x7, v3;
	v4 =	vand.u32 $0xFFFFFFE0, v48  }
0x19e: {  	v3 =	vor.u32 v3, v4  }
0x19f: {  	v4 =	vperm.xlane v3, v0;
	_ =	sdelay $0x1  }
0x1a0: {  	v4 =	vadd.s32 v1, v4;
	_ =	sdelay $0x1  }
0x1a1: {  	v3 =	vperm.xlane v3, v2;
	_ =	sdelay $0x1  }
0x1a2: {  	v3 =	vadd.s32 v1, v3  }
0x1a3: {  	[tilespmem:s0], [sflag:$0x4] =	stream.indirect_vreg.gather [hbm4b:s3+s4], $0x80, v4, vm0, $0xb8;
	[tilespmem:$0x18480] =	vst v63  }
0x1a4: {  	s19 =	simm.s32 $0x10C80  }
0x1a5: {  	[tilespmem:s19], [sflag:$0x4] =	stream.indirect_vreg.gather [hbm4b:s6+s4], $0x80, v4, vm0, $0xb8;
	[tilespmem:$0x18480] =	vst v63  }
0x1a6: {  	s19 =	simm.s32 $0x11480  }
0x1a7: {  	[tilespmem:s19], [sflag:$0x4] =	stream.indirect_vreg.gather [hbm4b:s3+s4], $0x80, v3, vm0, $0xb8;
	[tilespmem:$0x18480] =	vst v63  }
0x1a8: {  	s19 =	simm.s32 $0x11C80  }
0x1a9: {  	[tilespmem:s19], [sflag:$0x4] =	stream.indirect_vreg.gather [hbm4b:s6+s4], $0x80, v3, vm0, $0xb8;
	[tilespmem:$0x18480] =	vst v63  }
0x1aa: {  	v3 =	vld [tilespmem:$0x290];
	_ =	sdelay $0x4  }
0x1ab: {  	v49 =	vshll.u32 v3, $0x2  }
0x1ac: {  	v3 =	vand.u32 $0x7, v3;
	v4 =	vand.u32 $0xFFFFFFE0, v49  }
0x1ad: {  	v3 =	vor.u32 v3, v4  }
0x1ae: {  	v4 =	vperm.xlane v3, v0;
	_ =	sdelay $0x1  }
0x1af: {  	v4 =	vadd.s32 v1, v4;
	_ =	sdelay $0x1  }
0x1b0: {  	v3 =	vperm.xlane v3, v2;
	_ =	sdelay $0x1  }
0x1b1: {  	s19 =	simm.s32 $0x12480;
	v3 =	vadd.s32 v1, v3  }
0x1b2: {  	[tilespmem:s19], [sflag:$0x4] =	stream.indirect_vreg.gather [hbm4b:s3+s4], $0x80, v4, vm0, $0xb8;
	[tilespmem:$0x18480] =	vst v63  }
0x1b3: {  	s19 =	simm.s32 $0x12C80  }
0x1b4: {  	[tilespmem:s19], [sflag:$0x4] =	stream.indirect_vreg.gather [hbm4b:s6+s4], $0x80, v4, vm0, $0xb8;
	[tilespmem:$0x18480] =	vst v63  }
0x1b5: {  	s19 =	simm.s32 $0x13480  }
0x1b6: {  	[tilespmem:s19], [sflag:$0x4] =	stream.indirect_vreg.gather [hbm4b:s3+s4], $0x80, v3, vm0, $0xb8;
	[tilespmem:$0x18480] =	vst v63  }
0x1b7: {  	s19 =	simm.s32 $0x13C80  }
0x1b8: {  	[tilespmem:s19], [sflag:$0x4] =	stream.indirect_vreg.gather [hbm4b:s6+s4], $0x80, v3, vm0, $0xb8;
	[tilespmem:$0x18480] =	vst v63  }
0x1b9: {  	v3 =	vld [tilespmem:$0x2A0];
	_ =	sdelay $0x4  }
0x1ba: {  	v50 =	vshll.u32 v3, $0x2  }
0x1bb: {  	v3 =	vand.u32 $0x7, v3;
	v4 =	vand.u32 $0xFFFFFFE0, v50  }
0x1bc: {  	v3 =	vor.u32 v3, v4  }
0x1bd: {  	v4 =	vperm.xlane v3, v0;
	_ =	sdelay $0x1  }
0x1be: {  	v4 =	vadd.s32 v1, v4;
	_ =	sdelay $0x1  }
0x1bf: {  	v3 =	vperm.xlane v3, v2;
	_ =	sdelay $0x1  }
0x1c0: {  	s19 =	simm.s32 $0x14480;
	v3 =	vadd.s32 v1, v3  }
0x1c1: {  	[tilespmem:s19], [sflag:$0x4] =	stream.indirect_vreg.gather [hbm4b:s3+s4], $0x80, v4, vm0, $0xb8;
	[tilespmem:$0x18480] =	vst v63  }
0x1c2: {  	s19 =	simm.s32 $0x14C80  }
0x1c3: {  	[tilespmem:s19], [sflag:$0x4] =	stream.indirect_vreg.gather [hbm4b:s6+s4], $0x80, v4, vm0, $0xb8;
	[tilespmem:$0x18480] =	vst v63  }
0x1c4: {  	s19 =	simm.s32 $0x15480  }
0x1c5: {  	[tilespmem:s19], [sflag:$0x4] =	stream.indirect_vreg.gather [hbm4b:s3+s4], $0x80, v3, vm0, $0xb8;
	[tilespmem:$0x18480] =	vst v63  }
0x1c6: {  	s19 =	simm.s32 $0x15C80  }
0x1c7: {  	[tilespmem:s19], [sflag:$0x4] =	stream.indirect_vreg.gather [hbm4b:s6+s4], $0x80, v3, vm0, $0xb8;
	[tilespmem:$0x18480] =	vst v63  }
0x1c8: {  	v3 =	vld [tilespmem:$0x2B0];
	_ =	sdelay $0x4  }
0x1c9: {  	v51 =	vshll.u32 v3, $0x2  }
0x1ca: {  	v3 =	vand.u32 $0x7, v3;
	v4 =	vand.u32 $0xFFFFFFE0, v51  }
0x1cb: {  	v3 =	vor.u32 v3, v4  }
0x1cc: {  	v4 =	vperm.xlane v3, v0;
	_ =	sdelay $0x1  }
0x1cd: {  	v4 =	vadd.s32 v1, v4;
	_ =	sdelay $0x1  }
0x1ce: {  	v3 =	vperm.xlane v3, v2;
	_ =	sdelay $0x1  }
0x1cf: {  	s19 =	simm.s32 $0x16480;
	v3 =	vadd.s32 v1, v3  }
0x1d0: {  	[tilespmem:s19], [sflag:$0x4] =	stream.indirect_vreg.gather [hbm4b:s3+s4], $0x80, v4, vm0, $0xb8;
	[tilespmem:$0x18480] =	vst v63  }
0x1d1: {  	s19 =	simm.s32 $0x16C80  }
0x1d2: {  	[tilespmem:s19], [sflag:$0x4] =	stream.indirect_vreg.gather [hbm4b:s6+s4], $0x80, v4, vm0, $0xb8;
	[tilespmem:$0x18480] =	vst v63  }
0x1d3: {  	s19 =	simm.s32 $0x17480  }
0x1d4: {  	[tilespmem:s19], [sflag:$0x4] =	stream.indirect_vreg.gather [hbm4b:s3+s4], $0x80, v3, vm0, $0xb8;
	[tilespmem:$0x18480] =	vst v63  }
0x1d5: {  	s19 =	simm.s32 $0x17C80  }
0x1d6: {  	[tilespmem:s19], [sflag:$0x4] =	stream.indirect_vreg.gather [hbm4b:s6+s4], $0x80, v3, vm0, $0xb8;
	[tilespmem:$0x18480] =	vst v63  }
0x1d7: {  	_ =	swait.ge [sflag:s12], $0x8000  }
0x1d8: {  	[sflag:s12] =	ssyncset.done $0x0  }
0x1d9: {  	s19 =	rddreg [dreg:$0x10];
	[sflag:s12] =	ssyncadd.s32 $0xFFFF8000  }
0x1da: {  	[hbm4b:s19+s4] =	stream.linear.scatter [tilespmem:s25], [sflag:$0x5], $0x8000, $0x38;
	[tilespmem:$0x18480] =	vst v63  }
0x1db: {  	_ =	swait.ge [sflag:s13], $0x8000  }
0x1dc: {  	[sflag:s13] =	ssyncset.done $0x0  }
0x1dd: {  	[sflag:s13] =	ssyncadd.s32 $0xFFFF8000  }
0x1de: {  	v3 =	vld [tilespmem:$0x300];
	_ =	sdelay $0x4  }
0x1df: {  	v52 =	vshll.u32 v3, $0x2  }
0x1e0: {  	v3 =	vand.u32 $0x7, v3;
	v4 =	vand.u32 $0xFFFFFFE0, v52  }
0x1e1: {  	v3 =	vor.u32 v3, v4  }
0x1e2: {  	v4 =	vperm.xlane v3, v0;
	_ =	sdelay $0x1  }
0x1e3: {  	v4 =	vadd.s32 v1, v4;
	_ =	sdelay $0x1  }
0x1e4: {  	v3 =	vperm.xlane v3, v2;
	_ =	sdelay $0x1  }
0x1e5: {  	v3 =	vadd.s32 v1, v3  }
0x1e6: {  	[tilespmem:s25], [sflag:$0x2] =	stream.indirect_vreg.gather [hbm4b:s1+s4], $0x80, v4, vm0, $0xb8;
	[tilespmem:$0x18480] =	vst v63  }
0x1e7: {  	_ = 	snop  }
0x1e8: {  	[tilespmem:s20], [sflag:$0x2] =	stream.indirect_vreg.gather [hbm4b:s5+s4], $0x80, v4, vm0, $0xb8;
	[tilespmem:$0x18480] =	vst v63  }
0x1e9: {  	_ = 	snop  }
0x1ea: {  	[tilespmem:s21], [sflag:$0x2] =	stream.indirect_vreg.gather [hbm4b:s1+s4], $0x80, v3, vm0, $0xb8;
	[tilespmem:$0x18480] =	vst v63  }
0x1eb: {  	_ = 	snop  }
0x1ec: {  	[tilespmem:s22], [sflag:$0x2] =	stream.indirect_vreg.gather [hbm4b:s5+s4], $0x80, v3, vm0, $0xb8;
	[tilespmem:$0x18480] =	vst v63  }
0x1ed: {  	v3 =	vld [tilespmem:$0x310];
	_ =	sdelay $0x4  }
0x1ee: {  	v53 =	vshll.u32 v3, $0x2  }
0x1ef: {  	v3 =	vand.u32 $0x7, v3;
	v4 =	vand.u32 $0xFFFFFFE0, v53  }
0x1f0: {  	v3 =	vor.u32 v3, v4  }
0x1f1: {  	v4 =	vperm.xlane v3, v0;
	_ =	sdelay $0x1  }
0x1f2: {  	v4 =	vadd.s32 v1, v4;
	_ =	sdelay $0x1  }
0x1f3: {  	v3 =	vperm.xlane v3, v2;
	_ =	sdelay $0x1  }
0x1f4: {  	v3 =	vadd.s32 v1, v3  }
0x1f5: {  	[tilespmem:s23], [sflag:$0x2] =	stream.indirect_vreg.gather [hbm4b:s1+s4], $0x80, v4, vm0, $0xb8;
	[tilespmem:$0x18480] =	vst v63  }
0x1f6: {  	_ = 	snop  }
0x1f7: {  	[tilespmem:s24], [sflag:$0x2] =	stream.indirect_vreg.gather [hbm4b:s5+s4], $0x80, v4, vm0, $0xb8;
	[tilespmem:$0x18480] =	vst v63  }
0x1f8: {  	_ = 	snop  }
0x1f9: {  	[tilespmem:s26], [sflag:$0x2] =	stream.indirect_vreg.gather [hbm4b:s1+s4], $0x80, v3, vm0, $0xb8;
	[tilespmem:$0x18480] =	vst v63  }
0x1fa: {  	_ = 	snop  }
0x1fb: {  	[tilespmem:s28], [sflag:$0x2] =	stream.indirect_vreg.gather [hbm4b:s5+s4], $0x80, v3, vm0, $0xb8;
	[tilespmem:$0x18480] =	vst v63  }
0x1fc: {  	v3 =	vld [tilespmem:$0x320];
	_ =	sdelay $0x4  }
0x1fd: {  	v54 =	vshll.u32 v3, $0x2  }
0x1fe: {  	v3 =	vand.u32 $0x7, v3;
	v4 =	vand.u32 $0xFFFFFFE0, v54  }
0x1ff: {  	v3 =	vor.u32 v3, v4  }
0x200: {  	v4 =	vperm.xlane v3, v0;
	_ =	sdelay $0x1  }
0x201: {  	v4 =	vadd.s32 v1, v4;
	_ =	sdelay $0x1  }
0x202: {  	v3 =	vperm.xlane v3, v2;
	_ =	sdelay $0x1  }
0x203: {  	v3 =	vadd.s32 v1, v3  }
0x204: {  	[tilespmem:s29], [sflag:$0x2] =	stream.indirect_vreg.gather [hbm4b:s1+s4], $0x80, v4, vm0, $0xb8;
	[tilespmem:$0x18480] =	vst v63  }
0x205: {  	_ = 	snop  }
0x206: {  	[tilespmem:s30], [sflag:$0x2] =	stream.indirect_vreg.gather [hbm4b:s5+s4], $0x80, v4, vm0, $0xb8;
	[tilespmem:$0x18480] =	vst v63  }
0x207: {  	_ = 	snop  }
0x208: {  	[tilespmem:s31], [sflag:$0x2] =	stream.indirect_vreg.gather [hbm4b:s1+s4], $0x80, v3, vm0, $0xb8;
	[tilespmem:$0x18480] =	vst v63  }
0x209: {  	_ = 	snop  }
0x20a: {  	[tilespmem:s2], [sflag:$0x2] =	stream.indirect_vreg.gather [hbm4b:s5+s4], $0x80, v3, vm0, $0xb8;
	[tilespmem:$0x18480] =	vst v63  }
0x20b: {  	v3 =	vld [tilespmem:$0x330];
	_ =	sdelay $0x4  }
0x20c: {  	v55 =	vshll.u32 v3, $0x2  }
0x20d: {  	v3 =	vand.u32 $0x7, v3;
	v4 =	vand.u32 $0xFFFFFFE0, v55  }
0x20e: {  	v3 =	vor.u32 v3, v4  }
0x20f: {  	v4 =	vperm.xlane v3, v0;
	_ =	sdelay $0x1  }
0x210: {  	v4 =	vadd.s32 v1, v4;
	_ =	sdelay $0x1  }
0x211: {  	v3 =	vperm.xlane v3, v2;
	_ =	sdelay $0x1  }
0x212: {  	s19 =	simm.s32 $0x6480;
	v3 =	vadd.s32 v1, v3  }
0x213: {  	[tilespmem:s19], [sflag:$0x2] =	stream.indirect_vreg.gather [hbm4b:s1+s4], $0x80, v4, vm0, $0xb8;
	[tilespmem:$0x18480] =	vst v63  }
0x214: {  	_ = 	snop  }
0x215: {  	[tilespmem:s10], [sflag:$0x2] =	stream.indirect_vreg.gather [hbm4b:s5+s4], $0x80, v4, vm0, $0xb8;
	[tilespmem:$0x18480] =	vst v63  }
0x216: {  	_ = 	snop  }
0x217: {  	[tilespmem:s11], [sflag:$0x2] =	stream.indirect_vreg.gather [hbm4b:s1+s4], $0x80, v3, vm0, $0xb8;
	[tilespmem:$0x18480] =	vst v63  }
0x218: {  	_ = 	snop  }
0x219: {  	[tilespmem:s9], [sflag:$0x2] =	stream.indirect_vreg.gather [hbm4b:s5+s4], $0x80, v3, vm0, $0xb8;
	[tilespmem:$0x18480] =	vst v63  }
0x21a: {  	_ =	swait.ge [sflag:s14], $0x8000  }
0x21b: {  	[sflag:s14] =	ssyncset.done $0x0  }
0x21c: {  	s20 =	rddreg [dreg:$0x11];
	[sflag:s14] =	ssyncadd.s32 $0xFFFF8000  }
0x21d: {  	[hbm4b:s20+s4] =	stream.linear.scatter [tilespmem:s18], [sflag:$0x6], $0x8000, $0x38;
	[tilespmem:$0x18480] =	vst v63  }
0x21e: {  	_ =	swait.ge [sflag:s15], $0x8000  }
0x21f: {  	[sflag:s15] =	ssyncset.done $0x0  }
0x220: {  	[sflag:s15] =	ssyncadd.s32 $0xFFFF8000  }
0x221: {  	v3 =	vld [tilespmem:$0x380];
	_ =	sdelay $0x4  }
0x222: {  	v56 =	vshll.u32 v3, $0x2  }
0x223: {  	v3 =	vand.u32 $0x7, v3;
	v4 =	vand.u32 $0xFFFFFFE0, v56  }
0x224: {  	v3 =	vor.u32 v3, v4  }
0x225: {  	v4 =	vperm.xlane v3, v0;
	_ =	sdelay $0x1  }
0x226: {  	v4 =	vadd.s32 v1, v4;
	_ =	sdelay $0x1  }
0x227: {  	v3 =	vperm.xlane v3, v2;
	_ =	sdelay $0x1  }
0x228: {  	v3 =	vadd.s32 v1, v3  }
0x229: {  	[tilespmem:s18], [sflag:$0x3] =	stream.indirect_vreg.gather [hbm4b:s1+s4], $0x80, v4, vm0, $0xb8;
	[tilespmem:$0x18480] =	vst v63  }
0x22a: {  	s21 =	simm.s32 $0x8C80  }
0x22b: {  	[tilespmem:s21], [sflag:$0x3] =	stream.indirect_vreg.gather [hbm4b:s5+s4], $0x80, v4, vm0, $0xb8;
	[tilespmem:$0x18480] =	vst v63  }
0x22c: {  	s22 =	simm.s32 $0x9480  }
0x22d: {  	[tilespmem:s22], [sflag:$0x3] =	stream.indirect_vreg.gather [hbm4b:s1+s4], $0x80, v3, vm0, $0xb8;
	[tilespmem:$0x18480] =	vst v63  }
0x22e: {  	s19 =	simm.s32 $0x9C80  }
0x22f: {  	[tilespmem:s19], [sflag:$0x3] =	stream.indirect_vreg.gather [hbm4b:s5+s4], $0x80, v3, vm0, $0xb8;
	[tilespmem:$0x18480] =	vst v63  }
0x230: {  	v3 =	vld [tilespmem:$0x390];
	_ =	sdelay $0x4  }
0x231: {  	v57 =	vshll.u32 v3, $0x2  }
0x232: {  	v3 =	vand.u32 $0x7, v3;
	v4 =	vand.u32 $0xFFFFFFE0, v57  }
0x233: {  	v3 =	vor.u32 v3, v4  }
0x234: {  	v4 =	vperm.xlane v3, v0;
	_ =	sdelay $0x1  }
0x235: {  	v4 =	vadd.s32 v1, v4;
	_ =	sdelay $0x1  }
0x236: {  	v3 =	vperm.xlane v3, v2;
	_ =	sdelay $0x1  }
0x237: {  	s20 =	simm.s32 $0xA480;
	v3 =	vadd.s32 v1, v3  }
0x238: {  	[tilespmem:s20], [sflag:$0x3] =	stream.indirect_vreg.gather [hbm4b:s1+s4], $0x80, v4, vm0, $0xb8;
	[tilespmem:$0x18480] =	vst v63  }
0x239: {  	s21 =	simm.s32 $0xAC80  }
0x23a: {  	[tilespmem:s21], [sflag:$0x3] =	stream.indirect_vreg.gather [hbm4b:s5+s4], $0x80, v4, vm0, $0xb8;
	[tilespmem:$0x18480] =	vst v63  }
0x23b: {  	s22 =	simm.s32 $0xB480  }
0x23c: {  	[tilespmem:s22], [sflag:$0x3] =	stream.indirect_vreg.gather [hbm4b:s1+s4], $0x80, v3, vm0, $0xb8;
	[tilespmem:$0x18480] =	vst v63  }
0x23d: {  	s19 =	simm.s32 $0xBC80  }
0x23e: {  	[tilespmem:s19], [sflag:$0x3] =	stream.indirect_vreg.gather [hbm4b:s5+s4], $0x80, v3, vm0, $0xb8;
	[tilespmem:$0x18480] =	vst v63  }
0x23f: {  	v3 =	vld [tilespmem:$0x3A0];
	_ =	sdelay $0x4  }
0x240: {  	v58 =	vshll.u32 v3, $0x2  }
0x241: {  	v3 =	vand.u32 $0x7, v3;
	v4 =	vand.u32 $0xFFFFFFE0, v58  }
0x242: {  	v3 =	vor.u32 v3, v4  }
0x243: {  	v4 =	vperm.xlane v3, v0;
	_ =	sdelay $0x1  }
0x244: {  	v4 =	vadd.s32 v1, v4;
	_ =	sdelay $0x1  }
0x245: {  	v3 =	vperm.xlane v3, v2;
	_ =	sdelay $0x1  }
0x246: {  	s20 =	simm.s32 $0xC480;
	v3 =	vadd.s32 v1, v3  }
0x247: {  	[tilespmem:s20], [sflag:$0x3] =	stream.indirect_vreg.gather [hbm4b:s1+s4], $0x80, v4, vm0, $0xb8;
	[tilespmem:$0x18480] =	vst v63  }
0x248: {  	s21 =	simm.s32 $0xCC80  }
0x249: {  	[tilespmem:s21], [sflag:$0x3] =	stream.indirect_vreg.gather [hbm4b:s5+s4], $0x80, v4, vm0, $0xb8;
	[tilespmem:$0x18480] =	vst v63  }
0x24a: {  	s22 =	simm.s32 $0xD480  }
0x24b: {  	[tilespmem:s22], [sflag:$0x3] =	stream.indirect_vreg.gather [hbm4b:s1+s4], $0x80, v3, vm0, $0xb8;
	[tilespmem:$0x18480] =	vst v63  }
0x24c: {  	s19 =	simm.s32 $0xDC80  }
0x24d: {  	[tilespmem:s19], [sflag:$0x3] =	stream.indirect_vreg.gather [hbm4b:s5+s4], $0x80, v3, vm0, $0xb8;
	[tilespmem:$0x18480] =	vst v63  }
0x24e: {  	v3 =	vld [tilespmem:$0x3B0];
	_ =	sdelay $0x4  }
0x24f: {  	v59 =	vshll.u32 v3, $0x2  }
0x250: {  	v3 =	vand.u32 $0x7, v3;
	v4 =	vand.u32 $0xFFFFFFE0, v59  }
0x251: {  	v3 =	vor.u32 v3, v4  }
0x252: {  	v4 =	vperm.xlane v3, v0;
	_ =	sdelay $0x1  }
0x253: {  	v4 =	vadd.s32 v1, v4;
	_ =	sdelay $0x1  }
0x254: {  	v3 =	vperm.xlane v3, v2;
	_ =	sdelay $0x1  }
0x255: {  	s20 =	simm.s32 $0xE480;
	v3 =	vadd.s32 v1, v3  }
0x256: {  	[tilespmem:s20], [sflag:$0x3] =	stream.indirect_vreg.gather [hbm4b:s1+s4], $0x80, v4, vm0, $0xb8;
	[tilespmem:$0x18480] =	vst v63  }
0x257: {  	s21 =	simm.s32 $0xEC80  }
0x258: {  	[tilespmem:s21], [sflag:$0x3] =	stream.indirect_vreg.gather [hbm4b:s5+s4], $0x80, v4, vm0, $0xb8;
	[tilespmem:$0x18480] =	vst v63  }
0x259: {  	s22 =	simm.s32 $0xF480  }
0x25a: {  	[tilespmem:s22], [sflag:$0x3] =	stream.indirect_vreg.gather [hbm4b:s1+s4], $0x80, v3, vm0, $0xb8;
	[tilespmem:$0x18480] =	vst v63  }
0x25b: {  	s19 =	simm.s32 $0xFC80  }
0x25c: {  	[tilespmem:s19], [sflag:$0x3] =	stream.indirect_vreg.gather [hbm4b:s5+s4], $0x80, v3, vm0, $0xb8;
	[tilespmem:$0x18480] =	vst v63  }
0x25d: {  	_ =	swait.ge [sflag:s16], $0x8000  }
0x25e: {  	[sflag:s16] =	ssyncset.done $0x0  }
0x25f: {  	s20 =	rddreg [dreg:$0x12];
	[sflag:s16] =	ssyncadd.s32 $0xFFFF8000  }
0x260: {  	[hbm4b:s20+s4] =	stream.linear.scatter [tilespmem:s0], [sflag:$0x7], $0x8000, $0x38;
	[tilespmem:$0x18480] =	vst v63  }
0x261: {  	_ =	swait.ge [sflag:s17], $0x8000  }
0x262: {  	[sflag:s17] =	ssyncset.done $0x0  }
0x263: {  	[sflag:s17] =	ssyncadd.s32 $0xFFFF8000  }
0x264: {  	v3 =	vld [tilespmem:$0x400];
	_ =	sdelay $0x4  }
0x265: {  	v60 =	vshll.u32 v3, $0x2  }
0x266: {  	v3 =	vand.u32 $0x7, v3;
	v4 =	vand.u32 $0xFFFFFFE0, v60  }
0x267: {  	v3 =	vor.u32 v3, v4  }
0x268: {  	v4 =	vperm.xlane v3, v0;
	_ =	sdelay $0x1  }
0x269: {  	v4 =	vadd.s32 v1, v4;
	_ =	sdelay $0x1  }
0x26a: {  	v3 =	vperm.xlane v3, v2;
	_ =	sdelay $0x1  }
0x26b: {  	v3 =	vadd.s32 v1, v3  }
0x26c: {  	[tilespmem:s0], [sflag:$0x4] =	stream.indirect_vreg.gather [hbm4b:s1+s4], $0x80, v4, vm0, $0xb8;
	[tilespmem:$0x18480] =	vst v63  }
0x26d: {  	s21 =	simm.s32 $0x10C80  }
0x26e: {  	[tilespmem:s21], [sflag:$0x4] =	stream.indirect_vreg.gather [hbm4b:s5+s4], $0x80, v4, vm0, $0xb8;
	[tilespmem:$0x18480] =	vst v63  }
0x26f: {  	s22 =	simm.s32 $0x11480  }
0x270: {  	[tilespmem:s22], [sflag:$0x4] =	stream.indirect_vreg.gather [hbm4b:s1+s4], $0x80, v3, vm0, $0xb8;
	[tilespmem:$0x18480] =	vst v63  }
0x271: {  	s19 =	simm.s32 $0x11C80  }
0x272: {  	[tilespmem:s19], [sflag:$0x4] =	stream.indirect_vreg.gather [hbm4b:s5+s4], $0x80, v3, vm0, $0xb8;
	[tilespmem:$0x18480] =	vst v63  }
0x273: {  	v3 =	vld [tilespmem:$0x410];
	_ =	sdelay $0x4  }
0x274: {  	v61 =	vshll.u32 v3, $0x2  }
0x275: {  	v3 =	vand.u32 $0x7, v3;
	v4 =	vand.u32 $0xFFFFFFE0, v61  }
0x276: {  	v3 =	vor.u32 v3, v4  }
0x277: {  	v4 =	vperm.xlane v3, v0;
	_ =	sdelay $0x1  }
0x278: {  	v4 =	vadd.s32 v1, v4;
	_ =	sdelay $0x1  }
0x279: {  	v3 =	vperm.xlane v3, v2;
	_ =	sdelay $0x1  }
0x27a: {  	s20 =	simm.s32 $0x12480;
	v3 =	vadd.s32 v1, v3  }
0x27b: {  	[tilespmem:s20], [sflag:$0x4] =	stream.indirect_vreg.gather [hbm4b:s1+s4], $0x80, v4, vm0, $0xb8;
	[tilespmem:$0x18480] =	vst v63  }
0x27c: {  	s21 =	simm.s32 $0x12C80  }
0x27d: {  	[tilespmem:s21], [sflag:$0x4] =	stream.indirect_vreg.gather [hbm4b:s5+s4], $0x80, v4, vm0, $0xb8;
	[tilespmem:$0x18480] =	vst v63  }
0x27e: {  	s22 =	simm.s32 $0x13480  }
0x27f: {  	[tilespmem:s22], [sflag:$0x4] =	stream.indirect_vreg.gather [hbm4b:s1+s4], $0x80, v3, vm0, $0xb8;
	[tilespmem:$0x18480] =	vst v63  }
0x280: {  	s19 =	simm.s32 $0x13C80  }
0x281: {  	[tilespmem:s19], [sflag:$0x4] =	stream.indirect_vreg.gather [hbm4b:s5+s4], $0x80, v3, vm0, $0xb8;
	[tilespmem:$0x18480] =	vst v63  }
0x282: {  	v3 =	vld [tilespmem:$0x420];
	_ =	sdelay $0x4  }
0x283: {  	v62 =	vshll.u32 v3, $0x2  }
0x284: {  	v3 =	vand.u32 $0x7, v3;
	v4 =	vand.u32 $0xFFFFFFE0, v62  }
0x285: {  	v3 =	vor.u32 v3, v4  }
0x286: {  	v4 =	vperm.xlane v3, v0;
	_ =	sdelay $0x1  }
0x287: {  	v4 =	vadd.s32 v1, v4;
	_ =	sdelay $0x1  }
0x288: {  	v3 =	vperm.xlane v3, v2;
	_ =	sdelay $0x1  }
0x289: {  	s20 =	simm.s32 $0x14480;
	v3 =	vadd.s32 v1, v3  }
0x28a: {  	[tilespmem:s20], [sflag:$0x4] =	stream.indirect_vreg.gather [hbm4b:s1+s4], $0x80, v4, vm0, $0xb8;
	[tilespmem:$0x18480] =	vst v63  }
0x28b: {  	s21 =	simm.s32 $0x14C80  }
0x28c: {  	[tilespmem:s21], [sflag:$0x4] =	stream.indirect_vreg.gather [hbm4b:s5+s4], $0x80, v4, vm0, $0xb8;
	[tilespmem:$0x18480] =	vst v63  }
0x28d: {  	s22 =	simm.s32 $0x15480  }
0x28e: {  	[tilespmem:s22], [sflag:$0x4] =	stream.indirect_vreg.gather [hbm4b:s1+s4], $0x80, v3, vm0, $0xb8;
	[tilespmem:$0x18480] =	vst v63  }
0x28f: {  	s19 =	simm.s32 $0x15C80  }
0x290: {  	[tilespmem:s19], [sflag:$0x4] =	stream.indirect_vreg.gather [hbm4b:s5+s4], $0x80, v3, vm0, $0xb8;
	[tilespmem:$0x18480] =	vst v63  }
0x291: {  	v3 =	vld [tilespmem:$0x430];
	_ =	sdelay $0x4  }
0x292: {  	v63 =	vshll.u32 v3, $0x2  }
0x293: {  	v3 =	vand.u32 $0x7, v3;
	v4 =	vand.u32 $0xFFFFFFE0, v63  }
0x294: {  	v3 =	vor.u32 v3, v4  }
0x295: {  	v4 =	vperm.xlane v3, v0;
	_ =	sdelay $0x1  }
0x296: {  	v4 =	vadd.s32 v1, v4;
	_ =	sdelay $0x1  }
0x297: {  	v3 =	vperm.xlane v3, v2;
	_ =	sdelay $0x1  }
0x298: {  	s20 =	simm.s32 $0x16480;
	v3 =	vadd.s32 v1, v3  }
0x299: {  	[tilespmem:s20], [sflag:$0x4] =	stream.indirect_vreg.gather [hbm4b:s1+s4], $0x80, v4, vm0, $0xb8;
	[tilespmem:$0x18480] =	vst v63  }
0x29a: {  	s21 =	simm.s32 $0x16C80  }
0x29b: {  	[tilespmem:s21], [sflag:$0x4] =	stream.indirect_vreg.gather [hbm4b:s5+s4], $0x80, v4, vm0, $0xb8;
	[tilespmem:$0x18480] =	vst v63  }
0x29c: {  	s22 =	simm.s32 $0x17480  }
0x29d: {  	[tilespmem:s22], [sflag:$0x4] =	stream.indirect_vreg.gather [hbm4b:s1+s4], $0x80, v3, vm0, $0xb8;
	[tilespmem:$0x18480] =	vst v63  }
0x29e: {  	s19 =	simm.s32 $0x17C80  }
0x29f: {  	[tilespmem:s19], [sflag:$0x4] =	stream.indirect_vreg.gather [hbm4b:s5+s4], $0x80, v3, vm0, $0xb8;
	[tilespmem:$0x18480] =	vst v63  }
0x2a0: {  	_ =	swait.ge [sflag:s12], $0x8000  }
0x2a1: {  	[sflag:s12] =	ssyncset.done $0x0  }
0x2a2: {  	s20 =	rddreg [dreg:$0x13];
	[sflag:s12] =	ssyncadd.s32 $0xFFFF8000  }
0x2a3: {  	[hbm4b:s20+s4] =	stream.linear.scatter [tilespmem:s25], [sflag:$0x5], $0x8000, $0x38;
	[tilespmem:$0x18480] =	vst v63  }
0x2a4: {  	_ =	swait.ge [sflag:s14], $0x8000  }
0x2a5: {  	[sflag:s14] =	ssyncset.done $0x0  }
0x2a6: {  	s21 =	rddreg [dreg:$0x14];
	[sflag:s14] =	ssyncadd.s32 $0xFFFF8000  }
0x2a7: {  	[hbm4b:s21+s4] =	stream.linear.scatter [tilespmem:s18], [sflag:$0x6], $0x8000, $0x38;
	[tilespmem:$0x18480] =	vst v63  }
0x2a8: {  	_ =	swait.ge [sflag:s16], $0x8000  }
0x2a9: {  	[sflag:s16] =	ssyncset.done $0x0  }
0x2aa: {  	s22 =	rddreg [dreg:$0x15];
	[sflag:s16] =	ssyncadd.s32 $0xFFFF8000  }
0x2ab: {  	[hbm4b:s22+s4] =	stream.linear.scatter [tilespmem:s0], [sflag:$0x7], $0x8000, $0x38;
	[tilespmem:$0x18480] =	vst v63  }
0x2ac: {  	_ =	swait.ge [sflag:s13], $0x8000  }
0x2ad: {  	[sflag:s13] =	ssyncset.done $0x0  }
0x2ae: {  	[sflag:s13] =	ssyncadd.s32 $0xFFFF8000  }
0x2af: {  	p0 =	sne.s32 s7, $0x1;
	_ =	swait.ge [sflag:s15], $0x8000  }
.Ltmp0:
0x2b0: {  	[sflag:s15] =	ssyncset.done $0x0;
	(pc) =	sbr.rel @p0 .LBB2_1-.Ltmp0, $4  }
0x2b1: {  	[sflag:s15] =	ssyncadd.s32 $0xFFFF8000  }
0x2b2: {  	_ =	swait.ge [sflag:s17], $0x8000  }
0x2b3: {  	[sflag:s17] =	ssyncset.done $0x0  }
0x2b4: {  	s7 =	sadd.s32 $0xFFFFFFFF, s7;
	[sflag:s17] =	ssyncadd.s32 $0xFFFF8000  }
0x2b5: {  	_ =	sfence.sel $0x180000  }
0x2b6: {  	[bflag:$0x0] =	sbarrier.arrive $0xFFFF  }
0x2b7: {  	_ =	strace $0x9000004D  }
0x2b8: {  	s0 =	stileid.u32;
	[bflag:$0x2] =	sbarrier.arrive $0xFFFF  }
0x2b9: {  	p0 =	sne.s32 s0, $0x0;
	s0 =	rddreg [dreg:$0x3]  }
0x2ba: {  	s0 =	sadd.s32 @!p0 $0x100000, s0  }
0x2bb: {  	[sflag:s0] =	ssyncadd.tile.s32 @!p0 $0x1;
	_ =	shalt  }
.Lfunc_end2:
_tile_overlayer_lowered:
.L_overlay_start_2:
0x2bc: {  	(tag) =	ssettag $0x2  }
0x2bd: {  	s0 =	rddreg [dreg:$0x0];
	s2 =	stileid.u32  }
0x2be: {  	s1 =	rddreg [dreg:$0x1];
	p0 =	sne.s32 s2, $0x0  }
0x2bf: {  	s3 =	rddreg [dreg:$0x2];
	[bflag:$0x3] =	sbarrier.arrive $0xFFFF;
	s2 =	simm.s32 @!p0 $0x1C08  }
0x2c0: {  	[timem:s3], [sflag:s2] =	dma.local @!p0 [hbm:s0], s1  }
0x2c1: {  	s0 =	simm.s32 @!p0 $0x8  }
0x2c2: {  	_ =	swait.ge @!p0 [sflag:s0], s1  }
0x2c3: {  	s1 =	ssub.s32 @!p0 $0x0, s1;
	[sflag:s0] =	ssyncset.done @!p0 $0x0  }
0x2c4: {  	[sflag:s0] =	ssyncadd.s32 @!p0 s1  }
0x2c5: {  	[bflag:$0x3] =	sbarrier.arrive $0xFFFF  }
0x2c6: {  	_ =	shalt  }

// kernel: kernel.13.cloned.1.call-start
scs
__scs_entry_jumppad:
0x0: {  	(pc) =	sbr.rel $0x88, $3  }
0x1: {  	(tag) =	ssettag $0x0;
	lr =	simm.s32 $0x1  }
0x2: {  	[smem:$0x3F9A] =	sst lr;
	_ =	strace $0xD0000000  }
0x3: {  	_ = 	snop  }
0x4: {  	_ = 	snop  }
0x5: {  	_ = 	snop  }
0x6: {  	_ = 	snop  }
0x7: {  	_ = 	snop  }
__scs_overlays_trampoline_lowered:
0x8: {  	[smem:$0x3FA9] =	sst s0  }
0x9: {  	[smem:$0x3FAA] =	sst s1  }
0xa: {  	[smem:$0x3FAB] =	sst s2  }
0xb: {  	[smem:$0x3FAC] =	sst s3  }
0xc: {  	[smem:$0x3FAD] =	sst s4  }
0xd: {  	[smem:$0x3FAE] =	sst s5  }
0xe: {  	[smem:$0x3FAF] =	sst s6  }
0xf: {  	[smem:$0x3FB0] =	sst s7  }
0x10: {  	[smem:$0x3FB1] =	sst s8  }
0x11: {  	[smem:$0x3FB2] =	sst s9;
	s0 =	simm.s32 @!p0 $0x0  }
0x12: {  	s1 =	sld [smem:$0x3F98];
	s0 =	simm.s32 @p0 $0x1  }
0x13: {  	[smem:$0x3FB3] =	sst s0;
	s0 =	simm.s32 @!p1 $0x0  }
0x14: {  	s2 =	sld [smem:$0x3F97];
	s0 =	simm.s32 @p1 $0x1  }
0x15: {  	[smem:$0x3FB4] =	sst s0;
	s0 =	simm.s32 @!p2 $0x0  }
0x16: {  	s3 =	sld [smem:$0x3FDB];
	s0 =	simm.s32 @p2 $0x1  }
0x17: {  	s4 =	simm.s32 $0x1BF5;
	[smem:$0x3FB6] =	sst s0  }
0x18: {  	s0 =	sld [smem:$0x3F99];
	_ =	swait.ge [sflag:s4], $0x0  }
0x19: {  	s7 =	sld [smem:$0x3F9A]  }
0x1a: {  	s8 =	sadd.s32 $0xFFFFE003, lr  }
0x1b: {  	s9 =	sadd.s32 $0xFFFFFEF7, lr;
	s5 =	simm.s32 $0xFFFFFFFF;
	p2 =	slt.u32 s8, $0xFFFFF086  }
0x1c: {  	p1 =	slt.u32 s9, $0xF7A;
	s5 =	simm.s32 @!p2 $0x0  }
0x1d: {  	s5 =	simm.s32 @p1 $0x1;
	p0 =	seq.s32 s7, s2  }
0x1e: {  	s7 =	smul.u32 @!p0 $0xF7A, s2;
	p2 =	seq.s32 @!p0 s5, $0x0  }
0x1f: {  	s9 =	smul.u32 $0xF7A, s1;
	s8 =	simm.s32 @!p0 $0x1BF5;
	p2 =	por !p2, p0  }
0x20: {  	[sflag:s8] =	ssyncset.s32 @!p0 $0xFFFFF086;
	s6 =	sadd.s32 @!p0 s3, s7;
	s7 =	simm.s32 @!p0 $0x108  }
0x21: {  	s3 =	sadd.s32 s3, s9;
	s6 =	sadd.s32 @!p0 $0x88, s6;
	s7 =	simm.s32 @p2 $0x1082  }
0x22: {  	[simem:s7], [sflag:s8] =	dma.local @!p0 [hbm:s6], $0xF7A  }
0x23: {  	s9 =	sor.u32 $0xD0000000, s2;
	s6 =	simm.s32 $0x108;
	_ =	swait.ge @!p0 [sflag:s8], $0x0  }
0x24: {  	s3 =	sadd.s32 $0x88, s3;
	s6 =	simm.s32 @!p1 $0x1082;
	[sflag:s4] =	ssyncset.s32 $0xFFFFF086  }
0x25: {  	[simem:s6], [sflag:s4] =	dma.local [hbm:s3], $0xF7A  }
0x26: {  	[smem:$0x3F9A] =	sst s1;
	(tag) =	ssettag s2;
	_ =	strace s9  }
0x27: {  	s1 =	sld [smem:$0x3FAA]  }
0x28: {  	s2 =	sld [smem:$0x3FAB]  }
0x29: {  	s4 =	sld [smem:$0x3FAD]  }
0x2a: {  	p0 =	seq.s32 s5, $0x0;
	s5 =	sld [smem:$0x3FAE]  }
0x2b: {  	s6 =	sld [smem:$0x3FAF]  }
0x2c: {  	s7 =	sld [smem:$0x3FB0]  }
0x2d: {  	s3 =	simm.s32 $0x108;
	s8 =	sld [smem:$0x3FB1]  }
0x2e: {  	s3 =	simm.s32 @!p0 $0x1082;
	s9 =	sld [smem:$0x3FB2]  }
0x2f: {  	lr =	sadd.s32 s0, s3;
	s0 =	sld [smem:$0x3FA9]  }
0x30: {  	s3 =	sld [smem:$0x3FAC]  }
0x31: {  	[smem:$0x3FB5] =	sst s10  }
0x32: {  	s10 =	sld [smem:$0x3FB3];
	_ =	sdelay $0x3  }
0x33: {  	p0 =	seq.s32 s10, $0x1;
	s10 =	sld [smem:$0x3FB5];
	_ =	sdelay $0x3  }
0x34: {  	[smem:$0x3FB5] =	sst s10  }
0x35: {  	s10 =	sld [smem:$0x3FB4];
	_ =	sdelay $0x3  }
0x36: {  	p1 =	seq.s32 s10, $0x1;
	s10 =	sld [smem:$0x3FB5];
	_ =	sdelay $0x3  }
0x37: {  	[smem:$0x3FB5] =	sst s10  }
0x38: {  	s10 =	sld [smem:$0x3FB6]  }
0x39: {  	_ = 	snop;
	(pc) =	sbr.ind lr, $3  }
0x3a: {  	_ = 	snop  }
0x3b: {  	_ = 	snop  }
0x3c: {  	p2 =	seq.s32 s10, $0x1;
	s10 =	sld [smem:$0x3FB5]  }
0x3d: {  	_ =	shalt  }
0x3e: {  	_ =	shalt  }
0x3f: {  	_ =	shalt  }
0x40: {  	_ =	shalt  }
0x41: {  	_ =	shalt  }
0x42: {  	_ =	shalt  }
0x43: {  	_ =	shalt  }
0x44: {  	_ =	shalt  }
0x45: {  	_ =	shalt  }
0x46: {  	_ =	shalt  }
0x47: {  	_ =	shalt  }
0x48: {  	_ =	shalt  }
0x49: {  	_ =	shalt  }
0x4a: {  	_ =	shalt  }
0x4b: {  	_ =	shalt  }
0x4c: {  	_ =	shalt  }
0x4d: {  	_ =	shalt  }
0x4e: {  	_ =	shalt  }
0x4f: {  	_ =	shalt  }
0x50: {  	_ =	shalt  }
0x51: {  	_ =	shalt  }
0x52: {  	_ =	shalt  }
0x53: {  	_ =	shalt  }
0x54: {  	_ =	shalt  }
0x55: {  	_ =	shalt  }
0x56: {  	_ =	shalt  }
0x57: {  	_ =	shalt  }
0x58: {  	_ =	shalt  }
0x59: {  	_ =	shalt  }
0x5a: {  	_ =	shalt  }
0x5b: {  	_ =	shalt  }
0x5c: {  	_ =	shalt  }
0x5d: {  	_ =	shalt  }
0x5e: {  	_ =	shalt  }
0x5f: {  	_ =	shalt  }
0x60: {  	_ =	shalt  }
0x61: {  	_ =	shalt  }
0x62: {  	_ =	shalt  }
0x63: {  	_ =	shalt  }
0x64: {  	_ =	shalt  }
0x65: {  	_ =	shalt  }
0x66: {  	_ =	shalt  }
0x67: {  	_ =	shalt  }
0x68: {  	_ =	shalt  }
0x69: {  	_ =	shalt  }
0x6a: {  	_ =	shalt  }
0x6b: {  	_ =	shalt  }
0x6c: {  	_ =	shalt  }
0x6d: {  	_ =	shalt  }
0x6e: {  	_ =	shalt  }
0x6f: {  	_ =	shalt  }
0x70: {  	_ =	shalt  }
0x71: {  	_ =	shalt  }
0x72: {  	_ =	shalt  }
0x73: {  	_ =	shalt  }
0x74: {  	_ =	shalt  }
0x75: {  	_ =	shalt  }
0x76: {  	_ =	shalt  }
0x77: {  	_ =	shalt  }
0x78: {  	_ =	shalt  }
0x79: {  	_ =	shalt  }
0x7a: {  	_ =	shalt  }
0x7b: {  	_ =	shalt  }
0x7c: {  	_ =	shalt  }
0x7d: {  	_ =	shalt  }
0x7e: {  	_ =	shalt  }
0x7f: {  	_ =	shalt  }
0x80: {  	_ =	shalt  }
0x81: {  	_ =	shalt  }
0x82: {  	_ =	shalt  }
0x83: {  	_ =	shalt  }
0x84: {  	_ =	shalt  }
0x85: {  	_ =	shalt  }
0x86: {  	_ =	shalt  }
0x87: {  	_ =	shalt  }
.Lfunc_end0:
.L_simem_size_0:
called_computation.1_lowered:
.L_overlay_start_0:
0x88: {  	s2 =	sld [smem:$0x3FD9]  }
0x89: {  	s3 =	sld [smem:$0x3FFE];
	_ =	sdelay $0x1  }
0x8a: {  	s1 =	srdreg.scid  }
0x8b: {  	s0 =	sand.u32 $0x1, s1  }
0x8c: {  	s17 =	sshll.u32 s0, $0xA;
	s2 =	sadd.s32 s3, s2  }
0x8d: {  	s2 =	sadd.s32 s2, s17  }
0x8e: {  	[smem:$0x3FC1] =	sst s2  }
0x8f: {  	_ = 	snop  }
0x90: {  	s2 =	sld [smem:$0x3FC9]  }
0x91: {  	s18 =	sld [smem:$0x3FC7];
	(tm) =	ssettm $0x1  }
0x92: {  	s4 =	sld [smem:$0x3FFB];
	_ =	sdelay $0x3  }
0x93: {  	_ =	strace s4  }
0x94: {  	s4 =	sld [smem:$0x3FFC];
	_ =	sdelay $0x3  }
0x95: {  	_ =	strace s4  }
0x96: {  	s4 =	sld [smem:$0x3FFD];
	_ =	sdelay $0x3  }
0x97: {  	_ =	strace s4  }
0x98: {  	_ =	strace $0x8FFFFFFF  }
0x99: {  	s19 =	sld [smem:$0x3FDB];
	_ =	sdelay $0x1  }
0x9a: {  	s5 =	simm.s32 $_scs_section_size  }
0x9b: {  	s6 =	simm.s32 $_size__tile_overlayer_lowered;
	s7 =	simm.s32 $_tile_overlayer_lowered  }
0x9c: {  	s22 =	simm.s32 $0x1BFF;
	s21 =	sshll.u32 s7, $0x1;
	s4 =	sadd.s32 s5, s19  }
0x9d: {  	s8 =	simm.s32 $0x0;
	s20 =	sshll.u32 s6, $0x1;
	s6 =	sadd.s32 s21, s4  }
0x9e: {  	[timem:s8], [sflag:s22] =	dma.local [hbm:s6], s20  }
0x9f: {  	_ =	swait.ge [sflag:s22], s20  }
0xa0: {  	s5 =	ssub.s32 $0x0, s20;
	[sflag:s22] =	ssyncset.done $0x0  }
0xa1: {  	[sflag:s22] =	ssyncadd.s32 s5;
	_ =	sdelay $0x1  }
0xa2: {  	s23 =	simm.s32 $0x1B8B  }
0xa3: {  	_ =	swait.ge [sflag:s23], $0x1  }
0xa4: {  	[sflag:s23] =	ssyncset.done $0x0  }
0xa5: {  	s25 =	simm.s32 $0x1B8E;
	s24 =	sld [smem:$0x3FFE];
	[sflag:s23] =	ssyncadd.s32 $0xFFFFFFFF  }
0xa6: {  	s26 =	simm.s32 $execute0_lowered;
	[smem:$0x3FD2] =	sst s25  }
0xa7: {  	s6 =	sshll.u32 s26, $0x1;
	_ =	strace $0x80000046;
	[dreg:$0x1] =	wrdreg $0xFFFFFFFF  }
0xa8: {  	s28 =	simm.s32 $_size_execute0_lowered;
	s4 =	sadd.s32 s4, s6;
	[dreg:$0x0] =	wrdreg $0x0  }
0xa9: {  	s6 =	sshll.u32 s28, $0x1;
	[dreg:$0x2] =	wrdreg s4  }
0xaa: {  	[dreg:$0x3] =	wrdreg s6  }
0xab: {  	[dreg:$0x4] =	wrdreg $0xC0  }
0xac: {  	_ =	task [dreg:s8], $0x5FFFF  }
0xad: {  	[dreg:$0x1] =	wrdreg $0xFFFFFFFF  }
0xae: {  	[dreg:$0x0] =	wrdreg $0x60  }
0xaf: {  	[dreg:$0x2] =	wrdreg s2  }
0xb0: {  	[dreg:$0x3] =	wrdreg s18  }
0xb1: {  	[dreg:$0x4] =	wrdreg s24  }
0xb2: {  	[dreg:$0x5] =	wrdreg $0xA  }
0xb3: {  	_ =	task.clear_ibuf [dreg:s8], $0x6FFFF;
	_ =	strace $0x90000046  }
0xb4: {  	s29 =	simm.s32 $0xA;
	_ =	strace $0x80000048  }
0xb5: {  	_ =	swait.ge [sflag:s29], $0x1  }
0xb6: {  	[sflag:s29] =	ssyncadd.s32 $0xFFFFFFFF  }
0xb7: {  	_ =	strace $0x90000048  }
0xb8: {  	_ =	sfence  }
0xb9: {  	s30 =	sld [smem:$0x0];
	_ =	sdelay $0x2  }
0xba: {  	s31 =	sshll.u32 s1, $0xD;
	s1 =	sshrl.u32 s1, $0x2  }
0xbb: {  	s3 =	sand.u32 $0x4000, s31;
	s1 =	sadd.s32 s1, s30  }
0xbc: {  	s0 =	sor.u32 s3, s0;
	s1 =	sshll.u32 s1, $0x11  }
0xbd: {  	s0 =	sor.u32 s1, s0  }
0xbe: {  	s0 =	sadd.s32 $0x8F2B, s0  }
0xbf: {  	[sflag:s0] =	ssyncadd.remote.s32 $0x1  }
0xc0: {  	_ =	sfence.sel $0xFFFF  }
0xc1: {  	[dreg:$0x0] =	wrdreg $0xFFFFFFFF;
	(pc) =	sbr.abs _section_cstart, $3  }
0xc2: {  	[dreg:$0x1] =	wrdreg $0xFFFFFFFF  }
0xc3: {  	_ =	task.clear_ibuf [dreg:s8], $0x2FFFF;
	_ =	strace $0x9FFFFFFF  }
0xc4: {  	(tm) =	ssettm $0x7FFFFFFF  }
0xc5: {  	_ =	shalt  }
tec
execute0_lowered:
.L_overlay_start_1:
0x0: {  	(tag) =	ssettag $0x1  }
0x1: {  	s2 =	rddreg [dreg:$0x0]  }
0x2: {  	s0 =	srdreg.scid;
	s3 =	rddreg [dreg:$0x1]  }
0x3: {  	s1 =	stileid.u32;
	s6 =	rddreg [dreg:$0x2]  }
0x4: {  	s4 =	simm.s32 $0x0;
	s21 =	simm.s32 $0x80;
	s23 =	simm.s32 $0x100  }
0x5: {  	s24 =	simm.s32 $0x180;
	s25 =	simm.s32 $0x200;
	s26 =	simm.s32 $0x280  }
0x6: {  	s28 =	simm.s32 $0x3B00;
	s29 =	simm.s32 $0x4300;
	[smem:$0x7FF] =	sst s4  }
0x7: {  	s30 =	simm.s32 $0x4B00;
	_ =	strace $0x80000047;
	[dreg:$0x10] =	wrdreg s21  }
0x8: {  	s31 =	simm.s32 $0x5300;
	s0 =	sand.u32 $0x1, s0;
	[dreg:$0x11] =	wrdreg s23  }
0x9: {  	s1 =	sshll.u32 s1, $0x1;
	s8 =	sadd.s32 $0x4A00, s6;
	[dreg:$0x12] =	wrdreg s24  }
0xa: {  	s9 =	sadd.s32 $0x44A00, s6;
	s1 =	sor.u32 s0, s1;
	[dreg:$0x13] =	wrdreg s25  }
0xb: {  	s0 =	ssub.s32 $0x2, s0;
	[dreg:$0x14] =	wrdreg s26;
	s23 =	simm.s32 $0x2300  }
0xc: {  	s24 =	simm.s32 $0x2B00;
	s5 =	smul.u32 $0x300, s1;
	s1 =	sshll.u32 s1, $0xD  }
0xd: {  	s26 =	simm.s32 $0x3300;
	s25 =	simm.s32 $0xAB00;
	s15 =	sadd.s32 s8, s1  }
0xe: {  	s16 =	sor.u32 $0x1000, s1;
	s18 =	sadd.s32 s9, s1;
	[dreg:$0xa] =	wrdreg s15  }
0xf: {  	s5 =	sshrl.u32 s5, $0x3;
	s17 =	sadd.s32 s8, s16;
	[dreg:$0xc] =	wrdreg s18  }
0x10: {  	s19 =	sadd.s32 s9, s16;
	s5 =	sadd.s32 s5, s6;
	[dreg:$0xb] =	wrdreg s17  }
0x11: {  	s22 =	sshrl.u32 s0, $0x1;
	[dreg:$0xd] =	wrdreg s19;
	s7 =	sadd.s32 $0x3E00, s5  }
0x12: {  	s0 =	ssub.s32 s0, s22;
	s11 =	sadd.s32 $0x3E10, s5;
	[dreg:$0x4] =	wrdreg s7  }
0x13: {  	s15 =	smax.u32 s0, $0x1;
	s12 =	sadd.s32 $0x3E20, s5;
	[dreg:$0x5] =	wrdreg s11  }
0x14: {  	s8 =	simm.s32 $0x1;
	s13 =	sadd.s32 $0x3E30, s5;
	[dreg:$0x6] =	wrdreg s12  }
0x15: {  	s18 =	simm.s32 $0x8300;
	s14 =	sadd.s32 $0x3E40, s5;
	[dreg:$0x7] =	wrdreg s13  }
0x16: {  	s6 =	sadd.s32 $0x84A00, s6;
	s5 =	sadd.s32 $0x3E50, s5;
	[dreg:$0x8] =	wrdreg s14  }
0x17: {  	s9 =	simm.s32 $0x10300;
	s1 =	sadd.s32 s6, s1;
	[dreg:$0x9] =	wrdreg s5  }
0x18: {  	v2 =	vlaneseq.u32;
	s17 =	simm.s32 $0xBB00;
	s20 =	sadd.s32 s6, s16;
	[dreg:$0xe] =	wrdreg s1  }
0x19: {  	vm0 =	vmmov $0xffff;
	v1 =	vshrl.u32 v2, $0x3;
	s6 =	sadd.s32 $0x100, s3;
	s16 =	simm.s32 $0xB300;
	[dreg:$0xf] =	wrdreg s20  }
0x1a: {  	v0 =	vand.u32 $0x7, v2;
	v2 =	vor.u32 $0x8, v2;
	v1 =	vmul.u32 $0x8, v1;
	s5 =	sadd.s32 $0x100, s2;
	s14 =	simm.s32 $0x7B00;
	s1 =	simm.s32 $0x5  }
.LBB2_1:
0x1b: {  	s19 =	rddreg [dreg:$0x4]  }
0x1c: {  	s20 =	rddreg [dreg:$0x5]  }
0x1d: {  	s21 =	rddreg [dreg:$0x10]  }
0x1e: {  	s11 =	rddreg [dreg:$0x6]  }
0x1f: {  	s12 =	rddreg [dreg:$0x11]  }
0x20: {  	s13 =	rddreg [dreg:$0x7]  }
0x21: {  	[tilespmem:s4], [sflag:$0x1] =	stream.linear.gather [hbm4b:s19+s4], $0x80, $0x38;
	[tilespmem:$0x18300] =	vst v63  }
0x22: {  	s22 =	rddreg [dreg:$0x12]  }
0x23: {  	[tilespmem:s21], [sflag:$0x1] =	stream.linear.gather [hbm4b:s20+s4], $0x80, $0x38;
	[tilespmem:$0x18300] =	vst v63  }
0x24: {  	s0 =	rddreg [dreg:$0x14]  }
0x25: {  	[tilespmem:s12], [sflag:$0x1] =	stream.linear.gather [hbm4b:s11+s4], $0x80, $0x38;
	[tilespmem:$0x18300] =	vst v63  }
0x26: {  	s20 =	rddreg [dreg:$0x8]  }
0x27: {  	[tilespmem:s22], [sflag:$0x1] =	stream.linear.gather [hbm4b:s13+s4], $0x80, $0x38;
	[tilespmem:$0x18300] =	vst v63  }
0x28: {  	s21 =	rddreg [dreg:$0x13]  }
0x29: {  	[tilespmem:s21], [sflag:$0x1] =	stream.linear.gather [hbm4b:s20+s4], $0x80, $0x38;
	[tilespmem:$0x18300] =	vst v63  }
0x2a: {  	s22 =	rddreg [dreg:$0x9]  }
0x2b: {  	[tilespmem:s0], [sflag:$0x1] =	stream.linear.gather [hbm4b:s22+s4], $0x80, $0x38;
	[tilespmem:$0x18300] =	vst v63  }
0x2c: {  	_ =	swait.ge [sflag:s8], $0x80  }
0x2d: {  	[sflag:s8] =	ssyncset.done $0x0  }
0x2e: {  	[sflag:s8] =	ssyncadd.s32 $0xFFFFFF80  }
0x2f: {  	_ =	swait.ge [sflag:s8], $0x80  }
0x30: {  	[sflag:s8] =	ssyncset.done $0x0  }
0x31: {  	[sflag:s8] =	ssyncadd.s32 $0xFFFFFF80  }
0x32: {  	_ =	swait.ge [sflag:s8], $0x80  }
0x33: {  	[sflag:s8] =	ssyncset.done $0x0  }
0x34: {  	[sflag:s8] =	ssyncadd.s32 $0xFFFFFF80  }
0x35: {  	_ =	swait.ge [sflag:s8], $0x80  }
0x36: {  	[sflag:s8] =	ssyncset.done $0x0  }
0x37: {  	[sflag:s8] =	ssyncadd.s32 $0xFFFFFF80  }
0x38: {  	_ =	swait.ge [sflag:s8], $0x80  }
0x39: {  	[sflag:s8] =	ssyncset.done $0x0  }
0x3a: {  	[sflag:s8] =	ssyncadd.s32 $0xFFFFFF80  }
0x3b: {  	_ =	swait.ge [sflag:s8], $0x80  }
0x3c: {  	[sflag:s8] =	ssyncset.done $0x0  }
0x3d: {  	[sflag:s8] =	ssyncadd.s32 $0xFFFFFF80  }
0x3e: {  	v3 =	vld [tilespmem:$0x0];
	_ =	sdelay $0x4  }
0x3f: {  	v4 =	vshll.u32 v3, $0x2  }
0x40: {  	v3 =	vand.u32 $0x7, v3;
	v4 =	vand.u32 $0xFFFFFFE0, v4  }
0x41: {  	v3 =	vor.u32 v3, v4  }
0x42: {  	v4 =	vperm.xlane v3, v0;
	_ =	sdelay $0x1  }
0x43: {  	v4 =	vadd.s32 v1, v4;
	_ =	sdelay $0x1  }
0x44: {  	v3 =	vperm.xlane v3, v2;
	_ =	sdelay $0x1  }
0x45: {  	s0 =	simm.s32 $0x300;
	v3 =	vadd.s32 v1, v3  }
0x46: {  	[tilespmem:s0], [sflag:$0x2] =	stream.indirect_vreg.gather [hbm4b:s2+s4], $0x80, v4, vm0, $0xb8;
	[tilespmem:$0x18300] =	vst v63  }
0x47: {  	s20 =	simm.s32 $0xB00  }
0x48: {  	[tilespmem:s20], [sflag:$0x2] =	stream.indirect_vreg.gather [hbm4b:s5+s4], $0x80, v4, vm0, $0xb8;
	[tilespmem:$0x18300] =	vst v63  }
0x49: {  	s21 =	simm.s32 $0x1300  }
0x4a: {  	[tilespmem:s21], [sflag:$0x2] =	stream.indirect_vreg.gather [hbm4b:s2+s4], $0x80, v3, vm0, $0xb8;
	[tilespmem:$0x18300] =	vst v63  }
0x4b: {  	s22 =	simm.s32 $0x1B00  }
0x4c: {  	[tilespmem:s22], [sflag:$0x2] =	stream.indirect_vreg.gather [hbm4b:s5+s4], $0x80, v3, vm0, $0xb8;
	[tilespmem:$0x18300] =	vst v63  }
0x4d: {  	v3 =	vld [tilespmem:$0x10];
	_ =	sdelay $0x4  }
0x4e: {  	v41 =	vshll.u32 v3, $0x2  }
0x4f: {  	v3 =	vand.u32 $0x7, v3;
	v4 =	vand.u32 $0xFFFFFFE0, v41  }
0x50: {  	v3 =	vor.u32 v3, v4  }
0x51: {  	v4 =	vperm.xlane v3, v0;
	_ =	sdelay $0x1  }
0x52: {  	v4 =	vadd.s32 v1, v4;
	_ =	sdelay $0x1  }
0x53: {  	v3 =	vperm.xlane v3, v2;
	_ =	sdelay $0x1  }
0x54: {  	v3 =	vadd.s32 v1, v3  }
0x55: {  	[tilespmem:s23], [sflag:$0x2] =	stream.indirect_vreg.gather [hbm4b:s2+s4], $0x80, v4, vm0, $0xb8;
	[tilespmem:$0x18300] =	vst v63  }
0x56: {  	_ = 	snop  }
0x57: {  	[tilespmem:s24], [sflag:$0x2] =	stream.indirect_vreg.gather [hbm4b:s5+s4], $0x80, v4, vm0, $0xb8;
	[tilespmem:$0x18300] =	vst v63  }
0x58: {  	_ = 	snop  }
0x59: {  	[tilespmem:s26], [sflag:$0x2] =	stream.indirect_vreg.gather [hbm4b:s2+s4], $0x80, v3, vm0, $0xb8;
	[tilespmem:$0x18300] =	vst v63  }
0x5a: {  	_ = 	snop  }
0x5b: {  	[tilespmem:s28], [sflag:$0x2] =	stream.indirect_vreg.gather [hbm4b:s5+s4], $0x80, v3, vm0, $0xb8;
	[tilespmem:$0x18300] =	vst v63  }
0x5c: {  	v3 =	vld [tilespmem:$0x20];
	_ =	sdelay $0x4  }
0x5d: {  	v42 =	vshll.u32 v3, $0x2  }
0x5e: {  	v3 =	vand.u32 $0x7, v3;
	v4 =	vand.u32 $0xFFFFFFE0, v42  }
0x5f: {  	v3 =	vor.u32 v3, v4  }
0x60: {  	v4 =	vperm.xlane v3, v0;
	_ =	sdelay $0x1  }
0x61: {  	v4 =	vadd.s32 v1, v4;
	_ =	sdelay $0x1  }
0x62: {  	v3 =	vperm.xlane v3, v2;
	_ =	sdelay $0x1  }
0x63: {  	v3 =	vadd.s32 v1, v3  }
0x64: {  	[tilespmem:s29], [sflag:$0x2] =	stream.indirect_vreg.gather [hbm4b:s2+s4], $0x80, v4, vm0, $0xb8;
	[tilespmem:$0x18300] =	vst v63  }
0x65: {  	_ = 	snop  }
0x66: {  	[tilespmem:s30], [sflag:$0x2] =	stream.indirect_vreg.gather [hbm4b:s5+s4], $0x80, v4, vm0, $0xb8;
	[tilespmem:$0x18300] =	vst v63  }
0x67: {  	_ = 	snop  }
0x68: {  	[tilespmem:s31], [sflag:$0x2] =	stream.indirect_vreg.gather [hbm4b:s2+s4], $0x80, v3, vm0, $0xb8;
	[tilespmem:$0x18300] =	vst v63  }
0x69: {  	s13 =	simm.s32 $0x5B00  }
0x6a: {  	[tilespmem:s13], [sflag:$0x2] =	stream.indirect_vreg.gather [hbm4b:s5+s4], $0x80, v3, vm0, $0xb8;
	[tilespmem:$0x18300] =	vst v63  }
0x6b: {  	v3 =	vld [tilespmem:$0x30];
	_ =	sdelay $0x4  }
0x6c: {  	v43 =	vshll.u32 v3, $0x2  }
0x6d: {  	v3 =	vand.u32 $0x7, v3;
	v4 =	vand.u32 $0xFFFFFFE0, v43  }
0x6e: {  	v3 =	vor.u32 v3, v4  }
0x6f: {  	v4 =	vperm.xlane v3, v0;
	_ =	sdelay $0x1  }
0x70: {  	v4 =	vadd.s32 v1, v4;
	_ =	sdelay $0x1  }
0x71: {  	v3 =	vperm.xlane v3, v2;
	_ =	sdelay $0x1  }
0x72: {  	s12 =	simm.s32 $0x6300;
	v3 =	vadd.s32 v1, v3  }
0x73: {  	[tilespmem:s12], [sflag:$0x2] =	stream.indirect_vreg.gather [hbm4b:s2+s4], $0x80, v4, vm0, $0xb8;
	[tilespmem:$0x18300] =	vst v63  }
0x74: {  	s10 =	simm.s32 $0x6B00  }
0x75: {  	[tilespmem:s10], [sflag:$0x2] =	stream.indirect_vreg.gather [hbm4b:s5+s4], $0x80, v4, vm0, $0xb8;
	[tilespmem:$0x18300] =	vst v63  }
0x76: {  	s11 =	simm.s32 $0x7300  }
0x77: {  	[tilespmem:s11], [sflag:$0x2] =	stream.indirect_vreg.gather [hbm4b:s2+s4], $0x80, v3, vm0, $0xb8;
	[tilespmem:$0x18300] =	vst v63  }
0x78: {  	_ = 	snop  }
0x79: {  	[tilespmem:s14], [sflag:$0x2] =	stream.indirect_vreg.gather [hbm4b:s5+s4], $0x80, v3, vm0, $0xb8;
	[tilespmem:$0x18300] =	vst v63  }
0x7a: {  	v3 =	vld [tilespmem:$0x80];
	_ =	sdelay $0x4  }
0x7b: {  	v44 =	vshll.u32 v3, $0x2  }
0x7c: {  	v3 =	vand.u32 $0x7, v3;
	v4 =	vand.u32 $0xFFFFFFE0, v44  }
0x7d: {  	v3 =	vor.u32 v3, v4  }
0x7e: {  	v4 =	vperm.xlane v3, v0;
	_ =	sdelay $0x1  }
0x7f: {  	v4 =	vadd.s32 v1, v4;
	_ =	sdelay $0x1  }
0x80: {  	v3 =	vperm.xlane v3, v2;
	_ =	sdelay $0x1  }
0x81: {  	v3 =	vadd.s32 v1, v3  }
0x82: {  	[tilespmem:s18], [sflag:$0x3] =	stream.indirect_vreg.gather [hbm4b:s2+s4], $0x80, v4, vm0, $0xb8;
	[tilespmem:$0x18300] =	vst v63  }
0x83: {  	s7 =	simm.s32 $0x8B00  }
0x84: {  	[tilespmem:s7], [sflag:$0x3] =	stream.indirect_vreg.gather [hbm4b:s5+s4], $0x80, v4, vm0, $0xb8;
	[tilespmem:$0x18300] =	vst v63  }
0x85: {  	s19 =	simm.s32 $0x9300  }
0x86: {  	[tilespmem:s19], [sflag:$0x3] =	stream.indirect_vreg.gather [hbm4b:s2+s4], $0x80, v3, vm0, $0xb8;
	[tilespmem:$0x18300] =	vst v63  }
0x87: {  	s7 =	simm.s32 $0x9B00  }
0x88: {  	[tilespmem:s7], [sflag:$0x3] =	stream.indirect_vreg.gather [hbm4b:s5+s4], $0x80, v3, vm0, $0xb8;
	[tilespmem:$0x18300] =	vst v63  }
0x89: {  	v3 =	vld [tilespmem:$0x90];
	_ =	sdelay $0x4  }
0x8a: {  	v45 =	vshll.u32 v3, $0x2  }
0x8b: {  	v3 =	vand.u32 $0x7, v3;
	v4 =	vand.u32 $0xFFFFFFE0, v45  }
0x8c: {  	v3 =	vor.u32 v3, v4  }
0x8d: {  	v4 =	vperm.xlane v3, v0;
	_ =	sdelay $0x1  }
0x8e: {  	v4 =	vadd.s32 v1, v4;
	_ =	sdelay $0x1  }
0x8f: {  	v3 =	vperm.xlane v3, v2;
	_ =	sdelay $0x1  }
0x90: {  	s19 =	simm.s32 $0xA300;
	v3 =	vadd.s32 v1, v3  }
0x91: {  	[tilespmem:s19], [sflag:$0x3] =	stream.indirect_vreg.gather [hbm4b:s2+s4], $0x80, v4, vm0, $0xb8;
	[tilespmem:$0x18300] =	vst v63  }
0x92: {  	_ = 	snop  }
0x93: {  	[tilespmem:s25], [sflag:$0x3] =	stream.indirect_vreg.gather [hbm4b:s5+s4], $0x80, v4, vm0, $0xb8;
	[tilespmem:$0x18300] =	vst v63  }
0x94: {  	_ = 	snop  }
0x95: {  	[tilespmem:s16], [sflag:$0x3] =	stream.indirect_vreg.gather [hbm4b:s2+s4], $0x80, v3, vm0, $0xb8;
	[tilespmem:$0x18300] =	vst v63  }
0x96: {  	_ = 	snop  }
0x97: {  	[tilespmem:s17], [sflag:$0x3] =	stream.indirect_vreg.gather [hbm4b:s5+s4], $0x80, v3, vm0, $0xb8;
	[tilespmem:$0x18300] =	vst v63  }
0x98: {  	v3 =	vld [tilespmem:$0xA0];
	_ =	sdelay $0x4  }
0x99: {  	v46 =	vshll.u32 v3, $0x2  }
0x9a: {  	v3 =	vand.u32 $0x7, v3;
	v4 =	vand.u32 $0xFFFFFFE0, v46  }
0x9b: {  	v3 =	vor.u32 v3, v4  }
0x9c: {  	v4 =	vperm.xlane v3, v0;
	_ =	sdelay $0x1  }
0x9d: {  	v4 =	vadd.s32 v1, v4;
	_ =	sdelay $0x1  }
0x9e: {  	v3 =	vperm.xlane v3, v2;
	_ =	sdelay $0x1  }
0x9f: {  	s7 =	simm.s32 $0xC300;
	v3 =	vadd.s32 v1, v3  }
0xa0: {  	[tilespmem:s7], [sflag:$0x3] =	stream.indirect_vreg.gather [hbm4b:s2+s4], $0x80, v4, vm0, $0xb8;
	[tilespmem:$0x18300] =	vst v63  }
0xa1: {  	s19 =	simm.s32 $0xCB00  }
0xa2: {  	[tilespmem:s19], [sflag:$0x3] =	stream.indirect_vreg.gather [hbm4b:s5+s4], $0x80, v4, vm0, $0xb8;
	[tilespmem:$0x18300] =	vst v63  }
0xa3: {  	s7 =	simm.s32 $0xD300  }
0xa4: {  	[tilespmem:s7], [sflag:$0x3] =	stream.indirect_vreg.gather [hbm4b:s2+s4], $0x80, v3, vm0, $0xb8;
	[tilespmem:$0x18300] =	vst v63  }
0xa5: {  	s19 =	simm.s32 $0xDB00  }
0xa6: {  	[tilespmem:s19], [sflag:$0x3] =	stream.indirect_vreg.gather [hbm4b:s5+s4], $0x80, v3, vm0, $0xb8;
	[tilespmem:$0x18300] =	vst v63  }
0xa7: {  	v3 =	vld [tilespmem:$0xB0];
	_ =	sdelay $0x4  }
0xa8: {  	v47 =	vshll.u32 v3, $0x2  }
0xa9: {  	v3 =	vand.u32 $0x7, v3;
	v4 =	vand.u32 $0xFFFFFFE0, v47  }
0xaa: {  	v3 =	vor.u32 v3, v4  }
0xab: {  	v4 =	vperm.xlane v3, v0;
	_ =	sdelay $0x1  }
0xac: {  	v4 =	vadd.s32 v1, v4;
	_ =	sdelay $0x1  }
0xad: {  	v3 =	vperm.xlane v3, v2;
	_ =	sdelay $0x1  }
0xae: {  	s7 =	simm.s32 $0xE300;
	v3 =	vadd.s32 v1, v3  }
0xaf: {  	[tilespmem:s7], [sflag:$0x3] =	stream.indirect_vreg.gather [hbm4b:s2+s4], $0x80, v4, vm0, $0xb8;
	[tilespmem:$0x18300] =	vst v63  }
0xb0: {  	s19 =	simm.s32 $0xEB00  }
0xb1: {  	[tilespmem:s19], [sflag:$0x3] =	stream.indirect_vreg.gather [hbm4b:s5+s4], $0x80, v4, vm0, $0xb8;
	[tilespmem:$0x18300] =	vst v63  }
0xb2: {  	s7 =	simm.s32 $0xF300  }
0xb3: {  	[tilespmem:s7], [sflag:$0x3] =	stream.indirect_vreg.gather [hbm4b:s2+s4], $0x80, v3, vm0, $0xb8;
	[tilespmem:$0x18300] =	vst v63  }
0xb4: {  	s19 =	simm.s32 $0xFB00  }
0xb5: {  	[tilespmem:s19], [sflag:$0x3] =	stream.indirect_vreg.gather [hbm4b:s5+s4], $0x80, v3, vm0, $0xb8;
	[tilespmem:$0x18300] =	vst v63  }
0xb6: {  	v3 =	vld [tilespmem:$0x100];
	_ =	sdelay $0x4  }
0xb7: {  	v48 =	vshll.u32 v3, $0x2  }
0xb8: {  	v3 =	vand.u32 $0x7, v3;
	v4 =	vand.u32 $0xFFFFFFE0, v48  }
0xb9: {  	v3 =	vor.u32 v3, v4  }
0xba: {  	v4 =	vperm.xlane v3, v0;
	_ =	sdelay $0x1  }
0xbb: {  	v4 =	vadd.s32 v1, v4;
	_ =	sdelay $0x1  }
0xbc: {  	v3 =	vperm.xlane v3, v2;
	_ =	sdelay $0x1  }
0xbd: {  	v3 =	vadd.s32 v1, v3  }
0xbe: {  	[tilespmem:s9], [sflag:$0x4] =	stream.indirect_vreg.gather [hbm4b:s3+s4], $0x80, v4, vm0, $0xb8;
	[tilespmem:$0x18300] =	vst v63  }
0xbf: {  	s7 =	simm.s32 $0x10B00  }
0xc0: {  	[tilespmem:s7], [sflag:$0x4] =	stream.indirect_vreg.gather [hbm4b:s6+s4], $0x80, v4, vm0, $0xb8;
	[tilespmem:$0x18300] =	vst v63  }
0xc1: {  	s19 =	simm.s32 $0x11300  }
0xc2: {  	[tilespmem:s19], [sflag:$0x4] =	stream.indirect_vreg.gather [hbm4b:s3+s4], $0x80, v3, vm0, $0xb8;
	[tilespmem:$0x18300] =	vst v63  }
0xc3: {  	s7 =	simm.s32 $0x11B00  }
0xc4: {  	[tilespmem:s7], [sflag:$0x4] =	stream.indirect_vreg.gather [hbm4b:s6+s4], $0x80, v3, vm0, $0xb8;
	[tilespmem:$0x18300] =	vst v63  }
0xc5: {  	v3 =	vld [tilespmem:$0x110];
	_ =	sdelay $0x4  }
0xc6: {  	v49 =	vshll.u32 v3, $0x2  }
0xc7: {  	v3 =	vand.u32 $0x7, v3;
	v4 =	vand.u32 $0xFFFFFFE0, v49  }
0xc8: {  	v3 =	vor.u32 v3, v4  }
0xc9: {  	v4 =	vperm.xlane v3, v0;
	_ =	sdelay $0x1  }
0xca: {  	v4 =	vadd.s32 v1, v4;
	_ =	sdelay $0x1  }
0xcb: {  	v3 =	vperm.xlane v3, v2;
	_ =	sdelay $0x1  }
0xcc: {  	s19 =	simm.s32 $0x12300;
	v3 =	vadd.s32 v1, v3  }
0xcd: {  	[tilespmem:s19], [sflag:$0x4] =	stream.indirect_vreg.gather [hbm4b:s3+s4], $0x80, v4, vm0, $0xb8;
	[tilespmem:$0x18300] =	vst v63  }
0xce: {  	s7 =	simm.s32 $0x12B00  }
0xcf: {  	[tilespmem:s7], [sflag:$0x4] =	stream.indirect_vreg.gather [hbm4b:s6+s4], $0x80, v4, vm0, $0xb8;
	[tilespmem:$0x18300] =	vst v63  }
0xd0: {  	s19 =	simm.s32 $0x13300  }
0xd1: {  	[tilespmem:s19], [sflag:$0x4] =	stream.indirect_vreg.gather [hbm4b:s3+s4], $0x80, v3, vm0, $0xb8;
	[tilespmem:$0x18300] =	vst v63  }
0xd2: {  	s7 =	simm.s32 $0x13B00  }
0xd3: {  	[tilespmem:s7], [sflag:$0x4] =	stream.indirect_vreg.gather [hbm4b:s6+s4], $0x80, v3, vm0, $0xb8;
	[tilespmem:$0x18300] =	vst v63  }
0xd4: {  	v3 =	vld [tilespmem:$0x120];
	_ =	sdelay $0x4  }
0xd5: {  	v50 =	vshll.u32 v3, $0x2  }
0xd6: {  	v3 =	vand.u32 $0x7, v3;
	v4 =	vand.u32 $0xFFFFFFE0, v50  }
0xd7: {  	v3 =	vor.u32 v3, v4  }
0xd8: {  	v4 =	vperm.xlane v3, v0;
	_ =	sdelay $0x1  }
0xd9: {  	v4 =	vadd.s32 v1, v4;
	_ =	sdelay $0x1  }
0xda: {  	v3 =	vperm.xlane v3, v2;
	_ =	sdelay $0x1  }
0xdb: {  	s19 =	simm.s32 $0x14300;
	v3 =	vadd.s32 v1, v3  }
0xdc: {  	[tilespmem:s19], [sflag:$0x4] =	stream.indirect_vreg.gather [hbm4b:s3+s4], $0x80, v4, vm0, $0xb8;
	[tilespmem:$0x18300] =	vst v63  }
0xdd: {  	s7 =	simm.s32 $0x14B00  }
0xde: {  	[tilespmem:s7], [sflag:$0x4] =	stream.indirect_vreg.gather [hbm4b:s6+s4], $0x80, v4, vm0, $0xb8;
	[tilespmem:$0x18300] =	vst v63  }
0xdf: {  	s19 =	simm.s32 $0x15300  }
0xe0: {  	[tilespmem:s19], [sflag:$0x4] =	stream.indirect_vreg.gather [hbm4b:s3+s4], $0x80, v3, vm0, $0xb8;
	[tilespmem:$0x18300] =	vst v63  }
0xe1: {  	s7 =	simm.s32 $0x15B00  }
0xe2: {  	[tilespmem:s7], [sflag:$0x4] =	stream.indirect_vreg.gather [hbm4b:s6+s4], $0x80, v3, vm0, $0xb8;
	[tilespmem:$0x18300] =	vst v63  }
0xe3: {  	v3 =	vld [tilespmem:$0x130];
	_ =	sdelay $0x4  }
0xe4: {  	v51 =	vshll.u32 v3, $0x2  }
0xe5: {  	v3 =	vand.u32 $0x7, v3;
	v4 =	vand.u32 $0xFFFFFFE0, v51  }
0xe6: {  	v3 =	vor.u32 v3, v4  }
0xe7: {  	v4 =	vperm.xlane v3, v0;
	_ =	sdelay $0x1  }
0xe8: {  	v4 =	vadd.s32 v1, v4;
	_ =	sdelay $0x1  }
0xe9: {  	v3 =	vperm.xlane v3, v2;
	_ =	sdelay $0x1  }
0xea: {  	s19 =	simm.s32 $0x16300;
	v3 =	vadd.s32 v1, v3  }
0xeb: {  	[tilespmem:s19], [sflag:$0x4] =	stream.indirect_vreg.gather [hbm4b:s3+s4], $0x80, v4, vm0, $0xb8;
	[tilespmem:$0x18300] =	vst v63  }
0xec: {  	s7 =	simm.s32 $0x16B00  }
0xed: {  	[tilespmem:s7], [sflag:$0x4] =	stream.indirect_vreg.gather [hbm4b:s6+s4], $0x80, v4, vm0, $0xb8;
	[tilespmem:$0x18300] =	vst v63  }
0xee: {  	s19 =	simm.s32 $0x17300  }
0xef: {  	[tilespmem:s19], [sflag:$0x4] =	stream.indirect_vreg.gather [hbm4b:s3+s4], $0x80, v3, vm0, $0xb8;
	[tilespmem:$0x18300] =	vst v63  }
0xf0: {  	s0 =	simm.s32 $0x2;
	s7 =	simm.s32 $0x17B00  }
0xf1: {  	[tilespmem:s7], [sflag:$0x4] =	stream.indirect_vreg.gather [hbm4b:s6+s4], $0x80, v3, vm0, $0xb8;
	[tilespmem:$0x18300] =	vst v63  }
0xf2: {  	_ =	swait.ge [sflag:s0], $0x8000  }
0xf3: {  	[sflag:s0] =	ssyncset.done $0x0  }
0xf4: {  	s7 =	simm.s32 $0x300;
	s19 =	rddreg [dreg:$0xa];
	[sflag:s0] =	ssyncadd.s32 $0xFFFF8000  }
0xf5: {  	[hbm4b:s19+s4] =	stream.linear.scatter [tilespmem:s7], [sflag:$0x5], $0x8000, $0x38;
	[tilespmem:$0x18300] =	vst v63  }
0xf6: {  	_ =	swait.ge [sflag:s1], $0x8000  }
0xf7: {  	[sflag:s1] =	ssyncset.done $0x0  }
0xf8: {  	[sflag:s1] =	ssyncadd.s32 $0xFFFF8000  }
0xf9: {  	v3 =	vld [tilespmem:$0x180];
	_ =	sdelay $0x4  }
0xfa: {  	v52 =	vshll.u32 v3, $0x2  }
0xfb: {  	v3 =	vand.u32 $0x7, v3;
	v4 =	vand.u32 $0xFFFFFFE0, v52  }
0xfc: {  	v3 =	vor.u32 v3, v4  }
0xfd: {  	v4 =	vperm.xlane v3, v0;
	_ =	sdelay $0x1  }
0xfe: {  	v4 =	vadd.s32 v1, v4;
	_ =	sdelay $0x1  }
0xff: {  	v3 =	vperm.xlane v3, v2;
	_ =	sdelay $0x1  }
0x100: {  	v3 =	vadd.s32 v1, v3  }
0x101: {  	[tilespmem:s7], [sflag:$0x2] =	stream.indirect_vreg.gather [hbm4b:s3+s4], $0x80, v4, vm0, $0xb8;
	[tilespmem:$0x18300] =	vst v63  }
0x102: {  	_ = 	snop  }
0x103: {  	[tilespmem:s20], [sflag:$0x2] =	stream.indirect_vreg.gather [hbm4b:s6+s4], $0x80, v4, vm0, $0xb8;
	[tilespmem:$0x18300] =	vst v63  }
0x104: {  	_ = 	snop  }
0x105: {  	[tilespmem:s21], [sflag:$0x2] =	stream.indirect_vreg.gather [hbm4b:s3+s4], $0x80, v3, vm0, $0xb8;
	[tilespmem:$0x18300] =	vst v63  }
0x106: {  	_ = 	snop  }
0x107: {  	[tilespmem:s22], [sflag:$0x2] =	stream.indirect_vreg.gather [hbm4b:s6+s4], $0x80, v3, vm0, $0xb8;
	[tilespmem:$0x18300] =	vst v63  }
0x108: {  	v3 =	vld [tilespmem:$0x190];
	_ =	sdelay $0x4  }
0x109: {  	v53 =	vshll.u32 v3, $0x2  }
0x10a: {  	v3 =	vand.u32 $0x7, v3;
	v4 =	vand.u32 $0xFFFFFFE0, v53  }
0x10b: {  	v3 =	vor.u32 v3, v4  }
0x10c: {  	v4 =	vperm.xlane v3, v0;
	_ =	sdelay $0x1  }
0x10d: {  	v4 =	vadd.s32 v1, v4;
	_ =	sdelay $0x1  }
0x10e: {  	v3 =	vperm.xlane v3, v2;
	_ =	sdelay $0x1  }
0x10f: {  	v3 =	vadd.s32 v1, v3  }
0x110: {  	[tilespmem:s23], [sflag:$0x2] =	stream.indirect_vreg.gather [hbm4b:s3+s4], $0x80, v4, vm0, $0xb8;
	[tilespmem:$0x18300] =	vst v63  }
0x111: {  	_ = 	snop  }
0x112: {  	[tilespmem:s24], [sflag:$0x2] =	stream.indirect_vreg.gather [hbm4b:s6+s4], $0x80, v4, vm0, $0xb8;
	[tilespmem:$0x18300] =	vst v63  }
0x113: {  	_ = 	snop  }
0x114: {  	[tilespmem:s26], [sflag:$0x2] =	stream.indirect_vreg.gather [hbm4b:s3+s4], $0x80, v3, vm0, $0xb8;
	[tilespmem:$0x18300] =	vst v63  }
0x115: {  	_ = 	snop  }
0x116: {  	[tilespmem:s28], [sflag:$0x2] =	stream.indirect_vreg.gather [hbm4b:s6+s4], $0x80, v3, vm0, $0xb8;
	[tilespmem:$0x18300] =	vst v63  }
0x117: {  	v3 =	vld [tilespmem:$0x1A0];
	_ =	sdelay $0x4  }
0x118: {  	v54 =	vshll.u32 v3, $0x2  }
0x119: {  	v3 =	vand.u32 $0x7, v3;
	v4 =	vand.u32 $0xFFFFFFE0, v54  }
0x11a: {  	v3 =	vor.u32 v3, v4  }
0x11b: {  	v4 =	vperm.xlane v3, v0;
	_ =	sdelay $0x1  }
0x11c: {  	v4 =	vadd.s32 v1, v4;
	_ =	sdelay $0x1  }
0x11d: {  	v3 =	vperm.xlane v3, v2;
	_ =	sdelay $0x1  }
0x11e: {  	v3 =	vadd.s32 v1, v3  }
0x11f: {  	[tilespmem:s29], [sflag:$0x2] =	stream.indirect_vreg.gather [hbm4b:s3+s4], $0x80, v4, vm0, $0xb8;
	[tilespmem:$0x18300] =	vst v63  }
0x120: {  	_ = 	snop  }
0x121: {  	[tilespmem:s30], [sflag:$0x2] =	stream.indirect_vreg.gather [hbm4b:s6+s4], $0x80, v4, vm0, $0xb8;
	[tilespmem:$0x18300] =	vst v63  }
0x122: {  	_ = 	snop  }
0x123: {  	[tilespmem:s31], [sflag:$0x2] =	stream.indirect_vreg.gather [hbm4b:s3+s4], $0x80, v3, vm0, $0xb8;
	[tilespmem:$0x18300] =	vst v63  }
0x124: {  	_ = 	snop  }
0x125: {  	[tilespmem:s13], [sflag:$0x2] =	stream.indirect_vreg.gather [hbm4b:s6+s4], $0x80, v3, vm0, $0xb8;
	[tilespmem:$0x18300] =	vst v63  }
0x126: {  	v3 =	vld [tilespmem:$0x1B0];
	_ =	sdelay $0x4  }
0x127: {  	v55 =	vshll.u32 v3, $0x2  }
0x128: {  	v3 =	vand.u32 $0x7, v3;
	v4 =	vand.u32 $0xFFFFFFE0, v55  }
0x129: {  	v3 =	vor.u32 v3, v4  }
0x12a: {  	v4 =	vperm.xlane v3, v0;
	_ =	sdelay $0x1  }
0x12b: {  	v4 =	vadd.s32 v1, v4;
	_ =	sdelay $0x1  }
0x12c: {  	v3 =	vperm.xlane v3, v2;
	_ =	sdelay $0x1  }
0x12d: {  	v3 =	vadd.s32 v1, v3  }
0x12e: {  	[tilespmem:s12], [sflag:$0x2] =	stream.indirect_vreg.gather [hbm4b:s3+s4], $0x80, v4, vm0, $0xb8;
	[tilespmem:$0x18300] =	vst v63  }
0x12f: {  	_ = 	snop  }
0x130: {  	[tilespmem:s10], [sflag:$0x2] =	stream.indirect_vreg.gather [hbm4b:s6+s4], $0x80, v4, vm0, $0xb8;
	[tilespmem:$0x18300] =	vst v63  }
0x131: {  	_ = 	snop  }
0x132: {  	[tilespmem:s11], [sflag:$0x2] =	stream.indirect_vreg.gather [hbm4b:s3+s4], $0x80, v3, vm0, $0xb8;
	[tilespmem:$0x18300] =	vst v63  }
0x133: {  	s10 =	simm.s32 $0x3  }
0x134: {  	[tilespmem:s14], [sflag:$0x2] =	stream.indirect_vreg.gather [hbm4b:s6+s4], $0x80, v3, vm0, $0xb8;
	[tilespmem:$0x18300] =	vst v63  }
0x135: {  	_ =	swait.ge [sflag:s10], $0x8000  }
0x136: {  	[sflag:s10] =	ssyncset.done $0x0  }
0x137: {  	s11 =	simm.s32 $0x6;
	s12 =	rddreg [dreg:$0xb];
	[sflag:s10] =	ssyncadd.s32 $0xFFFF8000  }
0x138: {  	[hbm4b:s12+s4] =	stream.linear.scatter [tilespmem:s18], [sflag:$0x6], $0x8000, $0x38;
	[tilespmem:$0x18300] =	vst v63  }
0x139: {  	_ =	swait.ge [sflag:s11], $0x8000  }
0x13a: {  	[sflag:s11] =	ssyncset.done $0x0  }
0x13b: {  	[sflag:s11] =	ssyncadd.s32 $0xFFFF8000  }
0x13c: {  	v3 =	vld [tilespmem:$0x200];
	_ =	sdelay $0x4  }
0x13d: {  	v56 =	vshll.u32 v3, $0x2  }
0x13e: {  	v3 =	vand.u32 $0x7, v3;
	v4 =	vand.u32 $0xFFFFFFE0, v56  }
0x13f: {  	v3 =	vor.u32 v3, v4  }
0x140: {  	v4 =	vperm.xlane v3, v0;
	_ =	sdelay $0x1  }
0x141: {  	v4 =	vadd.s32 v1, v4;
	_ =	sdelay $0x1  }
0x142: {  	v3 =	vperm.xlane v3, v2;
	_ =	sdelay $0x1  }
0x143: {  	v3 =	vadd.s32 v1, v3  }
0x144: {  	[tilespmem:s18], [sflag:$0x3] =	stream.indirect_vreg.gather [hbm4b:s2+s4], $0x80, v4, vm0, $0xb8;
	[tilespmem:$0x18300] =	vst v63  }
0x145: {  	s13 =	simm.s32 $0x8B00  }
0x146: {  	[tilespmem:s13], [sflag:$0x3] =	stream.indirect_vreg.gather [hbm4b:s5+s4], $0x80, v4, vm0, $0xb8;
	[tilespmem:$0x18300] =	vst v63  }
0x147: {  	s19 =	simm.s32 $0x9300  }
0x148: {  	[tilespmem:s19], [sflag:$0x3] =	stream.indirect_vreg.gather [hbm4b:s2+s4], $0x80, v3, vm0, $0xb8;
	[tilespmem:$0x18300] =	vst v63  }
0x149: {  	s20 =	simm.s32 $0x9B00  }
0x14a: {  	[tilespmem:s20], [sflag:$0x3] =	stream.indirect_vreg.gather [hbm4b:s5+s4], $0x80, v3, vm0, $0xb8;
	[tilespmem:$0x18300] =	vst v63  }
0x14b: {  	v3 =	vld [tilespmem:$0x210];
	_ =	sdelay $0x4  }
0x14c: {  	v57 =	vshll.u32 v3, $0x2  }
0x14d: {  	v3 =	vand.u32 $0x7, v3;
	v4 =	vand.u32 $0xFFFFFFE0, v57  }
0x14e: {  	v3 =	vor.u32 v3, v4  }
0x14f: {  	v4 =	vperm.xlane v3, v0;
	_ =	sdelay $0x1  }
0x150: {  	v4 =	vadd.s32 v1, v4;
	_ =	sdelay $0x1  }
0x151: {  	v3 =	vperm.xlane v3, v2;
	_ =	sdelay $0x1  }
0x152: {  	s21 =	simm.s32 $0xA300;
	v3 =	vadd.s32 v1, v3  }
0x153: {  	[tilespmem:s21], [sflag:$0x3] =	stream.indirect_vreg.gather [hbm4b:s2+s4], $0x80, v4, vm0, $0xb8;
	[tilespmem:$0x18300] =	vst v63  }
0x154: {  	_ = 	snop  }
0x155: {  	[tilespmem:s25], [sflag:$0x3] =	stream.indirect_vreg.gather [hbm4b:s5+s4], $0x80, v4, vm0, $0xb8;
	[tilespmem:$0x18300] =	vst v63  }
0x156: {  	_ = 	snop  }
0x157: {  	[tilespmem:s16], [sflag:$0x3] =	stream.indirect_vreg.gather [hbm4b:s2+s4], $0x80, v3, vm0, $0xb8;
	[tilespmem:$0x18300] =	vst v63  }
0x158: {  	_ = 	snop  }
0x159: {  	[tilespmem:s17], [sflag:$0x3] =	stream.indirect_vreg.gather [hbm4b:s5+s4], $0x80, v3, vm0, $0xb8;
	[tilespmem:$0x18300] =	vst v63  }
0x15a: {  	v3 =	vld [tilespmem:$0x220];
	_ =	sdelay $0x4  }
0x15b: {  	v58 =	vshll.u32 v3, $0x2  }
0x15c: {  	v3 =	vand.u32 $0x7, v3;
	v4 =	vand.u32 $0xFFFFFFE0, v58  }
0x15d: {  	v3 =	vor.u32 v3, v4  }
0x15e: {  	v4 =	vperm.xlane v3, v0;
	_ =	sdelay $0x1  }
0x15f: {  	v4 =	vadd.s32 v1, v4;
	_ =	sdelay $0x1  }
0x160: {  	v3 =	vperm.xlane v3, v2;
	_ =	sdelay $0x1  }
0x161: {  	s22 =	simm.s32 $0xC300;
	v3 =	vadd.s32 v1, v3  }
0x162: {  	[tilespmem:s22], [sflag:$0x3] =	stream.indirect_vreg.gather [hbm4b:s2+s4], $0x80, v4, vm0, $0xb8;
	[tilespmem:$0x18300] =	vst v63  }
0x163: {  	s12 =	simm.s32 $0xCB00  }
0x164: {  	[tilespmem:s12], [sflag:$0x3] =	stream.indirect_vreg.gather [hbm4b:s5+s4], $0x80, v4, vm0, $0xb8;
	[tilespmem:$0x18300] =	vst v63  }
0x165: {  	s13 =	simm.s32 $0xD300  }
0x166: {  	[tilespmem:s13], [sflag:$0x3] =	stream.indirect_vreg.gather [hbm4b:s2+s4], $0x80, v3, vm0, $0xb8;
	[tilespmem:$0x18300] =	vst v63  }
0x167: {  	s19 =	simm.s32 $0xDB00  }
0x168: {  	[tilespmem:s19], [sflag:$0x3] =	stream.indirect_vreg.gather [hbm4b:s5+s4], $0x80, v3, vm0, $0xb8;
	[tilespmem:$0x18300] =	vst v63  }
0x169: {  	v3 =	vld [tilespmem:$0x230];
	_ =	sdelay $0x4  }
0x16a: {  	v59 =	vshll.u32 v3, $0x2  }
0x16b: {  	v3 =	vand.u32 $0x7, v3;
	v4 =	vand.u32 $0xFFFFFFE0, v59  }
0x16c: {  	v3 =	vor.u32 v3, v4  }
0x16d: {  	v4 =	vperm.xlane v3, v0;
	_ =	sdelay $0x1  }
0x16e: {  	v4 =	vadd.s32 v1, v4;
	_ =	sdelay $0x1  }
0x16f: {  	v3 =	vperm.xlane v3, v2;
	_ =	sdelay $0x1  }
0x170: {  	s20 =	simm.s32 $0xE300;
	v3 =	vadd.s32 v1, v3  }
0x171: {  	[tilespmem:s20], [sflag:$0x3] =	stream.indirect_vreg.gather [hbm4b:s2+s4], $0x80, v4, vm0, $0xb8;
	[tilespmem:$0x18300] =	vst v63  }
0x172: {  	s21 =	simm.s32 $0xEB00  }
0x173: {  	[tilespmem:s21], [sflag:$0x3] =	stream.indirect_vreg.gather [hbm4b:s5+s4], $0x80, v4, vm0, $0xb8;
	[tilespmem:$0x18300] =	vst v63  }
0x174: {  	s22 =	simm.s32 $0xF300  }
0x175: {  	[tilespmem:s22], [sflag:$0x3] =	stream.indirect_vreg.gather [hbm4b:s2+s4], $0x80, v3, vm0, $0xb8;
	[tilespmem:$0x18300] =	vst v63  }
0x176: {  	s12 =	simm.s32 $0xFB00  }
0x177: {  	[tilespmem:s12], [sflag:$0x3] =	stream.indirect_vreg.gather [hbm4b:s5+s4], $0x80, v3, vm0, $0xb8;
	[tilespmem:$0x18300] =	vst v63  }
0x178: {  	s12 =	simm.s32 $0x4  }
0x179: {  	_ =	swait.ge [sflag:s12], $0x8000  }
0x17a: {  	[sflag:s12] =	ssyncset.done $0x0  }
0x17b: {  	s13 =	rddreg [dreg:$0xc];
	[sflag:s12] =	ssyncadd.s32 $0xFFFF8000  }
0x17c: {  	[hbm4b:s13+s4] =	stream.linear.scatter [tilespmem:s9], [sflag:$0x7], $0x8000, $0x38;
	[tilespmem:$0x18300] =	vst v63  }
0x17d: {  	s13 =	simm.s32 $0x7  }
0x17e: {  	_ =	swait.ge [sflag:s13], $0x8000  }
0x17f: {  	[sflag:s13] =	ssyncset.done $0x0  }
0x180: {  	[sflag:s13] =	ssyncadd.s32 $0xFFFF8000  }
0x181: {  	v3 =	vld [tilespmem:$0x280];
	_ =	sdelay $0x4  }
0x182: {  	v60 =	vshll.u32 v3, $0x2  }
0x183: {  	v3 =	vand.u32 $0x7, v3;
	v4 =	vand.u32 $0xFFFFFFE0, v60  }
0x184: {  	v3 =	vor.u32 v3, v4  }
0x185: {  	v4 =	vperm.xlane v3, v0;
	_ =	sdelay $0x1  }
0x186: {  	v4 =	vadd.s32 v1, v4;
	_ =	sdelay $0x1  }
0x187: {  	v3 =	vperm.xlane v3, v2;
	_ =	sdelay $0x1  }
0x188: {  	v3 =	vadd.s32 v1, v3  }
0x189: {  	[tilespmem:s9], [sflag:$0x4] =	stream.indirect_vreg.gather [hbm4b:s2+s4], $0x80, v4, vm0, $0xb8;
	[tilespmem:$0x18300] =	vst v63  }
0x18a: {  	s20 =	simm.s32 $0x10B00  }
0x18b: {  	[tilespmem:s20], [sflag:$0x4] =	stream.indirect_vreg.gather [hbm4b:s5+s4], $0x80, v4, vm0, $0xb8;
	[tilespmem:$0x18300] =	vst v63  }
0x18c: {  	s21 =	simm.s32 $0x11300  }
0x18d: {  	[tilespmem:s21], [sflag:$0x4] =	stream.indirect_vreg.gather [hbm4b:s2+s4], $0x80, v3, vm0, $0xb8;
	[tilespmem:$0x18300] =	vst v63  }
0x18e: {  	s22 =	simm.s32 $0x11B00  }
0x18f: {  	[tilespmem:s22], [sflag:$0x4] =	stream.indirect_vreg.gather [hbm4b:s5+s4], $0x80, v3, vm0, $0xb8;
	[tilespmem:$0x18300] =	vst v63  }
0x190: {  	v3 =	vld [tilespmem:$0x290];
	_ =	sdelay $0x4  }
0x191: {  	v61 =	vshll.u32 v3, $0x2  }
0x192: {  	v3 =	vand.u32 $0x7, v3;
	v4 =	vand.u32 $0xFFFFFFE0, v61  }
0x193: {  	v3 =	vor.u32 v3, v4  }
0x194: {  	v4 =	vperm.xlane v3, v0;
	_ =	sdelay $0x1  }
0x195: {  	v4 =	vadd.s32 v1, v4;
	_ =	sdelay $0x1  }
0x196: {  	v3 =	vperm.xlane v3, v2;
	_ =	sdelay $0x1  }
0x197: {  	s19 =	simm.s32 $0x12300;
	v3 =	vadd.s32 v1, v3  }
0x198: {  	[tilespmem:s19], [sflag:$0x4] =	stream.indirect_vreg.gather [hbm4b:s2+s4], $0x80, v4, vm0, $0xb8;
	[tilespmem:$0x18300] =	vst v63  }
0x199: {  	s20 =	simm.s32 $0x12B00  }
0x19a: {  	[tilespmem:s20], [sflag:$0x4] =	stream.indirect_vreg.gather [hbm4b:s5+s4], $0x80, v4, vm0, $0xb8;
	[tilespmem:$0x18300] =	vst v63  }
0x19b: {  	s21 =	simm.s32 $0x13300  }
0x19c: {  	[tilespmem:s21], [sflag:$0x4] =	stream.indirect_vreg.gather [hbm4b:s2+s4], $0x80, v3, vm0, $0xb8;
	[tilespmem:$0x18300] =	vst v63  }
0x19d: {  	s22 =	simm.s32 $0x13B00  }
0x19e: {  	[tilespmem:s22], [sflag:$0x4] =	stream.indirect_vreg.gather [hbm4b:s5+s4], $0x80, v3, vm0, $0xb8;
	[tilespmem:$0x18300] =	vst v63  }
0x19f: {  	v3 =	vld [tilespmem:$0x2A0];
	_ =	sdelay $0x4  }
0x1a0: {  	v62 =	vshll.u32 v3, $0x2  }
0x1a1: {  	v3 =	vand.u32 $0x7, v3;
	v4 =	vand.u32 $0xFFFFFFE0, v62  }
0x1a2: {  	v3 =	vor.u32 v3, v4  }
0x1a3: {  	v4 =	vperm.xlane v3, v0;
	_ =	sdelay $0x1  }
0x1a4: {  	v4 =	vadd.s32 v1, v4;
	_ =	sdelay $0x1  }
0x1a5: {  	v3 =	vperm.xlane v3, v2;
	_ =	sdelay $0x1  }
0x1a6: {  	s19 =	simm.s32 $0x14300;
	v3 =	vadd.s32 v1, v3  }
0x1a7: {  	[tilespmem:s19], [sflag:$0x4] =	stream.indirect_vreg.gather [hbm4b:s2+s4], $0x80, v4, vm0, $0xb8;
	[tilespmem:$0x18300] =	vst v63  }
0x1a8: {  	s20 =	simm.s32 $0x14B00  }
0x1a9: {  	[tilespmem:s20], [sflag:$0x4] =	stream.indirect_vreg.gather [hbm4b:s5+s4], $0x80, v4, vm0, $0xb8;
	[tilespmem:$0x18300] =	vst v63  }
0x1aa: {  	s21 =	simm.s32 $0x15300  }
0x1ab: {  	[tilespmem:s21], [sflag:$0x4] =	stream.indirect_vreg.gather [hbm4b:s2+s4], $0x80, v3, vm0, $0xb8;
	[tilespmem:$0x18300] =	vst v63  }
0x1ac: {  	s22 =	simm.s32 $0x15B00  }
0x1ad: {  	[tilespmem:s22], [sflag:$0x4] =	stream.indirect_vreg.gather [hbm4b:s5+s4], $0x80, v3, vm0, $0xb8;
	[tilespmem:$0x18300] =	vst v63  }
0x1ae: {  	v3 =	vld [tilespmem:$0x2B0];
	_ =	sdelay $0x4  }
0x1af: {  	v63 =	vshll.u32 v3, $0x2  }
0x1b0: {  	v3 =	vand.u32 $0x7, v3;
	v4 =	vand.u32 $0xFFFFFFE0, v63  }
0x1b1: {  	v3 =	vor.u32 v3, v4  }
0x1b2: {  	v4 =	vperm.xlane v3, v0;
	_ =	sdelay $0x1  }
0x1b3: {  	v4 =	vadd.s32 v1, v4;
	_ =	sdelay $0x1  }
0x1b4: {  	v3 =	vperm.xlane v3, v2;
	_ =	sdelay $0x1  }
0x1b5: {  	s19 =	simm.s32 $0x16300;
	v3 =	vadd.s32 v1, v3  }
0x1b6: {  	[tilespmem:s19], [sflag:$0x4] =	stream.indirect_vreg.gather [hbm4b:s2+s4], $0x80, v4, vm0, $0xb8;
	[tilespmem:$0x18300] =	vst v63  }
0x1b7: {  	s20 =	simm.s32 $0x16B00  }
0x1b8: {  	[tilespmem:s20], [sflag:$0x4] =	stream.indirect_vreg.gather [hbm4b:s5+s4], $0x80, v4, vm0, $0xb8;
	[tilespmem:$0x18300] =	vst v63  }
0x1b9: {  	s21 =	simm.s32 $0x17300  }
0x1ba: {  	[tilespmem:s21], [sflag:$0x4] =	stream.indirect_vreg.gather [hbm4b:s2+s4], $0x80, v3, vm0, $0xb8;
	[tilespmem:$0x18300] =	vst v63  }
0x1bb: {  	s22 =	simm.s32 $0x17B00  }
0x1bc: {  	[tilespmem:s22], [sflag:$0x4] =	stream.indirect_vreg.gather [hbm4b:s5+s4], $0x80, v3, vm0, $0xb8;
	[tilespmem:$0x18300] =	vst v63  }
0x1bd: {  	_ =	swait.ge [sflag:s0], $0x8000  }
0x1be: {  	[sflag:s0] =	ssyncset.done $0x0  }
0x1bf: {  	s20 =	simm.s32 $0x300;
	s7 =	rddreg [dreg:$0xd];
	[sflag:s0] =	ssyncadd.s32 $0xFFFF8000  }
0x1c0: {  	[hbm4b:s7+s4] =	stream.linear.scatter [tilespmem:s20], [sflag:$0x5], $0x8000, $0x38;
	[tilespmem:$0x18300] =	vst v63  }
0x1c1: {  	_ =	swait.ge [sflag:s10], $0x8000  }
0x1c2: {  	[sflag:s10] =	ssyncset.done $0x0  }
0x1c3: {  	s21 =	rddreg [dreg:$0xe];
	[sflag:s10] =	ssyncadd.s32 $0xFFFF8000  }
0x1c4: {  	[hbm4b:s21+s4] =	stream.linear.scatter [tilespmem:s18], [sflag:$0x6], $0x8000, $0x38;
	[tilespmem:$0x18300] =	vst v63  }
0x1c5: {  	_ =	swait.ge [sflag:s12], $0x8000  }
0x1c6: {  	[sflag:s12] =	ssyncset.done $0x0  }
0x1c7: {  	s22 =	rddreg [dreg:$0xf];
	[sflag:s12] =	ssyncadd.s32 $0xFFFF8000  }
0x1c8: {  	[hbm4b:s22+s4] =	stream.linear.scatter [tilespmem:s9], [sflag:$0x7], $0x8000, $0x38;
	[tilespmem:$0x18300] =	vst v63  }
0x1c9: {  	_ =	swait.ge [sflag:s1], $0x8000  }
0x1ca: {  	[sflag:s1] =	ssyncset.done $0x0  }
0x1cb: {  	[sflag:s1] =	ssyncadd.s32 $0xFFFF8000  }
0x1cc: {  	p0 =	sne.s32 s15, $0x1;
	_ =	swait.ge [sflag:s11], $0x8000  }
.Ltmp0:
0x1cd: {  	[sflag:s11] =	ssyncset.done $0x0;
	(pc) =	sbr.rel @p0 .LBB2_1-.Ltmp0, $4  }
0x1ce: {  	[sflag:s11] =	ssyncadd.s32 $0xFFFF8000  }
0x1cf: {  	_ =	swait.ge [sflag:s13], $0x8000  }
0x1d0: {  	[sflag:s13] =	ssyncset.done $0x0  }
0x1d1: {  	s15 =	sadd.s32 $0xFFFFFFFF, s15;
	[sflag:s13] =	ssyncadd.s32 $0xFFFF8000  }
0x1d2: {  	_ =	sfence.sel $0x180000  }
0x1d3: {  	[bflag:$0x0] =	sbarrier.arrive $0xFFFF  }
0x1d4: {  	_ =	strace $0x90000047  }
0x1d5: {  	s0 =	stileid.u32;
	[bflag:$0x2] =	sbarrier.arrive $0xFFFF  }
0x1d6: {  	p0 =	sne.s32 s0, $0x0;
	s0 =	rddreg [dreg:$0x3]  }
0x1d7: {  	s0 =	sadd.s32 @!p0 $0x100000, s0  }
0x1d8: {  	[sflag:s0] =	ssyncadd.tile.s32 @!p0 $0x1;
	_ =	shalt  }
.Lfunc_end2:
_tile_overlayer_lowered:
.L_overlay_start_2:
0x1d9: {  	(tag) =	ssettag $0x2  }
0x1da: {  	s0 =	rddreg [dreg:$0x0];
	s2 =	stileid.u32  }
0x1db: {  	s1 =	rddreg [dreg:$0x1];
	p0 =	sne.s32 s2, $0x0  }
0x1dc: {  	s3 =	rddreg [dreg:$0x2];
	[bflag:$0x3] =	sbarrier.arrive $0xFFFF;
	s2 =	simm.s32 @!p0 $0x1C08  }
0x1dd: {  	[timem:s3], [sflag:s2] =	dma.local @!p0 [hbm:s0], s1  }
0x1de: {  	s0 =	simm.s32 @!p0 $0x8  }
0x1df: {  	_ =	swait.ge @!p0 [sflag:s0], s1  }
0x1e0: {  	s1 =	ssub.s32 @!p0 $0x0, s1;
	[sflag:s0] =	ssyncset.done @!p0 $0x0  }
0x1e1: {  	[sflag:s0] =	ssyncadd.s32 @!p0 s1  }
0x1e2: {  	[bflag:$0x3] =	sbarrier.arrive $0xFFFF  }
0x1e3: {  	_ =	shalt  }

// kernel: kernel.16.cloned.1.call-start
scs
__scs_entry_jumppad:
0x0: {  	(pc) =	sbr.rel $0x88, $3  }
0x1: {  	(tag) =	ssettag $0x0;
	lr =	simm.s32 $0x1  }
0x2: {  	[smem:$0x3F9A] =	sst lr;
	_ =	strace $0xD0000000  }
0x3: {  	_ = 	snop  }
0x4: {  	_ = 	snop  }
0x5: {  	_ = 	snop  }
0x6: {  	_ = 	snop  }
0x7: {  	_ = 	snop  }
__scs_overlays_trampoline_lowered:
0x8: {  	[smem:$0x3FA9] =	sst s0  }
0x9: {  	[smem:$0x3FAA] =	sst s1  }
0xa: {  	[smem:$0x3FAB] =	sst s2  }
0xb: {  	[smem:$0x3FAC] =	sst s3  }
0xc: {  	[smem:$0x3FAD] =	sst s4  }
0xd: {  	[smem:$0x3FAE] =	sst s5  }
0xe: {  	[smem:$0x3FAF] =	sst s6  }
0xf: {  	[smem:$0x3FB0] =	sst s7  }
0x10: {  	[smem:$0x3FB1] =	sst s8  }
0x11: {  	[smem:$0x3FB2] =	sst s9;
	s0 =	simm.s32 @!p0 $0x0  }
0x12: {  	s1 =	sld [smem:$0x3F98];
	s0 =	simm.s32 @p0 $0x1  }
0x13: {  	[smem:$0x3FB3] =	sst s0;
	s0 =	simm.s32 @!p1 $0x0  }
0x14: {  	s2 =	sld [smem:$0x3F97];
	s0 =	simm.s32 @p1 $0x1  }
0x15: {  	[smem:$0x3FB4] =	sst s0;
	s0 =	simm.s32 @!p2 $0x0  }
0x16: {  	s3 =	sld [smem:$0x3FDB];
	s0 =	simm.s32 @p2 $0x1  }
0x17: {  	s4 =	simm.s32 $0x1BF5;
	[smem:$0x3FB6] =	sst s0  }
0x18: {  	s0 =	sld [smem:$0x3F99];
	_ =	swait.ge [sflag:s4], $0x0  }
0x19: {  	s7 =	sld [smem:$0x3F9A]  }
0x1a: {  	s8 =	sadd.s32 $0xFFFFE003, lr  }
0x1b: {  	s9 =	sadd.s32 $0xFFFFFEF7, lr;
	s5 =	simm.s32 $0xFFFFFFFF;
	p2 =	slt.u32 s8, $0xFFFFF086  }
0x1c: {  	p1 =	slt.u32 s9, $0xF7A;
	s5 =	simm.s32 @!p2 $0x0  }
0x1d: {  	s5 =	simm.s32 @p1 $0x1;
	p0 =	seq.s32 s7, s2  }
0x1e: {  	s7 =	smul.u32 @!p0 $0xF7A, s2;
	p2 =	seq.s32 @!p0 s5, $0x0  }
0x1f: {  	s9 =	smul.u32 $0xF7A, s1;
	s8 =	simm.s32 @!p0 $0x1BF5;
	p2 =	por !p2, p0  }
0x20: {  	[sflag:s8] =	ssyncset.s32 @!p0 $0xFFFFF086;
	s6 =	sadd.s32 @!p0 s3, s7;
	s7 =	simm.s32 @!p0 $0x108  }
0x21: {  	s3 =	sadd.s32 s3, s9;
	s6 =	sadd.s32 @!p0 $0x88, s6;
	s7 =	simm.s32 @p2 $0x1082  }
0x22: {  	[simem:s7], [sflag:s8] =	dma.local @!p0 [hbm:s6], $0xF7A  }
0x23: {  	s9 =	sor.u32 $0xD0000000, s2;
	s6 =	simm.s32 $0x108;
	_ =	swait.ge @!p0 [sflag:s8], $0x0  }
0x24: {  	s3 =	sadd.s32 $0x88, s3;
	s6 =	simm.s32 @!p1 $0x1082;
	[sflag:s4] =	ssyncset.s32 $0xFFFFF086  }
0x25: {  	[simem:s6], [sflag:s4] =	dma.local [hbm:s3], $0xF7A  }
0x26: {  	[smem:$0x3F9A] =	sst s1;
	(tag) =	ssettag s2;
	_ =	strace s9  }
0x27: {  	s1 =	sld [smem:$0x3FAA]  }
0x28: {  	s2 =	sld [smem:$0x3FAB]  }
0x29: {  	s4 =	sld [smem:$0x3FAD]  }
0x2a: {  	p0 =	seq.s32 s5, $0x0;
	s5 =	sld [smem:$0x3FAE]  }
0x2b: {  	s6 =	sld [smem:$0x3FAF]  }
0x2c: {  	s7 =	sld [smem:$0x3FB0]  }
0x2d: {  	s3 =	simm.s32 $0x108;
	s8 =	sld [smem:$0x3FB1]  }
0x2e: {  	s3 =	simm.s32 @!p0 $0x1082;
	s9 =	sld [smem:$0x3FB2]  }
0x2f: {  	lr =	sadd.s32 s0, s3;
	s0 =	sld [smem:$0x3FA9]  }
0x30: {  	s3 =	sld [smem:$0x3FAC]  }
0x31: {  	[smem:$0x3FB5] =	sst s10  }
0x32: {  	s10 =	sld [smem:$0x3FB3];
	_ =	sdelay $0x3  }
0x33: {  	p0 =	seq.s32 s10, $0x1;
	s10 =	sld [smem:$0x3FB5];
	_ =	sdelay $0x3  }
0x34: {  	[smem:$0x3FB5] =	sst s10  }
0x35: {  	s10 =	sld [smem:$0x3FB4];
	_ =	sdelay $0x3  }
0x36: {  	p1 =	seq.s32 s10, $0x1;
	s10 =	sld [smem:$0x3FB5];
	_ =	sdelay $0x3  }
0x37: {  	[smem:$0x3FB5] =	sst s10  }
0x38: {  	s10 =	sld [smem:$0x3FB6]  }
0x39: {  	_ = 	snop;
	(pc) =	sbr.ind lr, $3  }
0x3a: {  	_ = 	snop  }
0x3b: {  	_ = 	snop  }
0x3c: {  	p2 =	seq.s32 s10, $0x1;
	s10 =	sld [smem:$0x3FB5]  }
0x3d: {  	_ =	shalt  }
0x3e: {  	_ =	shalt  }
0x3f: {  	_ =	shalt  }
0x40: {  	_ =	shalt  }
0x41: {  	_ =	shalt  }
0x42: {  	_ =	shalt  }
0x43: {  	_ =	shalt  }
0x44: {  	_ =	shalt  }
0x45: {  	_ =	shalt  }
0x46: {  	_ =	shalt  }
0x47: {  	_ =	shalt  }
0x48: {  	_ =	shalt  }
0x49: {  	_ =	shalt  }
0x4a: {  	_ =	shalt  }
0x4b: {  	_ =	shalt  }
0x4c: {  	_ =	shalt  }
0x4d: {  	_ =	shalt  }
0x4e: {  	_ =	shalt  }
0x4f: {  	_ =	shalt  }
0x50: {  	_ =	shalt  }
0x51: {  	_ =	shalt  }
0x52: {  	_ =	shalt  }
0x53: {  	_ =	shalt  }
0x54: {  	_ =	shalt  }
0x55: {  	_ =	shalt  }
0x56: {  	_ =	shalt  }
0x57: {  	_ =	shalt  }
0x58: {  	_ =	shalt  }
0x59: {  	_ =	shalt  }
0x5a: {  	_ =	shalt  }
0x5b: {  	_ =	shalt  }
0x5c: {  	_ =	shalt  }
0x5d: {  	_ =	shalt  }
0x5e: {  	_ =	shalt  }
0x5f: {  	_ =	shalt  }
0x60: {  	_ =	shalt  }
0x61: {  	_ =	shalt  }
0x62: {  	_ =	shalt  }
0x63: {  	_ =	shalt  }
0x64: {  	_ =	shalt  }
0x65: {  	_ =	shalt  }
0x66: {  	_ =	shalt  }
0x67: {  	_ =	shalt  }
0x68: {  	_ =	shalt  }
0x69: {  	_ =	shalt  }
0x6a: {  	_ =	shalt  }
0x6b: {  	_ =	shalt  }
0x6c: {  	_ =	shalt  }
0x6d: {  	_ =	shalt  }
0x6e: {  	_ =	shalt  }
0x6f: {  	_ =	shalt  }
0x70: {  	_ =	shalt  }
0x71: {  	_ =	shalt  }
0x72: {  	_ =	shalt  }
0x73: {  	_ =	shalt  }
0x74: {  	_ =	shalt  }
0x75: {  	_ =	shalt  }
0x76: {  	_ =	shalt  }
0x77: {  	_ =	shalt  }
0x78: {  	_ =	shalt  }
0x79: {  	_ =	shalt  }
0x7a: {  	_ =	shalt  }
0x7b: {  	_ =	shalt  }
0x7c: {  	_ =	shalt  }
0x7d: {  	_ =	shalt  }
0x7e: {  	_ =	shalt  }
0x7f: {  	_ =	shalt  }
0x80: {  	_ =	shalt  }
0x81: {  	_ =	shalt  }
0x82: {  	_ =	shalt  }
0x83: {  	_ =	shalt  }
0x84: {  	_ =	shalt  }
0x85: {  	_ =	shalt  }
0x86: {  	_ =	shalt  }
0x87: {  	_ =	shalt  }
.Lfunc_end0:
.L_simem_size_0:
called_computation.2_lowered:
.L_overlay_start_0:
0x88: {  	s2 =	sld [smem:$0x3FD9]  }
0x89: {  	s3 =	sld [smem:$0x3FFE];
	_ =	sdelay $0x1  }
0x8a: {  	s1 =	srdreg.scid  }
0x8b: {  	s0 =	sand.u32 $0x1, s1  }
0x8c: {  	s17 =	sshll.u32 s0, $0xA;
	s2 =	sadd.s32 s3, s2  }
0x8d: {  	s2 =	sadd.s32 s2, s17  }
0x8e: {  	[smem:$0x3FC1] =	sst s2  }
0x8f: {  	_ = 	snop  }
0x90: {  	s18 =	sld [smem:$0x3FC9]  }
0x91: {  	s4 =	sld [smem:$0x3FC7];
	(tm) =	ssettm $0x1  }
0x92: {  	s19 =	sld [smem:$0x3FFB];
	_ =	sdelay $0x3  }
0x93: {  	_ =	strace s19  }
0x94: {  	s2 =	sld [smem:$0x3FFC];
	_ =	sdelay $0x3  }
0x95: {  	_ =	strace s2  }
0x96: {  	s2 =	sld [smem:$0x3FFD];
	_ =	sdelay $0x3  }
0x97: {  	_ =	strace s2  }
0x98: {  	_ =	strace $0x8FFFFFFF  }
0x99: {  	s20 =	sld [smem:$0x3FDB];
	_ =	sdelay $0x1  }
0x9a: {  	s5 =	simm.s32 $_scs_section_size  }
0x9b: {  	s6 =	simm.s32 $_size__tile_overlayer_lowered;
	s7 =	simm.s32 $_tile_overlayer_lowered  }
0x9c: {  	s8 =	simm.s32 $0x1BFF;
	s21 =	sshll.u32 s7, $0x1;
	s5 =	sadd.s32 s5, s20  }
0x9d: {  	s22 =	simm.s32 $0x0;
	s6 =	sshll.u32 s6, $0x1;
	s7 =	sadd.s32 s21, s5  }
0x9e: {  	[timem:s22], [sflag:s8] =	dma.local [hbm:s7], s6  }
0x9f: {  	_ =	swait.ge [sflag:s8], s6  }
0xa0: {  	s6 =	ssub.s32 $0x0, s6;
	[sflag:s8] =	ssyncset.done $0x0  }
0xa1: {  	[sflag:s8] =	ssyncadd.s32 s6;
	_ =	sdelay $0x1  }
0xa2: {  	s23 =	simm.s32 $0x1B8B  }
0xa3: {  	_ =	swait.ge [sflag:s23], $0x1  }
0xa4: {  	[sflag:s23] =	ssyncset.done $0x0  }
0xa5: {  	[sflag:s23] =	ssyncadd.s32 $0xFFFFFFFF  }
0xa6: {  	s6 =	sld [smem:$0x0]  }
0xa7: {  	s7 =	sand.u32 $0xFFFFFFFE, s1  }
0xa8: {  	p0 =	sne.s32 s1, s7  }
0xa9: {  	s7 =	sshll.u32 @p0 s7, $0xE  }
0xaa: {  	s7 =	sadd.s32 @p0 $0x11B8D, s7;
	s8 =	sshll.u32 @p0 s6, $0x11  }
0xab: {  	s7 =	sor.u32 @p0 s8, s7  }
0xac: {  	[sflag:s7] =	ssyncadd.remote.s32 @p0 $0x1;
	_ =	sdelay $0x1  }
0xad: {  	s7 =	simm.s32 @p0 $0x1B8D  }
0xae: {  	_ =	swait.eq @p0 [sflag:s7], $0x1  }
0xaf: {  	[sflag:s7] =	ssyncadd.s32 @p0 $0xFFFFFFFF  }
0xb0: {  	s8 =	sshll.u32 @!p0 s1, $0xE  }
0xb1: {  	s8 =	sor.u32 @!p0 $0x4000, s8;
	s7 =	simm.s32 @!p0 $0x1B8D  }
0xb2: {  	s6 =	sshll.u32 @!p0 s6, $0x11;
	s8 =	sadd.s32 @!p0 $0x11B8D, s8;
	_ =	swait.eq @!p0 [sflag:s7], $0x1  }
0xb3: {  	s6 =	sor.u32 @!p0 s6, s8;
	[sflag:s7] =	ssyncadd.s32 @!p0 $0xFFFFFFFF  }
0xb4: {  	s25 =	simm.s32 $0x1B8E;
	s24 =	sld [smem:$0x3FFE];
	[sflag:s6] =	ssyncadd.remote.s32 @!p0 $0x1  }
0xb5: {  	s26 =	simm.s32 $execute0_lowered;
	[smem:$0x3FD2] =	sst s25  }
0xb6: {  	s7 =	sshll.u32 s26, $0x1;
	_ =	strace $0x80000049;
	[dreg:$0x1] =	wrdreg $0xFFFFFFFF  }
0xb7: {  	s28 =	simm.s32 $_size_execute0_lowered;
	s5 =	sadd.s32 s5, s7;
	[dreg:$0x0] =	wrdreg $0x0  }
0xb8: {  	s7 =	sshll.u32 s28, $0x1;
	[dreg:$0x2] =	wrdreg s5  }
0xb9: {  	[dreg:$0x3] =	wrdreg s7  }
0xba: {  	[dreg:$0x4] =	wrdreg $0xC0  }
0xbb: {  	_ =	task [dreg:s22], $0x5FFFF  }
0xbc: {  	[dreg:$0x1] =	wrdreg $0xFFFFFFFF  }
0xbd: {  	[dreg:$0x0] =	wrdreg $0x60  }
0xbe: {  	[dreg:$0x2] =	wrdreg s18  }
0xbf: {  	[dreg:$0x3] =	wrdreg s4  }
0xc0: {  	[dreg:$0x4] =	wrdreg s24  }
0xc1: {  	[dreg:$0x5] =	wrdreg $0xB  }
0xc2: {  	_ =	task.clear_ibuf [dreg:s22], $0x6FFFF;
	_ =	strace $0x90000049  }
0xc3: {  	s29 =	simm.s32 $0xB;
	_ =	strace $0x8000004B  }
0xc4: {  	_ =	swait.ge [sflag:s29], $0x1  }
0xc5: {  	[sflag:s29] =	ssyncadd.s32 $0xFFFFFFFF  }
0xc6: {  	_ =	strace $0x9000004B  }
0xc7: {  	_ =	sfence  }
0xc8: {  	s30 =	sld [smem:$0x0];
	_ =	sdelay $0x2  }
0xc9: {  	s31 =	sshll.u32 s1, $0xD;
	s1 =	sshrl.u32 s1, $0x2  }
0xca: {  	s4 =	sand.u32 $0x4000, s31;
	s1 =	sadd.s32 s1, s30  }
0xcb: {  	s0 =	sor.u32 s4, s0;
	s1 =	sshll.u32 s1, $0x11  }
0xcc: {  	s0 =	sor.u32 s1, s0  }
0xcd: {  	s0 =	sadd.s32 $0x8F2B, s0  }
0xce: {  	[sflag:s0] =	ssyncadd.remote.s32 $0x1  }
0xcf: {  	_ =	sfence.sel $0xFFFF  }
0xd0: {  	[dreg:$0x0] =	wrdreg $0xFFFFFFFF;
	(pc) =	sbr.abs _section_cstart, $3  }
0xd1: {  	[dreg:$0x1] =	wrdreg $0xFFFFFFFF  }
0xd2: {  	_ =	task.clear_ibuf [dreg:s22], $0x2FFFF;
	_ =	strace $0x9FFFFFFF  }
0xd3: {  	(tm) =	ssettm $0x7FFFFFFF  }
tec
execute0_lowered:
.L_overlay_start_1:
0x0: {  	(tag) =	ssettag $0x1  }
0x1: {  	s2 =	rddreg [dreg:$0x0]  }
0x2: {  	s0 =	srdreg.scid;
	s3 =	rddreg [dreg:$0x1]  }
0x3: {  	s1 =	stileid.u32;
	s6 =	rddreg [dreg:$0x2]  }
0x4: {  	s4 =	simm.s32 $0x0;
	s21 =	simm.s32 $0x80;
	s23 =	simm.s32 $0x100  }
0x5: {  	s24 =	simm.s32 $0x180;
	s25 =	simm.s32 $0x200;
	s26 =	simm.s32 $0x280  }
0x6: {  	s28 =	simm.s32 $0x3B00;
	s29 =	simm.s32 $0x4300;
	[smem:$0x7FF] =	sst s4  }
0x7: {  	s30 =	simm.s32 $0x4B00;
	_ =	strace $0x8000004A;
	[dreg:$0x10] =	wrdreg s21  }
0x8: {  	s31 =	simm.s32 $0x5300;
	s0 =	sand.u32 $0x1, s0;
	[dreg:$0x11] =	wrdreg s23  }
0x9: {  	s1 =	sshll.u32 s1, $0x1;
	s8 =	sadd.s32 $0xC5600, s6;
	[dreg:$0x12] =	wrdreg s24  }
0xa: {  	s9 =	sadd.s32 $0x105600, s6;
	s1 =	sor.u32 s0, s1;
	[dreg:$0x13] =	wrdreg s25  }
0xb: {  	s0 =	ssub.s32 $0x2, s0;
	[dreg:$0x14] =	wrdreg s26;
	s23 =	simm.s32 $0x2300  }
0xc: {  	s24 =	simm.s32 $0x2B00;
	s5 =	smul.u32 $0x300, s1;
	s1 =	sshll.u32 s1, $0xD  }
0xd: {  	s26 =	simm.s32 $0x3300;
	s25 =	simm.s32 $0xAB00;
	s15 =	sadd.s32 s8, s1  }
0xe: {  	s16 =	sor.u32 $0x1000, s1;
	s18 =	sadd.s32 s9, s1;
	[dreg:$0xa] =	wrdreg s15  }
0xf: {  	s5 =	sshrl.u32 s5, $0x3;
	s17 =	sadd.s32 s8, s16;
	[dreg:$0xc] =	wrdreg s18  }
0x10: {  	s19 =	sadd.s32 s9, s16;
	s5 =	sadd.s32 s5, s6;
	[dreg:$0xb] =	wrdreg s17  }
0x11: {  	s22 =	sshrl.u32 s0, $0x1;
	[dreg:$0xd] =	wrdreg s19;
	s7 =	sadd.s32 $0xC4A00, s5  }
0x12: {  	s0 =	ssub.s32 s0, s22;
	s11 =	sadd.s32 $0xC4A10, s5;
	[dreg:$0x4] =	wrdreg s7  }
0x13: {  	s15 =	smax.u32 s0, $0x1;
	s12 =	sadd.s32 $0xC4A20, s5;
	[dreg:$0x5] =	wrdreg s11  }
0x14: {  	s8 =	simm.s32 $0x1;
	s13 =	sadd.s32 $0xC4A30, s5;
	[dreg:$0x6] =	wrdreg s12  }
0x15: {  	s18 =	simm.s32 $0x8300;
	s14 =	sadd.s32 $0xC4A40, s5;
	[dreg:$0x7] =	wrdreg s13  }
0x16: {  	s6 =	sadd.s32 $0x145600, s6;
	s5 =	sadd.s32 $0xC4A50, s5;
	[dreg:$0x8] =	wrdreg s14  }
0x17: {  	s9 =	simm.s32 $0x10300;
	s1 =	sadd.s32 s6, s1;
	[dreg:$0x9] =	wrdreg s5  }
0x18: {  	v2 =	vlaneseq.u32;
	s17 =	simm.s32 $0xBB00;
	s20 =	sadd.s32 s6, s16;
	[dreg:$0xe] =	wrdreg s1  }
0x19: {  	vm0 =	vmmov $0xffff;
	v1 =	vshrl.u32 v2, $0x3;
	s6 =	sadd.s32 $0x100, s3;
	s16 =	simm.s32 $0xB300;
	[dreg:$0xf] =	wrdreg s20  }
0x1a: {  	v0 =	vand.u32 $0x7, v2;
	v2 =	vor.u32 $0x8, v2;
	v1 =	vmul.u32 $0x8, v1;
	s5 =	sadd.s32 $0x100, s2;
	s14 =	simm.s32 $0x7B00;
	s1 =	simm.s32 $0x5  }
.LBB2_1:
0x1b: {  	s19 =	rddreg [dreg:$0x4]  }
0x1c: {  	s20 =	rddreg [dreg:$0x5]  }
0x1d: {  	s21 =	rddreg [dreg:$0x10]  }
0x1e: {  	s11 =	rddreg [dreg:$0x6]  }
0x1f: {  	s12 =	rddreg [dreg:$0x11]  }
0x20: {  	s13 =	rddreg [dreg:$0x7]  }
0x21: {  	[tilespmem:s4], [sflag:$0x1] =	stream.linear.gather [hbm4b:s19+s4], $0x80, $0x38;
	[tilespmem:$0x18300] =	vst v63  }
0x22: {  	s22 =	rddreg [dreg:$0x12]  }
0x23: {  	[tilespmem:s21], [sflag:$0x1] =	stream.linear.gather [hbm4b:s20+s4], $0x80, $0x38;
	[tilespmem:$0x18300] =	vst v63  }
0x24: {  	s0 =	rddreg [dreg:$0x14]  }
0x25: {  	[tilespmem:s12], [sflag:$0x1] =	stream.linear.gather [hbm4b:s11+s4], $0x80, $0x38;
	[tilespmem:$0x18300] =	vst v63  }
0x26: {  	s20 =	rddreg [dreg:$0x8]  }
0x27: {  	[tilespmem:s22], [sflag:$0x1] =	stream.linear.gather [hbm4b:s13+s4], $0x80, $0x38;
	[tilespmem:$0x18300] =	vst v63  }
0x28: {  	s21 =	rddreg [dreg:$0x13]  }
0x29: {  	[tilespmem:s21], [sflag:$0x1] =	stream.linear.gather [hbm4b:s20+s4], $0x80, $0x38;
	[tilespmem:$0x18300] =	vst v63  }
0x2a: {  	s22 =	rddreg [dreg:$0x9]  }
0x2b: {  	[tilespmem:s0], [sflag:$0x1] =	stream.linear.gather [hbm4b:s22+s4], $0x80, $0x38;
	[tilespmem:$0x18300] =	vst v63  }
0x2c: {  	_ =	swait.ge [sflag:s8], $0x80  }
0x2d: {  	[sflag:s8] =	ssyncset.done $0x0  }
0x2e: {  	[sflag:s8] =	ssyncadd.s32 $0xFFFFFF80  }
0x2f: {  	_ =	swait.ge [sflag:s8], $0x80  }
0x30: {  	[sflag:s8] =	ssyncset.done $0x0  }
0x31: {  	[sflag:s8] =	ssyncadd.s32 $0xFFFFFF80  }
0x32: {  	_ =	swait.ge [sflag:s8], $0x80  }
0x33: {  	[sflag:s8] =	ssyncset.done $0x0  }
0x34: {  	[sflag:s8] =	ssyncadd.s32 $0xFFFFFF80  }
0x35: {  	_ =	swait.ge [sflag:s8], $0x80  }
0x36: {  	[sflag:s8] =	ssyncset.done $0x0  }
0x37: {  	[sflag:s8] =	ssyncadd.s32 $0xFFFFFF80  }
0x38: {  	_ =	swait.ge [sflag:s8], $0x80  }
0x39: {  	[sflag:s8] =	ssyncset.done $0x0  }
0x3a: {  	[sflag:s8] =	ssyncadd.s32 $0xFFFFFF80  }
0x3b: {  	_ =	swait.ge [sflag:s8], $0x80  }
0x3c: {  	[sflag:s8] =	ssyncset.done $0x0  }
0x3d: {  	[sflag:s8] =	ssyncadd.s32 $0xFFFFFF80  }
0x3e: {  	v3 =	vld [tilespmem:$0x0];
	_ =	sdelay $0x4  }
0x3f: {  	v4 =	vshll.u32 v3, $0x2  }
0x40: {  	v3 =	vand.u32 $0x7, v3;
	v4 =	vand.u32 $0xFFFFFFE0, v4  }
0x41: {  	v3 =	vor.u32 v3, v4  }
0x42: {  	v4 =	vperm.xlane v3, v0;
	_ =	sdelay $0x1  }
0x43: {  	v4 =	vadd.s32 v1, v4;
	_ =	sdelay $0x1  }
0x44: {  	v3 =	vperm.xlane v3, v2;
	_ =	sdelay $0x1  }
0x45: {  	s0 =	simm.s32 $0x300;
	v3 =	vadd.s32 v1, v3  }
0x46: {  	[tilespmem:s0], [sflag:$0x2] =	stream.indirect_vreg.gather [hbm4b:s2+s4], $0x80, v4, vm0, $0xb8;
	[tilespmem:$0x18300] =	vst v63  }
0x47: {  	s20 =	simm.s32 $0xB00  }
0x48: {  	[tilespmem:s20], [sflag:$0x2] =	stream.indirect_vreg.gather [hbm4b:s5+s4], $0x80, v4, vm0, $0xb8;
	[tilespmem:$0x18300] =	vst v63  }
0x49: {  	s21 =	simm.s32 $0x1300  }
0x4a: {  	[tilespmem:s21], [sflag:$0x2] =	stream.indirect_vreg.gather [hbm4b:s2+s4], $0x80, v3, vm0, $0xb8;
	[tilespmem:$0x18300] =	vst v63  }
0x4b: {  	s22 =	simm.s32 $0x1B00  }
0x4c: {  	[tilespmem:s22], [sflag:$0x2] =	stream.indirect_vreg.gather [hbm4b:s5+s4], $0x80, v3, vm0, $0xb8;
	[tilespmem:$0x18300] =	vst v63  }
0x4d: {  	v3 =	vld [tilespmem:$0x10];
	_ =	sdelay $0x4  }
0x4e: {  	v41 =	vshll.u32 v3, $0x2  }
0x4f: {  	v3 =	vand.u32 $0x7, v3;
	v4 =	vand.u32 $0xFFFFFFE0, v41  }
0x50: {  	v3 =	vor.u32 v3, v4  }
0x51: {  	v4 =	vperm.xlane v3, v0;
	_ =	sdelay $0x1  }
0x52: {  	v4 =	vadd.s32 v1, v4;
	_ =	sdelay $0x1  }
0x53: {  	v3 =	vperm.xlane v3, v2;
	_ =	sdelay $0x1  }
0x54: {  	v3 =	vadd.s32 v1, v3  }
0x55: {  	[tilespmem:s23], [sflag:$0x2] =	stream.indirect_vreg.gather [hbm4b:s2+s4], $0x80, v4, vm0, $0xb8;
	[tilespmem:$0x18300] =	vst v63  }
0x56: {  	_ = 	snop  }
0x57: {  	[tilespmem:s24], [sflag:$0x2] =	stream.indirect_vreg.gather [hbm4b:s5+s4], $0x80, v4, vm0, $0xb8;
	[tilespmem:$0x18300] =	vst v63  }
0x58: {  	_ = 	snop  }
0x59: {  	[tilespmem:s26], [sflag:$0x2] =	stream.indirect_vreg.gather [hbm4b:s2+s4], $0x80, v3, vm0, $0xb8;
	[tilespmem:$0x18300] =	vst v63  }
0x5a: {  	_ = 	snop  }
0x5b: {  	[tilespmem:s28], [sflag:$0x2] =	stream.indirect_vreg.gather [hbm4b:s5+s4], $0x80, v3, vm0, $0xb8;
	[tilespmem:$0x18300] =	vst v63  }
0x5c: {  	v3 =	vld [tilespmem:$0x20];
	_ =	sdelay $0x4  }
0x5d: {  	v42 =	vshll.u32 v3, $0x2  }
0x5e: {  	v3 =	vand.u32 $0x7, v3;
	v4 =	vand.u32 $0xFFFFFFE0, v42  }
0x5f: {  	v3 =	vor.u32 v3, v4  }
0x60: {  	v4 =	vperm.xlane v3, v0;
	_ =	sdelay $0x1  }
0x61: {  	v4 =	vadd.s32 v1, v4;
	_ =	sdelay $0x1  }
0x62: {  	v3 =	vperm.xlane v3, v2;
	_ =	sdelay $0x1  }
0x63: {  	v3 =	vadd.s32 v1, v3  }
0x64: {  	[tilespmem:s29], [sflag:$0x2] =	stream.indirect_vreg.gather [hbm4b:s2+s4], $0x80, v4, vm0, $0xb8;
	[tilespmem:$0x18300] =	vst v63  }
0x65: {  	_ = 	snop  }
0x66: {  	[tilespmem:s30], [sflag:$0x2] =	stream.indirect_vreg.gather [hbm4b:s5+s4], $0x80, v4, vm0, $0xb8;
	[tilespmem:$0x18300] =	vst v63  }
0x67: {  	_ = 	snop  }
0x68: {  	[tilespmem:s31], [sflag:$0x2] =	stream.indirect_vreg.gather [hbm4b:s2+s4], $0x80, v3, vm0, $0xb8;
	[tilespmem:$0x18300] =	vst v63  }
0x69: {  	s13 =	simm.s32 $0x5B00  }
0x6a: {  	[tilespmem:s13], [sflag:$0x2] =	stream.indirect_vreg.gather [hbm4b:s5+s4], $0x80, v3, vm0, $0xb8;
	[tilespmem:$0x18300] =	vst v63  }
0x6b: {  	v3 =	vld [tilespmem:$0x30];
	_ =	sdelay $0x4  }
0x6c: {  	v43 =	vshll.u32 v3, $0x2  }
0x6d: {  	v3 =	vand.u32 $0x7, v3;
	v4 =	vand.u32 $0xFFFFFFE0, v43  }
0x6e: {  	v3 =	vor.u32 v3, v4  }
0x6f: {  	v4 =	vperm.xlane v3, v0;
	_ =	sdelay $0x1  }
0x70: {  	v4 =	vadd.s32 v1, v4;
	_ =	sdelay $0x1  }
0x71: {  	v3 =	vperm.xlane v3, v2;
	_ =	sdelay $0x1  }
0x72: {  	s12 =	simm.s32 $0x6300;
	v3 =	vadd.s32 v1, v3  }
0x73: {  	[tilespmem:s12], [sflag:$0x2] =	stream.indirect_vreg.gather [hbm4b:s2+s4], $0x80, v4, vm0, $0xb8;
	[tilespmem:$0x18300] =	vst v63  }
0x74: {  	s10 =	simm.s32 $0x6B00  }
0x75: {  	[tilespmem:s10], [sflag:$0x2] =	stream.indirect_vreg.gather [hbm4b:s5+s4], $0x80, v4, vm0, $0xb8;
	[tilespmem:$0x18300] =	vst v63  }
0x76: {  	s11 =	simm.s32 $0x7300  }
0x77: {  	[tilespmem:s11], [sflag:$0x2] =	stream.indirect_vreg.gather [hbm4b:s2+s4], $0x80, v3, vm0, $0xb8;
	[tilespmem:$0x18300] =	vst v63  }
0x78: {  	_ = 	snop  }
0x79: {  	[tilespmem:s14], [sflag:$0x2] =	stream.indirect_vreg.gather [hbm4b:s5+s4], $0x80, v3, vm0, $0xb8;
	[tilespmem:$0x18300] =	vst v63  }
0x7a: {  	v3 =	vld [tilespmem:$0x80];
	_ =	sdelay $0x4  }
0x7b: {  	v44 =	vshll.u32 v3, $0x2  }
0x7c: {  	v3 =	vand.u32 $0x7, v3;
	v4 =	vand.u32 $0xFFFFFFE0, v44  }
0x7d: {  	v3 =	vor.u32 v3, v4  }
0x7e: {  	v4 =	vperm.xlane v3, v0;
	_ =	sdelay $0x1  }
0x7f: {  	v4 =	vadd.s32 v1, v4;
	_ =	sdelay $0x1  }
0x80: {  	v3 =	vperm.xlane v3, v2;
	_ =	sdelay $0x1  }
0x81: {  	v3 =	vadd.s32 v1, v3  }
0x82: {  	[tilespmem:s18], [sflag:$0x3] =	stream.indirect_vreg.gather [hbm4b:s2+s4], $0x80, v4, vm0, $0xb8;
	[tilespmem:$0x18300] =	vst v63  }
0x83: {  	s7 =	simm.s32 $0x8B00  }
0x84: {  	[tilespmem:s7], [sflag:$0x3] =	stream.indirect_vreg.gather [hbm4b:s5+s4], $0x80, v4, vm0, $0xb8;
	[tilespmem:$0x18300] =	vst v63  }
0x85: {  	s19 =	simm.s32 $0x9300  }
0x86: {  	[tilespmem:s19], [sflag:$0x3] =	stream.indirect_vreg.gather [hbm4b:s2+s4], $0x80, v3, vm0, $0xb8;
	[tilespmem:$0x18300] =	vst v63  }
0x87: {  	s7 =	simm.s32 $0x9B00  }
0x88: {  	[tilespmem:s7], [sflag:$0x3] =	stream.indirect_vreg.gather [hbm4b:s5+s4], $0x80, v3, vm0, $0xb8;
	[tilespmem:$0x18300] =	vst v63  }
0x89: {  	v3 =	vld [tilespmem:$0x90];
	_ =	sdelay $0x4  }
0x8a: {  	v45 =	vshll.u32 v3, $0x2  }
0x8b: {  	v3 =	vand.u32 $0x7, v3;
	v4 =	vand.u32 $0xFFFFFFE0, v45  }
0x8c: {  	v3 =	vor.u32 v3, v4  }
0x8d: {  	v4 =	vperm.xlane v3, v0;
	_ =	sdelay $0x1  }
0x8e: {  	v4 =	vadd.s32 v1, v4;
	_ =	sdelay $0x1  }
0x8f: {  	v3 =	vperm.xlane v3, v2;
	_ =	sdelay $0x1  }
0x90: {  	s19 =	simm.s32 $0xA300;
	v3 =	vadd.s32 v1, v3  }
0x91: {  	[tilespmem:s19], [sflag:$0x3] =	stream.indirect_vreg.gather [hbm4b:s2+s4], $0x80, v4, vm0, $0xb8;
	[tilespmem:$0x18300] =	vst v63  }
0x92: {  	_ = 	snop  }
0x93: {  	[tilespmem:s25], [sflag:$0x3] =	stream.indirect_vreg.gather [hbm4b:s5+s4], $0x80, v4, vm0, $0xb8;
	[tilespmem:$0x18300] =	vst v63  }
0x94: {  	_ = 	snop  }
0x95: {  	[tilespmem:s16], [sflag:$0x3] =	stream.indirect_vreg.gather [hbm4b:s2+s4], $0x80, v3, vm0, $0xb8;
	[tilespmem:$0x18300] =	vst v63  }
0x96: {  	_ = 	snop  }
0x97: {  	[tilespmem:s17], [sflag:$0x3] =	stream.indirect_vreg.gather [hbm4b:s5+s4], $0x80, v3, vm0, $0xb8;
	[tilespmem:$0x18300] =	vst v63  }
0x98: {  	v3 =	vld [tilespmem:$0xA0];
	_ =	sdelay $0x4  }
0x99: {  	v46 =	vshll.u32 v3, $0x2  }
0x9a: {  	v3 =	vand.u32 $0x7, v3;
	v4 =	vand.u32 $0xFFFFFFE0, v46  }
0x9b: {  	v3 =	vor.u32 v3, v4  }
0x9c: {  	v4 =	vperm.xlane v3, v0;
	_ =	sdelay $0x1  }
0x9d: {  	v4 =	vadd.s32 v1, v4;
	_ =	sdelay $0x1  }
0x9e: {  	v3 =	vperm.xlane v3, v2;
	_ =	sdelay $0x1  }
0x9f: {  	s7 =	simm.s32 $0xC300;
	v3 =	vadd.s32 v1, v3  }
0xa0: {  	[tilespmem:s7], [sflag:$0x3] =	stream.indirect_vreg.gather [hbm4b:s2+s4], $0x80, v4, vm0, $0xb8;
	[tilespmem:$0x18300] =	vst v63  }
0xa1: {  	s19 =	simm.s32 $0xCB00  }
0xa2: {  	[tilespmem:s19], [sflag:$0x3] =	stream.indirect_vreg.gather [hbm4b:s5+s4], $0x80, v4, vm0, $0xb8;
	[tilespmem:$0x18300] =	vst v63  }
0xa3: {  	s7 =	simm.s32 $0xD300  }
0xa4: {  	[tilespmem:s7], [sflag:$0x3] =	stream.indirect_vreg.gather [hbm4b:s2+s4], $0x80, v3, vm0, $0xb8;
	[tilespmem:$0x18300] =	vst v63  }
0xa5: {  	s19 =	simm.s32 $0xDB00  }
0xa6: {  	[tilespmem:s19], [sflag:$0x3] =	stream.indirect_vreg.gather [hbm4b:s5+s4], $0x80, v3, vm0, $0xb8;
	[tilespmem:$0x18300] =	vst v63  }
0xa7: {  	v3 =	vld [tilespmem:$0xB0];
	_ =	sdelay $0x4  }
0xa8: {  	v47 =	vshll.u32 v3, $0x2  }
0xa9: {  	v3 =	vand.u32 $0x7, v3;
	v4 =	vand.u32 $0xFFFFFFE0, v47  }
0xaa: {  	v3 =	vor.u32 v3, v4  }
0xab: {  	v4 =	vperm.xlane v3, v0;
	_ =	sdelay $0x1  }
0xac: {  	v4 =	vadd.s32 v1, v4;
	_ =	sdelay $0x1  }
0xad: {  	v3 =	vperm.xlane v3, v2;
	_ =	sdelay $0x1  }
0xae: {  	s7 =	simm.s32 $0xE300;
	v3 =	vadd.s32 v1, v3  }
0xaf: {  	[tilespmem:s7], [sflag:$0x3] =	stream.indirect_vreg.gather [hbm4b:s2+s4], $0x80, v4, vm0, $0xb8;
	[tilespmem:$0x18300] =	vst v63  }
0xb0: {  	s19 =	simm.s32 $0xEB00  }
0xb1: {  	[tilespmem:s19], [sflag:$0x3] =	stream.indirect_vreg.gather [hbm4b:s5+s4], $0x80, v4, vm0, $0xb8;
	[tilespmem:$0x18300] =	vst v63  }
0xb2: {  	s7 =	simm.s32 $0xF300  }
0xb3: {  	[tilespmem:s7], [sflag:$0x3] =	stream.indirect_vreg.gather [hbm4b:s2+s4], $0x80, v3, vm0, $0xb8;
	[tilespmem:$0x18300] =	vst v63  }
0xb4: {  	s19 =	simm.s32 $0xFB00  }
0xb5: {  	[tilespmem:s19], [sflag:$0x3] =	stream.indirect_vreg.gather [hbm4b:s5+s4], $0x80, v3, vm0, $0xb8;
	[tilespmem:$0x18300] =	vst v63  }
0xb6: {  	v3 =	vld [tilespmem:$0x100];
	_ =	sdelay $0x4  }
0xb7: {  	v48 =	vshll.u32 v3, $0x2  }
0xb8: {  	v3 =	vand.u32 $0x7, v3;
	v4 =	vand.u32 $0xFFFFFFE0, v48  }
0xb9: {  	v3 =	vor.u32 v3, v4  }
0xba: {  	v4 =	vperm.xlane v3, v0;
	_ =	sdelay $0x1  }
0xbb: {  	v4 =	vadd.s32 v1, v4;
	_ =	sdelay $0x1  }
0xbc: {  	v3 =	vperm.xlane v3, v2;
	_ =	sdelay $0x1  }
0xbd: {  	v3 =	vadd.s32 v1, v3  }
0xbe: {  	[tilespmem:s9], [sflag:$0x4] =	stream.indirect_vreg.gather [hbm4b:s3+s4], $0x80, v4, vm0, $0xb8;
	[tilespmem:$0x18300] =	vst v63  }
0xbf: {  	s7 =	simm.s32 $0x10B00  }
0xc0: {  	[tilespmem:s7], [sflag:$0x4] =	stream.indirect_vreg.gather [hbm4b:s6+s4], $0x80, v4, vm0, $0xb8;
	[tilespmem:$0x18300] =	vst v63  }
0xc1: {  	s19 =	simm.s32 $0x11300  }
0xc2: {  	[tilespmem:s19], [sflag:$0x4] =	stream.indirect_vreg.gather [hbm4b:s3+s4], $0x80, v3, vm0, $0xb8;
	[tilespmem:$0x18300] =	vst v63  }
0xc3: {  	s7 =	simm.s32 $0x11B00  }
0xc4: {  	[tilespmem:s7], [sflag:$0x4] =	stream.indirect_vreg.gather [hbm4b:s6+s4], $0x80, v3, vm0, $0xb8;
	[tilespmem:$0x18300] =	vst v63  }
0xc5: {  	v3 =	vld [tilespmem:$0x110];
	_ =	sdelay $0x4  }
0xc6: {  	v49 =	vshll.u32 v3, $0x2  }
0xc7: {  	v3 =	vand.u32 $0x7, v3;
	v4 =	vand.u32 $0xFFFFFFE0, v49  }
0xc8: {  	v3 =	vor.u32 v3, v4  }
0xc9: {  	v4 =	vperm.xlane v3, v0;
	_ =	sdelay $0x1  }
0xca: {  	v4 =	vadd.s32 v1, v4;
	_ =	sdelay $0x1  }
0xcb: {  	v3 =	vperm.xlane v3, v2;
	_ =	sdelay $0x1  }
0xcc: {  	s19 =	simm.s32 $0x12300;
	v3 =	vadd.s32 v1, v3  }
0xcd: {  	[tilespmem:s19], [sflag:$0x4] =	stream.indirect_vreg.gather [hbm4b:s3+s4], $0x80, v4, vm0, $0xb8;
	[tilespmem:$0x18300] =	vst v63  }
0xce: {  	s7 =	simm.s32 $0x12B00  }
0xcf: {  	[tilespmem:s7], [sflag:$0x4] =	stream.indirect_vreg.gather [hbm4b:s6+s4], $0x80, v4, vm0, $0xb8;
	[tilespmem:$0x18300] =	vst v63  }
0xd0: {  	s19 =	simm.s32 $0x13300  }
0xd1: {  	[tilespmem:s19], [sflag:$0x4] =	stream.indirect_vreg.gather [hbm4b:s3+s4], $0x80, v3, vm0, $0xb8;
	[tilespmem:$0x18300] =	vst v63  }
0xd2: {  	s7 =	simm.s32 $0x13B00  }
0xd3: {  	[tilespmem:s7], [sflag:$0x4] =	stream.indirect_vreg.gather [hbm4b:s6+s4], $0x80, v3, vm0, $0xb8;
	[tilespmem:$0x18300] =	vst v63  }
0xd4: {  	v3 =	vld [tilespmem:$0x120];
	_ =	sdelay $0x4  }
0xd5: {  	v50 =	vshll.u32 v3, $0x2  }
0xd6: {  	v3 =	vand.u32 $0x7, v3;
	v4 =	vand.u32 $0xFFFFFFE0, v50  }
0xd7: {  	v3 =	vor.u32 v3, v4  }
0xd8: {  	v4 =	vperm.xlane v3, v0;
	_ =	sdelay $0x1  }
0xd9: {  	v4 =	vadd.s32 v1, v4;
	_ =	sdelay $0x1  }
0xda: {  	v3 =	vperm.xlane v3, v2;
	_ =	sdelay $0x1  }
0xdb: {  	s19 =	simm.s32 $0x14300;
	v3 =	vadd.s32 v1, v3  }
0xdc: {  	[tilespmem:s19], [sflag:$0x4] =	stream.indirect_vreg.gather [hbm4b:s3+s4], $0x80, v4, vm0, $0xb8;
	[tilespmem:$0x18300] =	vst v63  }
0xdd: {  	s7 =	simm.s32 $0x14B00  }
0xde: {  	[tilespmem:s7], [sflag:$0x4] =	stream.indirect_vreg.gather [hbm4b:s6+s4], $0x80, v4, vm0, $0xb8;
	[tilespmem:$0x18300] =	vst v63  }
0xdf: {  	s19 =	simm.s32 $0x15300  }
0xe0: {  	[tilespmem:s19], [sflag:$0x4] =	stream.indirect_vreg.gather [hbm4b:s3+s4], $0x80, v3, vm0, $0xb8;
	[tilespmem:$0x18300] =	vst v63  }
0xe1: {  	s7 =	simm.s32 $0x15B00  }
0xe2: {  	[tilespmem:s7], [sflag:$0x4] =	stream.indirect_vreg.gather [hbm4b:s6+s4], $0x80, v3, vm0, $0xb8;
	[tilespmem:$0x18300] =	vst v63  }
0xe3: {  	v3 =	vld [tilespmem:$0x130];
	_ =	sdelay $0x4  }
0xe4: {  	v51 =	vshll.u32 v3, $0x2  }
0xe5: {  	v3 =	vand.u32 $0x7, v3;
	v4 =	vand.u32 $0xFFFFFFE0, v51  }
0xe6: {  	v3 =	vor.u32 v3, v4  }
0xe7: {  	v4 =	vperm.xlane v3, v0;
	_ =	sdelay $0x1  }
0xe8: {  	v4 =	vadd.s32 v1, v4;
	_ =	sdelay $0x1  }
0xe9: {  	v3 =	vperm.xlane v3, v2;
	_ =	sdelay $0x1  }
0xea: {  	s19 =	simm.s32 $0x16300;
	v3 =	vadd.s32 v1, v3  }
0xeb: {  	[tilespmem:s19], [sflag:$0x4] =	stream.indirect_vreg.gather [hbm4b:s3+s4], $0x80, v4, vm0, $0xb8;
	[tilespmem:$0x18300] =	vst v63  }
0xec: {  	s7 =	simm.s32 $0x16B00  }
0xed: {  	[tilespmem:s7], [sflag:$0x4] =	stream.indirect_vreg.gather [hbm4b:s6+s4], $0x80, v4, vm0, $0xb8;
	[tilespmem:$0x18300] =	vst v63  }
0xee: {  	s19 =	simm.s32 $0x17300  }
0xef: {  	[tilespmem:s19], [sflag:$0x4] =	stream.indirect_vreg.gather [hbm4b:s3+s4], $0x80, v3, vm0, $0xb8;
	[tilespmem:$0x18300] =	vst v63  }
0xf0: {  	s0 =	simm.s32 $0x2;
	s7 =	simm.s32 $0x17B00  }
0xf1: {  	[tilespmem:s7], [sflag:$0x4] =	stream.indirect_vreg.gather [hbm4b:s6+s4], $0x80, v3, vm0, $0xb8;
	[tilespmem:$0x18300] =	vst v63  }
0xf2: {  	_ =	swait.ge [sflag:s0], $0x8000  }
0xf3: {  	[sflag:s0] =	ssyncset.done $0x0  }
0xf4: {  	s7 =	simm.s32 $0x300;
	s19 =	rddreg [dreg:$0xa];
	[sflag:s0] =	ssyncadd.s32 $0xFFFF8000  }
0xf5: {  	[hbm4b:s19+s4] =	stream.linear.scatter [tilespmem:s7], [sflag:$0x5], $0x8000, $0x38;
	[tilespmem:$0x18300] =	vst v63  }
0xf6: {  	_ =	swait.ge [sflag:s1], $0x8000  }
0xf7: {  	[sflag:s1] =	ssyncset.done $0x0  }
0xf8: {  	[sflag:s1] =	ssyncadd.s32 $0xFFFF8000  }
0xf9: {  	v3 =	vld [tilespmem:$0x180];
	_ =	sdelay $0x4  }
0xfa: {  	v52 =	vshll.u32 v3, $0x2  }
0xfb: {  	v3 =	vand.u32 $0x7, v3;
	v4 =	vand.u32 $0xFFFFFFE0, v52  }
0xfc: {  	v3 =	vor.u32 v3, v4  }
0xfd: {  	v4 =	vperm.xlane v3, v0;
	_ =	sdelay $0x1  }
0xfe: {  	v4 =	vadd.s32 v1, v4;
	_ =	sdelay $0x1  }
0xff: {  	v3 =	vperm.xlane v3, v2;
	_ =	sdelay $0x1  }
0x100: {  	v3 =	vadd.s32 v1, v3  }
0x101: {  	[tilespmem:s7], [sflag:$0x2] =	stream.indirect_vreg.gather [hbm4b:s3+s4], $0x80, v4, vm0, $0xb8;
	[tilespmem:$0x18300] =	vst v63  }
0x102: {  	_ = 	snop  }
0x103: {  	[tilespmem:s20], [sflag:$0x2] =	stream.indirect_vreg.gather [hbm4b:s6+s4], $0x80, v4, vm0, $0xb8;
	[tilespmem:$0x18300] =	vst v63  }
0x104: {  	_ = 	snop  }
0x105: {  	[tilespmem:s21], [sflag:$0x2] =	stream.indirect_vreg.gather [hbm4b:s3+s4], $0x80, v3, vm0, $0xb8;
	[tilespmem:$0x18300] =	vst v63  }
0x106: {  	_ = 	snop  }
0x107: {  	[tilespmem:s22], [sflag:$0x2] =	stream.indirect_vreg.gather [hbm4b:s6+s4], $0x80, v3, vm0, $0xb8;
	[tilespmem:$0x18300] =	vst v63  }
0x108: {  	v3 =	vld [tilespmem:$0x190];
	_ =	sdelay $0x4  }
0x109: {  	v53 =	vshll.u32 v3, $0x2  }
0x10a: {  	v3 =	vand.u32 $0x7, v3;
	v4 =	vand.u32 $0xFFFFFFE0, v53  }
0x10b: {  	v3 =	vor.u32 v3, v4  }
0x10c: {  	v4 =	vperm.xlane v3, v0;
	_ =	sdelay $0x1  }
0x10d: {  	v4 =	vadd.s32 v1, v4;
	_ =	sdelay $0x1  }
0x10e: {  	v3 =	vperm.xlane v3, v2;
	_ =	sdelay $0x1  }
0x10f: {  	v3 =	vadd.s32 v1, v3  }
0x110: {  	[tilespmem:s23], [sflag:$0x2] =	stream.indirect_vreg.gather [hbm4b:s3+s4], $0x80, v4, vm0, $0xb8;
	[tilespmem:$0x18300] =	vst v63  }
0x111: {  	_ = 	snop  }
0x112: {  	[tilespmem:s24], [sflag:$0x2] =	stream.indirect_vreg.gather [hbm4b:s6+s4], $0x80, v4, vm0, $0xb8;
	[tilespmem:$0x18300] =	vst v63  }
0x113: {  	_ = 	snop  }
0x114: {  	[tilespmem:s26], [sflag:$0x2] =	stream.indirect_vreg.gather [hbm4b:s3+s4], $0x80, v3, vm0, $0xb8;
	[tilespmem:$0x18300] =	vst v63  }
0x115: {  	_ = 	snop  }
0x116: {  	[tilespmem:s28], [sflag:$0x2] =	stream.indirect_vreg.gather [hbm4b:s6+s4], $0x80, v3, vm0, $0xb8;
	[tilespmem:$0x18300] =	vst v63  }
0x117: {  	v3 =	vld [tilespmem:$0x1A0];
	_ =	sdelay $0x4  }
0x118: {  	v54 =	vshll.u32 v3, $0x2  }
0x119: {  	v3 =	vand.u32 $0x7, v3;
	v4 =	vand.u32 $0xFFFFFFE0, v54  }
0x11a: {  	v3 =	vor.u32 v3, v4  }
0x11b: {  	v4 =	vperm.xlane v3, v0;
	_ =	sdelay $0x1  }
0x11c: {  	v4 =	vadd.s32 v1, v4;
	_ =	sdelay $0x1  }
0x11d: {  	v3 =	vperm.xlane v3, v2;
	_ =	sdelay $0x1  }
0x11e: {  	v3 =	vadd.s32 v1, v3  }
0x11f: {  	[tilespmem:s29], [sflag:$0x2] =	stream.indirect_vreg.gather [hbm4b:s3+s4], $0x80, v4, vm0, $0xb8;
	[tilespmem:$0x18300] =	vst v63  }
0x120: {  	_ = 	snop  }
0x121: {  	[tilespmem:s30], [sflag:$0x2] =	stream.indirect_vreg.gather [hbm4b:s6+s4], $0x80, v4, vm0, $0xb8;
	[tilespmem:$0x18300] =	vst v63  }
0x122: {  	_ = 	snop  }
0x123: {  	[tilespmem:s31], [sflag:$0x2] =	stream.indirect_vreg.gather [hbm4b:s3+s4], $0x80, v3, vm0, $0xb8;
	[tilespmem:$0x18300] =	vst v63  }
0x124: {  	_ = 	snop  }
0x125: {  	[tilespmem:s13], [sflag:$0x2] =	stream.indirect_vreg.gather [hbm4b:s6+s4], $0x80, v3, vm0, $0xb8;
	[tilespmem:$0x18300] =	vst v63  }
0x126: {  	v3 =	vld [tilespmem:$0x1B0];
	_ =	sdelay $0x4  }
0x127: {  	v55 =	vshll.u32 v3, $0x2  }
0x128: {  	v3 =	vand.u32 $0x7, v3;
	v4 =	vand.u32 $0xFFFFFFE0, v55  }
0x129: {  	v3 =	vor.u32 v3, v4  }
0x12a: {  	v4 =	vperm.xlane v3, v0;
	_ =	sdelay $0x1  }
0x12b: {  	v4 =	vadd.s32 v1, v4;
	_ =	sdelay $0x1  }
0x12c: {  	v3 =	vperm.xlane v3, v2;
	_ =	sdelay $0x1  }
0x12d: {  	v3 =	vadd.s32 v1, v3  }
0x12e: {  	[tilespmem:s12], [sflag:$0x2] =	stream.indirect_vreg.gather [hbm4b:s3+s4], $0x80, v4, vm0, $0xb8;
	[tilespmem:$0x18300] =	vst v63  }
0x12f: {  	_ = 	snop  }
0x130: {  	[tilespmem:s10], [sflag:$0x2] =	stream.indirect_vreg.gather [hbm4b:s6+s4], $0x80, v4, vm0, $0xb8;
	[tilespmem:$0x18300] =	vst v63  }
0x131: {  	_ = 	snop  }
0x132: {  	[tilespmem:s11], [sflag:$0x2] =	stream.indirect_vreg.gather [hbm4b:s3+s4], $0x80, v3, vm0, $0xb8;
	[tilespmem:$0x18300] =	vst v63  }
0x133: {  	s10 =	simm.s32 $0x3  }
0x134: {  	[tilespmem:s14], [sflag:$0x2] =	stream.indirect_vreg.gather [hbm4b:s6+s4], $0x80, v3, vm0, $0xb8;
	[tilespmem:$0x18300] =	vst v63  }
0x135: {  	_ =	swait.ge [sflag:s10], $0x8000  }
0x136: {  	[sflag:s10] =	ssyncset.done $0x0  }
0x137: {  	s11 =	simm.s32 $0x6;
	s12 =	rddreg [dreg:$0xb];
	[sflag:s10] =	ssyncadd.s32 $0xFFFF8000  }
0x138: {  	[hbm4b:s12+s4] =	stream.linear.scatter [tilespmem:s18], [sflag:$0x6], $0x8000, $0x38;
	[tilespmem:$0x18300] =	vst v63  }
0x139: {  	_ =	swait.ge [sflag:s11], $0x8000  }
0x13a: {  	[sflag:s11] =	ssyncset.done $0x0  }
0x13b: {  	[sflag:s11] =	ssyncadd.s32 $0xFFFF8000  }
0x13c: {  	v3 =	vld [tilespmem:$0x200];
	_ =	sdelay $0x4  }
0x13d: {  	v56 =	vshll.u32 v3, $0x2  }
0x13e: {  	v3 =	vand.u32 $0x7, v3;
	v4 =	vand.u32 $0xFFFFFFE0, v56  }
0x13f: {  	v3 =	vor.u32 v3, v4  }
0x140: {  	v4 =	vperm.xlane v3, v0;
	_ =	sdelay $0x1  }
0x141: {  	v4 =	vadd.s32 v1, v4;
	_ =	sdelay $0x1  }
0x142: {  	v3 =	vperm.xlane v3, v2;
	_ =	sdelay $0x1  }
0x143: {  	v3 =	vadd.s32 v1, v3  }
0x144: {  	[tilespmem:s18], [sflag:$0x3] =	stream.indirect_vreg.gather [hbm4b:s2+s4], $0x80, v4, vm0, $0xb8;
	[tilespmem:$0x18300] =	vst v63  }
0x145: {  	s13 =	simm.s32 $0x8B00  }
0x146: {  	[tilespmem:s13], [sflag:$0x3] =	stream.indirect_vreg.gather [hbm4b:s5+s4], $0x80, v4, vm0, $0xb8;
	[tilespmem:$0x18300] =	vst v63  }
0x147: {  	s19 =	simm.s32 $0x9300  }
0x148: {  	[tilespmem:s19], [sflag:$0x3] =	stream.indirect_vreg.gather [hbm4b:s2+s4], $0x80, v3, vm0, $0xb8;
	[tilespmem:$0x18300] =	vst v63  }
0x149: {  	s20 =	simm.s32 $0x9B00  }
0x14a: {  	[tilespmem:s20], [sflag:$0x3] =	stream.indirect_vreg.gather [hbm4b:s5+s4], $0x80, v3, vm0, $0xb8;
	[tilespmem:$0x18300] =	vst v63  }
0x14b: {  	v3 =	vld [tilespmem:$0x210];
	_ =	sdelay $0x4  }
0x14c: {  	v57 =	vshll.u32 v3, $0x2  }
0x14d: {  	v3 =	vand.u32 $0x7, v3;
	v4 =	vand.u32 $0xFFFFFFE0, v57  }
0x14e: {  	v3 =	vor.u32 v3, v4  }
0x14f: {  	v4 =	vperm.xlane v3, v0;
	_ =	sdelay $0x1  }
0x150: {  	v4 =	vadd.s32 v1, v4;
	_ =	sdelay $0x1  }
0x151: {  	v3 =	vperm.xlane v3, v2;
	_ =	sdelay $0x1  }
0x152: {  	s21 =	simm.s32 $0xA300;
	v3 =	vadd.s32 v1, v3  }
0x153: {  	[tilespmem:s21], [sflag:$0x3] =	stream.indirect_vreg.gather [hbm4b:s2+s4], $0x80, v4, vm0, $0xb8;
	[tilespmem:$0x18300] =	vst v63  }
0x154: {  	_ = 	snop  }
0x155: {  	[tilespmem:s25], [sflag:$0x3] =	stream.indirect_vreg.gather [hbm4b:s5+s4], $0x80, v4, vm0, $0xb8;
	[tilespmem:$0x18300] =	vst v63  }
0x156: {  	_ = 	snop  }
0x157: {  	[tilespmem:s16], [sflag:$0x3] =	stream.indirect_vreg.gather [hbm4b:s2+s4], $0x80, v3, vm0, $0xb8;
	[tilespmem:$0x18300] =	vst v63  }
0x158: {  	_ = 	snop  }
0x159: {  	[tilespmem:s17], [sflag:$0x3] =	stream.indirect_vreg.gather [hbm4b:s5+s4], $0x80, v3, vm0, $0xb8;
	[tilespmem:$0x18300] =	vst v63  }
0x15a: {  	v3 =	vld [tilespmem:$0x220];
	_ =	sdelay $0x4  }
0x15b: {  	v58 =	vshll.u32 v3, $0x2  }
0x15c: {  	v3 =	vand.u32 $0x7, v3;
	v4 =	vand.u32 $0xFFFFFFE0, v58  }
0x15d: {  	v3 =	vor.u32 v3, v4  }
0x15e: {  	v4 =	vperm.xlane v3, v0;
	_ =	sdelay $0x1  }
0x15f: {  	v4 =	vadd.s32 v1, v4;
	_ =	sdelay $0x1  }
0x160: {  	v3 =	vperm.xlane v3, v2;
	_ =	sdelay $0x1  }
0x161: {  	s22 =	simm.s32 $0xC300;
	v3 =	vadd.s32 v1, v3  }
0x162: {  	[tilespmem:s22], [sflag:$0x3] =	stream.indirect_vreg.gather [hbm4b:s2+s4], $0x80, v4, vm0, $0xb8;
	[tilespmem:$0x18300] =	vst v63  }
0x163: {  	s12 =	simm.s32 $0xCB00  }
0x164: {  	[tilespmem:s12], [sflag:$0x3] =	stream.indirect_vreg.gather [hbm4b:s5+s4], $0x80, v4, vm0, $0xb8;
	[tilespmem:$0x18300] =	vst v63  }
0x165: {  	s13 =	simm.s32 $0xD300  }
0x166: {  	[tilespmem:s13], [sflag:$0x3] =	stream.indirect_vreg.gather [hbm4b:s2+s4], $0x80, v3, vm0, $0xb8;
	[tilespmem:$0x18300] =	vst v63  }
0x167: {  	s19 =	simm.s32 $0xDB00  }
0x168: {  	[tilespmem:s19], [sflag:$0x3] =	stream.indirect_vreg.gather [hbm4b:s5+s4], $0x80, v3, vm0, $0xb8;
	[tilespmem:$0x18300] =	vst v63  }
0x169: {  	v3 =	vld [tilespmem:$0x230];
	_ =	sdelay $0x4  }
0x16a: {  	v59 =	vshll.u32 v3, $0x2  }
0x16b: {  	v3 =	vand.u32 $0x7, v3;
	v4 =	vand.u32 $0xFFFFFFE0, v59  }
0x16c: {  	v3 =	vor.u32 v3, v4  }
0x16d: {  	v4 =	vperm.xlane v3, v0;
	_ =	sdelay $0x1  }
0x16e: {  	v4 =	vadd.s32 v1, v4;
	_ =	sdelay $0x1  }
0x16f: {  	v3 =	vperm.xlane v3, v2;
	_ =	sdelay $0x1  }
0x170: {  	s20 =	simm.s32 $0xE300;
	v3 =	vadd.s32 v1, v3  }
0x171: {  	[tilespmem:s20], [sflag:$0x3] =	stream.indirect_vreg.gather [hbm4b:s2+s4], $0x80, v4, vm0, $0xb8;
	[tilespmem:$0x18300] =	vst v63  }
0x172: {  	s21 =	simm.s32 $0xEB00  }
0x173: {  	[tilespmem:s21], [sflag:$0x3] =	stream.indirect_vreg.gather [hbm4b:s5+s4], $0x80, v4, vm0, $0xb8;
	[tilespmem:$0x18300] =	vst v63  }
0x174: {  	s22 =	simm.s32 $0xF300  }
0x175: {  	[tilespmem:s22], [sflag:$0x3] =	stream.indirect_vreg.gather [hbm4b:s2+s4], $0x80, v3, vm0, $0xb8;
	[tilespmem:$0x18300] =	vst v63  }
0x176: {  	s12 =	simm.s32 $0xFB00  }
0x177: {  	[tilespmem:s12], [sflag:$0x3] =	stream.indirect_vreg.gather [hbm4b:s5+s4], $0x80, v3, vm0, $0xb8;
	[tilespmem:$0x18300] =	vst v63  }
0x178: {  	s12 =	simm.s32 $0x4  }
0x179: {  	_ =	swait.ge [sflag:s12], $0x8000  }
0x17a: {  	[sflag:s12] =	ssyncset.done $0x0  }
0x17b: {  	s13 =	rddreg [dreg:$0xc];
	[sflag:s12] =	ssyncadd.s32 $0xFFFF8000  }
0x17c: {  	[hbm4b:s13+s4] =	stream.linear.scatter [tilespmem:s9], [sflag:$0x7], $0x8000, $0x38;
	[tilespmem:$0x18300] =	vst v63  }
0x17d: {  	s13 =	simm.s32 $0x7  }
0x17e: {  	_ =	swait.ge [sflag:s13], $0x8000  }
0x17f: {  	[sflag:s13] =	ssyncset.done $0x0  }
0x180: {  	[sflag:s13] =	ssyncadd.s32 $0xFFFF8000  }
0x181: {  	v3 =	vld [tilespmem:$0x280];
	_ =	sdelay $0x4  }
0x182: {  	v60 =	vshll.u32 v3, $0x2  }
0x183: {  	v3 =	vand.u32 $0x7, v3;
	v4 =	vand.u32 $0xFFFFFFE0, v60  }
0x184: {  	v3 =	vor.u32 v3, v4  }
0x185: {  	v4 =	vperm.xlane v3, v0;
	_ =	sdelay $0x1  }
0x186: {  	v4 =	vadd.s32 v1, v4;
	_ =	sdelay $0x1  }
0x187: {  	v3 =	vperm.xlane v3, v2;
	_ =	sdelay $0x1  }
0x188: {  	v3 =	vadd.s32 v1, v3  }
0x189: {  	[tilespmem:s9], [sflag:$0x4] =	stream.indirect_vreg.gather [hbm4b:s2+s4], $0x80, v4, vm0, $0xb8;
	[tilespmem:$0x18300] =	vst v63  }
0x18a: {  	s20 =	simm.s32 $0x10B00  }
0x18b: {  	[tilespmem:s20], [sflag:$0x4] =	stream.indirect_vreg.gather [hbm4b:s5+s4], $0x80, v4, vm0, $0xb8;
	[tilespmem:$0x18300] =	vst v63  }
0x18c: {  	s21 =	simm.s32 $0x11300  }
0x18d: {  	[tilespmem:s21], [sflag:$0x4] =	stream.indirect_vreg.gather [hbm4b:s2+s4], $0x80, v3, vm0, $0xb8;
	[tilespmem:$0x18300] =	vst v63  }
0x18e: {  	s22 =	simm.s32 $0x11B00  }
0x18f: {  	[tilespmem:s22], [sflag:$0x4] =	stream.indirect_vreg.gather [hbm4b:s5+s4], $0x80, v3, vm0, $0xb8;
	[tilespmem:$0x18300] =	vst v63  }
0x190: {  	v3 =	vld [tilespmem:$0x290];
	_ =	sdelay $0x4  }
0x191: {  	v61 =	vshll.u32 v3, $0x2  }
0x192: {  	v3 =	vand.u32 $0x7, v3;
	v4 =	vand.u32 $0xFFFFFFE0, v61  }
0x193: {  	v3 =	vor.u32 v3, v4  }
0x194: {  	v4 =	vperm.xlane v3, v0;
	_ =	sdelay $0x1  }
0x195: {  	v4 =	vadd.s32 v1, v4;
	_ =	sdelay $0x1  }
0x196: {  	v3 =	vperm.xlane v3, v2;
	_ =	sdelay $0x1  }
0x197: {  	s19 =	simm.s32 $0x12300;
	v3 =	vadd.s32 v1, v3  }
0x198: {  	[tilespmem:s19], [sflag:$0x4] =	stream.indirect_vreg.gather [hbm4b:s2+s4], $0x80, v4, vm0, $0xb8;
	[tilespmem:$0x18300] =	vst v63  }
0x199: {  	s20 =	simm.s32 $0x12B00  }
0x19a: {  	[tilespmem:s20], [sflag:$0x4] =	stream.indirect_vreg.gather [hbm4b:s5+s4], $0x80, v4, vm0, $0xb8;
	[tilespmem:$0x18300] =	vst v63  }
0x19b: {  	s21 =	simm.s32 $0x13300  }
0x19c: {  	[tilespmem:s21], [sflag:$0x4] =	stream.indirect_vreg.gather [hbm4b:s2+s4], $0x80, v3, vm0, $0xb8;
	[tilespmem:$0x18300] =	vst v63  }
0x19d: {  	s22 =	simm.s32 $0x13B00  }
0x19e: {  	[tilespmem:s22], [sflag:$0x4] =	stream.indirect_vreg.gather [hbm4b:s5+s4], $0x80, v3, vm0, $0xb8;
	[tilespmem:$0x18300] =	vst v63  }
0x19f: {  	v3 =	vld [tilespmem:$0x2A0];
	_ =	sdelay $0x4  }
0x1a0: {  	v62 =	vshll.u32 v3, $0x2  }
0x1a1: {  	v3 =	vand.u32 $0x7, v3;
	v4 =	vand.u32 $0xFFFFFFE0, v62  }
0x1a2: {  	v3 =	vor.u32 v3, v4  }
0x1a3: {  	v4 =	vperm.xlane v3, v0;
	_ =	sdelay $0x1  }
0x1a4: {  	v4 =	vadd.s32 v1, v4;
	_ =	sdelay $0x1  }
0x1a5: {  	v3 =	vperm.xlane v3, v2;
	_ =	sdelay $0x1  }
0x1a6: {  	s19 =	simm.s32 $0x14300;
	v3 =	vadd.s32 v1, v3  }
0x1a7: {  	[tilespmem:s19], [sflag:$0x4] =	stream.indirect_vreg.gather [hbm4b:s2+s4], $0x80, v4, vm0, $0xb8;
	[tilespmem:$0x18300] =	vst v63  }
0x1a8: {  	s20 =	simm.s32 $0x14B00  }
0x1a9: {  	[tilespmem:s20], [sflag:$0x4] =	stream.indirect_vreg.gather [hbm4b:s5+s4], $0x80, v4, vm0, $0xb8;
	[tilespmem:$0x18300] =	vst v63  }
0x1aa: {  	s21 =	simm.s32 $0x15300  }
0x1ab: {  	[tilespmem:s21], [sflag:$0x4] =	stream.indirect_vreg.gather [hbm4b:s2+s4], $0x80, v3, vm0, $0xb8;
	[tilespmem:$0x18300] =	vst v63  }
0x1ac: {  	s22 =	simm.s32 $0x15B00  }
0x1ad: {  	[tilespmem:s22], [sflag:$0x4] =	stream.indirect_vreg.gather [hbm4b:s5+s4], $0x80, v3, vm0, $0xb8;
	[tilespmem:$0x18300] =	vst v63  }
0x1ae: {  	v3 =	vld [tilespmem:$0x2B0];
	_ =	sdelay $0x4  }
0x1af: {  	v63 =	vshll.u32 v3, $0x2  }
0x1b0: {  	v3 =	vand.u32 $0x7, v3;
	v4 =	vand.u32 $0xFFFFFFE0, v63  }
0x1b1: {  	v3 =	vor.u32 v3, v4  }
0x1b2: {  	v4 =	vperm.xlane v3, v0;
	_ =	sdelay $0x1  }
0x1b3: {  	v4 =	vadd.s32 v1, v4;
	_ =	sdelay $0x1  }
0x1b4: {  	v3 =	vperm.xlane v3, v2;
	_ =	sdelay $0x1  }
0x1b5: {  	s19 =	simm.s32 $0x16300;
	v3 =	vadd.s32 v1, v3  }
0x1b6: {  	[tilespmem:s19], [sflag:$0x4] =	stream.indirect_vreg.gather [hbm4b:s2+s4], $0x80, v4, vm0, $0xb8;
	[tilespmem:$0x18300] =	vst v63  }
0x1b7: {  	s20 =	simm.s32 $0x16B00  }
0x1b8: {  	[tilespmem:s20], [sflag:$0x4] =	stream.indirect_vreg.gather [hbm4b:s5+s4], $0x80, v4, vm0, $0xb8;
	[tilespmem:$0x18300] =	vst v63  }
0x1b9: {  	s21 =	simm.s32 $0x17300  }
0x1ba: {  	[tilespmem:s21], [sflag:$0x4] =	stream.indirect_vreg.gather [hbm4b:s2+s4], $0x80, v3, vm0, $0xb8;
	[tilespmem:$0x18300] =	vst v63  }
0x1bb: {  	s22 =	simm.s32 $0x17B00  }
0x1bc: {  	[tilespmem:s22], [sflag:$0x4] =	stream.indirect_vreg.gather [hbm4b:s5+s4], $0x80, v3, vm0, $0xb8;
	[tilespmem:$0x18300] =	vst v63  }
0x1bd: {  	_ =	swait.ge [sflag:s0], $0x8000  }
0x1be: {  	[sflag:s0] =	ssyncset.done $0x0  }
0x1bf: {  	s20 =	simm.s32 $0x300;
	s7 =	rddreg [dreg:$0xd];
	[sflag:s0] =	ssyncadd.s32 $0xFFFF8000  }
0x1c0: {  	[hbm4b:s7+s4] =	stream.linear.scatter [tilespmem:s20], [sflag:$0x5], $0x8000, $0x38;
	[tilespmem:$0x18300] =	vst v63  }
0x1c1: {  	_ =	swait.ge [sflag:s10], $0x8000  }
0x1c2: {  	[sflag:s10] =	ssyncset.done $0x0  }
0x1c3: {  	s21 =	rddreg [dreg:$0xe];
	[sflag:s10] =	ssyncadd.s32 $0xFFFF8000  }
0x1c4: {  	[hbm4b:s21+s4] =	stream.linear.scatter [tilespmem:s18], [sflag:$0x6], $0x8000, $0x38;
	[tilespmem:$0x18300] =	vst v63  }
0x1c5: {  	_ =	swait.ge [sflag:s12], $0x8000  }
0x1c6: {  	[sflag:s12] =	ssyncset.done $0x0  }
0x1c7: {  	s22 =	rddreg [dreg:$0xf];
	[sflag:s12] =	ssyncadd.s32 $0xFFFF8000  }
0x1c8: {  	[hbm4b:s22+s4] =	stream.linear.scatter [tilespmem:s9], [sflag:$0x7], $0x8000, $0x38;
	[tilespmem:$0x18300] =	vst v63  }
0x1c9: {  	_ =	swait.ge [sflag:s1], $0x8000  }
0x1ca: {  	[sflag:s1] =	ssyncset.done $0x0  }
0x1cb: {  	[sflag:s1] =	ssyncadd.s32 $0xFFFF8000  }
0x1cc: {  	p0 =	sne.s32 s15, $0x1;
	_ =	swait.ge [sflag:s11], $0x8000  }
.Ltmp0:
0x1cd: {  	[sflag:s11] =	ssyncset.done $0x0;
	(pc) =	sbr.rel @p0 .LBB2_1-.Ltmp0, $4  }
0x1ce: {  	[sflag:s11] =	ssyncadd.s32 $0xFFFF8000  }
0x1cf: {  	_ =	swait.ge [sflag:s13], $0x8000  }
0x1d0: {  	[sflag:s13] =	ssyncset.done $0x0  }
0x1d1: {  	s15 =	sadd.s32 $0xFFFFFFFF, s15;
	[sflag:s13] =	ssyncadd.s32 $0xFFFF8000  }
0x1d2: {  	_ =	sfence.sel $0x180000  }
0x1d3: {  	[bflag:$0x0] =	sbarrier.arrive $0xFFFF  }
0x1d4: {  	_ =	strace $0x9000004A  }
0x1d5: {  	s0 =	stileid.u32;
	[bflag:$0x2] =	sbarrier.arrive $0xFFFF  }
0x1d6: {  	p0 =	sne.s32 s0, $0x0;
	s0 =	rddreg [dreg:$0x3]  }
0x1d7: {  	s0 =	sadd.s32 @!p0 $0x100000, s0  }
0x1d8: {  	[sflag:s0] =	ssyncadd.tile.s32 @!p0 $0x1;
	_ =	shalt  }
.Lfunc_end2:
_tile_overlayer_lowered:
.L_overlay_start_2:
0x1d9: {  	(tag) =	ssettag $0x2  }
0x1da: {  	s0 =	rddreg [dreg:$0x0];
	s2 =	stileid.u32  }
0x1db: {  	s1 =	rddreg [dreg:$0x1];
	p0 =	sne.s32 s2, $0x0  }
0x1dc: {  	s3 =	rddreg [dreg:$0x2];
	[bflag:$0x3] =	sbarrier.arrive $0xFFFF;
	s2 =	simm.s32 @!p0 $0x1C08  }
0x1dd: {  	[timem:s3], [sflag:s2] =	dma.local @!p0 [hbm:s0], s1  }
0x1de: {  	s0 =	simm.s32 @!p0 $0x8  }
0x1df: {  	_ =	swait.ge @!p0 [sflag:s0], s1  }
0x1e0: {  	s1 =	ssub.s32 @!p0 $0x0, s1;
	[sflag:s0] =	ssyncset.done @!p0 $0x0  }
0x1e1: {  	[sflag:s0] =	ssyncadd.s32 @!p0 s1  }
0x1e2: {  	[bflag:$0x3] =	sbarrier.arrive $0xFFFF  }
0x1e3: {  	_ =	shalt  }

// kernel: kernel.19.cloned.1.call-start
scs
__scs_entry_jumppad:
0x0: {  	(pc) =	sbr.rel $0x88, $3  }
0x1: {  	(tag) =	ssettag $0x0;
	lr =	simm.s32 $0x1  }
0x2: {  	[smem:$0x3F9A] =	sst lr;
	_ =	strace $0xD0000000  }
0x3: {  	_ = 	snop  }
0x4: {  	_ = 	snop  }
0x5: {  	_ = 	snop  }
0x6: {  	_ = 	snop  }
0x7: {  	_ = 	snop  }
__scs_overlays_trampoline_lowered:
0x8: {  	[smem:$0x3FA9] =	sst s0  }
0x9: {  	[smem:$0x3FAA] =	sst s1  }
0xa: {  	[smem:$0x3FAB] =	sst s2  }
0xb: {  	[smem:$0x3FAC] =	sst s3  }
0xc: {  	[smem:$0x3FAD] =	sst s4  }
0xd: {  	[smem:$0x3FAE] =	sst s5  }
0xe: {  	[smem:$0x3FAF] =	sst s6  }
0xf: {  	[smem:$0x3FB0] =	sst s7  }
0x10: {  	[smem:$0x3FB1] =	sst s8  }
0x11: {  	[smem:$0x3FB2] =	sst s9;
	s0 =	simm.s32 @!p0 $0x0  }
0x12: {  	s1 =	sld [smem:$0x3F98];
	s0 =	simm.s32 @p0 $0x1  }
0x13: {  	[smem:$0x3FB3] =	sst s0;
	s0 =	simm.s32 @!p1 $0x0  }
0x14: {  	s2 =	sld [smem:$0x3F97];
	s0 =	simm.s32 @p1 $0x1  }
0x15: {  	[smem:$0x3FB4] =	sst s0;
	s0 =	simm.s32 @!p2 $0x0  }
0x16: {  	s3 =	sld [smem:$0x3FDB];
	s0 =	simm.s32 @p2 $0x1  }
0x17: {  	s4 =	simm.s32 $0x1BF5;
	[smem:$0x3FB6] =	sst s0  }
0x18: {  	s0 =	sld [smem:$0x3F99];
	_ =	swait.ge [sflag:s4], $0x0  }
0x19: {  	s7 =	sld [smem:$0x3F9A]  }
0x1a: {  	s8 =	sadd.s32 $0xFFFFE003, lr  }
0x1b: {  	s9 =	sadd.s32 $0xFFFFFEF7, lr;
	s5 =	simm.s32 $0xFFFFFFFF;
	p2 =	slt.u32 s8, $0xFFFFF086  }
0x1c: {  	p1 =	slt.u32 s9, $0xF7A;
	s5 =	simm.s32 @!p2 $0x0  }
0x1d: {  	s5 =	simm.s32 @p1 $0x1;
	p0 =	seq.s32 s7, s2  }
0x1e: {  	s7 =	smul.u32 @!p0 $0xF7A, s2;
	p2 =	seq.s32 @!p0 s5, $0x0  }
0x1f: {  	s9 =	smul.u32 $0xF7A, s1;
	s8 =	simm.s32 @!p0 $0x1BF5;
	p2 =	por !p2, p0  }
0x20: {  	[sflag:s8] =	ssyncset.s32 @!p0 $0xFFFFF086;
	s6 =	sadd.s32 @!p0 s3, s7;
	s7 =	simm.s32 @!p0 $0x108  }
0x21: {  	s3 =	sadd.s32 s3, s9;
	s6 =	sadd.s32 @!p0 $0x88, s6;
	s7 =	simm.s32 @p2 $0x1082  }
0x22: {  	[simem:s7], [sflag:s8] =	dma.local @!p0 [hbm:s6], $0xF7A  }
0x23: {  	s9 =	sor.u32 $0xD0000000, s2;
	s6 =	simm.s32 $0x108;
	_ =	swait.ge @!p0 [sflag:s8], $0x0  }
0x24: {  	s3 =	sadd.s32 $0x88, s3;
	s6 =	simm.s32 @!p1 $0x1082;
	[sflag:s4] =	ssyncset.s32 $0xFFFFF086  }
0x25: {  	[simem:s6], [sflag:s4] =	dma.local [hbm:s3], $0xF7A  }
0x26: {  	[smem:$0x3F9A] =	sst s1;
	(tag) =	ssettag s2;
	_ =	strace s9  }
0x27: {  	s1 =	sld [smem:$0x3FAA]  }
0x28: {  	s2 =	sld [smem:$0x3FAB]  }
0x29: {  	s4 =	sld [smem:$0x3FAD]  }
0x2a: {  	p0 =	seq.s32 s5, $0x0;
	s5 =	sld [smem:$0x3FAE]  }
0x2b: {  	s6 =	sld [smem:$0x3FAF]  }
0x2c: {  	s7 =	sld [smem:$0x3FB0]  }
0x2d: {  	s3 =	simm.s32 $0x108;
	s8 =	sld [smem:$0x3FB1]  }
0x2e: {  	s3 =	simm.s32 @!p0 $0x1082;
	s9 =	sld [smem:$0x3FB2]  }
0x2f: {  	lr =	sadd.s32 s0, s3;
	s0 =	sld [smem:$0x3FA9]  }
0x30: {  	s3 =	sld [smem:$0x3FAC]  }
0x31: {  	[smem:$0x3FB5] =	sst s10  }
0x32: {  	s10 =	sld [smem:$0x3FB3];
	_ =	sdelay $0x3  }
0x33: {  	p0 =	seq.s32 s10, $0x1;
	s10 =	sld [smem:$0x3FB5];
	_ =	sdelay $0x3  }
0x34: {  	[smem:$0x3FB5] =	sst s10  }
0x35: {  	s10 =	sld [smem:$0x3FB4];
	_ =	sdelay $0x3  }
0x36: {  	p1 =	seq.s32 s10, $0x1;
	s10 =	sld [smem:$0x3FB5];
	_ =	sdelay $0x3  }
0x37: {  	[smem:$0x3FB5] =	sst s10  }
0x38: {  	s10 =	sld [smem:$0x3FB6]  }
0x39: {  	_ = 	snop;
	(pc) =	sbr.ind lr, $3  }
0x3a: {  	_ = 	snop  }
0x3b: {  	_ = 	snop  }
0x3c: {  	p2 =	seq.s32 s10, $0x1;
	s10 =	sld [smem:$0x3FB5]  }
0x3d: {  	_ =	shalt  }
0x3e: {  	_ =	shalt  }
0x3f: {  	_ =	shalt  }
0x40: {  	_ =	shalt  }
0x41: {  	_ =	shalt  }
0x42: {  	_ =	shalt  }
0x43: {  	_ =	shalt  }
0x44: {  	_ =	shalt  }
0x45: {  	_ =	shalt  }
0x46: {  	_ =	shalt  }
0x47: {  	_ =	shalt  }
0x48: {  	_ =	shalt  }
0x49: {  	_ =	shalt  }
0x4a: {  	_ =	shalt  }
0x4b: {  	_ =	shalt  }
0x4c: {  	_ =	shalt  }
0x4d: {  	_ =	shalt  }
0x4e: {  	_ =	shalt  }
0x4f: {  	_ =	shalt  }
0x50: {  	_ =	shalt  }
0x51: {  	_ =	shalt  }
0x52: {  	_ =	shalt  }
0x53: {  	_ =	shalt  }
0x54: {  	_ =	shalt  }
0x55: {  	_ =	shalt  }
0x56: {  	_ =	shalt  }
0x57: {  	_ =	shalt  }
0x58: {  	_ =	shalt  }
0x59: {  	_ =	shalt  }
0x5a: {  	_ =	shalt  }
0x5b: {  	_ =	shalt  }
0x5c: {  	_ =	shalt  }
0x5d: {  	_ =	shalt  }
0x5e: {  	_ =	shalt  }
0x5f: {  	_ =	shalt  }
0x60: {  	_ =	shalt  }
0x61: {  	_ =	shalt  }
0x62: {  	_ =	shalt  }
0x63: {  	_ =	shalt  }
0x64: {  	_ =	shalt  }
0x65: {  	_ =	shalt  }
0x66: {  	_ =	shalt  }
0x67: {  	_ =	shalt  }
0x68: {  	_ =	shalt  }
0x69: {  	_ =	shalt  }
0x6a: {  	_ =	shalt  }
0x6b: {  	_ =	shalt  }
0x6c: {  	_ =	shalt  }
0x6d: {  	_ =	shalt  }
0x6e: {  	_ =	shalt  }
0x6f: {  	_ =	shalt  }
0x70: {  	_ =	shalt  }
0x71: {  	_ =	shalt  }
0x72: {  	_ =	shalt  }
0x73: {  	_ =	shalt  }
0x74: {  	_ =	shalt  }
0x75: {  	_ =	shalt  }
0x76: {  	_ =	shalt  }
0x77: {  	_ =	shalt  }
0x78: {  	_ =	shalt  }
0x79: {  	_ =	shalt  }
0x7a: {  	_ =	shalt  }
0x7b: {  	_ =	shalt  }
0x7c: {  	_ =	shalt  }
0x7d: {  	_ =	shalt  }
0x7e: {  	_ =	shalt  }
0x7f: {  	_ =	shalt  }
0x80: {  	_ =	shalt  }
0x81: {  	_ =	shalt  }
0x82: {  	_ =	shalt  }
0x83: {  	_ =	shalt  }
0x84: {  	_ =	shalt  }
0x85: {  	_ =	shalt  }
0x86: {  	_ =	shalt  }
0x87: {  	_ =	shalt  }
.Lfunc_end0:
.L_simem_size_0:
called_computation.3_lowered:
.L_overlay_start_0:
0x88: {  	s2 =	sld [smem:$0x3FD9]  }
0x89: {  	s3 =	sld [smem:$0x3FFE];
	_ =	sdelay $0x1  }
0x8a: {  	s1 =	srdreg.scid  }
0x8b: {  	s0 =	sand.u32 $0x1, s1  }
0x8c: {  	s17 =	sshll.u32 s0, $0xA;
	s2 =	sadd.s32 s3, s2  }
0x8d: {  	s2 =	sadd.s32 s2, s17  }
0x8e: {  	[smem:$0x3FC1] =	sst s2  }
0x8f: {  	_ = 	snop  }
0x90: {  	s18 =	sld [smem:$0x3FC9]  }
0x91: {  	s4 =	sld [smem:$0x3FC7]  }
0x92: {  	s5 =	sld [smem:$0x3FD0];
	(tm) =	ssettm $0x1  }
0x93: {  	s19 =	sld [smem:$0x3FFB];
	_ =	sdelay $0x3  }
0x94: {  	_ =	strace s19  }
0x95: {  	s2 =	sld [smem:$0x3FFC];
	_ =	sdelay $0x3  }
0x96: {  	_ =	strace s2  }
0x97: {  	s2 =	sld [smem:$0x3FFD];
	_ =	sdelay $0x3  }
0x98: {  	_ =	strace s2  }
0x99: {  	_ =	strace $0x8FFFFFFF  }
0x9a: {  	s20 =	sld [smem:$0x3FDB];
	_ =	sdelay $0x1  }
0x9b: {  	s6 =	simm.s32 $_scs_section_size  }
0x9c: {  	s7 =	simm.s32 $_size__tile_overlayer_lowered;
	s8 =	simm.s32 $_tile_overlayer_lowered  }
0x9d: {  	s9 =	simm.s32 $0x1BFF;
	s21 =	sshll.u32 s8, $0x1;
	s6 =	sadd.s32 s6, s20  }
0x9e: {  	s22 =	simm.s32 $0x0;
	s7 =	sshll.u32 s7, $0x1;
	s8 =	sadd.s32 s21, s6  }
0x9f: {  	[timem:s22], [sflag:s9] =	dma.local [hbm:s8], s7  }
0xa0: {  	_ =	swait.ge [sflag:s9], s7  }
0xa1: {  	s7 =	ssub.s32 $0x0, s7;
	[sflag:s9] =	ssyncset.done $0x0  }
0xa2: {  	[sflag:s9] =	ssyncadd.s32 s7;
	_ =	sdelay $0x1  }
0xa3: {  	s23 =	simm.s32 $0x1B8B  }
0xa4: {  	_ =	swait.ge [sflag:s23], $0x1  }
0xa5: {  	[sflag:s23] =	ssyncset.done $0x0  }
0xa6: {  	[sflag:s23] =	ssyncadd.s32 $0xFFFFFFFF  }
0xa7: {  	s7 =	sld [smem:$0x0]  }
0xa8: {  	s8 =	sand.u32 $0xFFFFFFFE, s1  }
0xa9: {  	p0 =	sne.s32 s1, s8  }
0xaa: {  	s8 =	sshll.u32 @p0 s8, $0xE  }
0xab: {  	s8 =	sadd.s32 @p0 $0x11B8D, s8;
	s9 =	sshll.u32 @p0 s7, $0x11  }
0xac: {  	s8 =	sor.u32 @p0 s9, s8  }
0xad: {  	[sflag:s8] =	ssyncadd.remote.s32 @p0 $0x1;
	_ =	sdelay $0x1  }
0xae: {  	s8 =	simm.s32 @p0 $0x1B8D  }
0xaf: {  	_ =	swait.eq @p0 [sflag:s8], $0x1  }
0xb0: {  	[sflag:s8] =	ssyncadd.s32 @p0 $0xFFFFFFFF  }
0xb1: {  	s9 =	sshll.u32 @!p0 s1, $0xE  }
0xb2: {  	s9 =	sor.u32 @!p0 $0x4000, s9;
	s8 =	simm.s32 @!p0 $0x1B8D  }
0xb3: {  	s7 =	sshll.u32 @!p0 s7, $0x11;
	s9 =	sadd.s32 @!p0 $0x11B8D, s9;
	_ =	swait.eq @!p0 [sflag:s8], $0x1  }
0xb4: {  	s7 =	sor.u32 @!p0 s7, s9;
	[sflag:s8] =	ssyncadd.s32 @!p0 $0xFFFFFFFF  }
0xb5: {  	s25 =	simm.s32 $0x1B8E;
	s24 =	sld [smem:$0x3FFE];
	[sflag:s7] =	ssyncadd.remote.s32 @!p0 $0x1  }
0xb6: {  	s26 =	simm.s32 $execute0_lowered;
	[smem:$0x3FD2] =	sst s25  }
0xb7: {  	s8 =	sshll.u32 s26, $0x1;
	_ =	strace $0x8000004F;
	[dreg:$0x1] =	wrdreg $0xFFFFFFFF  }
0xb8: {  	s28 =	simm.s32 $_size_execute0_lowered;
	s6 =	sadd.s32 s6, s8;
	[dreg:$0x0] =	wrdreg $0x0  }
0xb9: {  	s8 =	sshll.u32 s28, $0x1;
	[dreg:$0x2] =	wrdreg s6  }
0xba: {  	[dreg:$0x3] =	wrdreg s8  }
0xbb: {  	[dreg:$0x4] =	wrdreg $0xC0  }
0xbc: {  	_ =	task [dreg:s22], $0x5FFFF  }
0xbd: {  	[dreg:$0x1] =	wrdreg $0xFFFFFFFF  }
0xbe: {  	[dreg:$0x0] =	wrdreg $0x60  }
0xbf: {  	[dreg:$0x2] =	wrdreg s18  }
0xc0: {  	[dreg:$0x3] =	wrdreg s4  }
0xc1: {  	[dreg:$0x4] =	wrdreg s5  }
0xc2: {  	[dreg:$0x5] =	wrdreg s24  }
0xc3: {  	[dreg:$0x6] =	wrdreg $0xC  }
0xc4: {  	_ =	task.clear_ibuf [dreg:s22], $0x7FFFF;
	_ =	strace $0x9000004F  }
0xc5: {  	s29 =	simm.s32 $0xC;
	_ =	strace $0x80000051  }
0xc6: {  	_ =	swait.ge [sflag:s29], $0x1  }
0xc7: {  	[sflag:s29] =	ssyncadd.s32 $0xFFFFFFFF  }
0xc8: {  	_ =	strace $0x90000051  }
0xc9: {  	_ =	sfence  }
0xca: {  	s30 =	sld [smem:$0x0];
	_ =	sdelay $0x2  }
0xcb: {  	s31 =	sshll.u32 s1, $0xD;
	s1 =	sshrl.u32 s1, $0x2  }
0xcc: {  	s4 =	sand.u32 $0x4000, s31;
	s1 =	sadd.s32 s1, s30  }
0xcd: {  	s0 =	sor.u32 s4, s0;
	s1 =	sshll.u32 s1, $0x11  }
0xce: {  	s0 =	sor.u32 s1, s0  }
0xcf: {  	s0 =	sadd.s32 $0x8F2B, s0  }
0xd0: {  	[sflag:s0] =	ssyncadd.remote.s32 $0x1  }
0xd1: {  	_ =	sfence.sel $0xFFFF  }
0xd2: {  	[dreg:$0x0] =	wrdreg $0xFFFFFFFF;
	(pc) =	sbr.abs _section_cstart, $3  }
0xd3: {  	[dreg:$0x1] =	wrdreg $0xFFFFFFFF  }
0xd4: {  	_ =	task.clear_ibuf [dreg:s22], $0x2FFFF;
	_ =	strace $0x9FFFFFFF  }
0xd5: {  	(tm) =	ssettm $0x7FFFFFFF  }
tec
execute0_lowered:
.L_overlay_start_1:
0x0: {  	(tag) =	ssettag $0x1  }
0x1: {  	s1 =	rddreg [dreg:$0x0];
	s3 =	srdreg.scid  }
0x2: {  	s0 =	stileid.u32;
	s2 =	rddreg [dreg:$0x1]  }
0x3: {  	s5 =	rddreg [dreg:$0x2];
	s3 =	sand.u32 $0x1, s3;
	s4 =	sshll.u32 s0, $0x1  }
0x4: {  	s7 =	rddreg [dreg:$0x3];
	s6 =	sor.u32 s3, s4;
	s4 =	simm.s32 $0x0  }
0x5: {  	s15 =	simm.s32 $0x80;
	[smem:$0x7FF] =	sst s4  }
0x6: {  	s16 =	simm.s32 $0x100;
	_ =	strace $0x80000050;
	[dreg:$0xb] =	wrdreg s15  }
0x7: {  	s17 =	simm.s32 $0x980;
	[dreg:$0xc] =	wrdreg s16  }
0x8: {  	s18 =	simm.s32 $0x1180;
	[dreg:$0xd] =	wrdreg s17  }
0x9: {  	s19 =	simm.s32 $0x1980;
	[dreg:$0xe] =	wrdreg s18  }
0xa: {  	s20 =	simm.s32 $0x2180;
	[dreg:$0xf] =	wrdreg s19  }
0xb: {  	s21 =	simm.s32 $0x2980;
	[dreg:$0x10] =	wrdreg s20  }
0xc: {  	s22 =	simm.s32 $0x3180;
	[dreg:$0x11] =	wrdreg s21  }
0xd: {  	s23 =	simm.s32 $0x3980;
	s24 =	simm.s32 $0x4180;
	[dreg:$0x12] =	wrdreg s22  }
0xe: {  	s25 =	simm.s32 $0x4980;
	s26 =	simm.s32 $0x5180;
	[dreg:$0x13] =	wrdreg s23  }
0xf: {  	s10 =	simm.s32 $0x8980;
	s11 =	simm.s32 $0x9180;
	[dreg:$0x14] =	wrdreg s24  }
0x10: {  	s28 =	simm.s32 $0x3;
	s29 =	simm.s32 $0x4;
	[dreg:$0x15] =	wrdreg s25  }
0x11: {  	s30 =	simm.s32 $0x5;
	s0 =	simm.s32 $0x5980;
	[dreg:$0x16] =	wrdreg s26  }
0x12: {  	s31 =	simm.s32 $0x6;
	s8 =	smul.u32 $0x180, s6;
	[dreg:$0x17] =	wrdreg s0  }
0x13: {  	s9 =	smul.u32 $0x30, s6;
	s6 =	sshll.u32 s6, $0xC;
	[dreg:$0x1c] =	wrdreg s10  }
0x14: {  	s6 =	sadd.s32 s6, s7;
	s7 =	simm.s32 $0x6980;
	[dreg:$0x1d] =	wrdreg s11  }
0x15: {  	s3 =	ssub.s32 $0x2, s3;
	s15 =	simm.s32 $0xB180;
	[dreg:$0x19] =	wrdreg s7  }
0x16: {  	s16 =	simm.s32 $0xB980;
	s17 =	sshrl.u32 s3, $0x1;
	[smem:$0x7F3] =	sst s15  }
0x17: {  	s18 =	simm.s32 $0xC180;
	s19 =	simm.s32 $0xC980;
	[smem:$0x7F4] =	sst s16  }
0x18: {  	s20 =	simm.s32 $0xD180;
	s21 =	simm.s32 $0xD980;
	[smem:$0x7F5] =	sst s18  }
0x19: {  	s22 =	simm.s32 $0xE180;
	s23 =	simm.s32 $0xE980;
	[smem:$0x7F6] =	sst s19  }
0x1a: {  	s24 =	simm.s32 $0xF180;
	s10 =	simm.s32 $0x8180;
	[smem:$0x7F7] =	sst s20  }
0x1b: {  	s25 =	simm.s32 $0xF980;
	s11 =	simm.s32 $0x10180;
	[smem:$0x7F8] =	sst s21  }
0x1c: {  	s26 =	simm.s32 $0x10980;
	s12 =	sadd.s32 $0x2A6800, s6;
	[smem:$0x7F9] =	sst s22  }
0x1d: {  	s8 =	sshrl.u32 s8, $0x3;
	s13 =	sadd.s32 $0x2C6800, s6;
	[smem:$0x7FA] =	sst s23  }
0x1e: {  	s9 =	sadd.s32 s5, s9;
	s14 =	sadd.s32 $0x2E6800, s6;
	[smem:$0x7FB] =	sst s24  }
0x1f: {  	s6 =	simm.s32 $0x6180;
	s3 =	ssub.s32 s3, s17;
	[smem:$0x7FC] =	sst s25  }
0x20: {  	[smem:$0x7FD] =	sst s26;
	s15 =	simm.s32 $0x12980;
	s16 =	simm.s32 $0x13180  }
0x21: {  	s17 =	simm.s32 $0x13980;
	s18 =	simm.s32 $0x14180;
	[dreg:$0x5] =	wrdreg s9  }
0x22: {  	s19 =	simm.s32 $0x14980;
	s20 =	simm.s32 $0x15180;
	[dreg:$0x8] =	wrdreg s12  }
0x23: {  	s21 =	simm.s32 $0x15980;
	s22 =	simm.s32 $0x16180;
	[dreg:$0x9] =	wrdreg s13  }
0x24: {  	s23 =	simm.s32 $0x16980;
	s24 =	simm.s32 $0x17180;
	[dreg:$0xa] =	wrdreg s14  }
0x25: {  	s25 =	simm.s32 $0x17980;
	[dreg:$0x18] =	wrdreg s6;
	s9 =	simm.s32 $0x7980  }
0x26: {  	s26 =	simm.s32 $0x2;
	s12 =	simm.s32 $0x9980;
	[dreg:$0x1b] =	wrdreg s9  }
0x27: {  	s5 =	sadd.s32 s5, s8;
	s13 =	simm.s32 $0xA180;
	[dreg:$0x1e] =	wrdreg s12  }
0x28: {  	s14 =	simm.s32 $0xA980;
	s6 =	sadd.s32 $0x100, s2;
	[dreg:$0x1f] =	wrdreg s13  }
0x29: {  	s7 =	smax.u32 s3, $0x1;
	s8 =	sadd.s32 $0x10, s5;
	[smem:$0x7F2] =	sst s14  }
0x2a: {  	v2 =	vlaneseq.u32;
	s3 =	simm.s32 $0x7;
	s5 =	sadd.s32 $0x20, s5;
	[dreg:$0x6] =	wrdreg s8  }
0x2b: {  	vm0 =	vmmov $0xffff;
	v1 =	vshrl.u32 v2, $0x3;
	s9 =	simm.s32 $0x180;
	[dreg:$0x7] =	wrdreg s5;
	s8 =	simm.s32 $0x7180  }
0x2c: {  	v0 =	vand.u32 $0x7, v2;
	v2 =	vor.u32 $0x8, v2;
	v1 =	vmul.u32 $0x8, v1;
	s5 =	sadd.s32 $0x100, s1;
	[dreg:$0x1a] =	wrdreg s8;
	s8 =	simm.s32 $0x1  }
.LBB2_1:
0x2d: {  	s0 =	rddreg [dreg:$0x5]  }
0x2e: {  	s12 =	rddreg [dreg:$0xb]  }
0x2f: {  	s13 =	rddreg [dreg:$0x7]  }
0x30: {  	[tilespmem:s4], [sflag:$0x1] =	stream.linear.gather [hbm4b:s0+s4], $0x80, $0x38;
	[tilespmem:$0x18180] =	vst v63  }
0x31: {  	s0 =	rddreg [dreg:$0x6]  }
0x32: {  	[tilespmem:s12], [sflag:$0x1] =	stream.linear.gather [hbm4b:s0+s4], $0x80, $0x38;
	[tilespmem:$0x18180] =	vst v63  }
0x33: {  	s14 =	rddreg [dreg:$0xc]  }
0x34: {  	[tilespmem:s14], [sflag:$0x1] =	stream.linear.gather [hbm4b:s13+s4], $0x80, $0x38;
	[tilespmem:$0x18180] =	vst v63  }
0x35: {  	_ =	swait.ge [sflag:s8], $0x80  }
0x36: {  	[sflag:s8] =	ssyncset.done $0x0  }
0x37: {  	[sflag:s8] =	ssyncadd.s32 $0xFFFFFF80  }
0x38: {  	_ =	swait.ge [sflag:s8], $0x80  }
0x39: {  	[sflag:s8] =	ssyncset.done $0x0  }
0x3a: {  	[sflag:s8] =	ssyncadd.s32 $0xFFFFFF80  }
0x3b: {  	_ =	swait.ge [sflag:s8], $0x80  }
0x3c: {  	[sflag:s8] =	ssyncset.done $0x0  }
0x3d: {  	[sflag:s8] =	ssyncadd.s32 $0xFFFFFF80  }
0x3e: {  	v3 =	vld [tilespmem:$0x0];
	_ =	sdelay $0x4  }
0x3f: {  	v4 =	vshll.u32 v3, $0x2  }
0x40: {  	v3 =	vand.u32 $0x7, v3;
	v4 =	vand.u32 $0xFFFFFFE0, v4  }
0x41: {  	v3 =	vor.u32 v3, v4  }
0x42: {  	v4 =	vperm.xlane v3, v0;
	_ =	sdelay $0x1  }
0x43: {  	v4 =	vadd.s32 v1, v4;
	_ =	sdelay $0x1  }
0x44: {  	v3 =	vperm.xlane v3, v2;
	_ =	sdelay $0x1  }
0x45: {  	v3 =	vadd.s32 v1, v3  }
0x46: {  	[tilespmem:s9], [sflag:$0x2] =	stream.indirect_vreg.gather [hbm4b:s1+s4], $0x80, v4, vm0, $0xb8;
	[tilespmem:$0x18180] =	vst v63  }
0x47: {  	s12 =	rddreg [dreg:$0xd]  }
0x48: {  	[tilespmem:s12], [sflag:$0x2] =	stream.indirect_vreg.gather [hbm4b:s5+s4], $0x80, v4, vm0, $0xb8;
	[tilespmem:$0x18180] =	vst v63  }
0x49: {  	s13 =	rddreg [dreg:$0xe]  }
0x4a: {  	[tilespmem:s13], [sflag:$0x2] =	stream.indirect_vreg.gather [hbm4b:s1+s4], $0x80, v3, vm0, $0xb8;
	[tilespmem:$0x18180] =	vst v63  }
0x4b: {  	s14 =	rddreg [dreg:$0xf]  }
0x4c: {  	[tilespmem:s14], [sflag:$0x2] =	stream.indirect_vreg.gather [hbm4b:s5+s4], $0x80, v3, vm0, $0xb8;
	[tilespmem:$0x18180] =	vst v63  }
0x4d: {  	v3 =	vld [tilespmem:$0x10];
	_ =	sdelay $0x4  }
0x4e: {  	v53 =	vshll.u32 v3, $0x2  }
0x4f: {  	v3 =	vand.u32 $0x7, v3;
	v4 =	vand.u32 $0xFFFFFFE0, v53  }
0x50: {  	v3 =	vor.u32 v3, v4  }
0x51: {  	v4 =	vperm.xlane v3, v0;
	_ =	sdelay $0x1  }
0x52: {  	v4 =	vadd.s32 v1, v4;
	_ =	sdelay $0x1  }
0x53: {  	v3 =	vperm.xlane v3, v2;
	_ =	sdelay $0x1  }
0x54: {  	s13 =	rddreg [dreg:$0x10];
	v3 =	vadd.s32 v1, v3  }
0x55: {  	[tilespmem:s13], [sflag:$0x2] =	stream.indirect_vreg.gather [hbm4b:s1+s4], $0x80, v4, vm0, $0xb8;
	[tilespmem:$0x18180] =	vst v63  }
0x56: {  	s14 =	rddreg [dreg:$0x11]  }
0x57: {  	[tilespmem:s14], [sflag:$0x2] =	stream.indirect_vreg.gather [hbm4b:s5+s4], $0x80, v4, vm0, $0xb8;
	[tilespmem:$0x18180] =	vst v63  }
0x58: {  	s13 =	rddreg [dreg:$0x12]  }
0x59: {  	[tilespmem:s13], [sflag:$0x2] =	stream.indirect_vreg.gather [hbm4b:s1+s4], $0x80, v3, vm0, $0xb8;
	[tilespmem:$0x18180] =	vst v63  }
0x5a: {  	s14 =	rddreg [dreg:$0x13]  }
0x5b: {  	[tilespmem:s14], [sflag:$0x2] =	stream.indirect_vreg.gather [hbm4b:s5+s4], $0x80, v3, vm0, $0xb8;
	[tilespmem:$0x18180] =	vst v63  }
0x5c: {  	v3 =	vld [tilespmem:$0x20];
	_ =	sdelay $0x4  }
0x5d: {  	v54 =	vshll.u32 v3, $0x2  }
0x5e: {  	v3 =	vand.u32 $0x7, v3;
	v4 =	vand.u32 $0xFFFFFFE0, v54  }
0x5f: {  	v3 =	vor.u32 v3, v4  }
0x60: {  	v4 =	vperm.xlane v3, v0;
	_ =	sdelay $0x1  }
0x61: {  	v4 =	vadd.s32 v1, v4;
	_ =	sdelay $0x1  }
0x62: {  	v3 =	vperm.xlane v3, v2;
	_ =	sdelay $0x1  }
0x63: {  	s13 =	rddreg [dreg:$0x14];
	v3 =	vadd.s32 v1, v3  }
0x64: {  	[tilespmem:s13], [sflag:$0x2] =	stream.indirect_vreg.gather [hbm4b:s1+s4], $0x80, v4, vm0, $0xb8;
	[tilespmem:$0x18180] =	vst v63  }
0x65: {  	s14 =	rddreg [dreg:$0x15]  }
0x66: {  	[tilespmem:s14], [sflag:$0x2] =	stream.indirect_vreg.gather [hbm4b:s5+s4], $0x80, v4, vm0, $0xb8;
	[tilespmem:$0x18180] =	vst v63  }
0x67: {  	s13 =	rddreg [dreg:$0x16]  }
0x68: {  	[tilespmem:s13], [sflag:$0x2] =	stream.indirect_vreg.gather [hbm4b:s1+s4], $0x80, v3, vm0, $0xb8;
	[tilespmem:$0x18180] =	vst v63  }
0x69: {  	s14 =	rddreg [dreg:$0x17]  }
0x6a: {  	[tilespmem:s14], [sflag:$0x2] =	stream.indirect_vreg.gather [hbm4b:s5+s4], $0x80, v3, vm0, $0xb8;
	[tilespmem:$0x18180] =	vst v63  }
0x6b: {  	v3 =	vld [tilespmem:$0x30];
	_ =	sdelay $0x4  }
0x6c: {  	v55 =	vshll.u32 v3, $0x2  }
0x6d: {  	v3 =	vand.u32 $0x7, v3;
	v4 =	vand.u32 $0xFFFFFFE0, v55  }
0x6e: {  	v3 =	vor.u32 v3, v4  }
0x6f: {  	v4 =	vperm.xlane v3, v0;
	_ =	sdelay $0x1  }
0x70: {  	v4 =	vadd.s32 v1, v4;
	_ =	sdelay $0x1  }
0x71: {  	v3 =	vperm.xlane v3, v2;
	_ =	sdelay $0x1  }
0x72: {  	s13 =	rddreg [dreg:$0x18];
	v3 =	vadd.s32 v1, v3  }
0x73: {  	[tilespmem:s13], [sflag:$0x2] =	stream.indirect_vreg.gather [hbm4b:s1+s4], $0x80, v4, vm0, $0xb8;
	[tilespmem:$0x18180] =	vst v63  }
0x74: {  	s14 =	rddreg [dreg:$0x19]  }
0x75: {  	[tilespmem:s14], [sflag:$0x2] =	stream.indirect_vreg.gather [hbm4b:s5+s4], $0x80, v4, vm0, $0xb8;
	[tilespmem:$0x18180] =	vst v63  }
0x76: {  	s13 =	rddreg [dreg:$0x1a]  }
0x77: {  	[tilespmem:s13], [sflag:$0x2] =	stream.indirect_vreg.gather [hbm4b:s1+s4], $0x80, v3, vm0, $0xb8;
	[tilespmem:$0x18180] =	vst v63  }
0x78: {  	s14 =	rddreg [dreg:$0x1b]  }
0x79: {  	[tilespmem:s14], [sflag:$0x2] =	stream.indirect_vreg.gather [hbm4b:s5+s4], $0x80, v3, vm0, $0xb8;
	[tilespmem:$0x18180] =	vst v63  }
0x7a: {  	v3 =	vld [tilespmem:$0x80];
	_ =	sdelay $0x4  }
0x7b: {  	v56 =	vshll.u32 v3, $0x2  }
0x7c: {  	v3 =	vand.u32 $0x7, v3;
	v4 =	vand.u32 $0xFFFFFFE0, v56  }
0x7d: {  	v3 =	vor.u32 v3, v4  }
0x7e: {  	v4 =	vperm.xlane v3, v0;
	_ =	sdelay $0x1  }
0x7f: {  	v4 =	vadd.s32 v1, v4;
	_ =	sdelay $0x1  }
0x80: {  	v3 =	vperm.xlane v3, v2;
	_ =	sdelay $0x1  }
0x81: {  	v3 =	vadd.s32 v1, v3  }
0x82: {  	[tilespmem:s10], [sflag:$0x3] =	stream.indirect_vreg.gather [hbm4b:s2+s4], $0x80, v4, vm0, $0xb8;
	[tilespmem:$0x18180] =	vst v63  }
0x83: {  	s12 =	rddreg [dreg:$0x1c]  }
0x84: {  	[tilespmem:s12], [sflag:$0x3] =	stream.indirect_vreg.gather [hbm4b:s6+s4], $0x80, v4, vm0, $0xb8;
	[tilespmem:$0x18180] =	vst v63  }
0x85: {  	s13 =	rddreg [dreg:$0x1d]  }
0x86: {  	[tilespmem:s13], [sflag:$0x3] =	stream.indirect_vreg.gather [hbm4b:s2+s4], $0x80, v3, vm0, $0xb8;
	[tilespmem:$0x18180] =	vst v63  }
0x87: {  	s14 =	rddreg [dreg:$0x1e]  }
0x88: {  	[tilespmem:s14], [sflag:$0x3] =	stream.indirect_vreg.gather [hbm4b:s6+s4], $0x80, v3, vm0, $0xb8;
	[tilespmem:$0x18180] =	vst v63  }
0x89: {  	v3 =	vld [tilespmem:$0x90];
	_ =	sdelay $0x4  }
0x8a: {  	v57 =	vshll.u32 v3, $0x2  }
0x8b: {  	v3 =	vand.u32 $0x7, v3;
	v4 =	vand.u32 $0xFFFFFFE0, v57  }
0x8c: {  	v3 =	vor.u32 v3, v4  }
0x8d: {  	v4 =	vperm.xlane v3, v0;
	_ =	sdelay $0x1  }
0x8e: {  	v4 =	vadd.s32 v1, v4;
	_ =	sdelay $0x1  }
0x8f: {  	v3 =	vperm.xlane v3, v2  }
0x90: {  	s13 =	rddreg [dreg:$0x1f]  }
0x91: {  	s14 =	sld [smem:$0x7F2];
	v3 =	vadd.s32 v1, v3  }
0x92: {  	[tilespmem:s13], [sflag:$0x3] =	stream.indirect_vreg.gather [hbm4b:s2+s4], $0x80, v4, vm0, $0xb8;
	[tilespmem:$0x18180] =	vst v63  }
0x93: {  	s13 =	sld [smem:$0x7F3]  }
0x94: {  	[tilespmem:s14], [sflag:$0x3] =	stream.indirect_vreg.gather [hbm4b:s6+s4], $0x80, v4, vm0, $0xb8;
	[tilespmem:$0x18180] =	vst v63  }
0x95: {  	s14 =	sld [smem:$0x7F4]  }
0x96: {  	[tilespmem:s13], [sflag:$0x3] =	stream.indirect_vreg.gather [hbm4b:s2+s4], $0x80, v3, vm0, $0xb8;
	[tilespmem:$0x18180] =	vst v63  }
0x97: {  	_ = 	snop  }
0x98: {  	[tilespmem:s14], [sflag:$0x3] =	stream.indirect_vreg.gather [hbm4b:s6+s4], $0x80, v3, vm0, $0xb8;
	[tilespmem:$0x18180] =	vst v63  }
0x99: {  	v3 =	vld [tilespmem:$0xA0];
	_ =	sdelay $0x4  }
0x9a: {  	v58 =	vshll.u32 v3, $0x2  }
0x9b: {  	v3 =	vand.u32 $0x7, v3;
	v4 =	vand.u32 $0xFFFFFFE0, v58  }
0x9c: {  	v3 =	vor.u32 v3, v4  }
0x9d: {  	v4 =	vperm.xlane v3, v0;
	_ =	sdelay $0x1  }
0x9e: {  	v4 =	vadd.s32 v1, v4;
	_ =	sdelay $0x1  }
0x9f: {  	s13 =	sld [smem:$0x7F5];
	v3 =	vperm.xlane v3, v2;
	_ =	sdelay $0x1  }
0xa0: {  	s14 =	sld [smem:$0x7F6];
	v3 =	vadd.s32 v1, v3  }
0xa1: {  	[tilespmem:s13], [sflag:$0x3] =	stream.indirect_vreg.gather [hbm4b:s2+s4], $0x80, v4, vm0, $0xb8;
	[tilespmem:$0x18180] =	vst v63  }
0xa2: {  	s13 =	sld [smem:$0x7F7]  }
0xa3: {  	[tilespmem:s14], [sflag:$0x3] =	stream.indirect_vreg.gather [hbm4b:s6+s4], $0x80, v4, vm0, $0xb8;
	[tilespmem:$0x18180] =	vst v63  }
0xa4: {  	s14 =	sld [smem:$0x7F8]  }
0xa5: {  	[tilespmem:s13], [sflag:$0x3] =	stream.indirect_vreg.gather [hbm4b:s2+s4], $0x80, v3, vm0, $0xb8;
	[tilespmem:$0x18180] =	vst v63  }
0xa6: {  	_ = 	snop  }
0xa7: {  	[tilespmem:s14], [sflag:$0x3] =	stream.indirect_vreg.gather [hbm4b:s6+s4], $0x80, v3, vm0, $0xb8;
	[tilespmem:$0x18180] =	vst v63  }
0xa8: {  	v3 =	vld [tilespmem:$0xB0];
	_ =	sdelay $0x4  }
0xa9: {  	v59 =	vshll.u32 v3, $0x2  }
0xaa: {  	v3 =	vand.u32 $0x7, v3;
	v4 =	vand.u32 $0xFFFFFFE0, v59  }
0xab: {  	v3 =	vor.u32 v3, v4  }
0xac: {  	v4 =	vperm.xlane v3, v0;
	_ =	sdelay $0x1  }
0xad: {  	v4 =	vadd.s32 v1, v4;
	_ =	sdelay $0x1  }
0xae: {  	s12 =	sld [smem:$0x7F9];
	v3 =	vperm.xlane v3, v2;
	_ =	sdelay $0x1  }
0xaf: {  	s13 =	sld [smem:$0x7FA];
	v3 =	vadd.s32 v1, v3  }
0xb0: {  	[tilespmem:s12], [sflag:$0x3] =	stream.indirect_vreg.gather [hbm4b:s2+s4], $0x80, v4, vm0, $0xb8;
	[tilespmem:$0x18180] =	vst v63  }
0xb1: {  	s14 =	sld [smem:$0x7FB]  }
0xb2: {  	[tilespmem:s13], [sflag:$0x3] =	stream.indirect_vreg.gather [hbm4b:s6+s4], $0x80, v4, vm0, $0xb8;
	[tilespmem:$0x18180] =	vst v63  }
0xb3: {  	s13 =	sld [smem:$0x7FC]  }
0xb4: {  	[tilespmem:s14], [sflag:$0x3] =	stream.indirect_vreg.gather [hbm4b:s2+s4], $0x80, v3, vm0, $0xb8;
	[tilespmem:$0x18180] =	vst v63  }
0xb5: {  	_ = 	snop  }
0xb6: {  	[tilespmem:s13], [sflag:$0x3] =	stream.indirect_vreg.gather [hbm4b:s6+s4], $0x80, v3, vm0, $0xb8;
	[tilespmem:$0x18180] =	vst v63  }
0xb7: {  	v3 =	vld [tilespmem:$0x100];
	_ =	sdelay $0x4  }
0xb8: {  	v60 =	vshll.u32 v3, $0x2  }
0xb9: {  	v3 =	vand.u32 $0x7, v3;
	v4 =	vand.u32 $0xFFFFFFE0, v60  }
0xba: {  	v3 =	vor.u32 v3, v4  }
0xbb: {  	v4 =	vperm.xlane v3, v0;
	_ =	sdelay $0x1  }
0xbc: {  	v4 =	vadd.s32 v1, v4;
	_ =	sdelay $0x1  }
0xbd: {  	v3 =	vperm.xlane v3, v2;
	_ =	sdelay $0x1  }
0xbe: {  	s14 =	sld [smem:$0x7FD];
	v3 =	vadd.s32 v1, v3  }
0xbf: {  	[tilespmem:s11], [sflag:$0x4] =	stream.indirect_vreg.gather [hbm4b:s1+s4], $0x80, v4, vm0, $0xb8;
	[tilespmem:$0x18180] =	vst v63  }
0xc0: {  	_ = 	snop  }
0xc1: {  	[tilespmem:s14], [sflag:$0x4] =	stream.indirect_vreg.gather [hbm4b:s5+s4], $0x80, v4, vm0, $0xb8;
	[tilespmem:$0x18180] =	vst v63  }
0xc2: {  	s12 =	simm.s32 $0x11180  }
0xc3: {  	[tilespmem:s12], [sflag:$0x4] =	stream.indirect_vreg.gather [hbm4b:s1+s4], $0x80, v3, vm0, $0xb8;
	[tilespmem:$0x18180] =	vst v63  }
0xc4: {  	s13 =	simm.s32 $0x11980  }
0xc5: {  	[tilespmem:s13], [sflag:$0x4] =	stream.indirect_vreg.gather [hbm4b:s5+s4], $0x80, v3, vm0, $0xb8;
	[tilespmem:$0x18180] =	vst v63  }
0xc6: {  	v3 =	vld [tilespmem:$0x110];
	_ =	sdelay $0x4  }
0xc7: {  	v61 =	vshll.u32 v3, $0x2  }
0xc8: {  	v3 =	vand.u32 $0x7, v3;
	v4 =	vand.u32 $0xFFFFFFE0, v61  }
0xc9: {  	v3 =	vor.u32 v3, v4  }
0xca: {  	v4 =	vperm.xlane v3, v0;
	_ =	sdelay $0x1  }
0xcb: {  	v4 =	vadd.s32 v1, v4;
	_ =	sdelay $0x1  }
0xcc: {  	v3 =	vperm.xlane v3, v2;
	_ =	sdelay $0x1  }
0xcd: {  	s14 =	simm.s32 $0x12180;
	v3 =	vadd.s32 v1, v3  }
0xce: {  	[tilespmem:s14], [sflag:$0x4] =	stream.indirect_vreg.gather [hbm4b:s1+s4], $0x80, v4, vm0, $0xb8;
	[tilespmem:$0x18180] =	vst v63  }
0xcf: {  	_ = 	snop  }
0xd0: {  	[tilespmem:s15], [sflag:$0x4] =	stream.indirect_vreg.gather [hbm4b:s5+s4], $0x80, v4, vm0, $0xb8;
	[tilespmem:$0x18180] =	vst v63  }
0xd1: {  	_ = 	snop  }
0xd2: {  	[tilespmem:s16], [sflag:$0x4] =	stream.indirect_vreg.gather [hbm4b:s1+s4], $0x80, v3, vm0, $0xb8;
	[tilespmem:$0x18180] =	vst v63  }
0xd3: {  	_ = 	snop  }
0xd4: {  	[tilespmem:s17], [sflag:$0x4] =	stream.indirect_vreg.gather [hbm4b:s5+s4], $0x80, v3, vm0, $0xb8;
	[tilespmem:$0x18180] =	vst v63  }
0xd5: {  	v3 =	vld [tilespmem:$0x120];
	_ =	sdelay $0x4  }
0xd6: {  	v62 =	vshll.u32 v3, $0x2  }
0xd7: {  	v3 =	vand.u32 $0x7, v3;
	v4 =	vand.u32 $0xFFFFFFE0, v62  }
0xd8: {  	v3 =	vor.u32 v3, v4  }
0xd9: {  	v4 =	vperm.xlane v3, v0;
	_ =	sdelay $0x1  }
0xda: {  	v4 =	vadd.s32 v1, v4;
	_ =	sdelay $0x1  }
0xdb: {  	v3 =	vperm.xlane v3, v2;
	_ =	sdelay $0x1  }
0xdc: {  	v3 =	vadd.s32 v1, v3  }
0xdd: {  	[tilespmem:s18], [sflag:$0x4] =	stream.indirect_vreg.gather [hbm4b:s1+s4], $0x80, v4, vm0, $0xb8;
	[tilespmem:$0x18180] =	vst v63  }
0xde: {  	_ = 	snop  }
0xdf: {  	[tilespmem:s19], [sflag:$0x4] =	stream.indirect_vreg.gather [hbm4b:s5+s4], $0x80, v4, vm0, $0xb8;
	[tilespmem:$0x18180] =	vst v63  }
0xe0: {  	_ = 	snop  }
0xe1: {  	[tilespmem:s20], [sflag:$0x4] =	stream.indirect_vreg.gather [hbm4b:s1+s4], $0x80, v3, vm0, $0xb8;
	[tilespmem:$0x18180] =	vst v63  }
0xe2: {  	_ = 	snop  }
0xe3: {  	[tilespmem:s21], [sflag:$0x4] =	stream.indirect_vreg.gather [hbm4b:s5+s4], $0x80, v3, vm0, $0xb8;
	[tilespmem:$0x18180] =	vst v63  }
0xe4: {  	v3 =	vld [tilespmem:$0x130];
	_ =	sdelay $0x4  }
0xe5: {  	v63 =	vshll.u32 v3, $0x2  }
0xe6: {  	v3 =	vand.u32 $0x7, v3;
	v4 =	vand.u32 $0xFFFFFFE0, v63  }
0xe7: {  	v3 =	vor.u32 v3, v4  }
0xe8: {  	v4 =	vperm.xlane v3, v0;
	_ =	sdelay $0x1  }
0xe9: {  	v4 =	vadd.s32 v1, v4;
	_ =	sdelay $0x1  }
0xea: {  	v3 =	vperm.xlane v3, v2;
	_ =	sdelay $0x1  }
0xeb: {  	v3 =	vadd.s32 v1, v3  }
0xec: {  	[tilespmem:s22], [sflag:$0x4] =	stream.indirect_vreg.gather [hbm4b:s1+s4], $0x80, v4, vm0, $0xb8;
	[tilespmem:$0x18180] =	vst v63  }
0xed: {  	_ = 	snop  }
0xee: {  	[tilespmem:s23], [sflag:$0x4] =	stream.indirect_vreg.gather [hbm4b:s5+s4], $0x80, v4, vm0, $0xb8;
	[tilespmem:$0x18180] =	vst v63  }
0xef: {  	_ = 	snop  }
0xf0: {  	[tilespmem:s24], [sflag:$0x4] =	stream.indirect_vreg.gather [hbm4b:s1+s4], $0x80, v3, vm0, $0xb8;
	[tilespmem:$0x18180] =	vst v63  }
0xf1: {  	_ = 	snop  }
0xf2: {  	[tilespmem:s25], [sflag:$0x4] =	stream.indirect_vreg.gather [hbm4b:s5+s4], $0x80, v3, vm0, $0xb8;
	[tilespmem:$0x18180] =	vst v63  }
0xf3: {  	_ =	swait.ge [sflag:s26], $0x8000  }
0xf4: {  	[sflag:s26] =	ssyncset.done $0x0  }
0xf5: {  	s12 =	rddreg [dreg:$0x8];
	[sflag:s26] =	ssyncadd.s32 $0xFFFF8000  }
0xf6: {  	[hbm4b:s12+s4] =	stream.linear.scatter [tilespmem:s9], [sflag:$0x5], $0x8000, $0x38;
	[tilespmem:$0x18180] =	vst v63  }
0xf7: {  	_ =	swait.ge [sflag:s28], $0x8000  }
0xf8: {  	[sflag:s28] =	ssyncset.done $0x0  }
0xf9: {  	s13 =	rddreg [dreg:$0x9];
	[sflag:s28] =	ssyncadd.s32 $0xFFFF8000  }
0xfa: {  	[hbm4b:s13+s4] =	stream.linear.scatter [tilespmem:s10], [sflag:$0x6], $0x8000, $0x38;
	[tilespmem:$0x18180] =	vst v63  }
0xfb: {  	_ =	swait.ge [sflag:s29], $0x8000  }
0xfc: {  	[sflag:s29] =	ssyncset.done $0x0  }
0xfd: {  	s14 =	rddreg [dreg:$0xa];
	[sflag:s29] =	ssyncadd.s32 $0xFFFF8000  }
0xfe: {  	[hbm4b:s14+s4] =	stream.linear.scatter [tilespmem:s11], [sflag:$0x7], $0x8000, $0x38;
	[tilespmem:$0x18180] =	vst v63  }
0xff: {  	_ =	swait.ge [sflag:s30], $0x8000  }
0x100: {  	[sflag:s30] =	ssyncset.done $0x0  }
0x101: {  	[sflag:s30] =	ssyncadd.s32 $0xFFFF8000  }
0x102: {  	p0 =	sne.s32 s7, $0x1;
	_ =	swait.ge [sflag:s31], $0x8000  }
.Ltmp0:
0x103: {  	[sflag:s31] =	ssyncset.done $0x0;
	(pc) =	sbr.rel @p0 .LBB2_1-.Ltmp0, $4  }
0x104: {  	[sflag:s31] =	ssyncadd.s32 $0xFFFF8000  }
0x105: {  	_ =	swait.ge [sflag:s3], $0x8000  }
0x106: {  	[sflag:s3] =	ssyncset.done $0x0  }
0x107: {  	s7 =	sadd.s32 $0xFFFFFFFF, s7;
	[sflag:s3] =	ssyncadd.s32 $0xFFFF8000  }
0x108: {  	_ =	sfence.sel $0x180000  }
0x109: {  	[bflag:$0x0] =	sbarrier.arrive $0xFFFF  }
0x10a: {  	_ =	strace $0x90000050  }
0x10b: {  	s0 =	stileid.u32;
	[bflag:$0x2] =	sbarrier.arrive $0xFFFF  }
0x10c: {  	p0 =	sne.s32 s0, $0x0;
	s0 =	rddreg [dreg:$0x4]  }
0x10d: {  	s0 =	sadd.s32 @!p0 $0x100000, s0  }
0x10e: {  	[sflag:s0] =	ssyncadd.tile.s32 @!p0 $0x1;
	_ =	shalt  }
.Lfunc_end2:
_tile_overlayer_lowered:
.L_overlay_start_2:
0x10f: {  	(tag) =	ssettag $0x2  }
0x110: {  	s0 =	rddreg [dreg:$0x0];
	s2 =	stileid.u32  }
0x111: {  	s1 =	rddreg [dreg:$0x1];
	p0 =	sne.s32 s2, $0x0  }
0x112: {  	s3 =	rddreg [dreg:$0x2];
	[bflag:$0x3] =	sbarrier.arrive $0xFFFF;
	s2 =	simm.s32 @!p0 $0x1C08  }
0x113: {  	[timem:s3], [sflag:s2] =	dma.local @!p0 [hbm:s0], s1  }
0x114: {  	s0 =	simm.s32 @!p0 $0x8  }
0x115: {  	_ =	swait.ge @!p0 [sflag:s0], s1  }
0x116: {  	s1 =	ssub.s32 @!p0 $0x0, s1;
	[sflag:s0] =	ssyncset.done @!p0 $0x0  }
0x117: {  	[sflag:s0] =	ssyncadd.s32 @!p0 s1  }
0x118: {  	[bflag:$0x3] =	sbarrier.arrive $0xFFFF  }
0x119: {  	_ =	shalt  }

</sc_bundles>
